<compile_context>
chip_gen: v7x
topology: tpu7x:2x2x1
jax: 0.10.2.dev20260603
libtpu: 0.0.44.dev20260713+nightly
codegen_flags: <defaults>
</compile_context>

<pallas_src>
import jax
import jax.numpy as jnp
from jax import lax
from jax.experimental import pallas as pl
from jax.experimental.pallas import tpu as pltpu
from jax.experimental.pallas import tpu_sc as plsc

N_NODES = 10000
N_EDGES = 320000
D_NODE = 128
D_EDGE = 16
HIDDEN = 32

NC = 2
NS = 16
NW = NC * NS
CH = 128
CPW = 80
PER_W = CH * CPW
NBUF = 4
LAST_CH = (N_EDGES - (NW - 1) * PER_W) // CH
ROWS_PER_TILE = N_NODES // NS

PACK = 4
ER = N_EDGES // PACK
EBLK = 2000
NEBLK = ER // EBLK

_slope = 0.01


def _leaky(x):
    return jnp.where(x >= 0, x, _slope * x)


def _prep_body(nodes_ref, wr_ref, ws_ref, pr_ref, ps_ref):
    n = nodes_ref[...]
    pr_ref[...] = jnp.dot(n, wr_ref[...], preferred_element_type=jnp.float32)
    ps_ref[...] = jnp.dot(n, ws_ref[...], preferred_element_type=jnp.float32)


def _edge_body(e_ref, g1_ref, g2_ref, w1_ref, b1_ref, w2_ref, b2_ref,
               out_ref, ps_ref):
    i = pl.program_id(0)
    x = jnp.dot(e_ref[...], w1_ref[...], preferred_element_type=jnp.float32)
    g = g1_ref[...] + g2_ref[...]
    x = _leaky(x + b1_ref[...] + g)
    y = jnp.dot(x, w2_ref[...], preferred_element_type=jnp.float32)
    y = _leaky(y + b2_ref[...])
    out_ref[...] = y

    @pl.when(i == 0)
    def _():
        ps_ref[...] = jnp.zeros_like(ps_ref)

    ps_ref[...] += jnp.sum(y, axis=0, keepdims=True)


def _node_body(nodes_ref, agg2_ref, psum_ref,
               wn1a_ref, wn1b_ref, bn1_ref, wn2_ref, bn2_ref,
               wg1_ref, bg1_ref, wg2_ref, bg2_ref,
               nn_ref, g_ref):
    agg = agg2_ref[0] + agg2_ref[1]
    h = jnp.dot(nodes_ref[...], wn1a_ref[...], preferred_element_type=jnp.float32)
    h = h + jnp.dot(agg, wn1b_ref[...], preferred_element_type=jnp.float32)
    h = _leaky(h + bn1_ref[...])
    nn = jnp.dot(h, wn2_ref[...], preferred_element_type=jnp.float32)
    nn = _leaky(nn + bn2_ref[...])
    nn_ref[...] = nn

    node_sum = jnp.sum(nn, axis=0, keepdims=True)
    p = psum_ref[...]
    edge_sum = p[:, 0:32] + p[:, 32:64] + p[:, 64:96] + p[:, 96:128]
    gi = jnp.dot(node_sum, wg1_ref[0:HIDDEN, :], preferred_element_type=jnp.float32)
    gi = gi + jnp.dot(edge_sum, wg1_ref[HIDDEN:2 * HIDDEN, :],
                      preferred_element_type=jnp.float32)
    gi = _leaky(gi + bg1_ref[...])
    go = jnp.dot(gi, wg2_ref[...], preferred_element_type=jnp.float32)
    g_ref[...] = _leaky(go + bg2_ref[...])


def _sc_gather_body(pr_hbm, ps_hbm, recv_hbm, send_hbm, g1_hbm, g2_hbm,
                    tabs_sh, tbuf, idx1, rows, gsem, wsem):
    c = lax.axis_index("c")
    s = lax.axis_index("s")
    wid = s * NC + c
    base = wid * PER_W
    nch = jnp.where(wid == NW - 1, LAST_CH, CPW)
    ngrp = nch // NBUF
    off0 = jnp.where(wid == NW - 1, N_EDGES - PER_W, base)
    ioff = base - off0

    for t, tab_hbm in ((0, pr_hbm), (1, ps_hbm)):
        pltpu.sync_copy(tab_hbm.at[pl.ds(s * ROWS_PER_TILE, ROWS_PER_TILE)], tbuf)
        pltpu.sync_copy(tbuf, tabs_sh.at[t, pl.ds(s * ROWS_PER_TILE, ROWS_PER_TILE)])
    plsc.subcore_barrier()

    for t, idx_hbm, out_hbm in ((0, recv_hbm, g1_hbm), (1, send_hbm, g2_hbm)):
        tab = tabs_sh.at[t]
        pltpu.sync_copy(idx_hbm.at[pl.ds(off0, PER_W)], idx1)

        def fire(j, b, tab=tab):
            pltpu.async_copy(tab.at[idx1.at[pl.ds(ioff + j * CH, CH)]],
                             rows.at[b], gsem.at[b])

        def wait_fire(j, b, tab=tab):
            pltpu.make_async_copy(tab.at[idx1.at[pl.ds(ioff + j * CH, CH)]],
                                  rows.at[b], gsem.at[b]).wait()

        for b in range(NBUF):
            fire(b, b)

        def group(g, _, tab=tab, out_hbm=out_hbm):
            for b in range(NBUF):
                j = g * NBUF + b
                dst = out_hbm.at[pl.ds(base + j * CH, CH)]
                wait_fire(j, b)
                pltpu.async_copy(rows.at[b], dst, wsem.at[b])
                pltpu.make_async_copy(rows.at[b], dst, wsem.at[b]).wait()
                fire(NBUF + j, b)
            return _

        lax.fori_loop(0, ngrp - 1, group, 0)
        for b in range(NBUF):
            j = (ngrp - 1) * NBUF + b
            wait_fire(j, b)
            pltpu.async_copy(rows.at[b], out_hbm.at[pl.ds(base + j * CH, CH)],
                             wsem.at[b])
        for b in range(NBUF):
            j = (ngrp - 1) * NBUF + b
            pltpu.make_async_copy(rows.at[b], out_hbm.at[pl.ds(base + j * CH, CH)],
                                  wsem.at[b]).wait()


def _sc_scatter_body(ne_hbm, recv_hbm, out_hbm,
                     shared, zbuf, idxr, rows, lsem, ssem):
    c = lax.axis_index("c")
    s = lax.axis_index("s")
    wid = s * NC + c
    base = wid * PER_W
    nch = jnp.where(wid == NW - 1, LAST_CH, CPW)
    ngrp = nch // NBUF

    def zrow(i, _):
        zbuf[i, pl.ds(0, 16)] = jnp.zeros((16,), jnp.float32)
        zbuf[i, pl.ds(16, 16)] = jnp.zeros((16,), jnp.float32)
        return _

    lax.fori_loop(0, ROWS_PER_TILE, zrow, 0)
    pltpu.sync_copy(zbuf, shared.at[pl.ds(s * ROWS_PER_TILE, ROWS_PER_TILE)])
    plsc.subcore_barrier()

    def fire(j, b):
        pltpu.async_copy(recv_hbm.at[pl.ds(base + j * CH, CH)], idxr.at[b],
                         lsem.at[b])
        pltpu.async_copy(ne_hbm.at[pl.ds(base + j * CH, CH)], rows.at[b],
                         lsem.at[b])

    def wait_loads(j, b):
        pltpu.make_async_copy(recv_hbm.at[pl.ds(base + j * CH, CH)], idxr.at[b],
                              lsem.at[b]).wait()
        pltpu.make_async_copy(ne_hbm.at[pl.ds(base + j * CH, CH)], rows.at[b],
                              lsem.at[b]).wait()

    for b in range(NBUF):
        fire(b, b)

    def group(g, _):
        for b in range(NBUF):
            j = g * NBUF + b
            sdst = shared.at[idxr.at[b]]
            wait_loads(j, b)
            pltpu.async_copy(rows.at[b], sdst, ssem.at[b], add=True)
            pltpu.make_async_copy(rows.at[b], sdst, ssem.at[b]).wait()
            fire(NBUF + j, b)
        return _

    lax.fori_loop(0, ngrp - 1, group, 0)
    for b in range(NBUF):
        j = (ngrp - 1) * NBUF + b
        sdst = shared.at[idxr.at[b]]
        wait_loads(j, b)
        pltpu.async_copy(rows.at[b], sdst, ssem.at[b], add=True)
        pltpu.make_async_copy(rows.at[b], sdst, ssem.at[b]).wait()
    plsc.subcore_barrier()

    pltpu.sync_copy(shared.at[pl.ds(s * ROWS_PER_TILE, ROWS_PER_TILE)], zbuf)
    pltpu.sync_copy(zbuf, out_hbm.at[c, pl.ds(s * ROWS_PER_TILE, ROWS_PER_TILE)])


def kernel(nodes, edges, globals_, senders, receivers,
           We1, be1, We2, be2, Wn1, bn1, Wn2, bn2, Wg1, bg1, Wg2, bg2):
    del globals_
    f32 = jnp.float32
    recv = receivers.astype(jnp.int32)
    send = senders.astype(jnp.int32)

    We1r = We1[D_EDGE:D_EDGE + D_NODE]
    We1s = We1[D_EDGE + D_NODE:]

    pr, ps = pl.pallas_call(
        _prep_body,
        out_shape=[jax.ShapeDtypeStruct((N_NODES, HIDDEN), f32),
                   jax.ShapeDtypeStruct((N_NODES, HIDDEN), f32)],
    )(nodes, We1r, We1s)

    mesh = plsc.VectorSubcoreMesh(core_axis_name="c", subcore_axis_name="s",
                                  num_cores=NC, num_subcores=NS)
    gather_k = pl.kernel(
        _sc_gather_body,
        out_type=[jax.ShapeDtypeStruct((N_EDGES, HIDDEN), f32),
                  jax.ShapeDtypeStruct((N_EDGES, HIDDEN), f32)],
        mesh=mesh,
        compiler_params=pltpu.CompilerParams(use_tc_tiling_on_sc=False),
        scratch_types=[
            pltpu.VMEM_SHARED((2, N_NODES, HIDDEN), f32),
            pltpu.VMEM((ROWS_PER_TILE, HIDDEN), f32),
            pltpu.VMEM((PER_W,), jnp.int32),
            pltpu.VMEM((NBUF, CH, HIDDEN), f32),
            pltpu.SemaphoreType.DMA((NBUF,)),
            pltpu.SemaphoreType.DMA((NBUF,)),
        ],
    )
    g1, g2 = gather_k(pr, ps, recv, send)

    W1bd = jax.scipy.linalg.block_diag(*([We1[:D_EDGE]] * PACK))
    W2bd = jax.scipy.linalg.block_diag(*([We2] * PACK))
    b1t = jnp.tile(be1, PACK)[None, :]
    b2t = jnp.tile(be2, PACK)[None, :]
    edges_r = edges.reshape(ER, PACK * D_EDGE)
    g1r = g1.reshape(ER, PACK * HIDDEN)
    g2r = g2.reshape(ER, PACK * HIDDEN)
    new_edges_rp, psum = pl.pallas_call(
        _edge_body,
        grid=(NEBLK,),
        in_specs=[
            pl.BlockSpec((EBLK, PACK * D_EDGE), lambda i: (i, 0)),
            pl.BlockSpec((EBLK, PACK * HIDDEN), lambda i: (i, 0)),
            pl.BlockSpec((EBLK, PACK * HIDDEN), lambda i: (i, 0)),
            pl.BlockSpec((PACK * D_EDGE, PACK * HIDDEN), lambda i: (0, 0)),
            pl.BlockSpec((1, PACK * HIDDEN), lambda i: (0, 0)),
            pl.BlockSpec((PACK * HIDDEN, PACK * HIDDEN), lambda i: (0, 0)),
            pl.BlockSpec((1, PACK * HIDDEN), lambda i: (0, 0)),
        ],
        out_specs=[
            pl.BlockSpec((EBLK, PACK * HIDDEN), lambda i: (i, 0)),
            pl.BlockSpec((1, PACK * HIDDEN), lambda i: (0, 0)),
        ],
        out_shape=[jax.ShapeDtypeStruct((ER, PACK * HIDDEN), f32),
                   jax.ShapeDtypeStruct((1, PACK * HIDDEN), f32)],
    )(edges_r, g1r, g2r, W1bd, b1t, W2bd, b2t)
    new_edges = new_edges_rp.reshape(N_EDGES, HIDDEN)

    scatter_k = pl.kernel(
        _sc_scatter_body,
        out_type=jax.ShapeDtypeStruct((NC, N_NODES, HIDDEN), f32),
        mesh=mesh,
        compiler_params=pltpu.CompilerParams(use_tc_tiling_on_sc=False),
        scratch_types=[
            pltpu.VMEM_SHARED((N_NODES, HIDDEN), f32),
            pltpu.VMEM((ROWS_PER_TILE, HIDDEN), f32),
            pltpu.VMEM((NBUF, CH), jnp.int32),
            pltpu.VMEM((NBUF, CH, HIDDEN), f32),
            pltpu.SemaphoreType.DMA((NBUF,)),
            pltpu.SemaphoreType.DMA((NBUF,)),
        ],
    )
    agg2 = scatter_k(new_edges, recv)

    new_nodes, new_globals = pl.pallas_call(
        _node_body,
        out_shape=[jax.ShapeDtypeStruct((N_NODES, HIDDEN), f32),
                   jax.ShapeDtypeStruct((1, HIDDEN), f32)],
    )(nodes, agg2, psum, Wn1[:D_NODE], Wn1[D_NODE:], bn1[None, :], Wn2,
      bn2[None, :], Wg1, bg1[None, :], Wg2, bg2[None, :])

    return (new_nodes, new_edges, new_globals)

# --- scband reference (transcript-rebuilt; emitter-appended) ---
"""Pipeline reference for scband-mlpgraph-network-19877108646542 (READ-ONLY COPY).

The authoritative reference and input builder live on the scoring server;
editing this copy changes nothing except your own understanding.
"""

import jax, jax.numpy as jnp
import numpy as np

N_NODES = 10000
N_EDGES = 320000
D_NODE = 128
D_EDGE = 16
D_GLOBAL = 32
HIDDEN = 32
EDGE_IN = D_EDGE + 2 * D_NODE  # 272
NODE_IN = D_NODE + HIDDEN      # 160
GLOBAL_IN = HIDDEN + HIDDEN    # 64 (global_blocks_use_globals=False)


def _mlp(x, W1, b1, W2, b2):
    # nn.Linear -> LeakyReLU -> nn.Linear -> LeakyReLU (PyTorch default slope 0.01)
    x = jax.nn.leaky_relu(x @ W1 + b1, negative_slope=0.01)
    x = jax.nn.leaky_relu(x @ W2 + b2, negative_slope=0.01)
    return x


def setup_inputs(seed: int = 0) -> dict:
    key = jax.random.key(seed)
    ks = jax.random.split(key, 16)
    nodes = jax.random.normal(ks[0], (N_NODES, D_NODE), dtype=jnp.float32)
    edges = jax.random.normal(ks[1], (N_EDGES, D_EDGE), dtype=jnp.float32)
    globals_ = jax.random.normal(ks[2], (1, D_GLOBAL), dtype=jnp.float32)
    senders = jax.random.randint(ks[3], (N_EDGES,), 0, N_NODES, dtype=jnp.int32).astype(jnp.int64)
    receivers = jax.random.randint(ks[4], (N_EDGES,), 0, N_NODES, dtype=jnp.int32).astype(jnp.int64)

    def lin(k, fan_in, fan_out):
        bound = 1.0 / np.sqrt(fan_in)
        kw, kb = jax.random.split(k)
        W = jax.random.uniform(kw, (fan_in, fan_out), minval=-bound, maxval=bound, dtype=jnp.float32)
        b = jax.random.uniform(kb, (fan_out,), minval=-bound, maxval=bound, dtype=jnp.float32)
        return W, b

    We1, be1 = lin(ks[5], EDGE_IN, HIDDEN)
    We2, be2 = lin(ks[6], HIDDEN, HIDDEN)
    Wn1, bn1 = lin(ks[7], NODE_IN, HIDDEN)
    Wn2, bn2 = lin(ks[8], HIDDEN, HIDDEN)
    Wg1, bg1 = lin(ks[9], GLOBAL_IN, HIDDEN)
    Wg2, bg2 = lin(ks[10], HIDDEN, HIDDEN)

    return {
        "nodes": nodes, "edges": edges, "globals_": globals_,
        "senders": senders, "receivers": receivers,
        "We1": We1, "be1": be1, "We2": We2, "be2": be2,
        "Wn1": Wn1, "bn1": bn1, "Wn2": Wn2, "bn2": bn2,
        "Wg1": Wg1, "bg1": bg1, "Wg2": Wg2, "bg2": bg2,
    }


def reference(nodes, edges, globals_, senders, receivers,
              We1, be1, We2, be2, Wn1, bn1, Wn2, bn2, Wg1, bg1, Wg2, bg2):
    senders = senders.astype(jnp.int32)
    receivers = receivers.astype(jnp.int32)
    # --- Edge block: [edge_feats, receiver node feats, sender node feats] ---
    edge_in = jnp.concatenate(
        [edges, jnp.take(nodes, receivers, axis=0), jnp.take(nodes, senders, axis=0)], axis=-1)
    new_edges = _mlp(edge_in, We1, be1, We2, be2)
    # --- Node block: [node feats, sum of incoming updated edges] ---
    agg_recv = jax.ops.segment_sum(new_edges, receivers, num_segments=N_NODES)
    node_in = jnp.concatenate([nodes, agg_recv], axis=-1)
    new_nodes = _mlp(node_in, Wn1, bn1, Wn2, bn2)
    # --- Global block: [sum nodes, sum edges] (globals not used; flag=False) ---
    g_in = jnp.concatenate(
        [jnp.sum(new_nodes, axis=0, keepdims=True), jnp.sum(new_edges, axis=0, keepdims=True)], axis=-1)
    new_globals = _mlp(g_in, Wg1, bg1, Wg2, bg2)
    return (new_nodes, new_edges, new_globals)

if __name__ == "__main__":
    import jax
    _d = setup_inputs()
    print(jax.jit(kernel)(*tuple(_d.values())))

</pallas_src>

<mosaic_0001>
#map = affine_map<(d0, d1) -> (0, 0)>
#map1 = affine_map<(d0, d1) -> (0)>
module attributes {stable_mosaic.version = 14 : i64} {
  func.func @_sc_gather_body(%arg0: i32, %arg1: i32, %arg2: memref<10000x32xf32, #tpu.memory_space<hbm>>, %arg3: memref<10000x32xf32, #tpu.memory_space<hbm>>, %arg4: memref<320000xi32, #tpu.memory_space<hbm>>, %arg5: memref<320000xi32, #tpu.memory_space<hbm>>, %arg6: memref<320000x32xf32, #tpu.memory_space<hbm>>, %arg7: memref<320000x32xf32, #tpu.memory_space<hbm>>, %arg8: memref<2x10000x32xf32, #tpu.memory_space<vmem_shared>>, %arg9: memref<625x32xf32, #tpu.memory_space<vmem>>, %arg10: memref<10240xi32, #tpu.memory_space<vmem>>, %arg11: memref<4x128x32xf32, #tpu.memory_space<vmem>>, %arg12: memref<4x!tpu.dma_semaphore, #tpu.memory_space<semaphore_mem>>, %arg13: memref<4x!tpu.dma_semaphore, #tpu.memory_space<semaphore_mem>>) attributes {dimension_semantics = [#tpu.dimension_semantics<core_parallel>, #tpu.dimension_semantics<subcore_parallel>], iteration_bounds = array<i64: 2, 16>, scalar_prefetch = 0 : i64, scratch_operands = 6 : i64, tpu.core_type = #tpu.core_type<sc_vector_subcore>, window_params = [{transform_indices = #map}, {transform_indices = #map}, {transform_indices = #map1}, {transform_indices = #map1}, {transform_indices = #map}, {transform_indices = #map}]} {
    %mul3A = arith.constant 2 : i32
    %mul3A_0 = arith.muli %arg1, %mul3A : i32
    %add3A = arith.addi %mul3A_0, %arg0 : i32
    %mul3A_1 = arith.constant 10240 : i32
    %mul3A_2 = arith.muli %add3A, %mul3A_1 : i32
    %eq3A = arith.constant 31 : i32
    %eq3A_3 = arith.cmpi eq, %add3A, %eq3A : i32
    %jit3A = arith.constant 20 : i32
    %jit3A_4 = arith.constant 80 : i32
    %select_n3A = arith.select %eq3A_3, %jit3A, %jit3A_4 : i32
    %jit3A_5 = arith.constant 4 : i32
    %div3A = arith.divsi %select_n3A, %jit3A_5 : i32
    %sign3A = arith.constant 0 : i32
    %sign3A_6 = arith.cmpi sgt, %select_n3A, %sign3A : i32
    %sign3A_7 = arith.extui %sign3A_6 : i1 to i32
    %sign3A_8 = arith.constant 0 : i32
    %sign3A_9 = arith.cmpi slt, %select_n3A, %sign3A_8 : i32
    %sign3A_10 = arith.extui %sign3A_9 : i1 to i32
    %sign3A_11 = arith.subi %sign3A_7, %sign3A_10 : i32
    %sign3A_12 = arith.constant 0 : i32
    %sign3A_13 = arith.cmpi sgt, %jit3A_5, %sign3A_12 : i32
    %sign3A_14 = arith.extui %sign3A_13 : i1 to i32
    %sign3A_15 = arith.constant 0 : i32
    %sign3A_16 = arith.cmpi slt, %jit3A_5, %sign3A_15 : i32
    %sign3A_17 = arith.extui %sign3A_16 : i1 to i32
    %sign3A_18 = arith.subi %sign3A_14, %sign3A_17 : i32
    %ne3A = arith.cmpi ne, %sign3A_11, %sign3A_18 : i32
    %rem3A = arith.remsi %select_n3A, %jit3A_5 : i32
    %ne3A_19 = arith.constant 0 : i32
    %ne3A_20 = arith.cmpi ne, %rem3A, %ne3A_19 : i32
    %and3A = arith.andi %ne3A, %ne3A_20 : i1
    %sub3A = arith.constant 1 : i32
    %sub3A_21 = arith.subi %div3A, %sub3A : i32
    %select_n3A_22 = arith.select %and3A, %sub3A_21, %div3A : i32
    %eq3A_23 = arith.constant 31 : i32
    %eq3A_24 = arith.cmpi eq, %add3A, %eq3A_23 : i32
    %jit3A_25 = arith.constant 309760 : i32
    %select_n3A_26 = arith.select %eq3A_24, %jit3A_25, %mul3A_2 : i32
    %sub3A_27 = arith.subi %mul3A_2, %select_n3A_26 : i32
    %mul3A_28 = arith.constant 625 : i32
    %mul3A_29 = arith.muli %arg1, %mul3A_28 : i32
    "tpu.region"() ({
      %run_scoped3A_772 = tpu.sem_alloc : memref<!tpu.dma_semaphore, #tpu.memory_space<semaphore_mem>>
      %dma_start3A_773 = arith.constant 0 : i32
      %dma_start3A_774 = tpu.memref_slice %arg2[%mul3A_29, %dma_start3A_773] : memref<10000x32xf32, #tpu.memory_space<hbm>> -> memref<625x32xf32, #tpu.memory_space<hbm>>
      %dma_start3A_775 = arith.constant 0 : i32
      %dma_start3A_776 = tpu.memref_slice %arg2[%mul3A_29, %dma_start3A_775] : memref<10000x32xf32, #tpu.memory_space<hbm>> -> memref<625x32xf32, #tpu.memory_space<hbm>>
      tpu.enqueue_dma source(%dma_start3A_776 : memref<625x32xf32, #tpu.memory_space<hbm>>) target(%arg9 : memref<625x32xf32, #tpu.memory_space<vmem>>) target_semaphore(%run_scoped3A_772 : memref<!tpu.dma_semaphore, #tpu.memory_space<semaphore_mem>>)
      %dma_wait3A_777 = arith.constant 0 : i32
      %dma_wait3A_778 = tpu.memref_slice %arg2[%mul3A_29, %dma_wait3A_777] : memref<10000x32xf32, #tpu.memory_space<hbm>> -> memref<625x32xf32, #tpu.memory_space<hbm>>
      %dma_wait3A_779 = arith.constant 0 : i32
      %dma_wait3A_780 = tpu.memref_slice %arg2[%mul3A_29, %dma_wait3A_779] : memref<10000x32xf32, #tpu.memory_space<hbm>> -> memref<625x32xf32, #tpu.memory_space<hbm>>
      tpu.wait_dma2 semaphore(%run_scoped3A_772 : memref<!tpu.dma_semaphore, #tpu.memory_space<semaphore_mem>>) src(%dma_wait3A_780 : memref<625x32xf32, #tpu.memory_space<hbm>>) dst(%arg9 : memref<625x32xf32, #tpu.memory_space<vmem>>)
      tpu.yield
    }) : () -> ()
    %mul3A_30 = arith.constant 625 : i32
    %mul3A_31 = arith.muli %arg1, %mul3A_30 : i32
    %run_scoped3A = arith.constant 0 : i32
    "tpu.region"() ({
      %run_scoped3A_772 = tpu.sem_alloc : memref<!tpu.dma_semaphore, #tpu.memory_space<semaphore_mem>>
      %dma_start3A_773 = arith.constant 0 : i32
      %dma_start3A_774 = tpu.memref_slice %arg8[%run_scoped3A, %mul3A_31, %dma_start3A_773] : memref<2x10000x32xf32, #tpu.memory_space<vmem_shared>> -> memref<1x625x32xf32, #tpu.memory_space<vmem_shared>>
      %dma_start3A_775 = tpu.memref_squeeze %dma_start3A_774 : memref<1x625x32xf32, #tpu.memory_space<vmem_shared>> -> memref<625x32xf32, #tpu.memory_space<vmem_shared>>
      %dma_start3A_776 = arith.constant 0 : i32
      %dma_start3A_777 = tpu.memref_slice %arg8[%run_scoped3A, %mul3A_31, %dma_start3A_776] : memref<2x10000x32xf32, #tpu.memory_space<vmem_shared>> -> memref<1x625x32xf32, #tpu.memory_space<vmem_shared>>
      %dma_start3A_778 = tpu.memref_squeeze %dma_start3A_777 : memref<1x625x32xf32, #tpu.memory_space<vmem_shared>> -> memref<625x32xf32, #tpu.memory_space<vmem_shared>>
      tpu.enqueue_dma source(%arg9 : memref<625x32xf32, #tpu.memory_space<vmem>>) target(%dma_start3A_778 : memref<625x32xf32, #tpu.memory_space<vmem_shared>>) target_semaphore(%run_scoped3A_772 : memref<!tpu.dma_semaphore, #tpu.memory_space<semaphore_mem>>)
      %dma_wait3A_779 = arith.constant 0 : i32
      %dma_wait3A_780 = tpu.memref_slice %arg8[%run_scoped3A, %mul3A_31, %dma_wait3A_779] : memref<2x10000x32xf32, #tpu.memory_space<vmem_shared>> -> memref<1x625x32xf32, #tpu.memory_space<vmem_shared>>
      %dma_wait3A_781 = tpu.memref_squeeze %dma_wait3A_780 : memref<1x625x32xf32, #tpu.memory_space<vmem_shared>> -> memref<625x32xf32, #tpu.memory_space<vmem_shared>>
      %dma_wait3A_782 = arith.constant 0 : i32
      %dma_wait3A_783 = tpu.memref_slice %arg8[%run_scoped3A, %mul3A_31, %dma_wait3A_782] : memref<2x10000x32xf32, #tpu.memory_space<vmem_shared>> -> memref<1x625x32xf32, #tpu.memory_space<vmem_shared>>
      %dma_wait3A_784 = tpu.memref_squeeze %dma_wait3A_783 : memref<1x625x32xf32, #tpu.memory_space<vmem_shared>> -> memref<625x32xf32, #tpu.memory_space<vmem_shared>>
      tpu.wait_dma2 semaphore(%run_scoped3A_772 : memref<!tpu.dma_semaphore, #tpu.memory_space<semaphore_mem>>) src(%arg9 : memref<625x32xf32, #tpu.memory_space<vmem>>) dst(%dma_wait3A_784 : memref<625x32xf32, #tpu.memory_space<vmem_shared>>)
      tpu.yield
    }) : () -> ()
    %mul3A_32 = arith.constant 625 : i32
    %mul3A_33 = arith.muli %arg1, %mul3A_32 : i32
    "tpu.region"() ({
      %run_scoped3A_772 = tpu.sem_alloc : memref<!tpu.dma_semaphore, #tpu.memory_space<semaphore_mem>>
      %dma_start3A_773 = arith.constant 0 : i32
      %dma_start3A_774 = tpu.memref_slice %arg3[%mul3A_33, %dma_start3A_773] : memref<10000x32xf32, #tpu.memory_space<hbm>> -> memref<625x32xf32, #tpu.memory_space<hbm>>
      %dma_start3A_775 = arith.constant 0 : i32
      %dma_start3A_776 = tpu.memref_slice %arg3[%mul3A_33, %dma_start3A_775] : memref<10000x32xf32, #tpu.memory_space<hbm>> -> memref<625x32xf32, #tpu.memory_space<hbm>>
      tpu.enqueue_dma source(%dma_start3A_776 : memref<625x32xf32, #tpu.memory_space<hbm>>) target(%arg9 : memref<625x32xf32, #tpu.memory_space<vmem>>) target_semaphore(%run_scoped3A_772 : memref<!tpu.dma_semaphore, #tpu.memory_space<semaphore_mem>>)
      %dma_wait3A_777 = arith.constant 0 : i32
      %dma_wait3A_778 = tpu.memref_slice %arg3[%mul3A_33, %dma_wait3A_777] : memref<10000x32xf32, #tpu.memory_space<hbm>> -> memref<625x32xf32, #tpu.memory_space<hbm>>
      %dma_wait3A_779 = arith.constant 0 : i32
      %dma_wait3A_780 = tpu.memref_slice %arg3[%mul3A_33, %dma_wait3A_779] : memref<10000x32xf32, #tpu.memory_space<hbm>> -> memref<625x32xf32, #tpu.memory_space<hbm>>
      tpu.wait_dma2 semaphore(%run_scoped3A_772 : memref<!tpu.dma_semaphore, #tpu.memory_space<semaphore_mem>>) src(%dma_wait3A_780 : memref<625x32xf32, #tpu.memory_space<hbm>>) dst(%arg9 : memref<625x32xf32, #tpu.memory_space<vmem>>)
      tpu.yield
    }) : () -> ()
    %mul3A_34 = arith.constant 625 : i32
    %mul3A_35 = arith.muli %arg1, %mul3A_34 : i32
    %run_scoped3A_36 = arith.constant 1 : i32
    "tpu.region"() ({
      %run_scoped3A_772 = tpu.sem_alloc : memref<!tpu.dma_semaphore, #tpu.memory_space<semaphore_mem>>
      %dma_start3A_773 = arith.constant 0 : i32
      %dma_start3A_774 = tpu.memref_slice %arg8[%run_scoped3A_36, %mul3A_35, %dma_start3A_773] : memref<2x10000x32xf32, #tpu.memory_space<vmem_shared>> -> memref<1x625x32xf32, #tpu.memory_space<vmem_shared>>
      %dma_start3A_775 = tpu.memref_squeeze %dma_start3A_774 : memref<1x625x32xf32, #tpu.memory_space<vmem_shared>> -> memref<625x32xf32, #tpu.memory_space<vmem_shared>>
      %dma_start3A_776 = arith.constant 0 : i32
      %dma_start3A_777 = tpu.memref_slice %arg8[%run_scoped3A_36, %mul3A_35, %dma_start3A_776] : memref<2x10000x32xf32, #tpu.memory_space<vmem_shared>> -> memref<1x625x32xf32, #tpu.memory_space<vmem_shared>>
      %dma_start3A_778 = tpu.memref_squeeze %dma_start3A_777 : memref<1x625x32xf32, #tpu.memory_space<vmem_shared>> -> memref<625x32xf32, #tpu.memory_space<vmem_shared>>
      tpu.enqueue_dma source(%arg9 : memref<625x32xf32, #tpu.memory_space<vmem>>) target(%dma_start3A_778 : memref<625x32xf32, #tpu.memory_space<vmem_shared>>) target_semaphore(%run_scoped3A_772 : memref<!tpu.dma_semaphore, #tpu.memory_space<semaphore_mem>>)
      %dma_wait3A_779 = arith.constant 0 : i32
      %dma_wait3A_780 = tpu.memref_slice %arg8[%run_scoped3A_36, %mul3A_35, %dma_wait3A_779] : memref<2x10000x32xf32, #tpu.memory_space<vmem_shared>> -> memref<1x625x32xf32, #tpu.memory_space<vmem_shared>>
      %dma_wait3A_781 = tpu.memref_squeeze %dma_wait3A_780 : memref<1x625x32xf32, #tpu.memory_space<vmem_shared>> -> memref<625x32xf32, #tpu.memory_space<vmem_shared>>
      %dma_wait3A_782 = arith.constant 0 : i32
      %dma_wait3A_783 = tpu.memref_slice %arg8[%run_scoped3A_36, %mul3A_35, %dma_wait3A_782] : memref<2x10000x32xf32, #tpu.memory_space<vmem_shared>> -> memref<1x625x32xf32, #tpu.memory_space<vmem_shared>>
      %dma_wait3A_784 = tpu.memref_squeeze %dma_wait3A_783 : memref<1x625x32xf32, #tpu.memory_space<vmem_shared>> -> memref<625x32xf32, #tpu.memory_space<vmem_shared>>
      tpu.wait_dma2 semaphore(%run_scoped3A_772 : memref<!tpu.dma_semaphore, #tpu.memory_space<semaphore_mem>>) src(%arg9 : memref<625x32xf32, #tpu.memory_space<vmem>>) dst(%dma_wait3A_784 : memref<625x32xf32, #tpu.memory_space<vmem_shared>>)
      tpu.yield
    }) : () -> ()
    %barrier3A = arith.constant 0 : index
    tpu.barrier barrier_id(%barrier3A)
    "tpu.region"() ({
      %run_scoped3A_772 = tpu.sem_alloc : memref<!tpu.dma_semaphore, #tpu.memory_space<semaphore_mem>>
      %dma_start3A_773 = tpu.memref_slice %arg4[%select_n3A_26] : memref<320000xi32, #tpu.memory_space<hbm>> -> memref<10240xi32, #tpu.memory_space<hbm>>
      %dma_start3A_774 = tpu.memref_slice %arg4[%select_n3A_26] : memref<320000xi32, #tpu.memory_space<hbm>> -> memref<10240xi32, #tpu.memory_space<hbm>>
      tpu.enqueue_dma source(%dma_start3A_774 : memref<10240xi32, #tpu.memory_space<hbm>>) target(%arg10 : memref<10240xi32, #tpu.memory_space<vmem>>) target_semaphore(%run_scoped3A_772 : memref<!tpu.dma_semaphore, #tpu.memory_space<semaphore_mem>>)
      %dma_wait3A_775 = tpu.memref_slice %arg4[%select_n3A_26] : memref<320000xi32, #tpu.memory_space<hbm>> -> memref<10240xi32, #tpu.memory_space<hbm>>
      %dma_wait3A_776 = tpu.memref_slice %arg4[%select_n3A_26] : memref<320000xi32, #tpu.memory_space<hbm>> -> memref<10240xi32, #tpu.memory_space<hbm>>
      tpu.wait_dma2 semaphore(%run_scoped3A_772 : memref<!tpu.dma_semaphore, #tpu.memory_space<semaphore_mem>>) src(%dma_wait3A_776 : memref<10240xi32, #tpu.memory_space<hbm>>) dst(%arg10 : memref<10240xi32, #tpu.memory_space<vmem>>)
      tpu.yield
    }) : () -> ()
    %add3A_37 = arith.constant 0 : i32
    %add3A_38 = arith.addi %sub3A_27, %add3A_37 : i32
    %dma_start3A = arith.constant 0 : i32
    %dma_start3A_39 = arith.constant 0 : i32
    %dma_start3A_40 = arith.constant 0 : i32
    %dma_start3A_41 = arith.constant 0 : i32
    %dma_start3A_42 = arith.constant 0 : i32
    %dma_start3A_43 = tpu.memref_slice %arg11[%dma_start3A_39, %dma_start3A_41, %dma_start3A_42] : memref<4x128x32xf32, #tpu.memory_space<vmem>> -> memref<1x128x32xf32, #tpu.memory_space<vmem>>
    %dma_start3A_44 = tpu.memref_squeeze %dma_start3A_43 : memref<1x128x32xf32, #tpu.memory_space<vmem>> -> memref<128x32xf32, #tpu.memory_space<vmem>>
    %dma_start3A_45 = tpu.memref_slice %arg10[%add3A_38] : memref<10240xi32, #tpu.memory_space<vmem>> -> memref<128xi32, #tpu.memory_space<vmem>>
    %dma_start3A_46 = arith.constant 0 : i32
    %dma_start3A_47 = arith.constant 0 : i32
    %dma_start3A_48 = tpu.memref_slice %arg8[%dma_start3A, %dma_start3A_46, %dma_start3A_47] : memref<2x10000x32xf32, #tpu.memory_space<vmem_shared>> -> memref<1x10000x32xf32, #tpu.memory_space<vmem_shared>>
    %dma_start3A_49 = tpu.memref_squeeze %dma_start3A_48 : memref<1x10000x32xf32, #tpu.memory_space<vmem_shared>> -> memref<10000x32xf32, #tpu.memory_space<vmem_shared>>
    %dma_start3A_50 = arith.constant 0 : i32
    %dma_start3A_51 = arith.constant 0 : i32
    %dma_start3A_52 = tpu.memref_slice %dma_start3A_49[%dma_start3A_50, %dma_start3A_51] : memref<10000x32xf32, #tpu.memory_space<vmem_shared>> -> memref<10000x32xf32, #tpu.memory_space<vmem_shared>>
    %dma_start3A_53 = tpu.memref_slice %arg12[%dma_start3A_40] : memref<4x!tpu.dma_semaphore, #tpu.memory_space<semaphore_mem>> -> memref<1x!tpu.dma_semaphore, #tpu.memory_space<semaphore_mem>>
    %dma_start3A_54 = tpu.memref_squeeze %dma_start3A_53 : memref<1x!tpu.dma_semaphore, #tpu.memory_space<semaphore_mem>> -> memref<!tpu.dma_semaphore, #tpu.memory_space<semaphore_mem>>
    tpu.enqueue_indirect_dma source(%dma_start3A_52 : memref<10000x32xf32, #tpu.memory_space<vmem_shared>>) target(%dma_start3A_44 : memref<128x32xf32, #tpu.memory_space<vmem>>) offsets(%dma_start3A_45 : memref<128xi32, #tpu.memory_space<vmem>>) semaphore(%dma_start3A_54 : memref<!tpu.dma_semaphore, #tpu.memory_space<semaphore_mem>>)
    %add3A_55 = arith.constant 128 : i32
    %add3A_56 = arith.addi %sub3A_27, %add3A_55 : i32
    %dma_start3A_57 = arith.constant 0 : i32
    %dma_start3A_58 = arith.constant 1 : i32
    %dma_start3A_59 = arith.constant 1 : i32
    %dma_start3A_60 = arith.constant 0 : i32
    %dma_start3A_61 = arith.constant 0 : i32
    %dma_start3A_62 = tpu.memref_slice %arg11[%dma_start3A_58, %dma_start3A_60, %dma_start3A_61] : memref<4x128x32xf32, #tpu.memory_space<vmem>> -> memref<1x128x32xf32, #tpu.memory_space<vmem>>
    %dma_start3A_63 = tpu.memref_squeeze %dma_start3A_62 : memref<1x128x32xf32, #tpu.memory_space<vmem>> -> memref<128x32xf32, #tpu.memory_space<vmem>>
    %dma_start3A_64 = tpu.memref_slice %arg10[%add3A_56] : memref<10240xi32, #tpu.memory_space<vmem>> -> memref<128xi32, #tpu.memory_space<vmem>>
    %dma_start3A_65 = arith.constant 0 : i32
    %dma_start3A_66 = arith.constant 0 : i32
    %dma_start3A_67 = tpu.memref_slice %arg8[%dma_start3A_57, %dma_start3A_65, %dma_start3A_66] : memref<2x10000x32xf32, #tpu.memory_space<vmem_shared>> -> memref<1x10000x32xf32, #tpu.memory_space<vmem_shared>>
    %dma_start3A_68 = tpu.memref_squeeze %dma_start3A_67 : memref<1x10000x32xf32, #tpu.memory_space<vmem_shared>> -> memref<10000x32xf32, #tpu.memory_space<vmem_shared>>
    %dma_start3A_69 = arith.constant 0 : i32
    %dma_start3A_70 = arith.constant 0 : i32
    %dma_start3A_71 = tpu.memref_slice %dma_start3A_68[%dma_start3A_69, %dma_start3A_70] : memref<10000x32xf32, #tpu.memory_space<vmem_shared>> -> memref<10000x32xf32, #tpu.memory_space<vmem_shared>>
    %dma_start3A_72 = tpu.memref_slice %arg12[%dma_start3A_59] : memref<4x!tpu.dma_semaphore, #tpu.memory_space<semaphore_mem>> -> memref<1x!tpu.dma_semaphore, #tpu.memory_space<semaphore_mem>>
    %dma_start3A_73 = tpu.memref_squeeze %dma_start3A_72 : memref<1x!tpu.dma_semaphore, #tpu.memory_space<semaphore_mem>> -> memref<!tpu.dma_semaphore, #tpu.memory_space<semaphore_mem>>
    tpu.enqueue_indirect_dma source(%dma_start3A_71 : memref<10000x32xf32, #tpu.memory_space<vmem_shared>>) target(%dma_start3A_63 : memref<128x32xf32, #tpu.memory_space<vmem>>) offsets(%dma_start3A_64 : memref<128xi32, #tpu.memory_space<vmem>>) semaphore(%dma_start3A_73 : memref<!tpu.dma_semaphore, #tpu.memory_space<semaphore_mem>>)
    %add3A_74 = arith.constant 256 : i32
    %add3A_75 = arith.addi %sub3A_27, %add3A_74 : i32
    %dma_start3A_76 = arith.constant 0 : i32
    %dma_start3A_77 = arith.constant 2 : i32
    %dma_start3A_78 = arith.constant 2 : i32
    %dma_start3A_79 = arith.constant 0 : i32
    %dma_start3A_80 = arith.constant 0 : i32
    %dma_start3A_81 = tpu.memref_slice %arg11[%dma_start3A_77, %dma_start3A_79, %dma_start3A_80] : memref<4x128x32xf32, #tpu.memory_space<vmem>> -> memref<1x128x32xf32, #tpu.memory_space<vmem>>
    %dma_start3A_82 = tpu.memref_squeeze %dma_start3A_81 : memref<1x128x32xf32, #tpu.memory_space<vmem>> -> memref<128x32xf32, #tpu.memory_space<vmem>>
    %dma_start3A_83 = tpu.memref_slice %arg10[%add3A_75] : memref<10240xi32, #tpu.memory_space<vmem>> -> memref<128xi32, #tpu.memory_space<vmem>>
    %dma_start3A_84 = arith.constant 0 : i32
    %dma_start3A_85 = arith.constant 0 : i32
    %dma_start3A_86 = tpu.memref_slice %arg8[%dma_start3A_76, %dma_start3A_84, %dma_start3A_85] : memref<2x10000x32xf32, #tpu.memory_space<vmem_shared>> -> memref<1x10000x32xf32, #tpu.memory_space<vmem_shared>>
    %dma_start3A_87 = tpu.memref_squeeze %dma_start3A_86 : memref<1x10000x32xf32, #tpu.memory_space<vmem_shared>> -> memref<10000x32xf32, #tpu.memory_space<vmem_shared>>
    %dma_start3A_88 = arith.constant 0 : i32
    %dma_start3A_89 = arith.constant 0 : i32
    %dma_start3A_90 = tpu.memref_slice %dma_start3A_87[%dma_start3A_88, %dma_start3A_89] : memref<10000x32xf32, #tpu.memory_space<vmem_shared>> -> memref<10000x32xf32, #tpu.memory_space<vmem_shared>>
    %dma_start3A_91 = tpu.memref_slice %arg12[%dma_start3A_78] : memref<4x!tpu.dma_semaphore, #tpu.memory_space<semaphore_mem>> -> memref<1x!tpu.dma_semaphore, #tpu.memory_space<semaphore_mem>>
    %dma_start3A_92 = tpu.memref_squeeze %dma_start3A_91 : memref<1x!tpu.dma_semaphore, #tpu.memory_space<semaphore_mem>> -> memref<!tpu.dma_semaphore, #tpu.memory_space<semaphore_mem>>
    tpu.enqueue_indirect_dma source(%dma_start3A_90 : memref<10000x32xf32, #tpu.memory_space<vmem_shared>>) target(%dma_start3A_82 : memref<128x32xf32, #tpu.memory_space<vmem>>) offsets(%dma_start3A_83 : memref<128xi32, #tpu.memory_space<vmem>>) semaphore(%dma_start3A_92 : memref<!tpu.dma_semaphore, #tpu.memory_space<semaphore_mem>>)
    %add3A_93 = arith.constant 384 : i32
    %add3A_94 = arith.addi %sub3A_27, %add3A_93 : i32
    %dma_start3A_95 = arith.constant 0 : i32
    %dma_start3A_96 = arith.constant 3 : i32
    %dma_start3A_97 = arith.constant 3 : i32
    %dma_start3A_98 = arith.constant 0 : i32
    %dma_start3A_99 = arith.constant 0 : i32
    %dma_start3A_100 = tpu.memref_slice %arg11[%dma_start3A_96, %dma_start3A_98, %dma_start3A_99] : memref<4x128x32xf32, #tpu.memory_space<vmem>> -> memref<1x128x32xf32, #tpu.memory_space<vmem>>
    %dma_start3A_101 = tpu.memref_squeeze %dma_start3A_100 : memref<1x128x32xf32, #tpu.memory_space<vmem>> -> memref<128x32xf32, #tpu.memory_space<vmem>>
    %dma_start3A_102 = tpu.memref_slice %arg10[%add3A_94] : memref<10240xi32, #tpu.memory_space<vmem>> -> memref<128xi32, #tpu.memory_space<vmem>>
    %dma_start3A_103 = arith.constant 0 : i32
    %dma_start3A_104 = arith.constant 0 : i32
    %dma_start3A_105 = tpu.memref_slice %arg8[%dma_start3A_95, %dma_start3A_103, %dma_start3A_104] : memref<2x10000x32xf32, #tpu.memory_space<vmem_shared>> -> memref<1x10000x32xf32, #tpu.memory_space<vmem_shared>>
    %dma_start3A_106 = tpu.memref_squeeze %dma_start3A_105 : memref<1x10000x32xf32, #tpu.memory_space<vmem_shared>> -> memref<10000x32xf32, #tpu.memory_space<vmem_shared>>
    %dma_start3A_107 = arith.constant 0 : i32
    %dma_start3A_108 = arith.constant 0 : i32
    %dma_start3A_109 = tpu.memref_slice %dma_start3A_106[%dma_start3A_107, %dma_start3A_108] : memref<10000x32xf32, #tpu.memory_space<vmem_shared>> -> memref<10000x32xf32, #tpu.memory_space<vmem_shared>>
    %dma_start3A_110 = tpu.memref_slice %arg12[%dma_start3A_97] : memref<4x!tpu.dma_semaphore, #tpu.memory_space<semaphore_mem>> -> memref<1x!tpu.dma_semaphore, #tpu.memory_space<semaphore_mem>>
    %dma_start3A_111 = tpu.memref_squeeze %dma_start3A_110 : memref<1x!tpu.dma_semaphore, #tpu.memory_space<semaphore_mem>> -> memref<!tpu.dma_semaphore, #tpu.memory_space<semaphore_mem>>
    tpu.enqueue_indirect_dma source(%dma_start3A_109 : memref<10000x32xf32, #tpu.memory_space<vmem_shared>>) target(%dma_start3A_101 : memref<128x32xf32, #tpu.memory_space<vmem>>) offsets(%dma_start3A_102 : memref<128xi32, #tpu.memory_space<vmem>>) semaphore(%dma_start3A_111 : memref<!tpu.dma_semaphore, #tpu.memory_space<semaphore_mem>>)
    %sub3A_112 = arith.constant 1 : i32
    %sub3A_113 = arith.subi %select_n3A_22, %sub3A_112 : i32
    %while3A = arith.constant 0 : i32
    %while3A_114 = arith.constant 0 : i32
    %while3A_115 = arith.constant 0 : i32
    %while3A_116 = arith.subi %sub3A_113, %while3A_115 : i32
    %while3A_117 = arith.addi %while3A_115, %while3A_116 : i32
    %while3A_118 = arith.constant 1 : i32
    %while3A_119 = arith.divsi %while3A_116, %while3A_118 : i32
    %while3A_120 = arith.muli %while3A_119, %while3A_118 : i32
    %while3A_121 = arith.addi %while3A_115, %while3A_120 : i32
    %while3A_122 = arith.constant 1 : i32
    scf.for %while3A_772 = %while3A_115 to %while3A_121 step %while3A_122  : i32 {
      %mul3A_773 = arith.constant 4 : i32
      %mul3A_774 = arith.muli %while3A_772, %mul3A_773 : i32
      %add3A_775 = arith.constant 0 : i32
      %add3A_776 = arith.addi %mul3A_774, %add3A_775 : i32
      %mul3A_777 = arith.constant 128 : i32
      %mul3A_778 = arith.muli %add3A_776, %mul3A_777 : i32
      %add3A_779 = arith.addi %mul3A_2, %mul3A_778 : i32
      %mul3A_780 = arith.constant 128 : i32
      %mul3A_781 = arith.muli %add3A_776, %mul3A_780 : i32
      %add3A_782 = arith.addi %sub3A_27, %mul3A_781 : i32
      %dma_wait3A_783 = arith.constant 0 : i32
      %dma_wait3A_784 = arith.constant 0 : i32
      %dma_wait3A_785 = arith.constant 0 : i32
      %dma_wait3A_786 = arith.constant 0 : i32
      %dma_wait3A_787 = tpu.memref_slice %arg11[%dma_wait3A_783, %dma_wait3A_785, %dma_wait3A_786] : memref<4x128x32xf32, #tpu.memory_space<vmem>> -> memref<1x128x32xf32, #tpu.memory_space<vmem>>
      %dma_wait3A_788 = tpu.memref_squeeze %dma_wait3A_787 : memref<1x128x32xf32, #tpu.memory_space<vmem>> -> memref<128x32xf32, #tpu.memory_space<vmem>>
      %dma_wait3A_789 = tpu.memref_slice %arg10[%add3A_782] : memref<10240xi32, #tpu.memory_space<vmem>> -> memref<128xi32, #tpu.memory_space<vmem>>
      %dma_wait3A_790 = arith.constant 0 : i32
      %dma_wait3A_791 = arith.constant 0 : i32
      %dma_wait3A_792 = tpu.memref_slice %arg8[%while3A_114, %dma_wait3A_790, %dma_wait3A_791] : memref<2x10000x32xf32, #tpu.memory_space<vmem_shared>> -> memref<1x10000x32xf32, #tpu.memory_space<vmem_shared>>
      %dma_wait3A_793 = tpu.memref_squeeze %dma_wait3A_792 : memref<1x10000x32xf32, #tpu.memory_space<vmem_shared>> -> memref<10000x32xf32, #tpu.memory_space<vmem_shared>>
      %dma_wait3A_794 = arith.constant 0 : i32
      %dma_wait3A_795 = arith.constant 0 : i32
      %dma_wait3A_796 = tpu.memref_slice %dma_wait3A_793[%dma_wait3A_794, %dma_wait3A_795] : memref<10000x32xf32, #tpu.memory_space<vmem_shared>> -> memref<10000x32xf32, #tpu.memory_space<vmem_shared>>
      %dma_wait3A_797 = tpu.memref_slice %arg12[%dma_wait3A_784] : memref<4x!tpu.dma_semaphore, #tpu.memory_space<semaphore_mem>> -> memref<1x!tpu.dma_semaphore, #tpu.memory_space<semaphore_mem>>
      %dma_wait3A_798 = tpu.memref_squeeze %dma_wait3A_797 : memref<1x!tpu.dma_semaphore, #tpu.memory_space<semaphore_mem>> -> memref<!tpu.dma_semaphore, #tpu.memory_space<semaphore_mem>>
      tpu.wait_indirect_dma semaphore(%dma_wait3A_798 : memref<!tpu.dma_semaphore, #tpu.memory_space<semaphore_mem>>) src(%dma_wait3A_796 : memref<10000x32xf32, #tpu.memory_space<vmem_shared>>) dst(%dma_wait3A_788 : memref<128x32xf32, #tpu.memory_space<vmem>>)
      %dma_start3A_799 = arith.constant 0 : i32
      %dma_start3A_800 = arith.constant 0 : i32
      %dma_start3A_801 = arith.constant 0 : i32
      %dma_start3A_802 = arith.constant 0 : i32
      %dma_start3A_803 = tpu.memref_slice %arg11[%dma_start3A_799, %dma_start3A_801, %dma_start3A_802] : memref<4x128x32xf32, #tpu.memory_space<vmem>> -> memref<1x128x32xf32, #tpu.memory_space<vmem>>
      %dma_start3A_804 = tpu.memref_squeeze %dma_start3A_803 : memref<1x128x32xf32, #tpu.memory_space<vmem>> -> memref<128x32xf32, #tpu.memory_space<vmem>>
      %dma_start3A_805 = arith.constant 0 : i32
      %dma_start3A_806 = tpu.memref_slice %arg6[%add3A_779, %dma_start3A_805] : memref<320000x32xf32, #tpu.memory_space<hbm>> -> memref<128x32xf32, #tpu.memory_space<hbm>>
      %dma_start3A_807 = tpu.memref_slice %arg13[%dma_start3A_800] : memref<4x!tpu.dma_semaphore, #tpu.memory_space<semaphore_mem>> -> memref<1x!tpu.dma_semaphore, #tpu.memory_space<semaphore_mem>>
      %dma_start3A_808 = tpu.memref_squeeze %dma_start3A_807 : memref<1x!tpu.dma_semaphore, #tpu.memory_space<semaphore_mem>> -> memref<!tpu.dma_semaphore, #tpu.memory_space<semaphore_mem>>
      %dma_start3A_809 = arith.constant 0 : i32
      %dma_start3A_810 = tpu.memref_slice %arg6[%add3A_779, %dma_start3A_809] : memref<320000x32xf32, #tpu.memory_space<hbm>> -> memref<128x32xf32, #tpu.memory_space<hbm>>
      %dma_start3A_811 = arith.constant 0 : i32
      %dma_start3A_812 = arith.constant 0 : i32
      %dma_start3A_813 = tpu.memref_slice %arg11[%dma_start3A_799, %dma_start3A_811, %dma_start3A_812] : memref<4x128x32xf32, #tpu.memory_space<vmem>> -> memref<1x128x32xf32, #tpu.memory_space<vmem>>
      %dma_start3A_814 = tpu.memref_squeeze %dma_start3A_813 : memref<1x128x32xf32, #tpu.memory_space<vmem>> -> memref<128x32xf32, #tpu.memory_space<vmem>>
      tpu.enqueue_dma source(%dma_start3A_814 : memref<128x32xf32, #tpu.memory_space<vmem>>) target(%dma_start3A_810 : memref<128x32xf32, #tpu.memory_space<hbm>>) target_semaphore(%dma_start3A_808 : memref<!tpu.dma_semaphore, #tpu.memory_space<semaphore_mem>>)
      %dma_wait3A_815 = arith.constant 0 : i32
      %dma_wait3A_816 = arith.constant 0 : i32
      %dma_wait3A_817 = arith.constant 0 : i32
      %dma_wait3A_818 = arith.constant 0 : i32
      %dma_wait3A_819 = tpu.memref_slice %arg11[%dma_wait3A_815, %dma_wait3A_817, %dma_wait3A_818] : memref<4x128x32xf32, #tpu.memory_space<vmem>> -> memref<1x128x32xf32, #tpu.memory_space<vmem>>
      %dma_wait3A_820 = tpu.memref_squeeze %dma_wait3A_819 : memref<1x128x32xf32, #tpu.memory_space<vmem>> -> memref<128x32xf32, #tpu.memory_space<vmem>>
      %dma_wait3A_821 = arith.constant 0 : i32
      %dma_wait3A_822 = tpu.memref_slice %arg6[%add3A_779, %dma_wait3A_821] : memref<320000x32xf32, #tpu.memory_space<hbm>> -> memref<128x32xf32, #tpu.memory_space<hbm>>
      %dma_wait3A_823 = tpu.memref_slice %arg13[%dma_wait3A_816] : memref<4x!tpu.dma_semaphore, #tpu.memory_space<semaphore_mem>> -> memref<1x!tpu.dma_semaphore, #tpu.memory_space<semaphore_mem>>
      %dma_wait3A_824 = tpu.memref_squeeze %dma_wait3A_823 : memref<1x!tpu.dma_semaphore, #tpu.memory_space<semaphore_mem>> -> memref<!tpu.dma_semaphore, #tpu.memory_space<semaphore_mem>>
      %dma_wait3A_825 = arith.constant 0 : i32
      %dma_wait3A_826 = tpu.memref_slice %arg6[%add3A_779, %dma_wait3A_825] : memref<320000x32xf32, #tpu.memory_space<hbm>> -> memref<128x32xf32, #tpu.memory_space<hbm>>
      %dma_wait3A_827 = arith.constant 0 : i32
      %dma_wait3A_828 = arith.constant 0 : i32
      %dma_wait3A_829 = tpu.memref_slice %arg11[%dma_wait3A_815, %dma_wait3A_827, %dma_wait3A_828] : memref<4x128x32xf32, #tpu.memory_space<vmem>> -> memref<1x128x32xf32, #tpu.memory_space<vmem>>
      %dma_wait3A_830 = tpu.memref_squeeze %dma_wait3A_829 : memref<1x128x32xf32, #tpu.memory_space<vmem>> -> memref<128x32xf32, #tpu.memory_space<vmem>>
      tpu.wait_dma2 semaphore(%dma_wait3A_824 : memref<!tpu.dma_semaphore, #tpu.memory_space<semaphore_mem>>) src(%dma_wait3A_830 : memref<128x32xf32, #tpu.memory_space<vmem>>) dst(%dma_wait3A_826 : memref<128x32xf32, #tpu.memory_space<hbm>>)
      %add3A_831 = arith.constant 4 : i32
      %add3A_832 = arith.addi %add3A_831, %add3A_776 : i32
      %mul3A_833 = arith.constant 128 : i32
      %mul3A_834 = arith.muli %add3A_832, %mul3A_833 : i32
      %add3A_835 = arith.addi %sub3A_27, %mul3A_834 : i32
      %dma_start3A_836 = arith.constant 0 : i32
      %dma_start3A_837 = arith.constant 0 : i32
      %dma_start3A_838 = arith.constant 0 : i32
      %dma_start3A_839 = arith.constant 0 : i32
      %dma_start3A_840 = tpu.memref_slice %arg11[%dma_start3A_836, %dma_start3A_838, %dma_start3A_839] : memref<4x128x32xf32, #tpu.memory_space<vmem>> -> memref<1x128x32xf32, #tpu.memory_space<vmem>>
      %dma_start3A_841 = tpu.memref_squeeze %dma_start3A_840 : memref<1x128x32xf32, #tpu.memory_space<vmem>> -> memref<128x32xf32, #tpu.memory_space<vmem>>
      %dma_start3A_842 = tpu.memref_slice %arg10[%add3A_835] : memref<10240xi32, #tpu.memory_space<vmem>> -> memref<128xi32, #tpu.memory_space<vmem>>
      %dma_start3A_843 = arith.constant 0 : i32
      %dma_start3A_844 = arith.constant 0 : i32
      %dma_start3A_845 = tpu.memref_slice %arg8[%while3A_114, %dma_start3A_843, %dma_start3A_844] : memref<2x10000x32xf32, #tpu.memory_space<vmem_shared>> -> memref<1x10000x32xf32, #tpu.memory_space<vmem_shared>>
      %dma_start3A_846 = tpu.memref_squeeze %dma_start3A_845 : memref<1x10000x32xf32, #tpu.memory_space<vmem_shared>> -> memref<10000x32xf32, #tpu.memory_space<vmem_shared>>
      %dma_start3A_847 = arith.constant 0 : i32
      %dma_start3A_848 = arith.constant 0 : i32
      %dma_start3A_849 = tpu.memref_slice %dma_start3A_846[%dma_start3A_847, %dma_start3A_848] : memref<10000x32xf32, #tpu.memory_space<vmem_shared>> -> memref<10000x32xf32, #tpu.memory_space<vmem_shared>>
      %dma_start3A_850 = tpu.memref_slice %arg12[%dma_start3A_837] : memref<4x!tpu.dma_semaphore, #tpu.memory_space<semaphore_mem>> -> memref<1x!tpu.dma_semaphore, #tpu.memory_space<semaphore_mem>>
      %dma_start3A_851 = tpu.memref_squeeze %dma_start3A_850 : memref<1x!tpu.dma_semaphore, #tpu.memory_space<semaphore_mem>> -> memref<!tpu.dma_semaphore, #tpu.memory_space<semaphore_mem>>
      tpu.enqueue_indirect_dma source(%dma_start3A_849 : memref<10000x32xf32, #tpu.memory_space<vmem_shared>>) target(%dma_start3A_841 : memref<128x32xf32, #tpu.memory_space<vmem>>) offsets(%dma_start3A_842 : memref<128xi32, #tpu.memory_space<vmem>>) semaphore(%dma_start3A_851 : memref<!tpu.dma_semaphore, #tpu.memory_space<semaphore_mem>>)
      %mul3A_852 = arith.constant 4 : i32
      %mul3A_853 = arith.muli %while3A_772, %mul3A_852 : i32
      %add3A_854 = arith.constant 1 : i32
      %add3A_855 = arith.addi %mul3A_853, %add3A_854 : i32
      %mul3A_856 = arith.constant 128 : i32
      %mul3A_857 = arith.muli %add3A_855, %mul3A_856 : i32
      %add3A_858 = arith.addi %mul3A_2, %mul3A_857 : i32
      %mul3A_859 = arith.constant 128 : i32
      %mul3A_860 = arith.muli %add3A_855, %mul3A_859 : i32
      %add3A_861 = arith.addi %sub3A_27, %mul3A_860 : i32
      %dma_wait3A_862 = arith.constant 1 : i32
      %dma_wait3A_863 = arith.constant 1 : i32
      %dma_wait3A_864 = arith.constant 0 : i32
      %dma_wait3A_865 = arith.constant 0 : i32
      %dma_wait3A_866 = tpu.memref_slice %arg11[%dma_wait3A_862, %dma_wait3A_864, %dma_wait3A_865] : memref<4x128x32xf32, #tpu.memory_space<vmem>> -> memref<1x128x32xf32, #tpu.memory_space<vmem>>
      %dma_wait3A_867 = tpu.memref_squeeze %dma_wait3A_866 : memref<1x128x32xf32, #tpu.memory_space<vmem>> -> memref<128x32xf32, #tpu.memory_space<vmem>>
      %dma_wait3A_868 = tpu.memref_slice %arg10[%add3A_861] : memref<10240xi32, #tpu.memory_space<vmem>> -> memref<128xi32, #tpu.memory_space<vmem>>
      %dma_wait3A_869 = arith.constant 0 : i32
      %dma_wait3A_870 = arith.constant 0 : i32
      %dma_wait3A_871 = tpu.memref_slice %arg8[%while3A_114, %dma_wait3A_869, %dma_wait3A_870] : memref<2x10000x32xf32, #tpu.memory_space<vmem_shared>> -> memref<1x10000x32xf32, #tpu.memory_space<vmem_shared>>
      %dma_wait3A_872 = tpu.memref_squeeze %dma_wait3A_871 : memref<1x10000x32xf32, #tpu.memory_space<vmem_shared>> -> memref<10000x32xf32, #tpu.memory_space<vmem_shared>>
      %dma_wait3A_873 = arith.constant 0 : i32
      %dma_wait3A_874 = arith.constant 0 : i32
      %dma_wait3A_875 = tpu.memref_slice %dma_wait3A_872[%dma_wait3A_873, %dma_wait3A_874] : memref<10000x32xf32, #tpu.memory_space<vmem_shared>> -> memref<10000x32xf32, #tpu.memory_space<vmem_shared>>
      %dma_wait3A_876 = tpu.memref_slice %arg12[%dma_wait3A_863] : memref<4x!tpu.dma_semaphore, #tpu.memory_space<semaphore_mem>> -> memref<1x!tpu.dma_semaphore, #tpu.memory_space<semaphore_mem>>
      %dma_wait3A_877 = tpu.memref_squeeze %dma_wait3A_876 : memref<1x!tpu.dma_semaphore, #tpu.memory_space<semaphore_mem>> -> memref<!tpu.dma_semaphore, #tpu.memory_space<semaphore_mem>>
      tpu.wait_indirect_dma semaphore(%dma_wait3A_877 : memref<!tpu.dma_semaphore, #tpu.memory_space<semaphore_mem>>) src(%dma_wait3A_875 : memref<10000x32xf32, #tpu.memory_space<vmem_shared>>) dst(%dma_wait3A_867 : memref<128x32xf32, #tpu.memory_space<vmem>>)
      %dma_start3A_878 = arith.constant 1 : i32
      %dma_start3A_879 = arith.constant 1 : i32
      %dma_start3A_880 = arith.constant 0 : i32
      %dma_start3A_881 = arith.constant 0 : i32
      %dma_start3A_882 = tpu.memref_slice %arg11[%dma_start3A_878, %dma_start3A_880, %dma_start3A_881] : memref<4x128x32xf32, #tpu.memory_space<vmem>> -> memref<1x128x32xf32, #tpu.memory_space<vmem>>
      %dma_start3A_883 = tpu.memref_squeeze %dma_start3A_882 : memref<1x128x32xf32, #tpu.memory_space<vmem>> -> memref<128x32xf32, #tpu.memory_space<vmem>>
      %dma_start3A_884 = arith.constant 0 : i32
      %dma_start3A_885 = tpu.memref_slice %arg6[%add3A_858, %dma_start3A_884] : memref<320000x32xf32, #tpu.memory_space<hbm>> -> memref<128x32xf32, #tpu.memory_space<hbm>>
      %dma_start3A_886 = tpu.memref_slice %arg13[%dma_start3A_879] : memref<4x!tpu.dma_semaphore, #tpu.memory_space<semaphore_mem>> -> memref<1x!tpu.dma_semaphore, #tpu.memory_space<semaphore_mem>>
      %dma_start3A_887 = tpu.memref_squeeze %dma_start3A_886 : memref<1x!tpu.dma_semaphore, #tpu.memory_space<semaphore_mem>> -> memref<!tpu.dma_semaphore, #tpu.memory_space<semaphore_mem>>
      %dma_start3A_888 = arith.constant 0 : i32
      %dma_start3A_889 = tpu.memref_slice %arg6[%add3A_858, %dma_start3A_888] : memref<320000x32xf32, #tpu.memory_space<hbm>> -> memref<128x32xf32, #tpu.memory_space<hbm>>
      %dma_start3A_890 = arith.constant 0 : i32
      %dma_start3A_891 = arith.constant 0 : i32
      %dma_start3A_892 = tpu.memref_slice %arg11[%dma_start3A_878, %dma_start3A_890, %dma_start3A_891] : memref<4x128x32xf32, #tpu.memory_space<vmem>> -> memref<1x128x32xf32, #tpu.memory_space<vmem>>
      %dma_start3A_893 = tpu.memref_squeeze %dma_start3A_892 : memref<1x128x32xf32, #tpu.memory_space<vmem>> -> memref<128x32xf32, #tpu.memory_space<vmem>>
      tpu.enqueue_dma source(%dma_start3A_893 : memref<128x32xf32, #tpu.memory_space<vmem>>) target(%dma_start3A_889 : memref<128x32xf32, #tpu.memory_space<hbm>>) target_semaphore(%dma_start3A_887 : memref<!tpu.dma_semaphore, #tpu.memory_space<semaphore_mem>>)
      %dma_wait3A_894 = arith.constant 1 : i32
      %dma_wait3A_895 = arith.constant 1 : i32
      %dma_wait3A_896 = arith.constant 0 : i32
      %dma_wait3A_897 = arith.constant 0 : i32
      %dma_wait3A_898 = tpu.memref_slice %arg11[%dma_wait3A_894, %dma_wait3A_896, %dma_wait3A_897] : memref<4x128x32xf32, #tpu.memory_space<vmem>> -> memref<1x128x32xf32, #tpu.memory_space<vmem>>
      %dma_wait3A_899 = tpu.memref_squeeze %dma_wait3A_898 : memref<1x128x32xf32, #tpu.memory_space<vmem>> -> memref<128x32xf32, #tpu.memory_space<vmem>>
      %dma_wait3A_900 = arith.constant 0 : i32
      %dma_wait3A_901 = tpu.memref_slice %arg6[%add3A_858, %dma_wait3A_900] : memref<320000x32xf32, #tpu.memory_space<hbm>> -> memref<128x32xf32, #tpu.memory_space<hbm>>
      %dma_wait3A_902 = tpu.memref_slice %arg13[%dma_wait3A_895] : memref<4x!tpu.dma_semaphore, #tpu.memory_space<semaphore_mem>> -> memref<1x!tpu.dma_semaphore, #tpu.memory_space<semaphore_mem>>
      %dma_wait3A_903 = tpu.memref_squeeze %dma_wait3A_902 : memref<1x!tpu.dma_semaphore, #tpu.memory_space<semaphore_mem>> -> memref<!tpu.dma_semaphore, #tpu.memory_space<semaphore_mem>>
      %dma_wait3A_904 = arith.constant 0 : i32
      %dma_wait3A_905 = tpu.memref_slice %arg6[%add3A_858, %dma_wait3A_904] : memref<320000x32xf32, #tpu.memory_space<hbm>> -> memref<128x32xf32, #tpu.memory_space<hbm>>
      %dma_wait3A_906 = arith.constant 0 : i32
      %dma_wait3A_907 = arith.constant 0 : i32
      %dma_wait3A_908 = tpu.memref_slice %arg11[%dma_wait3A_894, %dma_wait3A_906, %dma_wait3A_907] : memref<4x128x32xf32, #tpu.memory_space<vmem>> -> memref<1x128x32xf32, #tpu.memory_space<vmem>>
      %dma_wait3A_909 = tpu.memref_squeeze %dma_wait3A_908 : memref<1x128x32xf32, #tpu.memory_space<vmem>> -> memref<128x32xf32, #tpu.memory_space<vmem>>
      tpu.wait_dma2 semaphore(%dma_wait3A_903 : memref<!tpu.dma_semaphore, #tpu.memory_space<semaphore_mem>>) src(%dma_wait3A_909 : memref<128x32xf32, #tpu.memory_space<vmem>>) dst(%dma_wait3A_905 : memref<128x32xf32, #tpu.memory_space<hbm>>)
      %add3A_910 = arith.constant 4 : i32
      %add3A_911 = arith.addi %add3A_910, %add3A_855 : i32
      %mul3A_912 = arith.constant 128 : i32
      %mul3A_913 = arith.muli %add3A_911, %mul3A_912 : i32
      %add3A_914 = arith.addi %sub3A_27, %mul3A_913 : i32
      %dma_start3A_915 = arith.constant 1 : i32
      %dma_start3A_916 = arith.constant 1 : i32
      %dma_start3A_917 = arith.constant 0 : i32
      %dma_start3A_918 = arith.constant 0 : i32
      %dma_start3A_919 = tpu.memref_slice %arg11[%dma_start3A_915, %dma_start3A_917, %dma_start3A_918] : memref<4x128x32xf32, #tpu.memory_space<vmem>> -> memref<1x128x32xf32, #tpu.memory_space<vmem>>
      %dma_start3A_920 = tpu.memref_squeeze %dma_start3A_919 : memref<1x128x32xf32, #tpu.memory_space<vmem>> -> memref<128x32xf32, #tpu.memory_space<vmem>>
      %dma_start3A_921 = tpu.memref_slice %arg10[%add3A_914] : memref<10240xi32, #tpu.memory_space<vmem>> -> memref<128xi32, #tpu.memory_space<vmem>>
      %dma_start3A_922 = arith.constant 0 : i32
      %dma_start3A_923 = arith.constant 0 : i32
      %dma_start3A_924 = tpu.memref_slice %arg8[%while3A_114, %dma_start3A_922, %dma_start3A_923] : memref<2x10000x32xf32, #tpu.memory_space<vmem_shared>> -> memref<1x10000x32xf32, #tpu.memory_space<vmem_shared>>
      %dma_start3A_925 = tpu.memref_squeeze %dma_start3A_924 : memref<1x10000x32xf32, #tpu.memory_space<vmem_shared>> -> memref<10000x32xf32, #tpu.memory_space<vmem_shared>>
      %dma_start3A_926 = arith.constant 0 : i32
      %dma_start3A_927 = arith.constant 0 : i32
      %dma_start3A_928 = tpu.memref_slice %dma_start3A_925[%dma_start3A_926, %dma_start3A_927] : memref<10000x32xf32, #tpu.memory_space<vmem_shared>> -> memref<10000x32xf32, #tpu.memory_space<vmem_shared>>
      %dma_start3A_929 = tpu.memref_slice %arg12[%dma_start3A_916] : memref<4x!tpu.dma_semaphore, #tpu.memory_space<semaphore_mem>> -> memref<1x!tpu.dma_semaphore, #tpu.memory_space<semaphore_mem>>
      %dma_start3A_930 = tpu.memref_squeeze %dma_start3A_929 : memref<1x!tpu.dma_semaphore, #tpu.memory_space<semaphore_mem>> -> memref<!tpu.dma_semaphore, #tpu.memory_space<semaphore_mem>>
      tpu.enqueue_indirect_dma source(%dma_start3A_928 : memref<10000x32xf32, #tpu.memory_space<vmem_shared>>) target(%dma_start3A_920 : memref<128x32xf32, #tpu.memory_space<vmem>>) offsets(%dma_start3A_921 : memref<128xi32, #tpu.memory_space<vmem>>) semaphore(%dma_start3A_930 : memref<!tpu.dma_semaphore, #tpu.memory_space<semaphore_mem>>)
      %mul3A_931 = arith.constant 4 : i32
      %mul3A_932 = arith.muli %while3A_772, %mul3A_931 : i32
      %add3A_933 = arith.constant 2 : i32
      %add3A_934 = arith.addi %mul3A_932, %add3A_933 : i32
      %mul3A_935 = arith.constant 128 : i32
      %mul3A_936 = arith.muli %add3A_934, %mul3A_935 : i32
      %add3A_937 = arith.addi %mul3A_2, %mul3A_936 : i32
      %mul3A_938 = arith.constant 128 : i32
      %mul3A_939 = arith.muli %add3A_934, %mul3A_938 : i32
      %add3A_940 = arith.addi %sub3A_27, %mul3A_939 : i32
      %dma_wait3A_941 = arith.constant 2 : i32
      %dma_wait3A_942 = arith.constant 2 : i32
      %dma_wait3A_943 = arith.constant 0 : i32
      %dma_wait3A_944 = arith.constant 0 : i32
      %dma_wait3A_945 = tpu.memref_slice %arg11[%dma_wait3A_941, %dma_wait3A_943, %dma_wait3A_944] : memref<4x128x32xf32, #tpu.memory_space<vmem>> -> memref<1x128x32xf32, #tpu.memory_space<vmem>>
      %dma_wait3A_946 = tpu.memref_squeeze %dma_wait3A_945 : memref<1x128x32xf32, #tpu.memory_space<vmem>> -> memref<128x32xf32, #tpu.memory_space<vmem>>
      %dma_wait3A_947 = tpu.memref_slice %arg10[%add3A_940] : memref<10240xi32, #tpu.memory_space<vmem>> -> memref<128xi32, #tpu.memory_space<vmem>>
      %dma_wait3A_948 = arith.constant 0 : i32
      %dma_wait3A_949 = arith.constant 0 : i32
      %dma_wait3A_950 = tpu.memref_slice %arg8[%while3A_114, %dma_wait3A_948, %dma_wait3A_949] : memref<2x10000x32xf32, #tpu.memory_space<vmem_shared>> -> memref<1x10000x32xf32, #tpu.memory_space<vmem_shared>>
      %dma_wait3A_951 = tpu.memref_squeeze %dma_wait3A_950 : memref<1x10000x32xf32, #tpu.memory_space<vmem_shared>> -> memref<10000x32xf32, #tpu.memory_space<vmem_shared>>
      %dma_wait3A_952 = arith.constant 0 : i32
      %dma_wait3A_953 = arith.constant 0 : i32
      %dma_wait3A_954 = tpu.memref_slice %dma_wait3A_951[%dma_wait3A_952, %dma_wait3A_953] : memref<10000x32xf32, #tpu.memory_space<vmem_shared>> -> memref<10000x32xf32, #tpu.memory_space<vmem_shared>>
      %dma_wait3A_955 = tpu.memref_slice %arg12[%dma_wait3A_942] : memref<4x!tpu.dma_semaphore, #tpu.memory_space<semaphore_mem>> -> memref<1x!tpu.dma_semaphore, #tpu.memory_space<semaphore_mem>>
      %dma_wait3A_956 = tpu.memref_squeeze %dma_wait3A_955 : memref<1x!tpu.dma_semaphore, #tpu.memory_space<semaphore_mem>> -> memref<!tpu.dma_semaphore, #tpu.memory_space<semaphore_mem>>
      tpu.wait_indirect_dma semaphore(%dma_wait3A_956 : memref<!tpu.dma_semaphore, #tpu.memory_space<semaphore_mem>>) src(%dma_wait3A_954 : memref<10000x32xf32, #tpu.memory_space<vmem_shared>>) dst(%dma_wait3A_946 : memref<128x32xf32, #tpu.memory_space<vmem>>)
      %dma_start3A_957 = arith.constant 2 : i32
      %dma_start3A_958 = arith.constant 2 : i32
      %dma_start3A_959 = arith.constant 0 : i32
      %dma_start3A_960 = arith.constant 0 : i32
      %dma_start3A_961 = tpu.memref_slice %arg11[%dma_start3A_957, %dma_start3A_959, %dma_start3A_960] : memref<4x128x32xf32, #tpu.memory_space<vmem>> -> memref<1x128x32xf32, #tpu.memory_space<vmem>>
      %dma_start3A_962 = tpu.memref_squeeze %dma_start3A_961 : memref<1x128x32xf32, #tpu.memory_space<vmem>> -> memref<128x32xf32, #tpu.memory_space<vmem>>
      %dma_start3A_963 = arith.constant 0 : i32
      %dma_start3A_964 = tpu.memref_slice %arg6[%add3A_937, %dma_start3A_963] : memref<320000x32xf32, #tpu.memory_space<hbm>> -> memref<128x32xf32, #tpu.memory_space<hbm>>
      %dma_start3A_965 = tpu.memref_slice %arg13[%dma_start3A_958] : memref<4x!tpu.dma_semaphore, #tpu.memory_space<semaphore_mem>> -> memref<1x!tpu.dma_semaphore, #tpu.memory_space<semaphore_mem>>
      %dma_start3A_966 = tpu.memref_squeeze %dma_start3A_965 : memref<1x!tpu.dma_semaphore, #tpu.memory_space<semaphore_mem>> -> memref<!tpu.dma_semaphore, #tpu.memory_space<semaphore_mem>>
      %dma_start3A_967 = arith.constant 0 : i32
      %dma_start3A_968 = tpu.memref_slice %arg6[%add3A_937, %dma_start3A_967] : memref<320000x32xf32, #tpu.memory_space<hbm>> -> memref<128x32xf32, #tpu.memory_space<hbm>>
      %dma_start3A_969 = arith.constant 0 : i32
      %dma_start3A_970 = arith.constant 0 : i32
      %dma_start3A_971 = tpu.memref_slice %arg11[%dma_start3A_957, %dma_start3A_969, %dma_start3A_970] : memref<4x128x32xf32, #tpu.memory_space<vmem>> -> memref<1x128x32xf32, #tpu.memory_space<vmem>>
      %dma_start3A_972 = tpu.memref_squeeze %dma_start3A_971 : memref<1x128x32xf32, #tpu.memory_space<vmem>> -> memref<128x32xf32, #tpu.memory_space<vmem>>
      tpu.enqueue_dma source(%dma_start3A_972 : memref<128x32xf32, #tpu.memory_space<vmem>>) target(%dma_start3A_968 : memref<128x32xf32, #tpu.memory_space<hbm>>) target_semaphore(%dma_start3A_966 : memref<!tpu.dma_semaphore, #tpu.memory_space<semaphore_mem>>)
      %dma_wait3A_973 = arith.constant 2 : i32
      %dma_wait3A_974 = arith.constant 2 : i32
      %dma_wait3A_975 = arith.constant 0 : i32
      %dma_wait3A_976 = arith.constant 0 : i32
      %dma_wait3A_977 = tpu.memref_slice %arg11[%dma_wait3A_973, %dma_wait3A_975, %dma_wait3A_976] : memref<4x128x32xf32, #tpu.memory_space<vmem>> -> memref<1x128x32xf32, #tpu.memory_space<vmem>>
      %dma_wait3A_978 = tpu.memref_squeeze %dma_wait3A_977 : memref<1x128x32xf32, #tpu.memory_space<vmem>> -> memref<128x32xf32, #tpu.memory_space<vmem>>
      %dma_wait3A_979 = arith.constant 0 : i32
      %dma_wait3A_980 = tpu.memref_slice %arg6[%add3A_937, %dma_wait3A_979] : memref<320000x32xf32, #tpu.memory_space<hbm>> -> memref<128x32xf32, #tpu.memory_space<hbm>>
      %dma_wait3A_981 = tpu.memref_slice %arg13[%dma_wait3A_974] : memref<4x!tpu.dma_semaphore, #tpu.memory_space<semaphore_mem>> -> memref<1x!tpu.dma_semaphore, #tpu.memory_space<semaphore_mem>>
      %dma_wait3A_982 = tpu.memref_squeeze %dma_wait3A_981 : memref<1x!tpu.dma_semaphore, #tpu.memory_space<semaphore_mem>> -> memref<!tpu.dma_semaphore, #tpu.memory_space<semaphore_mem>>
      %dma_wait3A_983 = arith.constant 0 : i32
      %dma_wait3A_984 = tpu.memref_slice %arg6[%add3A_937, %dma_wait3A_983] : memref<320000x32xf32, #tpu.memory_space<hbm>> -> memref<128x32xf32, #tpu.memory_space<hbm>>
      %dma_wait3A_985 = arith.constant 0 : i32
      %dma_wait3A_986 = arith.constant 0 : i32
      %dma_wait3A_987 = tpu.memref_slice %arg11[%dma_wait3A_973, %dma_wait3A_985, %dma_wait3A_986] : memref<4x128x32xf32, #tpu.memory_space<vmem>> -> memref<1x128x32xf32, #tpu.memory_space<vmem>>
      %dma_wait3A_988 = tpu.memref_squeeze %dma_wait3A_987 : memref<1x128x32xf32, #tpu.memory_space<vmem>> -> memref<128x32xf32, #tpu.memory_space<vmem>>
      tpu.wait_dma2 semaphore(%dma_wait3A_982 : memref<!tpu.dma_semaphore, #tpu.memory_space<semaphore_mem>>) src(%dma_wait3A_988 : memref<128x32xf32, #tpu.memory_space<vmem>>) dst(%dma_wait3A_984 : memref<128x32xf32, #tpu.memory_space<hbm>>)
      %add3A_989 = arith.constant 4 : i32
      %add3A_990 = arith.addi %add3A_989, %add3A_934 : i32
      %mul3A_991 = arith.constant 128 : i32
      %mul3A_992 = arith.muli %add3A_990, %mul3A_991 : i32
      %add3A_993 = arith.addi %sub3A_27, %mul3A_992 : i32
      %dma_start3A_994 = arith.constant 2 : i32
      %dma_start3A_995 = arith.constant 2 : i32
      %dma_start3A_996 = arith.constant 0 : i32
      %dma_start3A_997 = arith.constant 0 : i32
      %dma_start3A_998 = tpu.memref_slice %arg11[%dma_start3A_994, %dma_start3A_996, %dma_start3A_997] : memref<4x128x32xf32, #tpu.memory_space<vmem>> -> memref<1x128x32xf32, #tpu.memory_space<vmem>>
      %dma_start3A_999 = tpu.memref_squeeze %dma_start3A_998 : memref<1x128x32xf32, #tpu.memory_space<vmem>> -> memref<128x32xf32, #tpu.memory_space<vmem>>
      %dma_start3A_1000 = tpu.memref_slice %arg10[%add3A_993] : memref<10240xi32, #tpu.memory_space<vmem>> -> memref<128xi32, #tpu.memory_space<vmem>>
      %dma_start3A_1001 = arith.constant 0 : i32
      %dma_start3A_1002 = arith.constant 0 : i32
      %dma_start3A_1003 = tpu.memref_slice %arg8[%while3A_114, %dma_start3A_1001, %dma_start3A_1002] : memref<2x10000x32xf32, #tpu.memory_space<vmem_shared>> -> memref<1x10000x32xf32, #tpu.memory_space<vmem_shared>>
      %dma_start3A_1004 = tpu.memref_squeeze %dma_start3A_1003 : memref<1x10000x32xf32, #tpu.memory_space<vmem_shared>> -> memref<10000x32xf32, #tpu.memory_space<vmem_shared>>
      %dma_start3A_1005 = arith.constant 0 : i32
      %dma_start3A_1006 = arith.constant 0 : i32
      %dma_start3A_1007 = tpu.memref_slice %dma_start3A_1004[%dma_start3A_1005, %dma_start3A_1006] : memref<10000x32xf32, #tpu.memory_space<vmem_shared>> -> memref<10000x32xf32, #tpu.memory_space<vmem_shared>>
      %dma_start3A_1008 = tpu.memref_slice %arg12[%dma_start3A_995] : memref<4x!tpu.dma_semaphore, #tpu.memory_space<semaphore_mem>> -> memref<1x!tpu.dma_semaphore, #tpu.memory_space<semaphore_mem>>
      %dma_start3A_1009 = tpu.memref_squeeze %dma_start3A_1008 : memref<1x!tpu.dma_semaphore, #tpu.memory_space<semaphore_mem>> -> memref<!tpu.dma_semaphore, #tpu.memory_space<semaphore_mem>>
      tpu.enqueue_indirect_dma source(%dma_start3A_1007 : memref<10000x32xf32, #tpu.memory_space<vmem_shared>>) target(%dma_start3A_999 : memref<128x32xf32, #tpu.memory_space<vmem>>) offsets(%dma_start3A_1000 : memref<128xi32, #tpu.memory_space<vmem>>) semaphore(%dma_start3A_1009 : memref<!tpu.dma_semaphore, #tpu.memory_space<semaphore_mem>>)
      %mul3A_1010 = arith.constant 4 : i32
      %mul3A_1011 = arith.muli %while3A_772, %mul3A_1010 : i32
      %add3A_1012 = arith.constant 3 : i32
      %add3A_1013 = arith.addi %mul3A_1011, %add3A_1012 : i32
      %mul3A_1014 = arith.constant 128 : i32
      %mul3A_1015 = arith.muli %add3A_1013, %mul3A_1014 : i32
      %add3A_1016 = arith.addi %mul3A_2, %mul3A_1015 : i32
      %mul3A_1017 = arith.constant 128 : i32
      %mul3A_1018 = arith.muli %add3A_1013, %mul3A_1017 : i32
      %add3A_1019 = arith.addi %sub3A_27, %mul3A_1018 : i32
      %dma_wait3A_1020 = arith.constant 3 : i32
      %dma_wait3A_1021 = arith.constant 3 : i32
      %dma_wait3A_1022 = arith.constant 0 : i32
      %dma_wait3A_1023 = arith.constant 0 : i32
      %dma_wait3A_1024 = tpu.memref_slice %arg11[%dma_wait3A_1020, %dma_wait3A_1022, %dma_wait3A_1023] : memref<4x128x32xf32, #tpu.memory_space<vmem>> -> memref<1x128x32xf32, #tpu.memory_space<vmem>>
      %dma_wait3A_1025 = tpu.memref_squeeze %dma_wait3A_1024 : memref<1x128x32xf32, #tpu.memory_space<vmem>> -> memref<128x32xf32, #tpu.memory_space<vmem>>
      %dma_wait3A_1026 = tpu.memref_slice %arg10[%add3A_1019] : memref<10240xi32, #tpu.memory_space<vmem>> -> memref<128xi32, #tpu.memory_space<vmem>>
      %dma_wait3A_1027 = arith.constant 0 : i32
      %dma_wait3A_1028 = arith.constant 0 : i32
      %dma_wait3A_1029 = tpu.memref_slice %arg8[%while3A_114, %dma_wait3A_1027, %dma_wait3A_1028] : memref<2x10000x32xf32, #tpu.memory_space<vmem_shared>> -> memref<1x10000x32xf32, #tpu.memory_space<vmem_shared>>
      %dma_wait3A_1030 = tpu.memref_squeeze %dma_wait3A_1029 : memref<1x10000x32xf32, #tpu.memory_space<vmem_shared>> -> memref<10000x32xf32, #tpu.memory_space<vmem_shared>>
      %dma_wait3A_1031 = arith.constant 0 : i32
      %dma_wait3A_1032 = arith.constant 0 : i32
      %dma_wait3A_1033 = tpu.memref_slice %dma_wait3A_1030[%dma_wait3A_1031, %dma_wait3A_1032] : memref<10000x32xf32, #tpu.memory_space<vmem_shared>> -> memref<10000x32xf32, #tpu.memory_space<vmem_shared>>
      %dma_wait3A_1034 = tpu.memref_slice %arg12[%dma_wait3A_1021] : memref<4x!tpu.dma_semaphore, #tpu.memory_space<semaphore_mem>> -> memref<1x!tpu.dma_semaphore, #tpu.memory_space<semaphore_mem>>
      %dma_wait3A_1035 = tpu.memref_squeeze %dma_wait3A_1034 : memref<1x!tpu.dma_semaphore, #tpu.memory_space<semaphore_mem>> -> memref<!tpu.dma_semaphore, #tpu.memory_space<semaphore_mem>>
      tpu.wait_indirect_dma semaphore(%dma_wait3A_1035 : memref<!tpu.dma_semaphore, #tpu.memory_space<semaphore_mem>>) src(%dma_wait3A_1033 : memref<10000x32xf32, #tpu.memory_space<vmem_shared>>) dst(%dma_wait3A_1025 : memref<128x32xf32, #tpu.memory_space<vmem>>)
      %dma_start3A_1036 = arith.constant 3 : i32
      %dma_start3A_1037 = arith.constant 3 : i32
      %dma_start3A_1038 = arith.constant 0 : i32
      %dma_start3A_1039 = arith.constant 0 : i32
      %dma_start3A_1040 = tpu.memref_slice %arg11[%dma_start3A_1036, %dma_start3A_1038, %dma_start3A_1039] : memref<4x128x32xf32, #tpu.memory_space<vmem>> -> memref<1x128x32xf32, #tpu.memory_space<vmem>>
      %dma_start3A_1041 = tpu.memref_squeeze %dma_start3A_1040 : memref<1x128x32xf32, #tpu.memory_space<vmem>> -> memref<128x32xf32, #tpu.memory_space<vmem>>
      %dma_start3A_1042 = arith.constant 0 : i32
      %dma_start3A_1043 = tpu.memref_slice %arg6[%add3A_1016, %dma_start3A_1042] : memref<320000x32xf32, #tpu.memory_space<hbm>> -> memref<128x32xf32, #tpu.memory_space<hbm>>
      %dma_start3A_1044 = tpu.memref_slice %arg13[%dma_start3A_1037] : memref<4x!tpu.dma_semaphore, #tpu.memory_space<semaphore_mem>> -> memref<1x!tpu.dma_semaphore, #tpu.memory_space<semaphore_mem>>
      %dma_start3A_1045 = tpu.memref_squeeze %dma_start3A_1044 : memref<1x!tpu.dma_semaphore, #tpu.memory_space<semaphore_mem>> -> memref<!tpu.dma_semaphore, #tpu.memory_space<semaphore_mem>>
      %dma_start3A_1046 = arith.constant 0 : i32
      %dma_start3A_1047 = tpu.memref_slice %arg6[%add3A_1016, %dma_start3A_1046] : memref<320000x32xf32, #tpu.memory_space<hbm>> -> memref<128x32xf32, #tpu.memory_space<hbm>>
      %dma_start3A_1048 = arith.constant 0 : i32
      %dma_start3A_1049 = arith.constant 0 : i32
      %dma_start3A_1050 = tpu.memref_slice %arg11[%dma_start3A_1036, %dma_start3A_1048, %dma_start3A_1049] : memref<4x128x32xf32, #tpu.memory_space<vmem>> -> memref<1x128x32xf32, #tpu.memory_space<vmem>>
      %dma_start3A_1051 = tpu.memref_squeeze %dma_start3A_1050 : memref<1x128x32xf32, #tpu.memory_space<vmem>> -> memref<128x32xf32, #tpu.memory_space<vmem>>
      tpu.enqueue_dma source(%dma_start3A_1051 : memref<128x32xf32, #tpu.memory_space<vmem>>) target(%dma_start3A_1047 : memref<128x32xf32, #tpu.memory_space<hbm>>) target_semaphore(%dma_start3A_1045 : memref<!tpu.dma_semaphore, #tpu.memory_space<semaphore_mem>>)
      %dma_wait3A_1052 = arith.constant 3 : i32
      %dma_wait3A_1053 = arith.constant 3 : i32
      %dma_wait3A_1054 = arith.constant 0 : i32
      %dma_wait3A_1055 = arith.constant 0 : i32
      %dma_wait3A_1056 = tpu.memref_slice %arg11[%dma_wait3A_1052, %dma_wait3A_1054, %dma_wait3A_1055] : memref<4x128x32xf32, #tpu.memory_space<vmem>> -> memref<1x128x32xf32, #tpu.memory_space<vmem>>
      %dma_wait3A_1057 = tpu.memref_squeeze %dma_wait3A_1056 : memref<1x128x32xf32, #tpu.memory_space<vmem>> -> memref<128x32xf32, #tpu.memory_space<vmem>>
      %dma_wait3A_1058 = arith.constant 0 : i32
      %dma_wait3A_1059 = tpu.memref_slice %arg6[%add3A_1016, %dma_wait3A_1058] : memref<320000x32xf32, #tpu.memory_space<hbm>> -> memref<128x32xf32, #tpu.memory_space<hbm>>
      %dma_wait3A_1060 = tpu.memref_slice %arg13[%dma_wait3A_1053] : memref<4x!tpu.dma_semaphore, #tpu.memory_space<semaphore_mem>> -> memref<1x!tpu.dma_semaphore, #tpu.memory_space<semaphore_mem>>
      %dma_wait3A_1061 = tpu.memref_squeeze %dma_wait3A_1060 : memref<1x!tpu.dma_semaphore, #tpu.memory_space<semaphore_mem>> -> memref<!tpu.dma_semaphore, #tpu.memory_space<semaphore_mem>>
      %dma_wait3A_1062 = arith.constant 0 : i32
      %dma_wait3A_1063 = tpu.memref_slice %arg6[%add3A_1016, %dma_wait3A_1062] : memref<320000x32xf32, #tpu.memory_space<hbm>> -> memref<128x32xf32, #tpu.memory_space<hbm>>
      %dma_wait3A_1064 = arith.constant 0 : i32
      %dma_wait3A_1065 = arith.constant 0 : i32
      %dma_wait3A_1066 = tpu.memref_slice %arg11[%dma_wait3A_1052, %dma_wait3A_1064, %dma_wait3A_1065] : memref<4x128x32xf32, #tpu.memory_space<vmem>> -> memref<1x128x32xf32, #tpu.memory_space<vmem>>
      %dma_wait3A_1067 = tpu.memref_squeeze %dma_wait3A_1066 : memref<1x128x32xf32, #tpu.memory_space<vmem>> -> memref<128x32xf32, #tpu.memory_space<vmem>>
      tpu.wait_dma2 semaphore(%dma_wait3A_1061 : memref<!tpu.dma_semaphore, #tpu.memory_space<semaphore_mem>>) src(%dma_wait3A_1067 : memref<128x32xf32, #tpu.memory_space<vmem>>) dst(%dma_wait3A_1063 : memref<128x32xf32, #tpu.memory_space<hbm>>)
      %add3A_1068 = arith.constant 4 : i32
      %add3A_1069 = arith.addi %add3A_1068, %add3A_1013 : i32
      %mul3A_1070 = arith.constant 128 : i32
      %mul3A_1071 = arith.muli %add3A_1069, %mul3A_1070 : i32
      %add3A_1072 = arith.addi %sub3A_27, %mul3A_1071 : i32
      %dma_start3A_1073 = arith.constant 3 : i32
      %dma_start3A_1074 = arith.constant 3 : i32
      %dma_start3A_1075 = arith.constant 0 : i32
      %dma_start3A_1076 = arith.constant 0 : i32
      %dma_start3A_1077 = tpu.memref_slice %arg11[%dma_start3A_1073, %dma_start3A_1075, %dma_start3A_1076] : memref<4x128x32xf32, #tpu.memory_space<vmem>> -> memref<1x128x32xf32, #tpu.memory_space<vmem>>
      %dma_start3A_1078 = tpu.memref_squeeze %dma_start3A_1077 : memref<1x128x32xf32, #tpu.memory_space<vmem>> -> memref<128x32xf32, #tpu.memory_space<vmem>>
      %dma_start3A_1079 = tpu.memref_slice %arg10[%add3A_1072] : memref<10240xi32, #tpu.memory_space<vmem>> -> memref<128xi32, #tpu.memory_space<vmem>>
      %dma_start3A_1080 = arith.constant 0 : i32
      %dma_start3A_1081 = arith.constant 0 : i32
      %dma_start3A_1082 = tpu.memref_slice %arg8[%while3A_114, %dma_start3A_1080, %dma_start3A_1081] : memref<2x10000x32xf32, #tpu.memory_space<vmem_shared>> -> memref<1x10000x32xf32, #tpu.memory_space<vmem_shared>>
      %dma_start3A_1083 = tpu.memref_squeeze %dma_start3A_1082 : memref<1x10000x32xf32, #tpu.memory_space<vmem_shared>> -> memref<10000x32xf32, #tpu.memory_space<vmem_shared>>
      %dma_start3A_1084 = arith.constant 0 : i32
      %dma_start3A_1085 = arith.constant 0 : i32
      %dma_start3A_1086 = tpu.memref_slice %dma_start3A_1083[%dma_start3A_1084, %dma_start3A_1085] : memref<10000x32xf32, #tpu.memory_space<vmem_shared>> -> memref<10000x32xf32, #tpu.memory_space<vmem_shared>>
      %dma_start3A_1087 = tpu.memref_slice %arg12[%dma_start3A_1074] : memref<4x!tpu.dma_semaphore, #tpu.memory_space<semaphore_mem>> -> memref<1x!tpu.dma_semaphore, #tpu.memory_space<semaphore_mem>>
      %dma_start3A_1088 = tpu.memref_squeeze %dma_start3A_1087 : memref<1x!tpu.dma_semaphore, #tpu.memory_space<semaphore_mem>> -> memref<!tpu.dma_semaphore, #tpu.memory_space<semaphore_mem>>
      tpu.enqueue_indirect_dma source(%dma_start3A_1086 : memref<10000x32xf32, #tpu.memory_space<vmem_shared>>) target(%dma_start3A_1078 : memref<128x32xf32, #tpu.memory_space<vmem>>) offsets(%dma_start3A_1079 : memref<128xi32, #tpu.memory_space<vmem>>) semaphore(%dma_start3A_1088 : memref<!tpu.dma_semaphore, #tpu.memory_space<semaphore_mem>>)
    }
    %while3A_123 = arith.constant 1 : i32
    scf.for %while3A_772 = %while3A_121 to %while3A_117 step %while3A_123  : i32 {
      %mul3A_773 = arith.constant 4 : i32
      %mul3A_774 = arith.muli %while3A_772, %mul3A_773 : i32
      %add3A_775 = arith.constant 0 : i32
      %add3A_776 = arith.addi %mul3A_774, %add3A_775 : i32
      %mul3A_777 = arith.constant 128 : i32
      %mul3A_778 = arith.muli %add3A_776, %mul3A_777 : i32
      %add3A_779 = arith.addi %mul3A_2, %mul3A_778 : i32
      %mul3A_780 = arith.constant 128 : i32
      %mul3A_781 = arith.muli %add3A_776, %mul3A_780 : i32
      %add3A_782 = arith.addi %sub3A_27, %mul3A_781 : i32
      %dma_wait3A_783 = arith.constant 0 : i32
      %dma_wait3A_784 = arith.constant 0 : i32
      %dma_wait3A_785 = arith.constant 0 : i32
      %dma_wait3A_786 = arith.constant 0 : i32
      %dma_wait3A_787 = tpu.memref_slice %arg11[%dma_wait3A_783, %dma_wait3A_785, %dma_wait3A_786] : memref<4x128x32xf32, #tpu.memory_space<vmem>> -> memref<1x128x32xf32, #tpu.memory_space<vmem>>
      %dma_wait3A_788 = tpu.memref_squeeze %dma_wait3A_787 : memref<1x128x32xf32, #tpu.memory_space<vmem>> -> memref<128x32xf32, #tpu.memory_space<vmem>>
      %dma_wait3A_789 = tpu.memref_slice %arg10[%add3A_782] : memref<10240xi32, #tpu.memory_space<vmem>> -> memref<128xi32, #tpu.memory_space<vmem>>
      %dma_wait3A_790 = arith.constant 0 : i32
      %dma_wait3A_791 = arith.constant 0 : i32
      %dma_wait3A_792 = tpu.memref_slice %arg8[%while3A_114, %dma_wait3A_790, %dma_wait3A_791] : memref<2x10000x32xf32, #tpu.memory_space<vmem_shared>> -> memref<1x10000x32xf32, #tpu.memory_space<vmem_shared>>
      %dma_wait3A_793 = tpu.memref_squeeze %dma_wait3A_792 : memref<1x10000x32xf32, #tpu.memory_space<vmem_shared>> -> memref<10000x32xf32, #tpu.memory_space<vmem_shared>>
      %dma_wait3A_794 = arith.constant 0 : i32
      %dma_wait3A_795 = arith.constant 0 : i32
      %dma_wait3A_796 = tpu.memref_slice %dma_wait3A_793[%dma_wait3A_794, %dma_wait3A_795] : memref<10000x32xf32, #tpu.memory_space<vmem_shared>> -> memref<10000x32xf32, #tpu.memory_space<vmem_shared>>
      %dma_wait3A_797 = tpu.memref_slice %arg12[%dma_wait3A_784] : memref<4x!tpu.dma_semaphore, #tpu.memory_space<semaphore_mem>> -> memref<1x!tpu.dma_semaphore, #tpu.memory_space<semaphore_mem>>
      %dma_wait3A_798 = tpu.memref_squeeze %dma_wait3A_797 : memref<1x!tpu.dma_semaphore, #tpu.memory_space<semaphore_mem>> -> memref<!tpu.dma_semaphore, #tpu.memory_space<semaphore_mem>>
      tpu.wait_indirect_dma semaphore(%dma_wait3A_798 : memref<!tpu.dma_semaphore, #tpu.memory_space<semaphore_mem>>) src(%dma_wait3A_796 : memref<10000x32xf32, #tpu.memory_space<vmem_shared>>) dst(%dma_wait3A_788 : memref<128x32xf32, #tpu.memory_space<vmem>>)
      %dma_start3A_799 = arith.constant 0 : i32
      %dma_start3A_800 = arith.constant 0 : i32
      %dma_start3A_801 = arith.constant 0 : i32
      %dma_start3A_802 = arith.constant 0 : i32
      %dma_start3A_803 = tpu.memref_slice %arg11[%dma_start3A_799, %dma_start3A_801, %dma_start3A_802] : memref<4x128x32xf32, #tpu.memory_space<vmem>> -> memref<1x128x32xf32, #tpu.memory_space<vmem>>
      %dma_start3A_804 = tpu.memref_squeeze %dma_start3A_803 : memref<1x128x32xf32, #tpu.memory_space<vmem>> -> memref<128x32xf32, #tpu.memory_space<vmem>>
      %dma_start3A_805 = arith.constant 0 : i32
      %dma_start3A_806 = tpu.memref_slice %arg6[%add3A_779, %dma_start3A_805] : memref<320000x32xf32, #tpu.memory_space<hbm>> -> memref<128x32xf32, #tpu.memory_space<hbm>>
      %dma_start3A_807 = tpu.memref_slice %arg13[%dma_start3A_800] : memref<4x!tpu.dma_semaphore, #tpu.memory_space<semaphore_mem>> -> memref<1x!tpu.dma_semaphore, #tpu.memory_space<semaphore_mem>>
      %dma_start3A_808 = tpu.memref_squeeze %dma_start3A_807 : memref<1x!tpu.dma_semaphore, #tpu.memory_space<semaphore_mem>> -> memref<!tpu.dma_semaphore, #tpu.memory_space<semaphore_mem>>
      %dma_start3A_809 = arith.constant 0 : i32
      %dma_start3A_810 = tpu.memref_slice %arg6[%add3A_779, %dma_start3A_809] : memref<320000x32xf32, #tpu.memory_space<hbm>> -> memref<128x32xf32, #tpu.memory_space<hbm>>
      %dma_start3A_811 = arith.constant 0 : i32
      %dma_start3A_812 = arith.constant 0 : i32
      %dma_start3A_813 = tpu.memref_slice %arg11[%dma_start3A_799, %dma_start3A_811, %dma_start3A_812] : memref<4x128x32xf32, #tpu.memory_space<vmem>> -> memref<1x128x32xf32, #tpu.memory_space<vmem>>
      %dma_start3A_814 = tpu.memref_squeeze %dma_start3A_813 : memref<1x128x32xf32, #tpu.memory_space<vmem>> -> memref<128x32xf32, #tpu.memory_space<vmem>>
      tpu.enqueue_dma source(%dma_start3A_814 : memref<128x32xf32, #tpu.memory_space<vmem>>) target(%dma_start3A_810 : memref<128x32xf32, #tpu.memory_space<hbm>>) target_semaphore(%dma_start3A_808 : memref<!tpu.dma_semaphore, #tpu.memory_space<semaphore_mem>>)
      %dma_wait3A_815 = arith.constant 0 : i32
      %dma_wait3A_816 = arith.constant 0 : i32
      %dma_wait3A_817 = arith.constant 0 : i32
      %dma_wait3A_818 = arith.constant 0 : i32
      %dma_wait3A_819 = tpu.memref_slice %arg11[%dma_wait3A_815, %dma_wait3A_817, %dma_wait3A_818] : memref<4x128x32xf32, #tpu.memory_space<vmem>> -> memref<1x128x32xf32, #tpu.memory_space<vmem>>
      %dma_wait3A_820 = tpu.memref_squeeze %dma_wait3A_819 : memref<1x128x32xf32, #tpu.memory_space<vmem>> -> memref<128x32xf32, #tpu.memory_space<vmem>>
      %dma_wait3A_821 = arith.constant 0 : i32
      %dma_wait3A_822 = tpu.memref_slice %arg6[%add3A_779, %dma_wait3A_821] : memref<320000x32xf32, #tpu.memory_space<hbm>> -> memref<128x32xf32, #tpu.memory_space<hbm>>
      %dma_wait3A_823 = tpu.memref_slice %arg13[%dma_wait3A_816] : memref<4x!tpu.dma_semaphore, #tpu.memory_space<semaphore_mem>> -> memref<1x!tpu.dma_semaphore, #tpu.memory_space<semaphore_mem>>
      %dma_wait3A_824 = tpu.memref_squeeze %dma_wait3A_823 : memref<1x!tpu.dma_semaphore, #tpu.memory_space<semaphore_mem>> -> memref<!tpu.dma_semaphore, #tpu.memory_space<semaphore_mem>>
      %dma_wait3A_825 = arith.constant 0 : i32
      %dma_wait3A_826 = tpu.memref_slice %arg6[%add3A_779, %dma_wait3A_825] : memref<320000x32xf32, #tpu.memory_space<hbm>> -> memref<128x32xf32, #tpu.memory_space<hbm>>
      %dma_wait3A_827 = arith.constant 0 : i32
      %dma_wait3A_828 = arith.constant 0 : i32
      %dma_wait3A_829 = tpu.memref_slice %arg11[%dma_wait3A_815, %dma_wait3A_827, %dma_wait3A_828] : memref<4x128x32xf32, #tpu.memory_space<vmem>> -> memref<1x128x32xf32, #tpu.memory_space<vmem>>
      %dma_wait3A_830 = tpu.memref_squeeze %dma_wait3A_829 : memref<1x128x32xf32, #tpu.memory_space<vmem>> -> memref<128x32xf32, #tpu.memory_space<vmem>>
      tpu.wait_dma2 semaphore(%dma_wait3A_824 : memref<!tpu.dma_semaphore, #tpu.memory_space<semaphore_mem>>) src(%dma_wait3A_830 : memref<128x32xf32, #tpu.memory_space<vmem>>) dst(%dma_wait3A_826 : memref<128x32xf32, #tpu.memory_space<hbm>>)
      %add3A_831 = arith.constant 4 : i32
      %add3A_832 = arith.addi %add3A_831, %add3A_776 : i32
      %mul3A_833 = arith.constant 128 : i32
      %mul3A_834 = arith.muli %add3A_832, %mul3A_833 : i32
      %add3A_835 = arith.addi %sub3A_27, %mul3A_834 : i32
      %dma_start3A_836 = arith.constant 0 : i32
      %dma_start3A_837 = arith.constant 0 : i32
      %dma_start3A_838 = arith.constant 0 : i32
      %dma_start3A_839 = arith.constant 0 : i32
      %dma_start3A_840 = tpu.memref_slice %arg11[%dma_start3A_836, %dma_start3A_838, %dma_start3A_839] : memref<4x128x32xf32, #tpu.memory_space<vmem>> -> memref<1x128x32xf32, #tpu.memory_space<vmem>>
      %dma_start3A_841 = tpu.memref_squeeze %dma_start3A_840 : memref<1x128x32xf32, #tpu.memory_space<vmem>> -> memref<128x32xf32, #tpu.memory_space<vmem>>
      %dma_start3A_842 = tpu.memref_slice %arg10[%add3A_835] : memref<10240xi32, #tpu.memory_space<vmem>> -> memref<128xi32, #tpu.memory_space<vmem>>
      %dma_start3A_843 = arith.constant 0 : i32
      %dma_start3A_844 = arith.constant 0 : i32
      %dma_start3A_845 = tpu.memref_slice %arg8[%while3A_114, %dma_start3A_843, %dma_start3A_844] : memref<2x10000x32xf32, #tpu.memory_space<vmem_shared>> -> memref<1x10000x32xf32, #tpu.memory_space<vmem_shared>>
      %dma_start3A_846 = tpu.memref_squeeze %dma_start3A_845 : memref<1x10000x32xf32, #tpu.memory_space<vmem_shared>> -> memref<10000x32xf32, #tpu.memory_space<vmem_shared>>
      %dma_start3A_847 = arith.constant 0 : i32
      %dma_start3A_848 = arith.constant 0 : i32
      %dma_start3A_849 = tpu.memref_slice %dma_start3A_846[%dma_start3A_847, %dma_start3A_848] : memref<10000x32xf32, #tpu.memory_space<vmem_shared>> -> memref<10000x32xf32, #tpu.memory_space<vmem_shared>>
      %dma_start3A_850 = tpu.memref_slice %arg12[%dma_start3A_837] : memref<4x!tpu.dma_semaphore, #tpu.memory_space<semaphore_mem>> -> memref<1x!tpu.dma_semaphore, #tpu.memory_space<semaphore_mem>>
      %dma_start3A_851 = tpu.memref_squeeze %dma_start3A_850 : memref<1x!tpu.dma_semaphore, #tpu.memory_space<semaphore_mem>> -> memref<!tpu.dma_semaphore, #tpu.memory_space<semaphore_mem>>
      tpu.enqueue_indirect_dma source(%dma_start3A_849 : memref<10000x32xf32, #tpu.memory_space<vmem_shared>>) target(%dma_start3A_841 : memref<128x32xf32, #tpu.memory_space<vmem>>) offsets(%dma_start3A_842 : memref<128xi32, #tpu.memory_space<vmem>>) semaphore(%dma_start3A_851 : memref<!tpu.dma_semaphore, #tpu.memory_space<semaphore_mem>>)
      %mul3A_852 = arith.constant 4 : i32
      %mul3A_853 = arith.muli %while3A_772, %mul3A_852 : i32
      %add3A_854 = arith.constant 1 : i32
      %add3A_855 = arith.addi %mul3A_853, %add3A_854 : i32
      %mul3A_856 = arith.constant 128 : i32
      %mul3A_857 = arith.muli %add3A_855, %mul3A_856 : i32
      %add3A_858 = arith.addi %mul3A_2, %mul3A_857 : i32
      %mul3A_859 = arith.constant 128 : i32
      %mul3A_860 = arith.muli %add3A_855, %mul3A_859 : i32
      %add3A_861 = arith.addi %sub3A_27, %mul3A_860 : i32
      %dma_wait3A_862 = arith.constant 1 : i32
      %dma_wait3A_863 = arith.constant 1 : i32
      %dma_wait3A_864 = arith.constant 0 : i32
      %dma_wait3A_865 = arith.constant 0 : i32
      %dma_wait3A_866 = tpu.memref_slice %arg11[%dma_wait3A_862, %dma_wait3A_864, %dma_wait3A_865] : memref<4x128x32xf32, #tpu.memory_space<vmem>> -> memref<1x128x32xf32, #tpu.memory_space<vmem>>
      %dma_wait3A_867 = tpu.memref_squeeze %dma_wait3A_866 : memref<1x128x32xf32, #tpu.memory_space<vmem>> -> memref<128x32xf32, #tpu.memory_space<vmem>>
      %dma_wait3A_868 = tpu.memref_slice %arg10[%add3A_861] : memref<10240xi32, #tpu.memory_space<vmem>> -> memref<128xi32, #tpu.memory_space<vmem>>
      %dma_wait3A_869 = arith.constant 0 : i32
      %dma_wait3A_870 = arith.constant 0 : i32
      %dma_wait3A_871 = tpu.memref_slice %arg8[%while3A_114, %dma_wait3A_869, %dma_wait3A_870] : memref<2x10000x32xf32, #tpu.memory_space<vmem_shared>> -> memref<1x10000x32xf32, #tpu.memory_space<vmem_shared>>
      %dma_wait3A_872 = tpu.memref_squeeze %dma_wait3A_871 : memref<1x10000x32xf32, #tpu.memory_space<vmem_shared>> -> memref<10000x32xf32, #tpu.memory_space<vmem_shared>>
      %dma_wait3A_873 = arith.constant 0 : i32
      %dma_wait3A_874 = arith.constant 0 : i32
      %dma_wait3A_875 = tpu.memref_slice %dma_wait3A_872[%dma_wait3A_873, %dma_wait3A_874] : memref<10000x32xf32, #tpu.memory_space<vmem_shared>> -> memref<10000x32xf32, #tpu.memory_space<vmem_shared>>
      %dma_wait3A_876 = tpu.memref_slice %arg12[%dma_wait3A_863] : memref<4x!tpu.dma_semaphore, #tpu.memory_space<semaphore_mem>> -> memref<1x!tpu.dma_semaphore, #tpu.memory_space<semaphore_mem>>
      %dma_wait3A_877 = tpu.memref_squeeze %dma_wait3A_876 : memref<1x!tpu.dma_semaphore, #tpu.memory_space<semaphore_mem>> -> memref<!tpu.dma_semaphore, #tpu.memory_space<semaphore_mem>>
      tpu.wait_indirect_dma semaphore(%dma_wait3A_877 : memref<!tpu.dma_semaphore, #tpu.memory_space<semaphore_mem>>) src(%dma_wait3A_875 : memref<10000x32xf32, #tpu.memory_space<vmem_shared>>) dst(%dma_wait3A_867 : memref<128x32xf32, #tpu.memory_space<vmem>>)
      %dma_start3A_878 = arith.constant 1 : i32
      %dma_start3A_879 = arith.constant 1 : i32
      %dma_start3A_880 = arith.constant 0 : i32
      %dma_start3A_881 = arith.constant 0 : i32
      %dma_start3A_882 = tpu.memref_slice %arg11[%dma_start3A_878, %dma_start3A_880, %dma_start3A_881] : memref<4x128x32xf32, #tpu.memory_space<vmem>> -> memref<1x128x32xf32, #tpu.memory_space<vmem>>
      %dma_start3A_883 = tpu.memref_squeeze %dma_start3A_882 : memref<1x128x32xf32, #tpu.memory_space<vmem>> -> memref<128x32xf32, #tpu.memory_space<vmem>>
      %dma_start3A_884 = arith.constant 0 : i32
      %dma_start3A_885 = tpu.memref_slice %arg6[%add3A_858, %dma_start3A_884] : memref<320000x32xf32, #tpu.memory_space<hbm>> -> memref<128x32xf32, #tpu.memory_space<hbm>>
      %dma_start3A_886 = tpu.memref_slice %arg13[%dma_start3A_879] : memref<4x!tpu.dma_semaphore, #tpu.memory_space<semaphore_mem>> -> memref<1x!tpu.dma_semaphore, #tpu.memory_space<semaphore_mem>>
      %dma_start3A_887 = tpu.memref_squeeze %dma_start3A_886 : memref<1x!tpu.dma_semaphore, #tpu.memory_space<semaphore_mem>> -> memref<!tpu.dma_semaphore, #tpu.memory_space<semaphore_mem>>
      %dma_start3A_888 = arith.constant 0 : i32
      %dma_start3A_889 = tpu.memref_slice %arg6[%add3A_858, %dma_start3A_888] : memref<320000x32xf32, #tpu.memory_space<hbm>> -> memref<128x32xf32, #tpu.memory_space<hbm>>
      %dma_start3A_890 = arith.constant 0 : i32
      %dma_start3A_891 = arith.constant 0 : i32
      %dma_start3A_892 = tpu.memref_slice %arg11[%dma_start3A_878, %dma_start3A_890, %dma_start3A_891] : memref<4x128x32xf32, #tpu.memory_space<vmem>> -> memref<1x128x32xf32, #tpu.memory_space<vmem>>
      %dma_start3A_893 = tpu.memref_squeeze %dma_start3A_892 : memref<1x128x32xf32, #tpu.memory_space<vmem>> -> memref<128x32xf32, #tpu.memory_space<vmem>>
      tpu.enqueue_dma source(%dma_start3A_893 : memref<128x32xf32, #tpu.memory_space<vmem>>) target(%dma_start3A_889 : memref<128x32xf32, #tpu.memory_space<hbm>>) target_semaphore(%dma_start3A_887 : memref<!tpu.dma_semaphore, #tpu.memory_space<semaphore_mem>>)
      %dma_wait3A_894 = arith.constant 1 : i32
      %dma_wait3A_895 = arith.constant 1 : i32
      %dma_wait3A_896 = arith.constant 0 : i32
      %dma_wait3A_897 = arith.constant 0 : i32
      %dma_wait3A_898 = tpu.memref_slice %arg11[%dma_wait3A_894, %dma_wait3A_896, %dma_wait3A_897] : memref<4x128x32xf32, #tpu.memory_space<vmem>> -> memref<1x128x32xf32, #tpu.memory_space<vmem>>
      %dma_wait3A_899 = tpu.memref_squeeze %dma_wait3A_898 : memref<1x128x32xf32, #tpu.memory_space<vmem>> -> memref<128x32xf32, #tpu.memory_space<vmem>>
      %dma_wait3A_900 = arith.constant 0 : i32
      %dma_wait3A_901 = tpu.memref_slice %arg6[%add3A_858, %dma_wait3A_900] : memref<320000x32xf32, #tpu.memory_space<hbm>> -> memref<128x32xf32, #tpu.memory_space<hbm>>
      %dma_wait3A_902 = tpu.memref_slice %arg13[%dma_wait3A_895] : memref<4x!tpu.dma_semaphore, #tpu.memory_space<semaphore_mem>> -> memref<1x!tpu.dma_semaphore, #tpu.memory_space<semaphore_mem>>
      %dma_wait3A_903 = tpu.memref_squeeze %dma_wait3A_902 : memref<1x!tpu.dma_semaphore, #tpu.memory_space<semaphore_mem>> -> memref<!tpu.dma_semaphore, #tpu.memory_space<semaphore_mem>>
      %dma_wait3A_904 = arith.constant 0 : i32
      %dma_wait3A_905 = tpu.memref_slice %arg6[%add3A_858, %dma_wait3A_904] : memref<320000x32xf32, #tpu.memory_space<hbm>> -> memref<128x32xf32, #tpu.memory_space<hbm>>
      %dma_wait3A_906 = arith.constant 0 : i32
      %dma_wait3A_907 = arith.constant 0 : i32
      %dma_wait3A_908 = tpu.memref_slice %arg11[%dma_wait3A_894, %dma_wait3A_906, %dma_wait3A_907] : memref<4x128x32xf32, #tpu.memory_space<vmem>> -> memref<1x128x32xf32, #tpu.memory_space<vmem>>
      %dma_wait3A_909 = tpu.memref_squeeze %dma_wait3A_908 : memref<1x128x32xf32, #tpu.memory_space<vmem>> -> memref<128x32xf32, #tpu.memory_space<vmem>>
      tpu.wait_dma2 semaphore(%dma_wait3A_903 : memref<!tpu.dma_semaphore, #tpu.memory_space<semaphore_mem>>) src(%dma_wait3A_909 : memref<128x32xf32, #tpu.memory_space<vmem>>) dst(%dma_wait3A_905 : memref<128x32xf32, #tpu.memory_space<hbm>>)
      %add3A_910 = arith.constant 4 : i32
      %add3A_911 = arith.addi %add3A_910, %add3A_855 : i32
      %mul3A_912 = arith.constant 128 : i32
      %mul3A_913 = arith.muli %add3A_911, %mul3A_912 : i32
      %add3A_914 = arith.addi %sub3A_27, %mul3A_913 : i32
      %dma_start3A_915 = arith.constant 1 : i32
      %dma_start3A_916 = arith.constant 1 : i32
      %dma_start3A_917 = arith.constant 0 : i32
      %dma_start3A_918 = arith.constant 0 : i32
      %dma_start3A_919 = tpu.memref_slice %arg11[%dma_start3A_915, %dma_start3A_917, %dma_start3A_918] : memref<4x128x32xf32, #tpu.memory_space<vmem>> -> memref<1x128x32xf32, #tpu.memory_space<vmem>>
      %dma_start3A_920 = tpu.memref_squeeze %dma_start3A_919 : memref<1x128x32xf32, #tpu.memory_space<vmem>> -> memref<128x32xf32, #tpu.memory_space<vmem>>
      %dma_start3A_921 = tpu.memref_slice %arg10[%add3A_914] : memref<10240xi32, #tpu.memory_space<vmem>> -> memref<128xi32, #tpu.memory_space<vmem>>
      %dma_start3A_922 = arith.constant 0 : i32
      %dma_start3A_923 = arith.constant 0 : i32
      %dma_start3A_924 = tpu.memref_slice %arg8[%while3A_114, %dma_start3A_922, %dma_start3A_923] : memref<2x10000x32xf32, #tpu.memory_space<vmem_shared>> -> memref<1x10000x32xf32, #tpu.memory_space<vmem_shared>>
      %dma_start3A_925 = tpu.memref_squeeze %dma_start3A_924 : memref<1x10000x32xf32, #tpu.memory_space<vmem_shared>> -> memref<10000x32xf32, #tpu.memory_space<vmem_shared>>
      %dma_start3A_926 = arith.constant 0 : i32
      %dma_start3A_927 = arith.constant 0 : i32
      %dma_start3A_928 = tpu.memref_slice %dma_start3A_925[%dma_start3A_926, %dma_start3A_927] : memref<10000x32xf32, #tpu.memory_space<vmem_shared>> -> memref<10000x32xf32, #tpu.memory_space<vmem_shared>>
      %dma_start3A_929 = tpu.memref_slice %arg12[%dma_start3A_916] : memref<4x!tpu.dma_semaphore, #tpu.memory_space<semaphore_mem>> -> memref<1x!tpu.dma_semaphore, #tpu.memory_space<semaphore_mem>>
      %dma_start3A_930 = tpu.memref_squeeze %dma_start3A_929 : memref<1x!tpu.dma_semaphore, #tpu.memory_space<semaphore_mem>> -> memref<!tpu.dma_semaphore, #tpu.memory_space<semaphore_mem>>
      tpu.enqueue_indirect_dma source(%dma_start3A_928 : memref<10000x32xf32, #tpu.memory_space<vmem_shared>>) target(%dma_start3A_920 : memref<128x32xf32, #tpu.memory_space<vmem>>) offsets(%dma_start3A_921 : memref<128xi32, #tpu.memory_space<vmem>>) semaphore(%dma_start3A_930 : memref<!tpu.dma_semaphore, #tpu.memory_space<semaphore_mem>>)
      %mul3A_931 = arith.constant 4 : i32
      %mul3A_932 = arith.muli %while3A_772, %mul3A_931 : i32
      %add3A_933 = arith.constant 2 : i32
      %add3A_934 = arith.addi %mul3A_932, %add3A_933 : i32
      %mul3A_935 = arith.constant 128 : i32
      %mul3A_936 = arith.muli %add3A_934, %mul3A_935 : i32
      %add3A_937 = arith.addi %mul3A_2, %mul3A_936 : i32
      %mul3A_938 = arith.constant 128 : i32
      %mul3A_939 = arith.muli %add3A_934, %mul3A_938 : i32
      %add3A_940 = arith.addi %sub3A_27, %mul3A_939 : i32
      %dma_wait3A_941 = arith.constant 2 : i32
      %dma_wait3A_942 = arith.constant 2 : i32
      %dma_wait3A_943 = arith.constant 0 : i32
      %dma_wait3A_944 = arith.constant 0 : i32
      %dma_wait3A_945 = tpu.memref_slice %arg11[%dma_wait3A_941, %dma_wait3A_943, %dma_wait3A_944] : memref<4x128x32xf32, #tpu.memory_space<vmem>> -> memref<1x128x32xf32, #tpu.memory_space<vmem>>
      %dma_wait3A_946 = tpu.memref_squeeze %dma_wait3A_945 : memref<1x128x32xf32, #tpu.memory_space<vmem>> -> memref<128x32xf32, #tpu.memory_space<vmem>>
      %dma_wait3A_947 = tpu.memref_slice %arg10[%add3A_940] : memref<10240xi32, #tpu.memory_space<vmem>> -> memref<128xi32, #tpu.memory_space<vmem>>
      %dma_wait3A_948 = arith.constant 0 : i32
      %dma_wait3A_949 = arith.constant 0 : i32
      %dma_wait3A_950 = tpu.memref_slice %arg8[%while3A_114, %dma_wait3A_948, %dma_wait3A_949] : memref<2x10000x32xf32, #tpu.memory_space<vmem_shared>> -> memref<1x10000x32xf32, #tpu.memory_space<vmem_shared>>
      %dma_wait3A_951 = tpu.memref_squeeze %dma_wait3A_950 : memref<1x10000x32xf32, #tpu.memory_space<vmem_shared>> -> memref<10000x32xf32, #tpu.memory_space<vmem_shared>>
      %dma_wait3A_952 = arith.constant 0 : i32
      %dma_wait3A_953 = arith.constant 0 : i32
      %dma_wait3A_954 = tpu.memref_slice %dma_wait3A_951[%dma_wait3A_952, %dma_wait3A_953] : memref<10000x32xf32, #tpu.memory_space<vmem_shared>> -> memref<10000x32xf32, #tpu.memory_space<vmem_shared>>
      %dma_wait3A_955 = tpu.memref_slice %arg12[%dma_wait3A_942] : memref<4x!tpu.dma_semaphore, #tpu.memory_space<semaphore_mem>> -> memref<1x!tpu.dma_semaphore, #tpu.memory_space<semaphore_mem>>
      %dma_wait3A_956 = tpu.memref_squeeze %dma_wait3A_955 : memref<1x!tpu.dma_semaphore, #tpu.memory_space<semaphore_mem>> -> memref<!tpu.dma_semaphore, #tpu.memory_space<semaphore_mem>>
      tpu.wait_indirect_dma semaphore(%dma_wait3A_956 : memref<!tpu.dma_semaphore, #tpu.memory_space<semaphore_mem>>) src(%dma_wait3A_954 : memref<10000x32xf32, #tpu.memory_space<vmem_shared>>) dst(%dma_wait3A_946 : memref<128x32xf32, #tpu.memory_space<vmem>>)
      %dma_start3A_957 = arith.constant 2 : i32
      %dma_start3A_958 = arith.constant 2 : i32
      %dma_start3A_959 = arith.constant 0 : i32
      %dma_start3A_960 = arith.constant 0 : i32
      %dma_start3A_961 = tpu.memref_slice %arg11[%dma_start3A_957, %dma_start3A_959, %dma_start3A_960] : memref<4x128x32xf32, #tpu.memory_space<vmem>> -> memref<1x128x32xf32, #tpu.memory_space<vmem>>
      %dma_start3A_962 = tpu.memref_squeeze %dma_start3A_961 : memref<1x128x32xf32, #tpu.memory_space<vmem>> -> memref<128x32xf32, #tpu.memory_space<vmem>>
      %dma_start3A_963 = arith.constant 0 : i32
      %dma_start3A_964 = tpu.memref_slice %arg6[%add3A_937, %dma_start3A_963] : memref<320000x32xf32, #tpu.memory_space<hbm>> -> memref<128x32xf32, #tpu.memory_space<hbm>>
      %dma_start3A_965 = tpu.memref_slice %arg13[%dma_start3A_958] : memref<4x!tpu.dma_semaphore, #tpu.memory_space<semaphore_mem>> -> memref<1x!tpu.dma_semaphore, #tpu.memory_space<semaphore_mem>>
      %dma_start3A_966 = tpu.memref_squeeze %dma_start3A_965 : memref<1x!tpu.dma_semaphore, #tpu.memory_space<semaphore_mem>> -> memref<!tpu.dma_semaphore, #tpu.memory_space<semaphore_mem>>
      %dma_start3A_967 = arith.constant 0 : i32
      %dma_start3A_968 = tpu.memref_slice %arg6[%add3A_937, %dma_start3A_967] : memref<320000x32xf32, #tpu.memory_space<hbm>> -> memref<128x32xf32, #tpu.memory_space<hbm>>
      %dma_start3A_969 = arith.constant 0 : i32
      %dma_start3A_970 = arith.constant 0 : i32
      %dma_start3A_971 = tpu.memref_slice %arg11[%dma_start3A_957, %dma_start3A_969, %dma_start3A_970] : memref<4x128x32xf32, #tpu.memory_space<vmem>> -> memref<1x128x32xf32, #tpu.memory_space<vmem>>
      %dma_start3A_972 = tpu.memref_squeeze %dma_start3A_971 : memref<1x128x32xf32, #tpu.memory_space<vmem>> -> memref<128x32xf32, #tpu.memory_space<vmem>>
      tpu.enqueue_dma source(%dma_start3A_972 : memref<128x32xf32, #tpu.memory_space<vmem>>) target(%dma_start3A_968 : memref<128x32xf32, #tpu.memory_space<hbm>>) target_semaphore(%dma_start3A_966 : memref<!tpu.dma_semaphore, #tpu.memory_space<semaphore_mem>>)
      %dma_wait3A_973 = arith.constant 2 : i32
      %dma_wait3A_974 = arith.constant 2 : i32
      %dma_wait3A_975 = arith.constant 0 : i32
      %dma_wait3A_976 = arith.constant 0 : i32
      %dma_wait3A_977 = tpu.memref_slice %arg11[%dma_wait3A_973, %dma_wait3A_975, %dma_wait3A_976] : memref<4x128x32xf32, #tpu.memory_space<vmem>> -> memref<1x128x32xf32, #tpu.memory_space<vmem>>
      %dma_wait3A_978 = tpu.memref_squeeze %dma_wait3A_977 : memref<1x128x32xf32, #tpu.memory_space<vmem>> -> memref<128x32xf32, #tpu.memory_space<vmem>>
      %dma_wait3A_979 = arith.constant 0 : i32
      %dma_wait3A_980 = tpu.memref_slice %arg6[%add3A_937, %dma_wait3A_979] : memref<320000x32xf32, #tpu.memory_space<hbm>> -> memref<128x32xf32, #tpu.memory_space<hbm>>
      %dma_wait3A_981 = tpu.memref_slice %arg13[%dma_wait3A_974] : memref<4x!tpu.dma_semaphore, #tpu.memory_space<semaphore_mem>> -> memref<1x!tpu.dma_semaphore, #tpu.memory_space<semaphore_mem>>
      %dma_wait3A_982 = tpu.memref_squeeze %dma_wait3A_981 : memref<1x!tpu.dma_semaphore, #tpu.memory_space<semaphore_mem>> -> memref<!tpu.dma_semaphore, #tpu.memory_space<semaphore_mem>>
      %dma_wait3A_983 = arith.constant 0 : i32
      %dma_wait3A_984 = tpu.memref_slice %arg6[%add3A_937, %dma_wait3A_983] : memref<320000x32xf32, #tpu.memory_space<hbm>> -> memref<128x32xf32, #tpu.memory_space<hbm>>
      %dma_wait3A_985 = arith.constant 0 : i32
      %dma_wait3A_986 = arith.constant 0 : i32
      %dma_wait3A_987 = tpu.memref_slice %arg11[%dma_wait3A_973, %dma_wait3A_985, %dma_wait3A_986] : memref<4x128x32xf32, #tpu.memory_space<vmem>> -> memref<1x128x32xf32, #tpu.memory_space<vmem>>
      %dma_wait3A_988 = tpu.memref_squeeze %dma_wait3A_987 : memref<1x128x32xf32, #tpu.memory_space<vmem>> -> memref<128x32xf32, #tpu.memory_space<vmem>>
      tpu.wait_dma2 semaphore(%dma_wait3A_982 : memref<!tpu.dma_semaphore, #tpu.memory_space<semaphore_mem>>) src(%dma_wait3A_988 : memref<128x32xf32, #tpu.memory_space<vmem>>) dst(%dma_wait3A_984 : memref<128x32xf32, #tpu.memory_space<hbm>>)
      %add3A_989 = arith.constant 4 : i32
      %add3A_990 = arith.addi %add3A_989, %add3A_934 : i32
      %mul3A_991 = arith.constant 128 : i32
      %mul3A_992 = arith.muli %add3A_990, %mul3A_991 : i32
      %add3A_993 = arith.addi %sub3A_27, %mul3A_992 : i32
      %dma_start3A_994 = arith.constant 2 : i32
      %dma_start3A_995 = arith.constant 2 : i32
      %dma_start3A_996 = arith.constant 0 : i32
      %dma_start3A_997 = arith.constant 0 : i32
      %dma_start3A_998 = tpu.memref_slice %arg11[%dma_start3A_994, %dma_start3A_996, %dma_start3A_997] : memref<4x128x32xf32, #tpu.memory_space<vmem>> -> memref<1x128x32xf32, #tpu.memory_space<vmem>>
      %dma_start3A_999 = tpu.memref_squeeze %dma_start3A_998 : memref<1x128x32xf32, #tpu.memory_space<vmem>> -> memref<128x32xf32, #tpu.memory_space<vmem>>
      %dma_start3A_1000 = tpu.memref_slice %arg10[%add3A_993] : memref<10240xi32, #tpu.memory_space<vmem>> -> memref<128xi32, #tpu.memory_space<vmem>>
      %dma_start3A_1001 = arith.constant 0 : i32
      %dma_start3A_1002 = arith.constant 0 : i32
      %dma_start3A_1003 = tpu.memref_slice %arg8[%while3A_114, %dma_start3A_1001, %dma_start3A_1002] : memref<2x10000x32xf32, #tpu.memory_space<vmem_shared>> -> memref<1x10000x32xf32, #tpu.memory_space<vmem_shared>>
      %dma_start3A_1004 = tpu.memref_squeeze %dma_start3A_1003 : memref<1x10000x32xf32, #tpu.memory_space<vmem_shared>> -> memref<10000x32xf32, #tpu.memory_space<vmem_shared>>
      %dma_start3A_1005 = arith.constant 0 : i32
      %dma_start3A_1006 = arith.constant 0 : i32
      %dma_start3A_1007 = tpu.memref_slice %dma_start3A_1004[%dma_start3A_1005, %dma_start3A_1006] : memref<10000x32xf32, #tpu.memory_space<vmem_shared>> -> memref<10000x32xf32, #tpu.memory_space<vmem_shared>>
      %dma_start3A_1008 = tpu.memref_slice %arg12[%dma_start3A_995] : memref<4x!tpu.dma_semaphore, #tpu.memory_space<semaphore_mem>> -> memref<1x!tpu.dma_semaphore, #tpu.memory_space<semaphore_mem>>
      %dma_start3A_1009 = tpu.memref_squeeze %dma_start3A_1008 : memref<1x!tpu.dma_semaphore, #tpu.memory_space<semaphore_mem>> -> memref<!tpu.dma_semaphore, #tpu.memory_space<semaphore_mem>>
      tpu.enqueue_indirect_dma source(%dma_start3A_1007 : memref<10000x32xf32, #tpu.memory_space<vmem_shared>>) target(%dma_start3A_999 : memref<128x32xf32, #tpu.memory_space<vmem>>) offsets(%dma_start3A_1000 : memref<128xi32, #tpu.memory_space<vmem>>) semaphore(%dma_start3A_1009 : memref<!tpu.dma_semaphore, #tpu.memory_space<semaphore_mem>>)
      %mul3A_1010 = arith.constant 4 : i32
      %mul3A_1011 = arith.muli %while3A_772, %mul3A_1010 : i32
      %add3A_1012 = arith.constant 3 : i32
      %add3A_1013 = arith.addi %mul3A_1011, %add3A_1012 : i32
      %mul3A_1014 = arith.constant 128 : i32
      %mul3A_1015 = arith.muli %add3A_1013, %mul3A_1014 : i32
      %add3A_1016 = arith.addi %mul3A_2, %mul3A_1015 : i32
      %mul3A_1017 = arith.constant 128 : i32
      %mul3A_1018 = arith.muli %add3A_1013, %mul3A_1017 : i32
      %add3A_1019 = arith.addi %sub3A_27, %mul3A_1018 : i32
      %dma_wait3A_1020 = arith.constant 3 : i32
      %dma_wait3A_1021 = arith.constant 3 : i32
      %dma_wait3A_1022 = arith.constant 0 : i32
      %dma_wait3A_1023 = arith.constant 0 : i32
      %dma_wait3A_1024 = tpu.memref_slice %arg11[%dma_wait3A_1020, %dma_wait3A_1022, %dma_wait3A_1023] : memref<4x128x32xf32, #tpu.memory_space<vmem>> -> memref<1x128x32xf32, #tpu.memory_space<vmem>>
      %dma_wait3A_1025 = tpu.memref_squeeze %dma_wait3A_1024 : memref<1x128x32xf32, #tpu.memory_space<vmem>> -> memref<128x32xf32, #tpu.memory_space<vmem>>
      %dma_wait3A_1026 = tpu.memref_slice %arg10[%add3A_1019] : memref<10240xi32, #tpu.memory_space<vmem>> -> memref<128xi32, #tpu.memory_space<vmem>>
      %dma_wait3A_1027 = arith.constant 0 : i32
      %dma_wait3A_1028 = arith.constant 0 : i32
      %dma_wait3A_1029 = tpu.memref_slice %arg8[%while3A_114, %dma_wait3A_1027, %dma_wait3A_1028] : memref<2x10000x32xf32, #tpu.memory_space<vmem_shared>> -> memref<1x10000x32xf32, #tpu.memory_space<vmem_shared>>
      %dma_wait3A_1030 = tpu.memref_squeeze %dma_wait3A_1029 : memref<1x10000x32xf32, #tpu.memory_space<vmem_shared>> -> memref<10000x32xf32, #tpu.memory_space<vmem_shared>>
      %dma_wait3A_1031 = arith.constant 0 : i32
      %dma_wait3A_1032 = arith.constant 0 : i32
      %dma_wait3A_1033 = tpu.memref_slice %dma_wait3A_1030[%dma_wait3A_1031, %dma_wait3A_1032] : memref<10000x32xf32, #tpu.memory_space<vmem_shared>> -> memref<10000x32xf32, #tpu.memory_space<vmem_shared>>
      %dma_wait3A_1034 = tpu.memref_slice %arg12[%dma_wait3A_1021] : memref<4x!tpu.dma_semaphore, #tpu.memory_space<semaphore_mem>> -> memref<1x!tpu.dma_semaphore, #tpu.memory_space<semaphore_mem>>
      %dma_wait3A_1035 = tpu.memref_squeeze %dma_wait3A_1034 : memref<1x!tpu.dma_semaphore, #tpu.memory_space<semaphore_mem>> -> memref<!tpu.dma_semaphore, #tpu.memory_space<semaphore_mem>>
      tpu.wait_indirect_dma semaphore(%dma_wait3A_1035 : memref<!tpu.dma_semaphore, #tpu.memory_space<semaphore_mem>>) src(%dma_wait3A_1033 : memref<10000x32xf32, #tpu.memory_space<vmem_shared>>) dst(%dma_wait3A_1025 : memref<128x32xf32, #tpu.memory_space<vmem>>)
      %dma_start3A_1036 = arith.constant 3 : i32
      %dma_start3A_1037 = arith.constant 3 : i32
      %dma_start3A_1038 = arith.constant 0 : i32
      %dma_start3A_1039 = arith.constant 0 : i32
      %dma_start3A_1040 = tpu.memref_slice %arg11[%dma_start3A_1036, %dma_start3A_1038, %dma_start3A_1039] : memref<4x128x32xf32, #tpu.memory_space<vmem>> -> memref<1x128x32xf32, #tpu.memory_space<vmem>>
      %dma_start3A_1041 = tpu.memref_squeeze %dma_start3A_1040 : memref<1x128x32xf32, #tpu.memory_space<vmem>> -> memref<128x32xf32, #tpu.memory_space<vmem>>
      %dma_start3A_1042 = arith.constant 0 : i32
      %dma_start3A_1043 = tpu.memref_slice %arg6[%add3A_1016, %dma_start3A_1042] : memref<320000x32xf32, #tpu.memory_space<hbm>> -> memref<128x32xf32, #tpu.memory_space<hbm>>
      %dma_start3A_1044 = tpu.memref_slice %arg13[%dma_start3A_1037] : memref<4x!tpu.dma_semaphore, #tpu.memory_space<semaphore_mem>> -> memref<1x!tpu.dma_semaphore, #tpu.memory_space<semaphore_mem>>
      %dma_start3A_1045 = tpu.memref_squeeze %dma_start3A_1044 : memref<1x!tpu.dma_semaphore, #tpu.memory_space<semaphore_mem>> -> memref<!tpu.dma_semaphore, #tpu.memory_space<semaphore_mem>>
      %dma_start3A_1046 = arith.constant 0 : i32
      %dma_start3A_1047 = tpu.memref_slice %arg6[%add3A_1016, %dma_start3A_1046] : memref<320000x32xf32, #tpu.memory_space<hbm>> -> memref<128x32xf32, #tpu.memory_space<hbm>>
      %dma_start3A_1048 = arith.constant 0 : i32
      %dma_start3A_1049 = arith.constant 0 : i32
      %dma_start3A_1050 = tpu.memref_slice %arg11[%dma_start3A_1036, %dma_start3A_1048, %dma_start3A_1049] : memref<4x128x32xf32, #tpu.memory_space<vmem>> -> memref<1x128x32xf32, #tpu.memory_space<vmem>>
      %dma_start3A_1051 = tpu.memref_squeeze %dma_start3A_1050 : memref<1x128x32xf32, #tpu.memory_space<vmem>> -> memref<128x32xf32, #tpu.memory_space<vmem>>
      tpu.enqueue_dma source(%dma_start3A_1051 : memref<128x32xf32, #tpu.memory_space<vmem>>) target(%dma_start3A_1047 : memref<128x32xf32, #tpu.memory_space<hbm>>) target_semaphore(%dma_start3A_1045 : memref<!tpu.dma_semaphore, #tpu.memory_space<semaphore_mem>>)
      %dma_wait3A_1052 = arith.constant 3 : i32
      %dma_wait3A_1053 = arith.constant 3 : i32
      %dma_wait3A_1054 = arith.constant 0 : i32
      %dma_wait3A_1055 = arith.constant 0 : i32
      %dma_wait3A_1056 = tpu.memref_slice %arg11[%dma_wait3A_1052, %dma_wait3A_1054, %dma_wait3A_1055] : memref<4x128x32xf32, #tpu.memory_space<vmem>> -> memref<1x128x32xf32, #tpu.memory_space<vmem>>
      %dma_wait3A_1057 = tpu.memref_squeeze %dma_wait3A_1056 : memref<1x128x32xf32, #tpu.memory_space<vmem>> -> memref<128x32xf32, #tpu.memory_space<vmem>>
      %dma_wait3A_1058 = arith.constant 0 : i32
      %dma_wait3A_1059 = tpu.memref_slice %arg6[%add3A_1016, %dma_wait3A_1058] : memref<320000x32xf32, #tpu.memory_space<hbm>> -> memref<128x32xf32, #tpu.memory_space<hbm>>
      %dma_wait3A_1060 = tpu.memref_slice %arg13[%dma_wait3A_1053] : memref<4x!tpu.dma_semaphore, #tpu.memory_space<semaphore_mem>> -> memref<1x!tpu.dma_semaphore, #tpu.memory_space<semaphore_mem>>
      %dma_wait3A_1061 = tpu.memref_squeeze %dma_wait3A_1060 : memref<1x!tpu.dma_semaphore, #tpu.memory_space<semaphore_mem>> -> memref<!tpu.dma_semaphore, #tpu.memory_space<semaphore_mem>>
      %dma_wait3A_1062 = arith.constant 0 : i32
      %dma_wait3A_1063 = tpu.memref_slice %arg6[%add3A_1016, %dma_wait3A_1062] : memref<320000x32xf32, #tpu.memory_space<hbm>> -> memref<128x32xf32, #tpu.memory_space<hbm>>
      %dma_wait3A_1064 = arith.constant 0 : i32
      %dma_wait3A_1065 = arith.constant 0 : i32
      %dma_wait3A_1066 = tpu.memref_slice %arg11[%dma_wait3A_1052, %dma_wait3A_1064, %dma_wait3A_1065] : memref<4x128x32xf32, #tpu.memory_space<vmem>> -> memref<1x128x32xf32, #tpu.memory_space<vmem>>
      %dma_wait3A_1067 = tpu.memref_squeeze %dma_wait3A_1066 : memref<1x128x32xf32, #tpu.memory_space<vmem>> -> memref<128x32xf32, #tpu.memory_space<vmem>>
      tpu.wait_dma2 semaphore(%dma_wait3A_1061 : memref<!tpu.dma_semaphore, #tpu.memory_space<semaphore_mem>>) src(%dma_wait3A_1067 : memref<128x32xf32, #tpu.memory_space<vmem>>) dst(%dma_wait3A_1063 : memref<128x32xf32, #tpu.memory_space<hbm>>)
      %add3A_1068 = arith.constant 4 : i32
      %add3A_1069 = arith.addi %add3A_1068, %add3A_1013 : i32
      %mul3A_1070 = arith.constant 128 : i32
      %mul3A_1071 = arith.muli %add3A_1069, %mul3A_1070 : i32
      %add3A_1072 = arith.addi %sub3A_27, %mul3A_1071 : i32
      %dma_start3A_1073 = arith.constant 3 : i32
      %dma_start3A_1074 = arith.constant 3 : i32
      %dma_start3A_1075 = arith.constant 0 : i32
      %dma_start3A_1076 = arith.constant 0 : i32
      %dma_start3A_1077 = tpu.memref_slice %arg11[%dma_start3A_1073, %dma_start3A_1075, %dma_start3A_1076] : memref<4x128x32xf32, #tpu.memory_space<vmem>> -> memref<1x128x32xf32, #tpu.memory_space<vmem>>
      %dma_start3A_1078 = tpu.memref_squeeze %dma_start3A_1077 : memref<1x128x32xf32, #tpu.memory_space<vmem>> -> memref<128x32xf32, #tpu.memory_space<vmem>>
      %dma_start3A_1079 = tpu.memref_slice %arg10[%add3A_1072] : memref<10240xi32, #tpu.memory_space<vmem>> -> memref<128xi32, #tpu.memory_space<vmem>>
      %dma_start3A_1080 = arith.constant 0 : i32
      %dma_start3A_1081 = arith.constant 0 : i32
      %dma_start3A_1082 = tpu.memref_slice %arg8[%while3A_114, %dma_start3A_1080, %dma_start3A_1081] : memref<2x10000x32xf32, #tpu.memory_space<vmem_shared>> -> memref<1x10000x32xf32, #tpu.memory_space<vmem_shared>>
      %dma_start3A_1083 = tpu.memref_squeeze %dma_start3A_1082 : memref<1x10000x32xf32, #tpu.memory_space<vmem_shared>> -> memref<10000x32xf32, #tpu.memory_space<vmem_shared>>
      %dma_start3A_1084 = arith.constant 0 : i32
      %dma_start3A_1085 = arith.constant 0 : i32
      %dma_start3A_1086 = tpu.memref_slice %dma_start3A_1083[%dma_start3A_1084, %dma_start3A_1085] : memref<10000x32xf32, #tpu.memory_space<vmem_shared>> -> memref<10000x32xf32, #tpu.memory_space<vmem_shared>>
      %dma_start3A_1087 = tpu.memref_slice %arg12[%dma_start3A_1074] : memref<4x!tpu.dma_semaphore, #tpu.memory_space<semaphore_mem>> -> memref<1x!tpu.dma_semaphore, #tpu.memory_space<semaphore_mem>>
      %dma_start3A_1088 = tpu.memref_squeeze %dma_start3A_1087 : memref<1x!tpu.dma_semaphore, #tpu.memory_space<semaphore_mem>> -> memref<!tpu.dma_semaphore, #tpu.memory_space<semaphore_mem>>
      tpu.enqueue_indirect_dma source(%dma_start3A_1086 : memref<10000x32xf32, #tpu.memory_space<vmem_shared>>) target(%dma_start3A_1078 : memref<128x32xf32, #tpu.memory_space<vmem>>) offsets(%dma_start3A_1079 : memref<128xi32, #tpu.memory_space<vmem>>) semaphore(%dma_start3A_1088 : memref<!tpu.dma_semaphore, #tpu.memory_space<semaphore_mem>>)
    }
    %sub3A_124 = arith.constant 1 : i32
    %sub3A_125 = arith.subi %select_n3A_22, %sub3A_124 : i32
    %mul3A_126 = arith.constant 4 : i32
    %mul3A_127 = arith.muli %sub3A_125, %mul3A_126 : i32
    %add3A_128 = arith.constant 0 : i32
    %add3A_129 = arith.addi %mul3A_127, %add3A_128 : i32
    %mul3A_130 = arith.constant 128 : i32
    %mul3A_131 = arith.muli %add3A_129, %mul3A_130 : i32
    %add3A_132 = arith.addi %sub3A_27, %mul3A_131 : i32
    %dma_wait3A = arith.constant 0 : i32
    %dma_wait3A_133 = arith.constant 0 : i32
    %dma_wait3A_134 = arith.constant 0 : i32
    %dma_wait3A_135 = arith.constant 0 : i32
    %dma_wait3A_136 = arith.constant 0 : i32
    %dma_wait3A_137 = tpu.memref_slice %arg11[%dma_wait3A_133, %dma_wait3A_135, %dma_wait3A_136] : memref<4x128x32xf32, #tpu.memory_space<vmem>> -> memref<1x128x32xf32, #tpu.memory_space<vmem>>
    %dma_wait3A_138 = tpu.memref_squeeze %dma_wait3A_137 : memref<1x128x32xf32, #tpu.memory_space<vmem>> -> memref<128x32xf32, #tpu.memory_space<vmem>>
    %dma_wait3A_139 = tpu.memref_slice %arg10[%add3A_132] : memref<10240xi32, #tpu.memory_space<vmem>> -> memref<128xi32, #tpu.memory_space<vmem>>
    %dma_wait3A_140 = arith.constant 0 : i32
    %dma_wait3A_141 = arith.constant 0 : i32
    %dma_wait3A_142 = tpu.memref_slice %arg8[%dma_wait3A, %dma_wait3A_140, %dma_wait3A_141] : memref<2x10000x32xf32, #tpu.memory_space<vmem_shared>> -> memref<1x10000x32xf32, #tpu.memory_space<vmem_shared>>
    %dma_wait3A_143 = tpu.memref_squeeze %dma_wait3A_142 : memref<1x10000x32xf32, #tpu.memory_space<vmem_shared>> -> memref<10000x32xf32, #tpu.memory_space<vmem_shared>>
    %dma_wait3A_144 = arith.constant 0 : i32
    %dma_wait3A_145 = arith.constant 0 : i32
    %dma_wait3A_146 = tpu.memref_slice %dma_wait3A_143[%dma_wait3A_144, %dma_wait3A_145] : memref<10000x32xf32, #tpu.memory_space<vmem_shared>> -> memref<10000x32xf32, #tpu.memory_space<vmem_shared>>
    %dma_wait3A_147 = tpu.memref_slice %arg12[%dma_wait3A_134] : memref<4x!tpu.dma_semaphore, #tpu.memory_space<semaphore_mem>> -> memref<1x!tpu.dma_semaphore, #tpu.memory_space<semaphore_mem>>
    %dma_wait3A_148 = tpu.memref_squeeze %dma_wait3A_147 : memref<1x!tpu.dma_semaphore, #tpu.memory_space<semaphore_mem>> -> memref<!tpu.dma_semaphore, #tpu.memory_space<semaphore_mem>>
    tpu.wait_indirect_dma semaphore(%dma_wait3A_148 : memref<!tpu.dma_semaphore, #tpu.memory_space<semaphore_mem>>) src(%dma_wait3A_146 : memref<10000x32xf32, #tpu.memory_space<vmem_shared>>) dst(%dma_wait3A_138 : memref<128x32xf32, #tpu.memory_space<vmem>>)
    %mul3A_149 = arith.constant 128 : i32
    %mul3A_150 = arith.muli %add3A_129, %mul3A_149 : i32
    %add3A_151 = arith.addi %mul3A_2, %mul3A_150 : i32
    %dma_start3A_152 = arith.constant 0 : i32
    %dma_start3A_153 = arith.constant 0 : i32
    %dma_start3A_154 = arith.constant 0 : i32
    %dma_start3A_155 = arith.constant 0 : i32
    %dma_start3A_156 = tpu.memref_slice %arg11[%dma_start3A_152, %dma_start3A_154, %dma_start3A_155] : memref<4x128x32xf32, #tpu.memory_space<vmem>> -> memref<1x128x32xf32, #tpu.memory_space<vmem>>
    %dma_start3A_157 = tpu.memref_squeeze %dma_start3A_156 : memref<1x128x32xf32, #tpu.memory_space<vmem>> -> memref<128x32xf32, #tpu.memory_space<vmem>>
    %dma_start3A_158 = arith.constant 0 : i32
    %dma_start3A_159 = tpu.memref_slice %arg6[%add3A_151, %dma_start3A_158] : memref<320000x32xf32, #tpu.memory_space<hbm>> -> memref<128x32xf32, #tpu.memory_space<hbm>>
    %dma_start3A_160 = tpu.memref_slice %arg13[%dma_start3A_153] : memref<4x!tpu.dma_semaphore, #tpu.memory_space<semaphore_mem>> -> memref<1x!tpu.dma_semaphore, #tpu.memory_space<semaphore_mem>>
    %dma_start3A_161 = tpu.memref_squeeze %dma_start3A_160 : memref<1x!tpu.dma_semaphore, #tpu.memory_space<semaphore_mem>> -> memref<!tpu.dma_semaphore, #tpu.memory_space<semaphore_mem>>
    %dma_start3A_162 = arith.constant 0 : i32
    %dma_start3A_163 = tpu.memref_slice %arg6[%add3A_151, %dma_start3A_162] : memref<320000x32xf32, #tpu.memory_space<hbm>> -> memref<128x32xf32, #tpu.memory_space<hbm>>
    %dma_start3A_164 = arith.constant 0 : i32
    %dma_start3A_165 = arith.constant 0 : i32
    %dma_start3A_166 = tpu.memref_slice %arg11[%dma_start3A_152, %dma_start3A_164, %dma_start3A_165] : memref<4x128x32xf32, #tpu.memory_space<vmem>> -> memref<1x128x32xf32, #tpu.memory_space<vmem>>
    %dma_start3A_167 = tpu.memref_squeeze %dma_start3A_166 : memref<1x128x32xf32, #tpu.memory_space<vmem>> -> memref<128x32xf32, #tpu.memory_space<vmem>>
    tpu.enqueue_dma source(%dma_start3A_167 : memref<128x32xf32, #tpu.memory_space<vmem>>) target(%dma_start3A_163 : memref<128x32xf32, #tpu.memory_space<hbm>>) target_semaphore(%dma_start3A_161 : memref<!tpu.dma_semaphore, #tpu.memory_space<semaphore_mem>>)
    %sub3A_168 = arith.constant 1 : i32
    %sub3A_169 = arith.subi %select_n3A_22, %sub3A_168 : i32
    %mul3A_170 = arith.constant 4 : i32
    %mul3A_171 = arith.muli %sub3A_169, %mul3A_170 : i32
    %add3A_172 = arith.constant 1 : i32
    %add3A_173 = arith.addi %mul3A_171, %add3A_172 : i32
    %mul3A_174 = arith.constant 128 : i32
    %mul3A_175 = arith.muli %add3A_173, %mul3A_174 : i32
    %add3A_176 = arith.addi %sub3A_27, %mul3A_175 : i32
    %dma_wait3A_177 = arith.constant 0 : i32
    %dma_wait3A_178 = arith.constant 1 : i32
    %dma_wait3A_179 = arith.constant 1 : i32
    %dma_wait3A_180 = arith.constant 0 : i32
    %dma_wait3A_181 = arith.constant 0 : i32
    %dma_wait3A_182 = tpu.memref_slice %arg11[%dma_wait3A_178, %dma_wait3A_180, %dma_wait3A_181] : memref<4x128x32xf32, #tpu.memory_space<vmem>> -> memref<1x128x32xf32, #tpu.memory_space<vmem>>
    %dma_wait3A_183 = tpu.memref_squeeze %dma_wait3A_182 : memref<1x128x32xf32, #tpu.memory_space<vmem>> -> memref<128x32xf32, #tpu.memory_space<vmem>>
    %dma_wait3A_184 = tpu.memref_slice %arg10[%add3A_176] : memref<10240xi32, #tpu.memory_space<vmem>> -> memref<128xi32, #tpu.memory_space<vmem>>
    %dma_wait3A_185 = arith.constant 0 : i32
    %dma_wait3A_186 = arith.constant 0 : i32
    %dma_wait3A_187 = tpu.memref_slice %arg8[%dma_wait3A_177, %dma_wait3A_185, %dma_wait3A_186] : memref<2x10000x32xf32, #tpu.memory_space<vmem_shared>> -> memref<1x10000x32xf32, #tpu.memory_space<vmem_shared>>
    %dma_wait3A_188 = tpu.memref_squeeze %dma_wait3A_187 : memref<1x10000x32xf32, #tpu.memory_space<vmem_shared>> -> memref<10000x32xf32, #tpu.memory_space<vmem_shared>>
    %dma_wait3A_189 = arith.constant 0 : i32
    %dma_wait3A_190 = arith.constant 0 : i32
    %dma_wait3A_191 = tpu.memref_slice %dma_wait3A_188[%dma_wait3A_189, %dma_wait3A_190] : memref<10000x32xf32, #tpu.memory_space<vmem_shared>> -> memref<10000x32xf32, #tpu.memory_space<vmem_shared>>
    %dma_wait3A_192 = tpu.memref_slice %arg12[%dma_wait3A_179] : memref<4x!tpu.dma_semaphore, #tpu.memory_space<semaphore_mem>> -> memref<1x!tpu.dma_semaphore, #tpu.memory_space<semaphore_mem>>
    %dma_wait3A_193 = tpu.memref_squeeze %dma_wait3A_192 : memref<1x!tpu.dma_semaphore, #tpu.memory_space<semaphore_mem>> -> memref<!tpu.dma_semaphore, #tpu.memory_space<semaphore_mem>>
    tpu.wait_indirect_dma semaphore(%dma_wait3A_193 : memref<!tpu.dma_semaphore, #tpu.memory_space<semaphore_mem>>) src(%dma_wait3A_191 : memref<10000x32xf32, #tpu.memory_space<vmem_shared>>) dst(%dma_wait3A_183 : memref<128x32xf32, #tpu.memory_space<vmem>>)
    %mul3A_194 = arith.constant 128 : i32
    %mul3A_195 = arith.muli %add3A_173, %mul3A_194 : i32
    %add3A_196 = arith.addi %mul3A_2, %mul3A_195 : i32
    %dma_start3A_197 = arith.constant 1 : i32
    %dma_start3A_198 = arith.constant 1 : i32
    %dma_start3A_199 = arith.constant 0 : i32
    %dma_start3A_200 = arith.constant 0 : i32
    %dma_start3A_201 = tpu.memref_slice %arg11[%dma_start3A_197, %dma_start3A_199, %dma_start3A_200] : memref<4x128x32xf32, #tpu.memory_space<vmem>> -> memref<1x128x32xf32, #tpu.memory_space<vmem>>
    %dma_start3A_202 = tpu.memref_squeeze %dma_start3A_201 : memref<1x128x32xf32, #tpu.memory_space<vmem>> -> memref<128x32xf32, #tpu.memory_space<vmem>>
    %dma_start3A_203 = arith.constant 0 : i32
    %dma_start3A_204 = tpu.memref_slice %arg6[%add3A_196, %dma_start3A_203] : memref<320000x32xf32, #tpu.memory_space<hbm>> -> memref<128x32xf32, #tpu.memory_space<hbm>>
    %dma_start3A_205 = tpu.memref_slice %arg13[%dma_start3A_198] : memref<4x!tpu.dma_semaphore, #tpu.memory_space<semaphore_mem>> -> memref<1x!tpu.dma_semaphore, #tpu.memory_space<semaphore_mem>>
    %dma_start3A_206 = tpu.memref_squeeze %dma_start3A_205 : memref<1x!tpu.dma_semaphore, #tpu.memory_space<semaphore_mem>> -> memref<!tpu.dma_semaphore, #tpu.memory_space<semaphore_mem>>
    %dma_start3A_207 = arith.constant 0 : i32
    %dma_start3A_208 = tpu.memref_slice %arg6[%add3A_196, %dma_start3A_207] : memref<320000x32xf32, #tpu.memory_space<hbm>> -> memref<128x32xf32, #tpu.memory_space<hbm>>
    %dma_start3A_209 = arith.constant 0 : i32
    %dma_start3A_210 = arith.constant 0 : i32
    %dma_start3A_211 = tpu.memref_slice %arg11[%dma_start3A_197, %dma_start3A_209, %dma_start3A_210] : memref<4x128x32xf32, #tpu.memory_space<vmem>> -> memref<1x128x32xf32, #tpu.memory_space<vmem>>
    %dma_start3A_212 = tpu.memref_squeeze %dma_start3A_211 : memref<1x128x32xf32, #tpu.memory_space<vmem>> -> memref<128x32xf32, #tpu.memory_space<vmem>>
    tpu.enqueue_dma source(%dma_start3A_212 : memref<128x32xf32, #tpu.memory_space<vmem>>) target(%dma_start3A_208 : memref<128x32xf32, #tpu.memory_space<hbm>>) target_semaphore(%dma_start3A_206 : memref<!tpu.dma_semaphore, #tpu.memory_space<semaphore_mem>>)
    %sub3A_213 = arith.constant 1 : i32
    %sub3A_214 = arith.subi %select_n3A_22, %sub3A_213 : i32
    %mul3A_215 = arith.constant 4 : i32
    %mul3A_216 = arith.muli %sub3A_214, %mul3A_215 : i32
    %add3A_217 = arith.constant 2 : i32
    %add3A_218 = arith.addi %mul3A_216, %add3A_217 : i32
    %mul3A_219 = arith.constant 128 : i32
    %mul3A_220 = arith.muli %add3A_218, %mul3A_219 : i32
    %add3A_221 = arith.addi %sub3A_27, %mul3A_220 : i32
    %dma_wait3A_222 = arith.constant 0 : i32
    %dma_wait3A_223 = arith.constant 2 : i32
    %dma_wait3A_224 = arith.constant 2 : i32
    %dma_wait3A_225 = arith.constant 0 : i32
    %dma_wait3A_226 = arith.constant 0 : i32
    %dma_wait3A_227 = tpu.memref_slice %arg11[%dma_wait3A_223, %dma_wait3A_225, %dma_wait3A_226] : memref<4x128x32xf32, #tpu.memory_space<vmem>> -> memref<1x128x32xf32, #tpu.memory_space<vmem>>
    %dma_wait3A_228 = tpu.memref_squeeze %dma_wait3A_227 : memref<1x128x32xf32, #tpu.memory_space<vmem>> -> memref<128x32xf32, #tpu.memory_space<vmem>>
    %dma_wait3A_229 = tpu.memref_slice %arg10[%add3A_221] : memref<10240xi32, #tpu.memory_space<vmem>> -> memref<128xi32, #tpu.memory_space<vmem>>
    %dma_wait3A_230 = arith.constant 0 : i32
    %dma_wait3A_231 = arith.constant 0 : i32
    %dma_wait3A_232 = tpu.memref_slice %arg8[%dma_wait3A_222, %dma_wait3A_230, %dma_wait3A_231] : memref<2x10000x32xf32, #tpu.memory_space<vmem_shared>> -> memref<1x10000x32xf32, #tpu.memory_space<vmem_shared>>
    %dma_wait3A_233 = tpu.memref_squeeze %dma_wait3A_232 : memref<1x10000x32xf32, #tpu.memory_space<vmem_shared>> -> memref<10000x32xf32, #tpu.memory_space<vmem_shared>>
    %dma_wait3A_234 = arith.constant 0 : i32
    %dma_wait3A_235 = arith.constant 0 : i32
    %dma_wait3A_236 = tpu.memref_slice %dma_wait3A_233[%dma_wait3A_234, %dma_wait3A_235] : memref<10000x32xf32, #tpu.memory_space<vmem_shared>> -> memref<10000x32xf32, #tpu.memory_space<vmem_shared>>
    %dma_wait3A_237 = tpu.memref_slice %arg12[%dma_wait3A_224] : memref<4x!tpu.dma_semaphore, #tpu.memory_space<semaphore_mem>> -> memref<1x!tpu.dma_semaphore, #tpu.memory_space<semaphore_mem>>
    %dma_wait3A_238 = tpu.memref_squeeze %dma_wait3A_237 : memref<1x!tpu.dma_semaphore, #tpu.memory_space<semaphore_mem>> -> memref<!tpu.dma_semaphore, #tpu.memory_space<semaphore_mem>>
    tpu.wait_indirect_dma semaphore(%dma_wait3A_238 : memref<!tpu.dma_semaphore, #tpu.memory_space<semaphore_mem>>) src(%dma_wait3A_236 : memref<10000x32xf32, #tpu.memory_space<vmem_shared>>) dst(%dma_wait3A_228 : memref<128x32xf32, #tpu.memory_space<vmem>>)
    %mul3A_239 = arith.constant 128 : i32
    %mul3A_240 = arith.muli %add3A_218, %mul3A_239 : i32
    %add3A_241 = arith.addi %mul3A_2, %mul3A_240 : i32
    %dma_start3A_242 = arith.constant 2 : i32
    %dma_start3A_243 = arith.constant 2 : i32
    %dma_start3A_244 = arith.constant 0 : i32
    %dma_start3A_245 = arith.constant 0 : i32
    %dma_start3A_246 = tpu.memref_slice %arg11[%dma_start3A_242, %dma_start3A_244, %dma_start3A_245] : memref<4x128x32xf32, #tpu.memory_space<vmem>> -> memref<1x128x32xf32, #tpu.memory_space<vmem>>
    %dma_start3A_247 = tpu.memref_squeeze %dma_start3A_246 : memref<1x128x32xf32, #tpu.memory_space<vmem>> -> memref<128x32xf32, #tpu.memory_space<vmem>>
    %dma_start3A_248 = arith.constant 0 : i32
    %dma_start3A_249 = tpu.memref_slice %arg6[%add3A_241, %dma_start3A_248] : memref<320000x32xf32, #tpu.memory_space<hbm>> -> memref<128x32xf32, #tpu.memory_space<hbm>>
    %dma_start3A_250 = tpu.memref_slice %arg13[%dma_start3A_243] : memref<4x!tpu.dma_semaphore, #tpu.memory_space<semaphore_mem>> -> memref<1x!tpu.dma_semaphore, #tpu.memory_space<semaphore_mem>>
    %dma_start3A_251 = tpu.memref_squeeze %dma_start3A_250 : memref<1x!tpu.dma_semaphore, #tpu.memory_space<semaphore_mem>> -> memref<!tpu.dma_semaphore, #tpu.memory_space<semaphore_mem>>
    %dma_start3A_252 = arith.constant 0 : i32
    %dma_start3A_253 = tpu.memref_slice %arg6[%add3A_241, %dma_start3A_252] : memref<320000x32xf32, #tpu.memory_space<hbm>> -> memref<128x32xf32, #tpu.memory_space<hbm>>
    %dma_start3A_254 = arith.constant 0 : i32
    %dma_start3A_255 = arith.constant 0 : i32
    %dma_start3A_256 = tpu.memref_slice %arg11[%dma_start3A_242, %dma_start3A_254, %dma_start3A_255] : memref<4x128x32xf32, #tpu.memory_space<vmem>> -> memref<1x128x32xf32, #tpu.memory_space<vmem>>
    %dma_start3A_257 = tpu.memref_squeeze %dma_start3A_256 : memref<1x128x32xf32, #tpu.memory_space<vmem>> -> memref<128x32xf32, #tpu.memory_space<vmem>>
    tpu.enqueue_dma source(%dma_start3A_257 : memref<128x32xf32, #tpu.memory_space<vmem>>) target(%dma_start3A_253 : memref<128x32xf32, #tpu.memory_space<hbm>>) target_semaphore(%dma_start3A_251 : memref<!tpu.dma_semaphore, #tpu.memory_space<semaphore_mem>>)
    %sub3A_258 = arith.constant 1 : i32
    %sub3A_259 = arith.subi %select_n3A_22, %sub3A_258 : i32
    %mul3A_260 = arith.constant 4 : i32
    %mul3A_261 = arith.muli %sub3A_259, %mul3A_260 : i32
    %add3A_262 = arith.constant 3 : i32
    %add3A_263 = arith.addi %mul3A_261, %add3A_262 : i32
    %mul3A_264 = arith.constant 128 : i32
    %mul3A_265 = arith.muli %add3A_263, %mul3A_264 : i32
    %add3A_266 = arith.addi %sub3A_27, %mul3A_265 : i32
    %dma_wait3A_267 = arith.constant 0 : i32
    %dma_wait3A_268 = arith.constant 3 : i32
    %dma_wait3A_269 = arith.constant 3 : i32
    %dma_wait3A_270 = arith.constant 0 : i32
    %dma_wait3A_271 = arith.constant 0 : i32
    %dma_wait3A_272 = tpu.memref_slice %arg11[%dma_wait3A_268, %dma_wait3A_270, %dma_wait3A_271] : memref<4x128x32xf32, #tpu.memory_space<vmem>> -> memref<1x128x32xf32, #tpu.memory_space<vmem>>
    %dma_wait3A_273 = tpu.memref_squeeze %dma_wait3A_272 : memref<1x128x32xf32, #tpu.memory_space<vmem>> -> memref<128x32xf32, #tpu.memory_space<vmem>>
    %dma_wait3A_274 = tpu.memref_slice %arg10[%add3A_266] : memref<10240xi32, #tpu.memory_space<vmem>> -> memref<128xi32, #tpu.memory_space<vmem>>
    %dma_wait3A_275 = arith.constant 0 : i32
    %dma_wait3A_276 = arith.constant 0 : i32
    %dma_wait3A_277 = tpu.memref_slice %arg8[%dma_wait3A_267, %dma_wait3A_275, %dma_wait3A_276] : memref<2x10000x32xf32, #tpu.memory_space<vmem_shared>> -> memref<1x10000x32xf32, #tpu.memory_space<vmem_shared>>
    %dma_wait3A_278 = tpu.memref_squeeze %dma_wait3A_277 : memref<1x10000x32xf32, #tpu.memory_space<vmem_shared>> -> memref<10000x32xf32, #tpu.memory_space<vmem_shared>>
    %dma_wait3A_279 = arith.constant 0 : i32
    %dma_wait3A_280 = arith.constant 0 : i32
    %dma_wait3A_281 = tpu.memref_slice %dma_wait3A_278[%dma_wait3A_279, %dma_wait3A_280] : memref<10000x32xf32, #tpu.memory_space<vmem_shared>> -> memref<10000x32xf32, #tpu.memory_space<vmem_shared>>
    %dma_wait3A_282 = tpu.memref_slice %arg12[%dma_wait3A_269] : memref<4x!tpu.dma_semaphore, #tpu.memory_space<semaphore_mem>> -> memref<1x!tpu.dma_semaphore, #tpu.memory_space<semaphore_mem>>
    %dma_wait3A_283 = tpu.memref_squeeze %dma_wait3A_282 : memref<1x!tpu.dma_semaphore, #tpu.memory_space<semaphore_mem>> -> memref<!tpu.dma_semaphore, #tpu.memory_space<semaphore_mem>>
    tpu.wait_indirect_dma semaphore(%dma_wait3A_283 : memref<!tpu.dma_semaphore, #tpu.memory_space<semaphore_mem>>) src(%dma_wait3A_281 : memref<10000x32xf32, #tpu.memory_space<vmem_shared>>) dst(%dma_wait3A_273 : memref<128x32xf32, #tpu.memory_space<vmem>>)
    %mul3A_284 = arith.constant 128 : i32
    %mul3A_285 = arith.muli %add3A_263, %mul3A_284 : i32
    %add3A_286 = arith.addi %mul3A_2, %mul3A_285 : i32
    %dma_start3A_287 = arith.constant 3 : i32
    %dma_start3A_288 = arith.constant 3 : i32
    %dma_start3A_289 = arith.constant 0 : i32
    %dma_start3A_290 = arith.constant 0 : i32
    %dma_start3A_291 = tpu.memref_slice %arg11[%dma_start3A_287, %dma_start3A_289, %dma_start3A_290] : memref<4x128x32xf32, #tpu.memory_space<vmem>> -> memref<1x128x32xf32, #tpu.memory_space<vmem>>
    %dma_start3A_292 = tpu.memref_squeeze %dma_start3A_291 : memref<1x128x32xf32, #tpu.memory_space<vmem>> -> memref<128x32xf32, #tpu.memory_space<vmem>>
    %dma_start3A_293 = arith.constant 0 : i32
    %dma_start3A_294 = tpu.memref_slice %arg6[%add3A_286, %dma_start3A_293] : memref<320000x32xf32, #tpu.memory_space<hbm>> -> memref<128x32xf32, #tpu.memory_space<hbm>>
    %dma_start3A_295 = tpu.memref_slice %arg13[%dma_start3A_288] : memref<4x!tpu.dma_semaphore, #tpu.memory_space<semaphore_mem>> -> memref<1x!tpu.dma_semaphore, #tpu.memory_space<semaphore_mem>>
    %dma_start3A_296 = tpu.memref_squeeze %dma_start3A_295 : memref<1x!tpu.dma_semaphore, #tpu.memory_space<semaphore_mem>> -> memref<!tpu.dma_semaphore, #tpu.memory_space<semaphore_mem>>
    %dma_start3A_297 = arith.constant 0 : i32
    %dma_start3A_298 = tpu.memref_slice %arg6[%add3A_286, %dma_start3A_297] : memref<320000x32xf32, #tpu.memory_space<hbm>> -> memref<128x32xf32, #tpu.memory_space<hbm>>
    %dma_start3A_299 = arith.constant 0 : i32
    %dma_start3A_300 = arith.constant 0 : i32
    %dma_start3A_301 = tpu.memref_slice %arg11[%dma_start3A_287, %dma_start3A_299, %dma_start3A_300] : memref<4x128x32xf32, #tpu.memory_space<vmem>> -> memref<1x128x32xf32, #tpu.memory_space<vmem>>
    %dma_start3A_302 = tpu.memref_squeeze %dma_start3A_301 : memref<1x128x32xf32, #tpu.memory_space<vmem>> -> memref<128x32xf32, #tpu.memory_space<vmem>>
    tpu.enqueue_dma source(%dma_start3A_302 : memref<128x32xf32, #tpu.memory_space<vmem>>) target(%dma_start3A_298 : memref<128x32xf32, #tpu.memory_space<hbm>>) target_semaphore(%dma_start3A_296 : memref<!tpu.dma_semaphore, #tpu.memory_space<semaphore_mem>>)
    %sub3A_303 = arith.constant 1 : i32
    %sub3A_304 = arith.subi %select_n3A_22, %sub3A_303 : i32
    %mul3A_305 = arith.constant 4 : i32
    %mul3A_306 = arith.muli %sub3A_304, %mul3A_305 : i32
    %add3A_307 = arith.constant 0 : i32
    %add3A_308 = arith.addi %mul3A_306, %add3A_307 : i32
    %mul3A_309 = arith.constant 128 : i32
    %mul3A_310 = arith.muli %add3A_308, %mul3A_309 : i32
    %add3A_311 = arith.addi %mul3A_2, %mul3A_310 : i32
    %dma_wait3A_312 = arith.constant 0 : i32
    %dma_wait3A_313 = arith.constant 0 : i32
    %dma_wait3A_314 = arith.constant 0 : i32
    %dma_wait3A_315 = arith.constant 0 : i32
    %dma_wait3A_316 = tpu.memref_slice %arg11[%dma_wait3A_312, %dma_wait3A_314, %dma_wait3A_315] : memref<4x128x32xf32, #tpu.memory_space<vmem>> -> memref<1x128x32xf32, #tpu.memory_space<vmem>>
    %dma_wait3A_317 = tpu.memref_squeeze %dma_wait3A_316 : memref<1x128x32xf32, #tpu.memory_space<vmem>> -> memref<128x32xf32, #tpu.memory_space<vmem>>
    %dma_wait3A_318 = arith.constant 0 : i32
    %dma_wait3A_319 = tpu.memref_slice %arg6[%add3A_311, %dma_wait3A_318] : memref<320000x32xf32, #tpu.memory_space<hbm>> -> memref<128x32xf32, #tpu.memory_space<hbm>>
    %dma_wait3A_320 = tpu.memref_slice %arg13[%dma_wait3A_313] : memref<4x!tpu.dma_semaphore, #tpu.memory_space<semaphore_mem>> -> memref<1x!tpu.dma_semaphore, #tpu.memory_space<semaphore_mem>>
    %dma_wait3A_321 = tpu.memref_squeeze %dma_wait3A_320 : memref<1x!tpu.dma_semaphore, #tpu.memory_space<semaphore_mem>> -> memref<!tpu.dma_semaphore, #tpu.memory_space<semaphore_mem>>
    %dma_wait3A_322 = arith.constant 0 : i32
    %dma_wait3A_323 = tpu.memref_slice %arg6[%add3A_311, %dma_wait3A_322] : memref<320000x32xf32, #tpu.memory_space<hbm>> -> memref<128x32xf32, #tpu.memory_space<hbm>>
    %dma_wait3A_324 = arith.constant 0 : i32
    %dma_wait3A_325 = arith.constant 0 : i32
    %dma_wait3A_326 = tpu.memref_slice %arg11[%dma_wait3A_312, %dma_wait3A_324, %dma_wait3A_325] : memref<4x128x32xf32, #tpu.memory_space<vmem>> -> memref<1x128x32xf32, #tpu.memory_space<vmem>>
    %dma_wait3A_327 = tpu.memref_squeeze %dma_wait3A_326 : memref<1x128x32xf32, #tpu.memory_space<vmem>> -> memref<128x32xf32, #tpu.memory_space<vmem>>
    tpu.wait_dma2 semaphore(%dma_wait3A_321 : memref<!tpu.dma_semaphore, #tpu.memory_space<semaphore_mem>>) src(%dma_wait3A_327 : memref<128x32xf32, #tpu.memory_space<vmem>>) dst(%dma_wait3A_323 : memref<128x32xf32, #tpu.memory_space<hbm>>)
    %sub3A_328 = arith.constant 1 : i32
    %sub3A_329 = arith.subi %select_n3A_22, %sub3A_328 : i32
    %mul3A_330 = arith.constant 4 : i32
    %mul3A_331 = arith.muli %sub3A_329, %mul3A_330 : i32
    %add3A_332 = arith.constant 1 : i32
    %add3A_333 = arith.addi %mul3A_331, %add3A_332 : i32
    %mul3A_334 = arith.constant 128 : i32
    %mul3A_335 = arith.muli %add3A_333, %mul3A_334 : i32
    %add3A_336 = arith.addi %mul3A_2, %mul3A_335 : i32
    %dma_wait3A_337 = arith.constant 1 : i32
    %dma_wait3A_338 = arith.constant 1 : i32
    %dma_wait3A_339 = arith.constant 0 : i32
    %dma_wait3A_340 = arith.constant 0 : i32
    %dma_wait3A_341 = tpu.memref_slice %arg11[%dma_wait3A_337, %dma_wait3A_339, %dma_wait3A_340] : memref<4x128x32xf32, #tpu.memory_space<vmem>> -> memref<1x128x32xf32, #tpu.memory_space<vmem>>
    %dma_wait3A_342 = tpu.memref_squeeze %dma_wait3A_341 : memref<1x128x32xf32, #tpu.memory_space<vmem>> -> memref<128x32xf32, #tpu.memory_space<vmem>>
    %dma_wait3A_343 = arith.constant 0 : i32
    %dma_wait3A_344 = tpu.memref_slice %arg6[%add3A_336, %dma_wait3A_343] : memref<320000x32xf32, #tpu.memory_space<hbm>> -> memref<128x32xf32, #tpu.memory_space<hbm>>
    %dma_wait3A_345 = tpu.memref_slice %arg13[%dma_wait3A_338] : memref<4x!tpu.dma_semaphore, #tpu.memory_space<semaphore_mem>> -> memref<1x!tpu.dma_semaphore, #tpu.memory_space<semaphore_mem>>
    %dma_wait3A_346 = tpu.memref_squeeze %dma_wait3A_345 : memref<1x!tpu.dma_semaphore, #tpu.memory_space<semaphore_mem>> -> memref<!tpu.dma_semaphore, #tpu.memory_space<semaphore_mem>>
    %dma_wait3A_347 = arith.constant 0 : i32
    %dma_wait3A_348 = tpu.memref_slice %arg6[%add3A_336, %dma_wait3A_347] : memref<320000x32xf32, #tpu.memory_space<hbm>> -> memref<128x32xf32, #tpu.memory_space<hbm>>
    %dma_wait3A_349 = arith.constant 0 : i32
    %dma_wait3A_350 = arith.constant 0 : i32
    %dma_wait3A_351 = tpu.memref_slice %arg11[%dma_wait3A_337, %dma_wait3A_349, %dma_wait3A_350] : memref<4x128x32xf32, #tpu.memory_space<vmem>> -> memref<1x128x32xf32, #tpu.memory_space<vmem>>
    %dma_wait3A_352 = tpu.memref_squeeze %dma_wait3A_351 : memref<1x128x32xf32, #tpu.memory_space<vmem>> -> memref<128x32xf32, #tpu.memory_space<vmem>>
    tpu.wait_dma2 semaphore(%dma_wait3A_346 : memref<!tpu.dma_semaphore, #tpu.memory_space<semaphore_mem>>) src(%dma_wait3A_352 : memref<128x32xf32, #tpu.memory_space<vmem>>) dst(%dma_wait3A_348 : memref<128x32xf32, #tpu.memory_space<hbm>>)
    %sub3A_353 = arith.constant 1 : i32
    %sub3A_354 = arith.subi %select_n3A_22, %sub3A_353 : i32
    %mul3A_355 = arith.constant 4 : i32
    %mul3A_356 = arith.muli %sub3A_354, %mul3A_355 : i32
    %add3A_357 = arith.constant 2 : i32
    %add3A_358 = arith.addi %mul3A_356, %add3A_357 : i32
    %mul3A_359 = arith.constant 128 : i32
    %mul3A_360 = arith.muli %add3A_358, %mul3A_359 : i32
    %add3A_361 = arith.addi %mul3A_2, %mul3A_360 : i32
    %dma_wait3A_362 = arith.constant 2 : i32
    %dma_wait3A_363 = arith.constant 2 : i32
    %dma_wait3A_364 = arith.constant 0 : i32
    %dma_wait3A_365 = arith.constant 0 : i32
    %dma_wait3A_366 = tpu.memref_slice %arg11[%dma_wait3A_362, %dma_wait3A_364, %dma_wait3A_365] : memref<4x128x32xf32, #tpu.memory_space<vmem>> -> memref<1x128x32xf32, #tpu.memory_space<vmem>>
    %dma_wait3A_367 = tpu.memref_squeeze %dma_wait3A_366 : memref<1x128x32xf32, #tpu.memory_space<vmem>> -> memref<128x32xf32, #tpu.memory_space<vmem>>
    %dma_wait3A_368 = arith.constant 0 : i32
    %dma_wait3A_369 = tpu.memref_slice %arg6[%add3A_361, %dma_wait3A_368] : memref<320000x32xf32, #tpu.memory_space<hbm>> -> memref<128x32xf32, #tpu.memory_space<hbm>>
    %dma_wait3A_370 = tpu.memref_slice %arg13[%dma_wait3A_363] : memref<4x!tpu.dma_semaphore, #tpu.memory_space<semaphore_mem>> -> memref<1x!tpu.dma_semaphore, #tpu.memory_space<semaphore_mem>>
    %dma_wait3A_371 = tpu.memref_squeeze %dma_wait3A_370 : memref<1x!tpu.dma_semaphore, #tpu.memory_space<semaphore_mem>> -> memref<!tpu.dma_semaphore, #tpu.memory_space<semaphore_mem>>
    %dma_wait3A_372 = arith.constant 0 : i32
    %dma_wait3A_373 = tpu.memref_slice %arg6[%add3A_361, %dma_wait3A_372] : memref<320000x32xf32, #tpu.memory_space<hbm>> -> memref<128x32xf32, #tpu.memory_space<hbm>>
    %dma_wait3A_374 = arith.constant 0 : i32
    %dma_wait3A_375 = arith.constant 0 : i32
    %dma_wait3A_376 = tpu.memref_slice %arg11[%dma_wait3A_362, %dma_wait3A_374, %dma_wait3A_375] : memref<4x128x32xf32, #tpu.memory_space<vmem>> -> memref<1x128x32xf32, #tpu.memory_space<vmem>>
    %dma_wait3A_377 = tpu.memref_squeeze %dma_wait3A_376 : memref<1x128x32xf32, #tpu.memory_space<vmem>> -> memref<128x32xf32, #tpu.memory_space<vmem>>
    tpu.wait_dma2 semaphore(%dma_wait3A_371 : memref<!tpu.dma_semaphore, #tpu.memory_space<semaphore_mem>>) src(%dma_wait3A_377 : memref<128x32xf32, #tpu.memory_space<vmem>>) dst(%dma_wait3A_373 : memref<128x32xf32, #tpu.memory_space<hbm>>)
    %sub3A_378 = arith.constant 1 : i32
    %sub3A_379 = arith.subi %select_n3A_22, %sub3A_378 : i32
    %mul3A_380 = arith.constant 4 : i32
    %mul3A_381 = arith.muli %sub3A_379, %mul3A_380 : i32
    %add3A_382 = arith.constant 3 : i32
    %add3A_383 = arith.addi %mul3A_381, %add3A_382 : i32
    %mul3A_384 = arith.constant 128 : i32
    %mul3A_385 = arith.muli %add3A_383, %mul3A_384 : i32
    %add3A_386 = arith.addi %mul3A_2, %mul3A_385 : i32
    %dma_wait3A_387 = arith.constant 3 : i32
    %dma_wait3A_388 = arith.constant 3 : i32
    %dma_wait3A_389 = arith.constant 0 : i32
    %dma_wait3A_390 = arith.constant 0 : i32
    %dma_wait3A_391 = tpu.memref_slice %arg11[%dma_wait3A_387, %dma_wait3A_389, %dma_wait3A_390] : memref<4x128x32xf32, #tpu.memory_space<vmem>> -> memref<1x128x32xf32, #tpu.memory_space<vmem>>
    %dma_wait3A_392 = tpu.memref_squeeze %dma_wait3A_391 : memref<1x128x32xf32, #tpu.memory_space<vmem>> -> memref<128x32xf32, #tpu.memory_space<vmem>>
    %dma_wait3A_393 = arith.constant 0 : i32
    %dma_wait3A_394 = tpu.memref_slice %arg6[%add3A_386, %dma_wait3A_393] : memref<320000x32xf32, #tpu.memory_space<hbm>> -> memref<128x32xf32, #tpu.memory_space<hbm>>
    %dma_wait3A_395 = tpu.memref_slice %arg13[%dma_wait3A_388] : memref<4x!tpu.dma_semaphore, #tpu.memory_space<semaphore_mem>> -> memref<1x!tpu.dma_semaphore, #tpu.memory_space<semaphore_mem>>
    %dma_wait3A_396 = tpu.memref_squeeze %dma_wait3A_395 : memref<1x!tpu.dma_semaphore, #tpu.memory_space<semaphore_mem>> -> memref<!tpu.dma_semaphore, #tpu.memory_space<semaphore_mem>>
    %dma_wait3A_397 = arith.constant 0 : i32
    %dma_wait3A_398 = tpu.memref_slice %arg6[%add3A_386, %dma_wait3A_397] : memref<320000x32xf32, #tpu.memory_space<hbm>> -> memref<128x32xf32, #tpu.memory_space<hbm>>
    %dma_wait3A_399 = arith.constant 0 : i32
    %dma_wait3A_400 = arith.constant 0 : i32
    %dma_wait3A_401 = tpu.memref_slice %arg11[%dma_wait3A_387, %dma_wait3A_399, %dma_wait3A_400] : memref<4x128x32xf32, #tpu.memory_space<vmem>> -> memref<1x128x32xf32, #tpu.memory_space<vmem>>
    %dma_wait3A_402 = tpu.memref_squeeze %dma_wait3A_401 : memref<1x128x32xf32, #tpu.memory_space<vmem>> -> memref<128x32xf32, #tpu.memory_space<vmem>>
    tpu.wait_dma2 semaphore(%dma_wait3A_396 : memref<!tpu.dma_semaphore, #tpu.memory_space<semaphore_mem>>) src(%dma_wait3A_402 : memref<128x32xf32, #tpu.memory_space<vmem>>) dst(%dma_wait3A_398 : memref<128x32xf32, #tpu.memory_space<hbm>>)
    "tpu.region"() ({
      %run_scoped3A_772 = tpu.sem_alloc : memref<!tpu.dma_semaphore, #tpu.memory_space<semaphore_mem>>
      %dma_start3A_773 = tpu.memref_slice %arg5[%select_n3A_26] : memref<320000xi32, #tpu.memory_space<hbm>> -> memref<10240xi32, #tpu.memory_space<hbm>>
      %dma_start3A_774 = tpu.memref_slice %arg5[%select_n3A_26] : memref<320000xi32, #tpu.memory_space<hbm>> -> memref<10240xi32, #tpu.memory_space<hbm>>
      tpu.enqueue_dma source(%dma_start3A_774 : memref<10240xi32, #tpu.memory_space<hbm>>) target(%arg10 : memref<10240xi32, #tpu.memory_space<vmem>>) target_semaphore(%run_scoped3A_772 : memref<!tpu.dma_semaphore, #tpu.memory_space<semaphore_mem>>)
      %dma_wait3A_775 = tpu.memref_slice %arg5[%select_n3A_26] : memref<320000xi32, #tpu.memory_space<hbm>> -> memref<10240xi32, #tpu.memory_space<hbm>>
      %dma_wait3A_776 = tpu.memref_slice %arg5[%select_n3A_26] : memref<320000xi32, #tpu.memory_space<hbm>> -> memref<10240xi32, #tpu.memory_space<hbm>>
      tpu.wait_dma2 semaphore(%run_scoped3A_772 : memref<!tpu.dma_semaphore, #tpu.memory_space<semaphore_mem>>) src(%dma_wait3A_776 : memref<10240xi32, #tpu.memory_space<hbm>>) dst(%arg10 : memref<10240xi32, #tpu.memory_space<vmem>>)
      tpu.yield
    }) : () -> ()
    %add3A_403 = arith.constant 0 : i32
    %add3A_404 = arith.addi %sub3A_27, %add3A_403 : i32
    %dma_start3A_405 = arith.constant 1 : i32
    %dma_start3A_406 = arith.constant 0 : i32
    %dma_start3A_407 = arith.constant 0 : i32
    %dma_start3A_408 = arith.constant 0 : i32
    %dma_start3A_409 = arith.constant 0 : i32
    %dma_start3A_410 = tpu.memref_slice %arg11[%dma_start3A_406, %dma_start3A_408, %dma_start3A_409] : memref<4x128x32xf32, #tpu.memory_space<vmem>> -> memref<1x128x32xf32, #tpu.memory_space<vmem>>
    %dma_start3A_411 = tpu.memref_squeeze %dma_start3A_410 : memref<1x128x32xf32, #tpu.memory_space<vmem>> -> memref<128x32xf32, #tpu.memory_space<vmem>>
    %dma_start3A_412 = tpu.memref_slice %arg10[%add3A_404] : memref<10240xi32, #tpu.memory_space<vmem>> -> memref<128xi32, #tpu.memory_space<vmem>>
    %dma_start3A_413 = arith.constant 0 : i32
    %dma_start3A_414 = arith.constant 0 : i32
    %dma_start3A_415 = tpu.memref_slice %arg8[%dma_start3A_405, %dma_start3A_413, %dma_start3A_414] : memref<2x10000x32xf32, #tpu.memory_space<vmem_shared>> -> memref<1x10000x32xf32, #tpu.memory_space<vmem_shared>>
    %dma_start3A_416 = tpu.memref_squeeze %dma_start3A_415 : memref<1x10000x32xf32, #tpu.memory_space<vmem_shared>> -> memref<10000x32xf32, #tpu.memory_space<vmem_shared>>
    %dma_start3A_417 = arith.constant 0 : i32
    %dma_start3A_418 = arith.constant 0 : i32
    %dma_start3A_419 = tpu.memref_slice %dma_start3A_416[%dma_start3A_417, %dma_start3A_418] : memref<10000x32xf32, #tpu.memory_space<vmem_shared>> -> memref<10000x32xf32, #tpu.memory_space<vmem_shared>>
    %dma_start3A_420 = tpu.memref_slice %arg12[%dma_start3A_407] : memref<4x!tpu.dma_semaphore, #tpu.memory_space<semaphore_mem>> -> memref<1x!tpu.dma_semaphore, #tpu.memory_space<semaphore_mem>>
    %dma_start3A_421 = tpu.memref_squeeze %dma_start3A_420 : memref<1x!tpu.dma_semaphore, #tpu.memory_space<semaphore_mem>> -> memref<!tpu.dma_semaphore, #tpu.memory_space<semaphore_mem>>
    tpu.enqueue_indirect_dma source(%dma_start3A_419 : memref<10000x32xf32, #tpu.memory_space<vmem_shared>>) target(%dma_start3A_411 : memref<128x32xf32, #tpu.memory_space<vmem>>) offsets(%dma_start3A_412 : memref<128xi32, #tpu.memory_space<vmem>>) semaphore(%dma_start3A_421 : memref<!tpu.dma_semaphore, #tpu.memory_space<semaphore_mem>>)
    %add3A_422 = arith.constant 128 : i32
    %add3A_423 = arith.addi %sub3A_27, %add3A_422 : i32
    %dma_start3A_424 = arith.constant 1 : i32
    %dma_start3A_425 = arith.constant 1 : i32
    %dma_start3A_426 = arith.constant 1 : i32
    %dma_start3A_427 = arith.constant 0 : i32
    %dma_start3A_428 = arith.constant 0 : i32
    %dma_start3A_429 = tpu.memref_slice %arg11[%dma_start3A_425, %dma_start3A_427, %dma_start3A_428] : memref<4x128x32xf32, #tpu.memory_space<vmem>> -> memref<1x128x32xf32, #tpu.memory_space<vmem>>
    %dma_start3A_430 = tpu.memref_squeeze %dma_start3A_429 : memref<1x128x32xf32, #tpu.memory_space<vmem>> -> memref<128x32xf32, #tpu.memory_space<vmem>>
    %dma_start3A_431 = tpu.memref_slice %arg10[%add3A_423] : memref<10240xi32, #tpu.memory_space<vmem>> -> memref<128xi32, #tpu.memory_space<vmem>>
    %dma_start3A_432 = arith.constant 0 : i32
    %dma_start3A_433 = arith.constant 0 : i32
    %dma_start3A_434 = tpu.memref_slice %arg8[%dma_start3A_424, %dma_start3A_432, %dma_start3A_433] : memref<2x10000x32xf32, #tpu.memory_space<vmem_shared>> -> memref<1x10000x32xf32, #tpu.memory_space<vmem_shared>>
    %dma_start3A_435 = tpu.memref_squeeze %dma_start3A_434 : memref<1x10000x32xf32, #tpu.memory_space<vmem_shared>> -> memref<10000x32xf32, #tpu.memory_space<vmem_shared>>
    %dma_start3A_436 = arith.constant 0 : i32
    %dma_start3A_437 = arith.constant 0 : i32
    %dma_start3A_438 = tpu.memref_slice %dma_start3A_435[%dma_start3A_436, %dma_start3A_437] : memref<10000x32xf32, #tpu.memory_space<vmem_shared>> -> memref<10000x32xf32, #tpu.memory_space<vmem_shared>>
    %dma_start3A_439 = tpu.memref_slice %arg12[%dma_start3A_426] : memref<4x!tpu.dma_semaphore, #tpu.memory_space<semaphore_mem>> -> memref<1x!tpu.dma_semaphore, #tpu.memory_space<semaphore_mem>>
    %dma_start3A_440 = tpu.memref_squeeze %dma_start3A_439 : memref<1x!tpu.dma_semaphore, #tpu.memory_space<semaphore_mem>> -> memref<!tpu.dma_semaphore, #tpu.memory_space<semaphore_mem>>
    tpu.enqueue_indirect_dma source(%dma_start3A_438 : memref<10000x32xf32, #tpu.memory_space<vmem_shared>>) target(%dma_start3A_430 : memref<128x32xf32, #tpu.memory_space<vmem>>) offsets(%dma_start3A_431 : memref<128xi32, #tpu.memory_space<vmem>>) semaphore(%dma_start3A_440 : memref<!tpu.dma_semaphore, #tpu.memory_space<semaphore_mem>>)
    %add3A_441 = arith.constant 256 : i32
    %add3A_442 = arith.addi %sub3A_27, %add3A_441 : i32
    %dma_start3A_443 = arith.constant 1 : i32
    %dma_start3A_444 = arith.constant 2 : i32
    %dma_start3A_445 = arith.constant 2 : i32
    %dma_start3A_446 = arith.constant 0 : i32
    %dma_start3A_447 = arith.constant 0 : i32
    %dma_start3A_448 = tpu.memref_slice %arg11[%dma_start3A_444, %dma_start3A_446, %dma_start3A_447] : memref<4x128x32xf32, #tpu.memory_space<vmem>> -> memref<1x128x32xf32, #tpu.memory_space<vmem>>
    %dma_start3A_449 = tpu.memref_squeeze %dma_start3A_448 : memref<1x128x32xf32, #tpu.memory_space<vmem>> -> memref<128x32xf32, #tpu.memory_space<vmem>>
    %dma_start3A_450 = tpu.memref_slice %arg10[%add3A_442] : memref<10240xi32, #tpu.memory_space<vmem>> -> memref<128xi32, #tpu.memory_space<vmem>>
    %dma_start3A_451 = arith.constant 0 : i32
    %dma_start3A_452 = arith.constant 0 : i32
    %dma_start3A_453 = tpu.memref_slice %arg8[%dma_start3A_443, %dma_start3A_451, %dma_start3A_452] : memref<2x10000x32xf32, #tpu.memory_space<vmem_shared>> -> memref<1x10000x32xf32, #tpu.memory_space<vmem_shared>>
    %dma_start3A_454 = tpu.memref_squeeze %dma_start3A_453 : memref<1x10000x32xf32, #tpu.memory_space<vmem_shared>> -> memref<10000x32xf32, #tpu.memory_space<vmem_shared>>
    %dma_start3A_455 = arith.constant 0 : i32
    %dma_start3A_456 = arith.constant 0 : i32
    %dma_start3A_457 = tpu.memref_slice %dma_start3A_454[%dma_start3A_455, %dma_start3A_456] : memref<10000x32xf32, #tpu.memory_space<vmem_shared>> -> memref<10000x32xf32, #tpu.memory_space<vmem_shared>>
    %dma_start3A_458 = tpu.memref_slice %arg12[%dma_start3A_445] : memref<4x!tpu.dma_semaphore, #tpu.memory_space<semaphore_mem>> -> memref<1x!tpu.dma_semaphore, #tpu.memory_space<semaphore_mem>>
    %dma_start3A_459 = tpu.memref_squeeze %dma_start3A_458 : memref<1x!tpu.dma_semaphore, #tpu.memory_space<semaphore_mem>> -> memref<!tpu.dma_semaphore, #tpu.memory_space<semaphore_mem>>
    tpu.enqueue_indirect_dma source(%dma_start3A_457 : memref<10000x32xf32, #tpu.memory_space<vmem_shared>>) target(%dma_start3A_449 : memref<128x32xf32, #tpu.memory_space<vmem>>) offsets(%dma_start3A_450 : memref<128xi32, #tpu.memory_space<vmem>>) semaphore(%dma_start3A_459 : memref<!tpu.dma_semaphore, #tpu.memory_space<semaphore_mem>>)
    %add3A_460 = arith.constant 384 : i32
    %add3A_461 = arith.addi %sub3A_27, %add3A_460 : i32
    %dma_start3A_462 = arith.constant 1 : i32
    %dma_start3A_463 = arith.constant 3 : i32
    %dma_start3A_464 = arith.constant 3 : i32
    %dma_start3A_465 = arith.constant 0 : i32
    %dma_start3A_466 = arith.constant 0 : i32
    %dma_start3A_467 = tpu.memref_slice %arg11[%dma_start3A_463, %dma_start3A_465, %dma_start3A_466] : memref<4x128x32xf32, #tpu.memory_space<vmem>> -> memref<1x128x32xf32, #tpu.memory_space<vmem>>
    %dma_start3A_468 = tpu.memref_squeeze %dma_start3A_467 : memref<1x128x32xf32, #tpu.memory_space<vmem>> -> memref<128x32xf32, #tpu.memory_space<vmem>>
    %dma_start3A_469 = tpu.memref_slice %arg10[%add3A_461] : memref<10240xi32, #tpu.memory_space<vmem>> -> memref<128xi32, #tpu.memory_space<vmem>>
    %dma_start3A_470 = arith.constant 0 : i32
    %dma_start3A_471 = arith.constant 0 : i32
    %dma_start3A_472 = tpu.memref_slice %arg8[%dma_start3A_462, %dma_start3A_470, %dma_start3A_471] : memref<2x10000x32xf32, #tpu.memory_space<vmem_shared>> -> memref<1x10000x32xf32, #tpu.memory_space<vmem_shared>>
    %dma_start3A_473 = tpu.memref_squeeze %dma_start3A_472 : memref<1x10000x32xf32, #tpu.memory_space<vmem_shared>> -> memref<10000x32xf32, #tpu.memory_space<vmem_shared>>
    %dma_start3A_474 = arith.constant 0 : i32
    %dma_start3A_475 = arith.constant 0 : i32
    %dma_start3A_476 = tpu.memref_slice %dma_start3A_473[%dma_start3A_474, %dma_start3A_475] : memref<10000x32xf32, #tpu.memory_space<vmem_shared>> -> memref<10000x32xf32, #tpu.memory_space<vmem_shared>>
    %dma_start3A_477 = tpu.memref_slice %arg12[%dma_start3A_464] : memref<4x!tpu.dma_semaphore, #tpu.memory_space<semaphore_mem>> -> memref<1x!tpu.dma_semaphore, #tpu.memory_space<semaphore_mem>>
    %dma_start3A_478 = tpu.memref_squeeze %dma_start3A_477 : memref<1x!tpu.dma_semaphore, #tpu.memory_space<semaphore_mem>> -> memref<!tpu.dma_semaphore, #tpu.memory_space<semaphore_mem>>
    tpu.enqueue_indirect_dma source(%dma_start3A_476 : memref<10000x32xf32, #tpu.memory_space<vmem_shared>>) target(%dma_start3A_468 : memref<128x32xf32, #tpu.memory_space<vmem>>) offsets(%dma_start3A_469 : memref<128xi32, #tpu.memory_space<vmem>>) semaphore(%dma_start3A_478 : memref<!tpu.dma_semaphore, #tpu.memory_space<semaphore_mem>>)
    %sub3A_479 = arith.constant 1 : i32
    %sub3A_480 = arith.subi %select_n3A_22, %sub3A_479 : i32
    %while3A_481 = arith.constant 0 : i32
    %while3A_482 = arith.constant 1 : i32
    %while3A_483 = arith.constant 0 : i32
    %while3A_484 = arith.subi %sub3A_480, %while3A_483 : i32
    %while3A_485 = arith.addi %while3A_483, %while3A_484 : i32
    %while3A_486 = arith.constant 1 : i32
    %while3A_487 = arith.divsi %while3A_484, %while3A_486 : i32
    %while3A_488 = arith.muli %while3A_487, %while3A_486 : i32
    %while3A_489 = arith.addi %while3A_483, %while3A_488 : i32
    %while3A_490 = arith.constant 1 : i32
    scf.for %while3A_772 = %while3A_483 to %while3A_489 step %while3A_490  : i32 {
      %mul3A_773 = arith.constant 4 : i32
      %mul3A_774 = arith.muli %while3A_772, %mul3A_773 : i32
      %add3A_775 = arith.constant 0 : i32
      %add3A_776 = arith.addi %mul3A_774, %add3A_775 : i32
      %mul3A_777 = arith.constant 128 : i32
      %mul3A_778 = arith.muli %add3A_776, %mul3A_777 : i32
      %add3A_779 = arith.addi %mul3A_2, %mul3A_778 : i32
      %mul3A_780 = arith.constant 128 : i32
      %mul3A_781 = arith.muli %add3A_776, %mul3A_780 : i32
      %add3A_782 = arith.addi %sub3A_27, %mul3A_781 : i32
      %dma_wait3A_783 = arith.constant 0 : i32
      %dma_wait3A_784 = arith.constant 0 : i32
      %dma_wait3A_785 = arith.constant 0 : i32
      %dma_wait3A_786 = arith.constant 0 : i32
      %dma_wait3A_787 = tpu.memref_slice %arg11[%dma_wait3A_783, %dma_wait3A_785, %dma_wait3A_786] : memref<4x128x32xf32, #tpu.memory_space<vmem>> -> memref<1x128x32xf32, #tpu.memory_space<vmem>>
      %dma_wait3A_788 = tpu.memref_squeeze %dma_wait3A_787 : memref<1x128x32xf32, #tpu.memory_space<vmem>> -> memref<128x32xf32, #tpu.memory_space<vmem>>
      %dma_wait3A_789 = tpu.memref_slice %arg10[%add3A_782] : memref<10240xi32, #tpu.memory_space<vmem>> -> memref<128xi32, #tpu.memory_space<vmem>>
      %dma_wait3A_790 = arith.constant 0 : i32
      %dma_wait3A_791 = arith.constant 0 : i32
      %dma_wait3A_792 = tpu.memref_slice %arg8[%while3A_482, %dma_wait3A_790, %dma_wait3A_791] : memref<2x10000x32xf32, #tpu.memory_space<vmem_shared>> -> memref<1x10000x32xf32, #tpu.memory_space<vmem_shared>>
      %dma_wait3A_793 = tpu.memref_squeeze %dma_wait3A_792 : memref<1x10000x32xf32, #tpu.memory_space<vmem_shared>> -> memref<10000x32xf32, #tpu.memory_space<vmem_shared>>
      %dma_wait3A_794 = arith.constant 0 : i32
      %dma_wait3A_795 = arith.constant 0 : i32
      %dma_wait3A_796 = tpu.memref_slice %dma_wait3A_793[%dma_wait3A_794, %dma_wait3A_795] : memref<10000x32xf32, #tpu.memory_space<vmem_shared>> -> memref<10000x32xf32, #tpu.memory_space<vmem_shared>>
      %dma_wait3A_797 = tpu.memref_slice %arg12[%dma_wait3A_784] : memref<4x!tpu.dma_semaphore, #tpu.memory_space<semaphore_mem>> -> memref<1x!tpu.dma_semaphore, #tpu.memory_space<semaphore_mem>>
      %dma_wait3A_798 = tpu.memref_squeeze %dma_wait3A_797 : memref<1x!tpu.dma_semaphore, #tpu.memory_space<semaphore_mem>> -> memref<!tpu.dma_semaphore, #tpu.memory_space<semaphore_mem>>
      tpu.wait_indirect_dma semaphore(%dma_wait3A_798 : memref<!tpu.dma_semaphore, #tpu.memory_space<semaphore_mem>>) src(%dma_wait3A_796 : memref<10000x32xf32, #tpu.memory_space<vmem_shared>>) dst(%dma_wait3A_788 : memref<128x32xf32, #tpu.memory_space<vmem>>)
      %dma_start3A_799 = arith.constant 0 : i32
      %dma_start3A_800 = arith.constant 0 : i32
      %dma_start3A_801 = arith.constant 0 : i32
      %dma_start3A_802 = arith.constant 0 : i32
      %dma_start3A_803 = tpu.memref_slice %arg11[%dma_start3A_799, %dma_start3A_801, %dma_start3A_802] : memref<4x128x32xf32, #tpu.memory_space<vmem>> -> memref<1x128x32xf32, #tpu.memory_space<vmem>>
      %dma_start3A_804 = tpu.memref_squeeze %dma_start3A_803 : memref<1x128x32xf32, #tpu.memory_space<vmem>> -> memref<128x32xf32, #tpu.memory_space<vmem>>
      %dma_start3A_805 = arith.constant 0 : i32
      %dma_start3A_806 = tpu.memref_slice %arg7[%add3A_779, %dma_start3A_805] : memref<320000x32xf32, #tpu.memory_space<hbm>> -> memref<128x32xf32, #tpu.memory_space<hbm>>
      %dma_start3A_807 = tpu.memref_slice %arg13[%dma_start3A_800] : memref<4x!tpu.dma_semaphore, #tpu.memory_space<semaphore_mem>> -> memref<1x!tpu.dma_semaphore, #tpu.memory_space<semaphore_mem>>
      %dma_start3A_808 = tpu.memref_squeeze %dma_start3A_807 : memref<1x!tpu.dma_semaphore, #tpu.memory_space<semaphore_mem>> -> memref<!tpu.dma_semaphore, #tpu.memory_space<semaphore_mem>>
      %dma_start3A_809 = arith.constant 0 : i32
      %dma_start3A_810 = tpu.memref_slice %arg7[%add3A_779, %dma_start3A_809] : memref<320000x32xf32, #tpu.memory_space<hbm>> -> memref<128x32xf32, #tpu.memory_space<hbm>>
      %dma_start3A_811 = arith.constant 0 : i32
      %dma_start3A_812 = arith.constant 0 : i32
      %dma_start3A_813 = tpu.memref_slice %arg11[%dma_start3A_799, %dma_start3A_811, %dma_start3A_812] : memref<4x128x32xf32, #tpu.memory_space<vmem>> -> memref<1x128x32xf32, #tpu.memory_space<vmem>>
      %dma_start3A_814 = tpu.memref_squeeze %dma_start3A_813 : memref<1x128x32xf32, #tpu.memory_space<vmem>> -> memref<128x32xf32, #tpu.memory_space<vmem>>
      tpu.enqueue_dma source(%dma_start3A_814 : memref<128x32xf32, #tpu.memory_space<vmem>>) target(%dma_start3A_810 : memref<128x32xf32, #tpu.memory_space<hbm>>) target_semaphore(%dma_start3A_808 : memref<!tpu.dma_semaphore, #tpu.memory_space<semaphore_mem>>)
      %dma_wait3A_815 = arith.constant 0 : i32
      %dma_wait3A_816 = arith.constant 0 : i32
      %dma_wait3A_817 = arith.constant 0 : i32
      %dma_wait3A_818 = arith.constant 0 : i32
      %dma_wait3A_819 = tpu.memref_slice %arg11[%dma_wait3A_815, %dma_wait3A_817, %dma_wait3A_818] : memref<4x128x32xf32, #tpu.memory_space<vmem>> -> memref<1x128x32xf32, #tpu.memory_space<vmem>>
      %dma_wait3A_820 = tpu.memref_squeeze %dma_wait3A_819 : memref<1x128x32xf32, #tpu.memory_space<vmem>> -> memref<128x32xf32, #tpu.memory_space<vmem>>
      %dma_wait3A_821 = arith.constant 0 : i32
      %dma_wait3A_822 = tpu.memref_slice %arg7[%add3A_779, %dma_wait3A_821] : memref<320000x32xf32, #tpu.memory_space<hbm>> -> memref<128x32xf32, #tpu.memory_space<hbm>>
      %dma_wait3A_823 = tpu.memref_slice %arg13[%dma_wait3A_816] : memref<4x!tpu.dma_semaphore, #tpu.memory_space<semaphore_mem>> -> memref<1x!tpu.dma_semaphore, #tpu.memory_space<semaphore_mem>>
      %dma_wait3A_824 = tpu.memref_squeeze %dma_wait3A_823 : memref<1x!tpu.dma_semaphore, #tpu.memory_space<semaphore_mem>> -> memref<!tpu.dma_semaphore, #tpu.memory_space<semaphore_mem>>
      %dma_wait3A_825 = arith.constant 0 : i32
      %dma_wait3A_826 = tpu.memref_slice %arg7[%add3A_779, %dma_wait3A_825] : memref<320000x32xf32, #tpu.memory_space<hbm>> -> memref<128x32xf32, #tpu.memory_space<hbm>>
      %dma_wait3A_827 = arith.constant 0 : i32
      %dma_wait3A_828 = arith.constant 0 : i32
      %dma_wait3A_829 = tpu.memref_slice %arg11[%dma_wait3A_815, %dma_wait3A_827, %dma_wait3A_828] : memref<4x128x32xf32, #tpu.memory_space<vmem>> -> memref<1x128x32xf32, #tpu.memory_space<vmem>>
      %dma_wait3A_830 = tpu.memref_squeeze %dma_wait3A_829 : memref<1x128x32xf32, #tpu.memory_space<vmem>> -> memref<128x32xf32, #tpu.memory_space<vmem>>
      tpu.wait_dma2 semaphore(%dma_wait3A_824 : memref<!tpu.dma_semaphore, #tpu.memory_space<semaphore_mem>>) src(%dma_wait3A_830 : memref<128x32xf32, #tpu.memory_space<vmem>>) dst(%dma_wait3A_826 : memref<128x32xf32, #tpu.memory_space<hbm>>)
      %add3A_831 = arith.constant 4 : i32
      %add3A_832 = arith.addi %add3A_831, %add3A_776 : i32
      %mul3A_833 = arith.constant 128 : i32
      %mul3A_834 = arith.muli %add3A_832, %mul3A_833 : i32
      %add3A_835 = arith.addi %sub3A_27, %mul3A_834 : i32
      %dma_start3A_836 = arith.constant 0 : i32
      %dma_start3A_837 = arith.constant 0 : i32
      %dma_start3A_838 = arith.constant 0 : i32
      %dma_start3A_839 = arith.constant 0 : i32
      %dma_start3A_840 = tpu.memref_slice %arg11[%dma_start3A_836, %dma_start3A_838, %dma_start3A_839] : memref<4x128x32xf32, #tpu.memory_space<vmem>> -> memref<1x128x32xf32, #tpu.memory_space<vmem>>
      %dma_start3A_841 = tpu.memref_squeeze %dma_start3A_840 : memref<1x128x32xf32, #tpu.memory_space<vmem>> -> memref<128x32xf32, #tpu.memory_space<vmem>>
      %dma_start3A_842 = tpu.memref_slice %arg10[%add3A_835] : memref<10240xi32, #tpu.memory_space<vmem>> -> memref<128xi32, #tpu.memory_space<vmem>>
      %dma_start3A_843 = arith.constant 0 : i32
      %dma_start3A_844 = arith.constant 0 : i32
      %dma_start3A_845 = tpu.memref_slice %arg8[%while3A_482, %dma_start3A_843, %dma_start3A_844] : memref<2x10000x32xf32, #tpu.memory_space<vmem_shared>> -> memref<1x10000x32xf32, #tpu.memory_space<vmem_shared>>
      %dma_start3A_846 = tpu.memref_squeeze %dma_start3A_845 : memref<1x10000x32xf32, #tpu.memory_space<vmem_shared>> -> memref<10000x32xf32, #tpu.memory_space<vmem_shared>>
      %dma_start3A_847 = arith.constant 0 : i32
      %dma_start3A_848 = arith.constant 0 : i32
      %dma_start3A_849 = tpu.memref_slice %dma_start3A_846[%dma_start3A_847, %dma_start3A_848] : memref<10000x32xf32, #tpu.memory_space<vmem_shared>> -> memref<10000x32xf32, #tpu.memory_space<vmem_shared>>
      %dma_start3A_850 = tpu.memref_slice %arg12[%dma_start3A_837] : memref<4x!tpu.dma_semaphore, #tpu.memory_space<semaphore_mem>> -> memref<1x!tpu.dma_semaphore, #tpu.memory_space<semaphore_mem>>
      %dma_start3A_851 = tpu.memref_squeeze %dma_start3A_850 : memref<1x!tpu.dma_semaphore, #tpu.memory_space<semaphore_mem>> -> memref<!tpu.dma_semaphore, #tpu.memory_space<semaphore_mem>>
      tpu.enqueue_indirect_dma source(%dma_start3A_849 : memref<10000x32xf32, #tpu.memory_space<vmem_shared>>) target(%dma_start3A_841 : memref<128x32xf32, #tpu.memory_space<vmem>>) offsets(%dma_start3A_842 : memref<128xi32, #tpu.memory_space<vmem>>) semaphore(%dma_start3A_851 : memref<!tpu.dma_semaphore, #tpu.memory_space<semaphore_mem>>)
      %mul3A_852 = arith.constant 4 : i32
      %mul3A_853 = arith.muli %while3A_772, %mul3A_852 : i32
      %add3A_854 = arith.constant 1 : i32
      %add3A_855 = arith.addi %mul3A_853, %add3A_854 : i32
      %mul3A_856 = arith.constant 128 : i32
      %mul3A_857 = arith.muli %add3A_855, %mul3A_856 : i32
      %add3A_858 = arith.addi %mul3A_2, %mul3A_857 : i32
      %mul3A_859 = arith.constant 128 : i32
      %mul3A_860 = arith.muli %add3A_855, %mul3A_859 : i32
      %add3A_861 = arith.addi %sub3A_27, %mul3A_860 : i32
      %dma_wait3A_862 = arith.constant 1 : i32
      %dma_wait3A_863 = arith.constant 1 : i32
      %dma_wait3A_864 = arith.constant 0 : i32
      %dma_wait3A_865 = arith.constant 0 : i32
      %dma_wait3A_866 = tpu.memref_slice %arg11[%dma_wait3A_862, %dma_wait3A_864, %dma_wait3A_865] : memref<4x128x32xf32, #tpu.memory_space<vmem>> -> memref<1x128x32xf32, #tpu.memory_space<vmem>>
      %dma_wait3A_867 = tpu.memref_squeeze %dma_wait3A_866 : memref<1x128x32xf32, #tpu.memory_space<vmem>> -> memref<128x32xf32, #tpu.memory_space<vmem>>
      %dma_wait3A_868 = tpu.memref_slice %arg10[%add3A_861] : memref<10240xi32, #tpu.memory_space<vmem>> -> memref<128xi32, #tpu.memory_space<vmem>>
      %dma_wait3A_869 = arith.constant 0 : i32
      %dma_wait3A_870 = arith.constant 0 : i32
      %dma_wait3A_871 = tpu.memref_slice %arg8[%while3A_482, %dma_wait3A_869, %dma_wait3A_870] : memref<2x10000x32xf32, #tpu.memory_space<vmem_shared>> -> memref<1x10000x32xf32, #tpu.memory_space<vmem_shared>>
      %dma_wait3A_872 = tpu.memref_squeeze %dma_wait3A_871 : memref<1x10000x32xf32, #tpu.memory_space<vmem_shared>> -> memref<10000x32xf32, #tpu.memory_space<vmem_shared>>
      %dma_wait3A_873 = arith.constant 0 : i32
      %dma_wait3A_874 = arith.constant 0 : i32
      %dma_wait3A_875 = tpu.memref_slice %dma_wait3A_872[%dma_wait3A_873, %dma_wait3A_874] : memref<10000x32xf32, #tpu.memory_space<vmem_shared>> -> memref<10000x32xf32, #tpu.memory_space<vmem_shared>>
      %dma_wait3A_876 = tpu.memref_slice %arg12[%dma_wait3A_863] : memref<4x!tpu.dma_semaphore, #tpu.memory_space<semaphore_mem>> -> memref<1x!tpu.dma_semaphore, #tpu.memory_space<semaphore_mem>>
      %dma_wait3A_877 = tpu.memref_squeeze %dma_wait3A_876 : memref<1x!tpu.dma_semaphore, #tpu.memory_space<semaphore_mem>> -> memref<!tpu.dma_semaphore, #tpu.memory_space<semaphore_mem>>
      tpu.wait_indirect_dma semaphore(%dma_wait3A_877 : memref<!tpu.dma_semaphore, #tpu.memory_space<semaphore_mem>>) src(%dma_wait3A_875 : memref<10000x32xf32, #tpu.memory_space<vmem_shared>>) dst(%dma_wait3A_867 : memref<128x32xf32, #tpu.memory_space<vmem>>)
      %dma_start3A_878 = arith.constant 1 : i32
      %dma_start3A_879 = arith.constant 1 : i32
      %dma_start3A_880 = arith.constant 0 : i32
      %dma_start3A_881 = arith.constant 0 : i32
      %dma_start3A_882 = tpu.memref_slice %arg11[%dma_start3A_878, %dma_start3A_880, %dma_start3A_881] : memref<4x128x32xf32, #tpu.memory_space<vmem>> -> memref<1x128x32xf32, #tpu.memory_space<vmem>>
      %dma_start3A_883 = tpu.memref_squeeze %dma_start3A_882 : memref<1x128x32xf32, #tpu.memory_space<vmem>> -> memref<128x32xf32, #tpu.memory_space<vmem>>
      %dma_start3A_884 = arith.constant 0 : i32
      %dma_start3A_885 = tpu.memref_slice %arg7[%add3A_858, %dma_start3A_884] : memref<320000x32xf32, #tpu.memory_space<hbm>> -> memref<128x32xf32, #tpu.memory_space<hbm>>
      %dma_start3A_886 = tpu.memref_slice %arg13[%dma_start3A_879] : memref<4x!tpu.dma_semaphore, #tpu.memory_space<semaphore_mem>> -> memref<1x!tpu.dma_semaphore, #tpu.memory_space<semaphore_mem>>
      %dma_start3A_887 = tpu.memref_squeeze %dma_start3A_886 : memref<1x!tpu.dma_semaphore, #tpu.memory_space<semaphore_mem>> -> memref<!tpu.dma_semaphore, #tpu.memory_space<semaphore_mem>>
      %dma_start3A_888 = arith.constant 0 : i32
      %dma_start3A_889 = tpu.memref_slice %arg7[%add3A_858, %dma_start3A_888] : memref<320000x32xf32, #tpu.memory_space<hbm>> -> memref<128x32xf32, #tpu.memory_space<hbm>>
      %dma_start3A_890 = arith.constant 0 : i32
      %dma_start3A_891 = arith.constant 0 : i32
      %dma_start3A_892 = tpu.memref_slice %arg11[%dma_start3A_878, %dma_start3A_890, %dma_start3A_891] : memref<4x128x32xf32, #tpu.memory_space<vmem>> -> memref<1x128x32xf32, #tpu.memory_space<vmem>>
      %dma_start3A_893 = tpu.memref_squeeze %dma_start3A_892 : memref<1x128x32xf32, #tpu.memory_space<vmem>> -> memref<128x32xf32, #tpu.memory_space<vmem>>
      tpu.enqueue_dma source(%dma_start3A_893 : memref<128x32xf32, #tpu.memory_space<vmem>>) target(%dma_start3A_889 : memref<128x32xf32, #tpu.memory_space<hbm>>) target_semaphore(%dma_start3A_887 : memref<!tpu.dma_semaphore, #tpu.memory_space<semaphore_mem>>)
      %dma_wait3A_894 = arith.constant 1 : i32
      %dma_wait3A_895 = arith.constant 1 : i32
      %dma_wait3A_896 = arith.constant 0 : i32
      %dma_wait3A_897 = arith.constant 0 : i32
      %dma_wait3A_898 = tpu.memref_slice %arg11[%dma_wait3A_894, %dma_wait3A_896, %dma_wait3A_897] : memref<4x128x32xf32, #tpu.memory_space<vmem>> -> memref<1x128x32xf32, #tpu.memory_space<vmem>>
      %dma_wait3A_899 = tpu.memref_squeeze %dma_wait3A_898 : memref<1x128x32xf32, #tpu.memory_space<vmem>> -> memref<128x32xf32, #tpu.memory_space<vmem>>
      %dma_wait3A_900 = arith.constant 0 : i32
      %dma_wait3A_901 = tpu.memref_slice %arg7[%add3A_858, %dma_wait3A_900] : memref<320000x32xf32, #tpu.memory_space<hbm>> -> memref<128x32xf32, #tpu.memory_space<hbm>>
      %dma_wait3A_902 = tpu.memref_slice %arg13[%dma_wait3A_895] : memref<4x!tpu.dma_semaphore, #tpu.memory_space<semaphore_mem>> -> memref<1x!tpu.dma_semaphore, #tpu.memory_space<semaphore_mem>>
      %dma_wait3A_903 = tpu.memref_squeeze %dma_wait3A_902 : memref<1x!tpu.dma_semaphore, #tpu.memory_space<semaphore_mem>> -> memref<!tpu.dma_semaphore, #tpu.memory_space<semaphore_mem>>
      %dma_wait3A_904 = arith.constant 0 : i32
      %dma_wait3A_905 = tpu.memref_slice %arg7[%add3A_858, %dma_wait3A_904] : memref<320000x32xf32, #tpu.memory_space<hbm>> -> memref<128x32xf32, #tpu.memory_space<hbm>>
      %dma_wait3A_906 = arith.constant 0 : i32
      %dma_wait3A_907 = arith.constant 0 : i32
      %dma_wait3A_908 = tpu.memref_slice %arg11[%dma_wait3A_894, %dma_wait3A_906, %dma_wait3A_907] : memref<4x128x32xf32, #tpu.memory_space<vmem>> -> memref<1x128x32xf32, #tpu.memory_space<vmem>>
      %dma_wait3A_909 = tpu.memref_squeeze %dma_wait3A_908 : memref<1x128x32xf32, #tpu.memory_space<vmem>> -> memref<128x32xf32, #tpu.memory_space<vmem>>
      tpu.wait_dma2 semaphore(%dma_wait3A_903 : memref<!tpu.dma_semaphore, #tpu.memory_space<semaphore_mem>>) src(%dma_wait3A_909 : memref<128x32xf32, #tpu.memory_space<vmem>>) dst(%dma_wait3A_905 : memref<128x32xf32, #tpu.memory_space<hbm>>)
      %add3A_910 = arith.constant 4 : i32
      %add3A_911 = arith.addi %add3A_910, %add3A_855 : i32
      %mul3A_912 = arith.constant 128 : i32
      %mul3A_913 = arith.muli %add3A_911, %mul3A_912 : i32
      %add3A_914 = arith.addi %sub3A_27, %mul3A_913 : i32
      %dma_start3A_915 = arith.constant 1 : i32
      %dma_start3A_916 = arith.constant 1 : i32
      %dma_start3A_917 = arith.constant 0 : i32
      %dma_start3A_918 = arith.constant 0 : i32
      %dma_start3A_919 = tpu.memref_slice %arg11[%dma_start3A_915, %dma_start3A_917, %dma_start3A_918] : memref<4x128x32xf32, #tpu.memory_space<vmem>> -> memref<1x128x32xf32, #tpu.memory_space<vmem>>
      %dma_start3A_920 = tpu.memref_squeeze %dma_start3A_919 : memref<1x128x32xf32, #tpu.memory_space<vmem>> -> memref<128x32xf32, #tpu.memory_space<vmem>>
      %dma_start3A_921 = tpu.memref_slice %arg10[%add3A_914] : memref<10240xi32, #tpu.memory_space<vmem>> -> memref<128xi32, #tpu.memory_space<vmem>>
      %dma_start3A_922 = arith.constant 0 : i32
      %dma_start3A_923 = arith.constant 0 : i32
      %dma_start3A_924 = tpu.memref_slice %arg8[%while3A_482, %dma_start3A_922, %dma_start3A_923] : memref<2x10000x32xf32, #tpu.memory_space<vmem_shared>> -> memref<1x10000x32xf32, #tpu.memory_space<vmem_shared>>
      %dma_start3A_925 = tpu.memref_squeeze %dma_start3A_924 : memref<1x10000x32xf32, #tpu.memory_space<vmem_shared>> -> memref<10000x32xf32, #tpu.memory_space<vmem_shared>>
      %dma_start3A_926 = arith.constant 0 : i32
      %dma_start3A_927 = arith.constant 0 : i32
      %dma_start3A_928 = tpu.memref_slice %dma_start3A_925[%dma_start3A_926, %dma_start3A_927] : memref<10000x32xf32, #tpu.memory_space<vmem_shared>> -> memref<10000x32xf32, #tpu.memory_space<vmem_shared>>
      %dma_start3A_929 = tpu.memref_slice %arg12[%dma_start3A_916] : memref<4x!tpu.dma_semaphore, #tpu.memory_space<semaphore_mem>> -> memref<1x!tpu.dma_semaphore, #tpu.memory_space<semaphore_mem>>
      %dma_start3A_930 = tpu.memref_squeeze %dma_start3A_929 : memref<1x!tpu.dma_semaphore, #tpu.memory_space<semaphore_mem>> -> memref<!tpu.dma_semaphore, #tpu.memory_space<semaphore_mem>>
      tpu.enqueue_indirect_dma source(%dma_start3A_928 : memref<10000x32xf32, #tpu.memory_space<vmem_shared>>) target(%dma_start3A_920 : memref<128x32xf32, #tpu.memory_space<vmem>>) offsets(%dma_start3A_921 : memref<128xi32, #tpu.memory_space<vmem>>) semaphore(%dma_start3A_930 : memref<!tpu.dma_semaphore, #tpu.memory_space<semaphore_mem>>)
      %mul3A_931 = arith.constant 4 : i32
      %mul3A_932 = arith.muli %while3A_772, %mul3A_931 : i32
      %add3A_933 = arith.constant 2 : i32
      %add3A_934 = arith.addi %mul3A_932, %add3A_933 : i32
      %mul3A_935 = arith.constant 128 : i32
      %mul3A_936 = arith.muli %add3A_934, %mul3A_935 : i32
      %add3A_937 = arith.addi %mul3A_2, %mul3A_936 : i32
      %mul3A_938 = arith.constant 128 : i32
      %mul3A_939 = arith.muli %add3A_934, %mul3A_938 : i32
      %add3A_940 = arith.addi %sub3A_27, %mul3A_939 : i32
      %dma_wait3A_941 = arith.constant 2 : i32
      %dma_wait3A_942 = arith.constant 2 : i32
      %dma_wait3A_943 = arith.constant 0 : i32
      %dma_wait3A_944 = arith.constant 0 : i32
      %dma_wait3A_945 = tpu.memref_slice %arg11[%dma_wait3A_941, %dma_wait3A_943, %dma_wait3A_944] : memref<4x128x32xf32, #tpu.memory_space<vmem>> -> memref<1x128x32xf32, #tpu.memory_space<vmem>>
      %dma_wait3A_946 = tpu.memref_squeeze %dma_wait3A_945 : memref<1x128x32xf32, #tpu.memory_space<vmem>> -> memref<128x32xf32, #tpu.memory_space<vmem>>
      %dma_wait3A_947 = tpu.memref_slice %arg10[%add3A_940] : memref<10240xi32, #tpu.memory_space<vmem>> -> memref<128xi32, #tpu.memory_space<vmem>>
      %dma_wait3A_948 = arith.constant 0 : i32
      %dma_wait3A_949 = arith.constant 0 : i32
      %dma_wait3A_950 = tpu.memref_slice %arg8[%while3A_482, %dma_wait3A_948, %dma_wait3A_949] : memref<2x10000x32xf32, #tpu.memory_space<vmem_shared>> -> memref<1x10000x32xf32, #tpu.memory_space<vmem_shared>>
      %dma_wait3A_951 = tpu.memref_squeeze %dma_wait3A_950 : memref<1x10000x32xf32, #tpu.memory_space<vmem_shared>> -> memref<10000x32xf32, #tpu.memory_space<vmem_shared>>
      %dma_wait3A_952 = arith.constant 0 : i32
      %dma_wait3A_953 = arith.constant 0 : i32
      %dma_wait3A_954 = tpu.memref_slice %dma_wait3A_951[%dma_wait3A_952, %dma_wait3A_953] : memref<10000x32xf32, #tpu.memory_space<vmem_shared>> -> memref<10000x32xf32, #tpu.memory_space<vmem_shared>>
      %dma_wait3A_955 = tpu.memref_slice %arg12[%dma_wait3A_942] : memref<4x!tpu.dma_semaphore, #tpu.memory_space<semaphore_mem>> -> memref<1x!tpu.dma_semaphore, #tpu.memory_space<semaphore_mem>>
      %dma_wait3A_956 = tpu.memref_squeeze %dma_wait3A_955 : memref<1x!tpu.dma_semaphore, #tpu.memory_space<semaphore_mem>> -> memref<!tpu.dma_semaphore, #tpu.memory_space<semaphore_mem>>
      tpu.wait_indirect_dma semaphore(%dma_wait3A_956 : memref<!tpu.dma_semaphore, #tpu.memory_space<semaphore_mem>>) src(%dma_wait3A_954 : memref<10000x32xf32, #tpu.memory_space<vmem_shared>>) dst(%dma_wait3A_946 : memref<128x32xf32, #tpu.memory_space<vmem>>)
      %dma_start3A_957 = arith.constant 2 : i32
      %dma_start3A_958 = arith.constant 2 : i32
      %dma_start3A_959 = arith.constant 0 : i32
      %dma_start3A_960 = arith.constant 0 : i32
      %dma_start3A_961 = tpu.memref_slice %arg11[%dma_start3A_957, %dma_start3A_959, %dma_start3A_960] : memref<4x128x32xf32, #tpu.memory_space<vmem>> -> memref<1x128x32xf32, #tpu.memory_space<vmem>>
      %dma_start3A_962 = tpu.memref_squeeze %dma_start3A_961 : memref<1x128x32xf32, #tpu.memory_space<vmem>> -> memref<128x32xf32, #tpu.memory_space<vmem>>
      %dma_start3A_963 = arith.constant 0 : i32
      %dma_start3A_964 = tpu.memref_slice %arg7[%add3A_937, %dma_start3A_963] : memref<320000x32xf32, #tpu.memory_space<hbm>> -> memref<128x32xf32, #tpu.memory_space<hbm>>
      %dma_start3A_965 = tpu.memref_slice %arg13[%dma_start3A_958] : memref<4x!tpu.dma_semaphore, #tpu.memory_space<semaphore_mem>> -> memref<1x!tpu.dma_semaphore, #tpu.memory_space<semaphore_mem>>
      %dma_start3A_966 = tpu.memref_squeeze %dma_start3A_965 : memref<1x!tpu.dma_semaphore, #tpu.memory_space<semaphore_mem>> -> memref<!tpu.dma_semaphore, #tpu.memory_space<semaphore_mem>>
      %dma_start3A_967 = arith.constant 0 : i32
      %dma_start3A_968 = tpu.memref_slice %arg7[%add3A_937, %dma_start3A_967] : memref<320000x32xf32, #tpu.memory_space<hbm>> -> memref<128x32xf32, #tpu.memory_space<hbm>>
      %dma_start3A_969 = arith.constant 0 : i32
      %dma_start3A_970 = arith.constant 0 : i32
      %dma_start3A_971 = tpu.memref_slice %arg11[%dma_start3A_957, %dma_start3A_969, %dma_start3A_970] : memref<4x128x32xf32, #tpu.memory_space<vmem>> -> memref<1x128x32xf32, #tpu.memory_space<vmem>>
      %dma_start3A_972 = tpu.memref_squeeze %dma_start3A_971 : memref<1x128x32xf32, #tpu.memory_space<vmem>> -> memref<128x32xf32, #tpu.memory_space<vmem>>
      tpu.enqueue_dma source(%dma_start3A_972 : memref<128x32xf32, #tpu.memory_space<vmem>>) target(%dma_start3A_968 : memref<128x32xf32, #tpu.memory_space<hbm>>) target_semaphore(%dma_start3A_966 : memref<!tpu.dma_semaphore, #tpu.memory_space<semaphore_mem>>)
      %dma_wait3A_973 = arith.constant 2 : i32
      %dma_wait3A_974 = arith.constant 2 : i32
      %dma_wait3A_975 = arith.constant 0 : i32
      %dma_wait3A_976 = arith.constant 0 : i32
      %dma_wait3A_977 = tpu.memref_slice %arg11[%dma_wait3A_973, %dma_wait3A_975, %dma_wait3A_976] : memref<4x128x32xf32, #tpu.memory_space<vmem>> -> memref<1x128x32xf32, #tpu.memory_space<vmem>>
      %dma_wait3A_978 = tpu.memref_squeeze %dma_wait3A_977 : memref<1x128x32xf32, #tpu.memory_space<vmem>> -> memref<128x32xf32, #tpu.memory_space<vmem>>
      %dma_wait3A_979 = arith.constant 0 : i32
      %dma_wait3A_980 = tpu.memref_slice %arg7[%add3A_937, %dma_wait3A_979] : memref<320000x32xf32, #tpu.memory_space<hbm>> -> memref<128x32xf32, #tpu.memory_space<hbm>>
      %dma_wait3A_981 = tpu.memref_slice %arg13[%dma_wait3A_974] : memref<4x!tpu.dma_semaphore, #tpu.memory_space<semaphore_mem>> -> memref<1x!tpu.dma_semaphore, #tpu.memory_space<semaphore_mem>>
      %dma_wait3A_982 = tpu.memref_squeeze %dma_wait3A_981 : memref<1x!tpu.dma_semaphore, #tpu.memory_space<semaphore_mem>> -> memref<!tpu.dma_semaphore, #tpu.memory_space<semaphore_mem>>
      %dma_wait3A_983 = arith.constant 0 : i32
      %dma_wait3A_984 = tpu.memref_slice %arg7[%add3A_937, %dma_wait3A_983] : memref<320000x32xf32, #tpu.memory_space<hbm>> -> memref<128x32xf32, #tpu.memory_space<hbm>>
      %dma_wait3A_985 = arith.constant 0 : i32
      %dma_wait3A_986 = arith.constant 0 : i32
      %dma_wait3A_987 = tpu.memref_slice %arg11[%dma_wait3A_973, %dma_wait3A_985, %dma_wait3A_986] : memref<4x128x32xf32, #tpu.memory_space<vmem>> -> memref<1x128x32xf32, #tpu.memory_space<vmem>>
      %dma_wait3A_988 = tpu.memref_squeeze %dma_wait3A_987 : memref<1x128x32xf32, #tpu.memory_space<vmem>> -> memref<128x32xf32, #tpu.memory_space<vmem>>
      tpu.wait_dma2 semaphore(%dma_wait3A_982 : memref<!tpu.dma_semaphore, #tpu.memory_space<semaphore_mem>>) src(%dma_wait3A_988 : memref<128x32xf32, #tpu.memory_space<vmem>>) dst(%dma_wait3A_984 : memref<128x32xf32, #tpu.memory_space<hbm>>)
      %add3A_989 = arith.constant 4 : i32
      %add3A_990 = arith.addi %add3A_989, %add3A_934 : i32
      %mul3A_991 = arith.constant 128 : i32
      %mul3A_992 = arith.muli %add3A_990, %mul3A_991 : i32
      %add3A_993 = arith.addi %sub3A_27, %mul3A_992 : i32
      %dma_start3A_994 = arith.constant 2 : i32
      %dma_start3A_995 = arith.constant 2 : i32
      %dma_start3A_996 = arith.constant 0 : i32
      %dma_start3A_997 = arith.constant 0 : i32
      %dma_start3A_998 = tpu.memref_slice %arg11[%dma_start3A_994, %dma_start3A_996, %dma_start3A_997] : memref<4x128x32xf32, #tpu.memory_space<vmem>> -> memref<1x128x32xf32, #tpu.memory_space<vmem>>
      %dma_start3A_999 = tpu.memref_squeeze %dma_start3A_998 : memref<1x128x32xf32, #tpu.memory_space<vmem>> -> memref<128x32xf32, #tpu.memory_space<vmem>>
      %dma_start3A_1000 = tpu.memref_slice %arg10[%add3A_993] : memref<10240xi32, #tpu.memory_space<vmem>> -> memref<128xi32, #tpu.memory_space<vmem>>
      %dma_start3A_1001 = arith.constant 0 : i32
      %dma_start3A_1002 = arith.constant 0 : i32
      %dma_start3A_1003 = tpu.memref_slice %arg8[%while3A_482, %dma_start3A_1001, %dma_start3A_1002] : memref<2x10000x32xf32, #tpu.memory_space<vmem_shared>> -> memref<1x10000x32xf32, #tpu.memory_space<vmem_shared>>
      %dma_start3A_1004 = tpu.memref_squeeze %dma_start3A_1003 : memref<1x10000x32xf32, #tpu.memory_space<vmem_shared>> -> memref<10000x32xf32, #tpu.memory_space<vmem_shared>>
      %dma_start3A_1005 = arith.constant 0 : i32
      %dma_start3A_1006 = arith.constant 0 : i32
      %dma_start3A_1007 = tpu.memref_slice %dma_start3A_1004[%dma_start3A_1005, %dma_start3A_1006] : memref<10000x32xf32, #tpu.memory_space<vmem_shared>> -> memref<10000x32xf32, #tpu.memory_space<vmem_shared>>
      %dma_start3A_1008 = tpu.memref_slice %arg12[%dma_start3A_995] : memref<4x!tpu.dma_semaphore, #tpu.memory_space<semaphore_mem>> -> memref<1x!tpu.dma_semaphore, #tpu.memory_space<semaphore_mem>>
      %dma_start3A_1009 = tpu.memref_squeeze %dma_start3A_1008 : memref<1x!tpu.dma_semaphore, #tpu.memory_space<semaphore_mem>> -> memref<!tpu.dma_semaphore, #tpu.memory_space<semaphore_mem>>
      tpu.enqueue_indirect_dma source(%dma_start3A_1007 : memref<10000x32xf32, #tpu.memory_space<vmem_shared>>) target(%dma_start3A_999 : memref<128x32xf32, #tpu.memory_space<vmem>>) offsets(%dma_start3A_1000 : memref<128xi32, #tpu.memory_space<vmem>>) semaphore(%dma_start3A_1009 : memref<!tpu.dma_semaphore, #tpu.memory_space<semaphore_mem>>)
      %mul3A_1010 = arith.constant 4 : i32
      %mul3A_1011 = arith.muli %while3A_772, %mul3A_1010 : i32
      %add3A_1012 = arith.constant 3 : i32
      %add3A_1013 = arith.addi %mul3A_1011, %add3A_1012 : i32
      %mul3A_1014 = arith.constant 128 : i32
      %mul3A_1015 = arith.muli %add3A_1013, %mul3A_1014 : i32
      %add3A_1016 = arith.addi %mul3A_2, %mul3A_1015 : i32
      %mul3A_1017 = arith.constant 128 : i32
      %mul3A_1018 = arith.muli %add3A_1013, %mul3A_1017 : i32
      %add3A_1019 = arith.addi %sub3A_27, %mul3A_1018 : i32
      %dma_wait3A_1020 = arith.constant 3 : i32
      %dma_wait3A_1021 = arith.constant 3 : i32
      %dma_wait3A_1022 = arith.constant 0 : i32
      %dma_wait3A_1023 = arith.constant 0 : i32
      %dma_wait3A_1024 = tpu.memref_slice %arg11[%dma_wait3A_1020, %dma_wait3A_1022, %dma_wait3A_1023] : memref<4x128x32xf32, #tpu.memory_space<vmem>> -> memref<1x128x32xf32, #tpu.memory_space<vmem>>
      %dma_wait3A_1025 = tpu.memref_squeeze %dma_wait3A_1024 : memref<1x128x32xf32, #tpu.memory_space<vmem>> -> memref<128x32xf32, #tpu.memory_space<vmem>>
      %dma_wait3A_1026 = tpu.memref_slice %arg10[%add3A_1019] : memref<10240xi32, #tpu.memory_space<vmem>> -> memref<128xi32, #tpu.memory_space<vmem>>
      %dma_wait3A_1027 = arith.constant 0 : i32
      %dma_wait3A_1028 = arith.constant 0 : i32
      %dma_wait3A_1029 = tpu.memref_slice %arg8[%while3A_482, %dma_wait3A_1027, %dma_wait3A_1028] : memref<2x10000x32xf32, #tpu.memory_space<vmem_shared>> -> memref<1x10000x32xf32, #tpu.memory_space<vmem_shared>>
      %dma_wait3A_1030 = tpu.memref_squeeze %dma_wait3A_1029 : memref<1x10000x32xf32, #tpu.memory_space<vmem_shared>> -> memref<10000x32xf32, #tpu.memory_space<vmem_shared>>
      %dma_wait3A_1031 = arith.constant 0 : i32
      %dma_wait3A_1032 = arith.constant 0 : i32
      %dma_wait3A_1033 = tpu.memref_slice %dma_wait3A_1030[%dma_wait3A_1031, %dma_wait3A_1032] : memref<10000x32xf32, #tpu.memory_space<vmem_shared>> -> memref<10000x32xf32, #tpu.memory_space<vmem_shared>>
      %dma_wait3A_1034 = tpu.memref_slice %arg12[%dma_wait3A_1021] : memref<4x!tpu.dma_semaphore, #tpu.memory_space<semaphore_mem>> -> memref<1x!tpu.dma_semaphore, #tpu.memory_space<semaphore_mem>>
      %dma_wait3A_1035 = tpu.memref_squeeze %dma_wait3A_1034 : memref<1x!tpu.dma_semaphore, #tpu.memory_space<semaphore_mem>> -> memref<!tpu.dma_semaphore, #tpu.memory_space<semaphore_mem>>
      tpu.wait_indirect_dma semaphore(%dma_wait3A_1035 : memref<!tpu.dma_semaphore, #tpu.memory_space<semaphore_mem>>) src(%dma_wait3A_1033 : memref<10000x32xf32, #tpu.memory_space<vmem_shared>>) dst(%dma_wait3A_1025 : memref<128x32xf32, #tpu.memory_space<vmem>>)
      %dma_start3A_1036 = arith.constant 3 : i32
      %dma_start3A_1037 = arith.constant 3 : i32
      %dma_start3A_1038 = arith.constant 0 : i32
      %dma_start3A_1039 = arith.constant 0 : i32
      %dma_start3A_1040 = tpu.memref_slice %arg11[%dma_start3A_1036, %dma_start3A_1038, %dma_start3A_1039] : memref<4x128x32xf32, #tpu.memory_space<vmem>> -> memref<1x128x32xf32, #tpu.memory_space<vmem>>
      %dma_start3A_1041 = tpu.memref_squeeze %dma_start3A_1040 : memref<1x128x32xf32, #tpu.memory_space<vmem>> -> memref<128x32xf32, #tpu.memory_space<vmem>>
      %dma_start3A_1042 = arith.constant 0 : i32
      %dma_start3A_1043 = tpu.memref_slice %arg7[%add3A_1016, %dma_start3A_1042] : memref<320000x32xf32, #tpu.memory_space<hbm>> -> memref<128x32xf32, #tpu.memory_space<hbm>>
      %dma_start3A_1044 = tpu.memref_slice %arg13[%dma_start3A_1037] : memref<4x!tpu.dma_semaphore, #tpu.memory_space<semaphore_mem>> -> memref<1x!tpu.dma_semaphore, #tpu.memory_space<semaphore_mem>>
      %dma_start3A_1045 = tpu.memref_squeeze %dma_start3A_1044 : memref<1x!tpu.dma_semaphore, #tpu.memory_space<semaphore_mem>> -> memref<!tpu.dma_semaphore, #tpu.memory_space<semaphore_mem>>
      %dma_start3A_1046 = arith.constant 0 : i32
      %dma_start3A_1047 = tpu.memref_slice %arg7[%add3A_1016, %dma_start3A_1046] : memref<320000x32xf32, #tpu.memory_space<hbm>> -> memref<128x32xf32, #tpu.memory_space<hbm>>
      %dma_start3A_1048 = arith.constant 0 : i32
      %dma_start3A_1049 = arith.constant 0 : i32
      %dma_start3A_1050 = tpu.memref_slice %arg11[%dma_start3A_1036, %dma_start3A_1048, %dma_start3A_1049] : memref<4x128x32xf32, #tpu.memory_space<vmem>> -> memref<1x128x32xf32, #tpu.memory_space<vmem>>
      %dma_start3A_1051 = tpu.memref_squeeze %dma_start3A_1050 : memref<1x128x32xf32, #tpu.memory_space<vmem>> -> memref<128x32xf32, #tpu.memory_space<vmem>>
      tpu.enqueue_dma source(%dma_start3A_1051 : memref<128x32xf32, #tpu.memory_space<vmem>>) target(%dma_start3A_1047 : memref<128x32xf32, #tpu.memory_space<hbm>>) target_semaphore(%dma_start3A_1045 : memref<!tpu.dma_semaphore, #tpu.memory_space<semaphore_mem>>)
      %dma_wait3A_1052 = arith.constant 3 : i32
      %dma_wait3A_1053 = arith.constant 3 : i32
      %dma_wait3A_1054 = arith.constant 0 : i32
      %dma_wait3A_1055 = arith.constant 0 : i32
      %dma_wait3A_1056 = tpu.memref_slice %arg11[%dma_wait3A_1052, %dma_wait3A_1054, %dma_wait3A_1055] : memref<4x128x32xf32, #tpu.memory_space<vmem>> -> memref<1x128x32xf32, #tpu.memory_space<vmem>>
      %dma_wait3A_1057 = tpu.memref_squeeze %dma_wait3A_1056 : memref<1x128x32xf32, #tpu.memory_space<vmem>> -> memref<128x32xf32, #tpu.memory_space<vmem>>
      %dma_wait3A_1058 = arith.constant 0 : i32
      %dma_wait3A_1059 = tpu.memref_slice %arg7[%add3A_1016, %dma_wait3A_1058] : memref<320000x32xf32, #tpu.memory_space<hbm>> -> memref<128x32xf32, #tpu.memory_space<hbm>>
      %dma_wait3A_1060 = tpu.memref_slice %arg13[%dma_wait3A_1053] : memref<4x!tpu.dma_semaphore, #tpu.memory_space<semaphore_mem>> -> memref<1x!tpu.dma_semaphore, #tpu.memory_space<semaphore_mem>>
      %dma_wait3A_1061 = tpu.memref_squeeze %dma_wait3A_1060 : memref<1x!tpu.dma_semaphore, #tpu.memory_space<semaphore_mem>> -> memref<!tpu.dma_semaphore, #tpu.memory_space<semaphore_mem>>
      %dma_wait3A_1062 = arith.constant 0 : i32
      %dma_wait3A_1063 = tpu.memref_slice %arg7[%add3A_1016, %dma_wait3A_1062] : memref<320000x32xf32, #tpu.memory_space<hbm>> -> memref<128x32xf32, #tpu.memory_space<hbm>>
      %dma_wait3A_1064 = arith.constant 0 : i32
      %dma_wait3A_1065 = arith.constant 0 : i32
      %dma_wait3A_1066 = tpu.memref_slice %arg11[%dma_wait3A_1052, %dma_wait3A_1064, %dma_wait3A_1065] : memref<4x128x32xf32, #tpu.memory_space<vmem>> -> memref<1x128x32xf32, #tpu.memory_space<vmem>>
      %dma_wait3A_1067 = tpu.memref_squeeze %dma_wait3A_1066 : memref<1x128x32xf32, #tpu.memory_space<vmem>> -> memref<128x32xf32, #tpu.memory_space<vmem>>
      tpu.wait_dma2 semaphore(%dma_wait3A_1061 : memref<!tpu.dma_semaphore, #tpu.memory_space<semaphore_mem>>) src(%dma_wait3A_1067 : memref<128x32xf32, #tpu.memory_space<vmem>>) dst(%dma_wait3A_1063 : memref<128x32xf32, #tpu.memory_space<hbm>>)
      %add3A_1068 = arith.constant 4 : i32
      %add3A_1069 = arith.addi %add3A_1068, %add3A_1013 : i32
      %mul3A_1070 = arith.constant 128 : i32
      %mul3A_1071 = arith.muli %add3A_1069, %mul3A_1070 : i32
      %add3A_1072 = arith.addi %sub3A_27, %mul3A_1071 : i32
      %dma_start3A_1073 = arith.constant 3 : i32
      %dma_start3A_1074 = arith.constant 3 : i32
      %dma_start3A_1075 = arith.constant 0 : i32
      %dma_start3A_1076 = arith.constant 0 : i32
      %dma_start3A_1077 = tpu.memref_slice %arg11[%dma_start3A_1073, %dma_start3A_1075, %dma_start3A_1076] : memref<4x128x32xf32, #tpu.memory_space<vmem>> -> memref<1x128x32xf32, #tpu.memory_space<vmem>>
      %dma_start3A_1078 = tpu.memref_squeeze %dma_start3A_1077 : memref<1x128x32xf32, #tpu.memory_space<vmem>> -> memref<128x32xf32, #tpu.memory_space<vmem>>
      %dma_start3A_1079 = tpu.memref_slice %arg10[%add3A_1072] : memref<10240xi32, #tpu.memory_space<vmem>> -> memref<128xi32, #tpu.memory_space<vmem>>
      %dma_start3A_1080 = arith.constant 0 : i32
      %dma_start3A_1081 = arith.constant 0 : i32
      %dma_start3A_1082 = tpu.memref_slice %arg8[%while3A_482, %dma_start3A_1080, %dma_start3A_1081] : memref<2x10000x32xf32, #tpu.memory_space<vmem_shared>> -> memref<1x10000x32xf32, #tpu.memory_space<vmem_shared>>
      %dma_start3A_1083 = tpu.memref_squeeze %dma_start3A_1082 : memref<1x10000x32xf32, #tpu.memory_space<vmem_shared>> -> memref<10000x32xf32, #tpu.memory_space<vmem_shared>>
      %dma_start3A_1084 = arith.constant 0 : i32
      %dma_start3A_1085 = arith.constant 0 : i32
      %dma_start3A_1086 = tpu.memref_slice %dma_start3A_1083[%dma_start3A_1084, %dma_start3A_1085] : memref<10000x32xf32, #tpu.memory_space<vmem_shared>> -> memref<10000x32xf32, #tpu.memory_space<vmem_shared>>
      %dma_start3A_1087 = tpu.memref_slice %arg12[%dma_start3A_1074] : memref<4x!tpu.dma_semaphore, #tpu.memory_space<semaphore_mem>> -> memref<1x!tpu.dma_semaphore, #tpu.memory_space<semaphore_mem>>
      %dma_start3A_1088 = tpu.memref_squeeze %dma_start3A_1087 : memref<1x!tpu.dma_semaphore, #tpu.memory_space<semaphore_mem>> -> memref<!tpu.dma_semaphore, #tpu.memory_space<semaphore_mem>>
      tpu.enqueue_indirect_dma source(%dma_start3A_1086 : memref<10000x32xf32, #tpu.memory_space<vmem_shared>>) target(%dma_start3A_1078 : memref<128x32xf32, #tpu.memory_space<vmem>>) offsets(%dma_start3A_1079 : memref<128xi32, #tpu.memory_space<vmem>>) semaphore(%dma_start3A_1088 : memref<!tpu.dma_semaphore, #tpu.memory_space<semaphore_mem>>)
    }
    %while3A_491 = arith.constant 1 : i32
    scf.for %while3A_772 = %while3A_489 to %while3A_485 step %while3A_491  : i32 {
      %mul3A_773 = arith.constant 4 : i32
      %mul3A_774 = arith.muli %while3A_772, %mul3A_773 : i32
      %add3A_775 = arith.constant 0 : i32
      %add3A_776 = arith.addi %mul3A_774, %add3A_775 : i32
      %mul3A_777 = arith.constant 128 : i32
      %mul3A_778 = arith.muli %add3A_776, %mul3A_777 : i32
      %add3A_779 = arith.addi %mul3A_2, %mul3A_778 : i32
      %mul3A_780 = arith.constant 128 : i32
      %mul3A_781 = arith.muli %add3A_776, %mul3A_780 : i32
      %add3A_782 = arith.addi %sub3A_27, %mul3A_781 : i32
      %dma_wait3A_783 = arith.constant 0 : i32
      %dma_wait3A_784 = arith.constant 0 : i32
      %dma_wait3A_785 = arith.constant 0 : i32
      %dma_wait3A_786 = arith.constant 0 : i32
      %dma_wait3A_787 = tpu.memref_slice %arg11[%dma_wait3A_783, %dma_wait3A_785, %dma_wait3A_786] : memref<4x128x32xf32, #tpu.memory_space<vmem>> -> memref<1x128x32xf32, #tpu.memory_space<vmem>>
      %dma_wait3A_788 = tpu.memref_squeeze %dma_wait3A_787 : memref<1x128x32xf32, #tpu.memory_space<vmem>> -> memref<128x32xf32, #tpu.memory_space<vmem>>
      %dma_wait3A_789 = tpu.memref_slice %arg10[%add3A_782] : memref<10240xi32, #tpu.memory_space<vmem>> -> memref<128xi32, #tpu.memory_space<vmem>>
      %dma_wait3A_790 = arith.constant 0 : i32
      %dma_wait3A_791 = arith.constant 0 : i32
      %dma_wait3A_792 = tpu.memref_slice %arg8[%while3A_482, %dma_wait3A_790, %dma_wait3A_791] : memref<2x10000x32xf32, #tpu.memory_space<vmem_shared>> -> memref<1x10000x32xf32, #tpu.memory_space<vmem_shared>>
      %dma_wait3A_793 = tpu.memref_squeeze %dma_wait3A_792 : memref<1x10000x32xf32, #tpu.memory_space<vmem_shared>> -> memref<10000x32xf32, #tpu.memory_space<vmem_shared>>
      %dma_wait3A_794 = arith.constant 0 : i32
      %dma_wait3A_795 = arith.constant 0 : i32
      %dma_wait3A_796 = tpu.memref_slice %dma_wait3A_793[%dma_wait3A_794, %dma_wait3A_795] : memref<10000x32xf32, #tpu.memory_space<vmem_shared>> -> memref<10000x32xf32, #tpu.memory_space<vmem_shared>>
      %dma_wait3A_797 = tpu.memref_slice %arg12[%dma_wait3A_784] : memref<4x!tpu.dma_semaphore, #tpu.memory_space<semaphore_mem>> -> memref<1x!tpu.dma_semaphore, #tpu.memory_space<semaphore_mem>>
      %dma_wait3A_798 = tpu.memref_squeeze %dma_wait3A_797 : memref<1x!tpu.dma_semaphore, #tpu.memory_space<semaphore_mem>> -> memref<!tpu.dma_semaphore, #tpu.memory_space<semaphore_mem>>
      tpu.wait_indirect_dma semaphore(%dma_wait3A_798 : memref<!tpu.dma_semaphore, #tpu.memory_space<semaphore_mem>>) src(%dma_wait3A_796 : memref<10000x32xf32, #tpu.memory_space<vmem_shared>>) dst(%dma_wait3A_788 : memref<128x32xf32, #tpu.memory_space<vmem>>)
      %dma_start3A_799 = arith.constant 0 : i32
      %dma_start3A_800 = arith.constant 0 : i32
      %dma_start3A_801 = arith.constant 0 : i32
      %dma_start3A_802 = arith.constant 0 : i32
      %dma_start3A_803 = tpu.memref_slice %arg11[%dma_start3A_799, %dma_start3A_801, %dma_start3A_802] : memref<4x128x32xf32, #tpu.memory_space<vmem>> -> memref<1x128x32xf32, #tpu.memory_space<vmem>>
      %dma_start3A_804 = tpu.memref_squeeze %dma_start3A_803 : memref<1x128x32xf32, #tpu.memory_space<vmem>> -> memref<128x32xf32, #tpu.memory_space<vmem>>
      %dma_start3A_805 = arith.constant 0 : i32
      %dma_start3A_806 = tpu.memref_slice %arg7[%add3A_779, %dma_start3A_805] : memref<320000x32xf32, #tpu.memory_space<hbm>> -> memref<128x32xf32, #tpu.memory_space<hbm>>
      %dma_start3A_807 = tpu.memref_slice %arg13[%dma_start3A_800] : memref<4x!tpu.dma_semaphore, #tpu.memory_space<semaphore_mem>> -> memref<1x!tpu.dma_semaphore, #tpu.memory_space<semaphore_mem>>
      %dma_start3A_808 = tpu.memref_squeeze %dma_start3A_807 : memref<1x!tpu.dma_semaphore, #tpu.memory_space<semaphore_mem>> -> memref<!tpu.dma_semaphore, #tpu.memory_space<semaphore_mem>>
      %dma_start3A_809 = arith.constant 0 : i32
      %dma_start3A_810 = tpu.memref_slice %arg7[%add3A_779, %dma_start3A_809] : memref<320000x32xf32, #tpu.memory_space<hbm>> -> memref<128x32xf32, #tpu.memory_space<hbm>>
      %dma_start3A_811 = arith.constant 0 : i32
      %dma_start3A_812 = arith.constant 0 : i32
      %dma_start3A_813 = tpu.memref_slice %arg11[%dma_start3A_799, %dma_start3A_811, %dma_start3A_812] : memref<4x128x32xf32, #tpu.memory_space<vmem>> -> memref<1x128x32xf32, #tpu.memory_space<vmem>>
      %dma_start3A_814 = tpu.memref_squeeze %dma_start3A_813 : memref<1x128x32xf32, #tpu.memory_space<vmem>> -> memref<128x32xf32, #tpu.memory_space<vmem>>
      tpu.enqueue_dma source(%dma_start3A_814 : memref<128x32xf32, #tpu.memory_space<vmem>>) target(%dma_start3A_810 : memref<128x32xf32, #tpu.memory_space<hbm>>) target_semaphore(%dma_start3A_808 : memref<!tpu.dma_semaphore, #tpu.memory_space<semaphore_mem>>)
      %dma_wait3A_815 = arith.constant 0 : i32
      %dma_wait3A_816 = arith.constant 0 : i32
      %dma_wait3A_817 = arith.constant 0 : i32
      %dma_wait3A_818 = arith.constant 0 : i32
      %dma_wait3A_819 = tpu.memref_slice %arg11[%dma_wait3A_815, %dma_wait3A_817, %dma_wait3A_818] : memref<4x128x32xf32, #tpu.memory_space<vmem>> -> memref<1x128x32xf32, #tpu.memory_space<vmem>>
      %dma_wait3A_820 = tpu.memref_squeeze %dma_wait3A_819 : memref<1x128x32xf32, #tpu.memory_space<vmem>> -> memref<128x32xf32, #tpu.memory_space<vmem>>
      %dma_wait3A_821 = arith.constant 0 : i32
      %dma_wait3A_822 = tpu.memref_slice %arg7[%add3A_779, %dma_wait3A_821] : memref<320000x32xf32, #tpu.memory_space<hbm>> -> memref<128x32xf32, #tpu.memory_space<hbm>>
      %dma_wait3A_823 = tpu.memref_slice %arg13[%dma_wait3A_816] : memref<4x!tpu.dma_semaphore, #tpu.memory_space<semaphore_mem>> -> memref<1x!tpu.dma_semaphore, #tpu.memory_space<semaphore_mem>>
      %dma_wait3A_824 = tpu.memref_squeeze %dma_wait3A_823 : memref<1x!tpu.dma_semaphore, #tpu.memory_space<semaphore_mem>> -> memref<!tpu.dma_semaphore, #tpu.memory_space<semaphore_mem>>
      %dma_wait3A_825 = arith.constant 0 : i32
      %dma_wait3A_826 = tpu.memref_slice %arg7[%add3A_779, %dma_wait3A_825] : memref<320000x32xf32, #tpu.memory_space<hbm>> -> memref<128x32xf32, #tpu.memory_space<hbm>>
      %dma_wait3A_827 = arith.constant 0 : i32
      %dma_wait3A_828 = arith.constant 0 : i32
      %dma_wait3A_829 = tpu.memref_slice %arg11[%dma_wait3A_815, %dma_wait3A_827, %dma_wait3A_828] : memref<4x128x32xf32, #tpu.memory_space<vmem>> -> memref<1x128x32xf32, #tpu.memory_space<vmem>>
      %dma_wait3A_830 = tpu.memref_squeeze %dma_wait3A_829 : memref<1x128x32xf32, #tpu.memory_space<vmem>> -> memref<128x32xf32, #tpu.memory_space<vmem>>
      tpu.wait_dma2 semaphore(%dma_wait3A_824 : memref<!tpu.dma_semaphore, #tpu.memory_space<semaphore_mem>>) src(%dma_wait3A_830 : memref<128x32xf32, #tpu.memory_space<vmem>>) dst(%dma_wait3A_826 : memref<128x32xf32, #tpu.memory_space<hbm>>)
      %add3A_831 = arith.constant 4 : i32
      %add3A_832 = arith.addi %add3A_831, %add3A_776 : i32
      %mul3A_833 = arith.constant 128 : i32
      %mul3A_834 = arith.muli %add3A_832, %mul3A_833 : i32
      %add3A_835 = arith.addi %sub3A_27, %mul3A_834 : i32
      %dma_start3A_836 = arith.constant 0 : i32
      %dma_start3A_837 = arith.constant 0 : i32
      %dma_start3A_838 = arith.constant 0 : i32
      %dma_start3A_839 = arith.constant 0 : i32
      %dma_start3A_840 = tpu.memref_slice %arg11[%dma_start3A_836, %dma_start3A_838, %dma_start3A_839] : memref<4x128x32xf32, #tpu.memory_space<vmem>> -> memref<1x128x32xf32, #tpu.memory_space<vmem>>
      %dma_start3A_841 = tpu.memref_squeeze %dma_start3A_840 : memref<1x128x32xf32, #tpu.memory_space<vmem>> -> memref<128x32xf32, #tpu.memory_space<vmem>>
      %dma_start3A_842 = tpu.memref_slice %arg10[%add3A_835] : memref<10240xi32, #tpu.memory_space<vmem>> -> memref<128xi32, #tpu.memory_space<vmem>>
      %dma_start3A_843 = arith.constant 0 : i32
      %dma_start3A_844 = arith.constant 0 : i32
      %dma_start3A_845 = tpu.memref_slice %arg8[%while3A_482, %dma_start3A_843, %dma_start3A_844] : memref<2x10000x32xf32, #tpu.memory_space<vmem_shared>> -> memref<1x10000x32xf32, #tpu.memory_space<vmem_shared>>
      %dma_start3A_846 = tpu.memref_squeeze %dma_start3A_845 : memref<1x10000x32xf32, #tpu.memory_space<vmem_shared>> -> memref<10000x32xf32, #tpu.memory_space<vmem_shared>>
      %dma_start3A_847 = arith.constant 0 : i32
      %dma_start3A_848 = arith.constant 0 : i32
      %dma_start3A_849 = tpu.memref_slice %dma_start3A_846[%dma_start3A_847, %dma_start3A_848] : memref<10000x32xf32, #tpu.memory_space<vmem_shared>> -> memref<10000x32xf32, #tpu.memory_space<vmem_shared>>
      %dma_start3A_850 = tpu.memref_slice %arg12[%dma_start3A_837] : memref<4x!tpu.dma_semaphore, #tpu.memory_space<semaphore_mem>> -> memref<1x!tpu.dma_semaphore, #tpu.memory_space<semaphore_mem>>
      %dma_start3A_851 = tpu.memref_squeeze %dma_start3A_850 : memref<1x!tpu.dma_semaphore, #tpu.memory_space<semaphore_mem>> -> memref<!tpu.dma_semaphore, #tpu.memory_space<semaphore_mem>>
      tpu.enqueue_indirect_dma source(%dma_start3A_849 : memref<10000x32xf32, #tpu.memory_space<vmem_shared>>) target(%dma_start3A_841 : memref<128x32xf32, #tpu.memory_space<vmem>>) offsets(%dma_start3A_842 : memref<128xi32, #tpu.memory_space<vmem>>) semaphore(%dma_start3A_851 : memref<!tpu.dma_semaphore, #tpu.memory_space<semaphore_mem>>)
      %mul3A_852 = arith.constant 4 : i32
      %mul3A_853 = arith.muli %while3A_772, %mul3A_852 : i32
      %add3A_854 = arith.constant 1 : i32
      %add3A_855 = arith.addi %mul3A_853, %add3A_854 : i32
      %mul3A_856 = arith.constant 128 : i32
      %mul3A_857 = arith.muli %add3A_855, %mul3A_856 : i32
      %add3A_858 = arith.addi %mul3A_2, %mul3A_857 : i32
      %mul3A_859 = arith.constant 128 : i32
      %mul3A_860 = arith.muli %add3A_855, %mul3A_859 : i32
      %add3A_861 = arith.addi %sub3A_27, %mul3A_860 : i32
      %dma_wait3A_862 = arith.constant 1 : i32
      %dma_wait3A_863 = arith.constant 1 : i32
      %dma_wait3A_864 = arith.constant 0 : i32
      %dma_wait3A_865 = arith.constant 0 : i32
      %dma_wait3A_866 = tpu.memref_slice %arg11[%dma_wait3A_862, %dma_wait3A_864, %dma_wait3A_865] : memref<4x128x32xf32, #tpu.memory_space<vmem>> -> memref<1x128x32xf32, #tpu.memory_space<vmem>>
      %dma_wait3A_867 = tpu.memref_squeeze %dma_wait3A_866 : memref<1x128x32xf32, #tpu.memory_space<vmem>> -> memref<128x32xf32, #tpu.memory_space<vmem>>
      %dma_wait3A_868 = tpu.memref_slice %arg10[%add3A_861] : memref<10240xi32, #tpu.memory_space<vmem>> -> memref<128xi32, #tpu.memory_space<vmem>>
      %dma_wait3A_869 = arith.constant 0 : i32
      %dma_wait3A_870 = arith.constant 0 : i32
      %dma_wait3A_871 = tpu.memref_slice %arg8[%while3A_482, %dma_wait3A_869, %dma_wait3A_870] : memref<2x10000x32xf32, #tpu.memory_space<vmem_shared>> -> memref<1x10000x32xf32, #tpu.memory_space<vmem_shared>>
      %dma_wait3A_872 = tpu.memref_squeeze %dma_wait3A_871 : memref<1x10000x32xf32, #tpu.memory_space<vmem_shared>> -> memref<10000x32xf32, #tpu.memory_space<vmem_shared>>
      %dma_wait3A_873 = arith.constant 0 : i32
      %dma_wait3A_874 = arith.constant 0 : i32
      %dma_wait3A_875 = tpu.memref_slice %dma_wait3A_872[%dma_wait3A_873, %dma_wait3A_874] : memref<10000x32xf32, #tpu.memory_space<vmem_shared>> -> memref<10000x32xf32, #tpu.memory_space<vmem_shared>>
      %dma_wait3A_876 = tpu.memref_slice %arg12[%dma_wait3A_863] : memref<4x!tpu.dma_semaphore, #tpu.memory_space<semaphore_mem>> -> memref<1x!tpu.dma_semaphore, #tpu.memory_space<semaphore_mem>>
      %dma_wait3A_877 = tpu.memref_squeeze %dma_wait3A_876 : memref<1x!tpu.dma_semaphore, #tpu.memory_space<semaphore_mem>> -> memref<!tpu.dma_semaphore, #tpu.memory_space<semaphore_mem>>
      tpu.wait_indirect_dma semaphore(%dma_wait3A_877 : memref<!tpu.dma_semaphore, #tpu.memory_space<semaphore_mem>>) src(%dma_wait3A_875 : memref<10000x32xf32, #tpu.memory_space<vmem_shared>>) dst(%dma_wait3A_867 : memref<128x32xf32, #tpu.memory_space<vmem>>)
      %dma_start3A_878 = arith.constant 1 : i32
      %dma_start3A_879 = arith.constant 1 : i32
      %dma_start3A_880 = arith.constant 0 : i32
      %dma_start3A_881 = arith.constant 0 : i32
      %dma_start3A_882 = tpu.memref_slice %arg11[%dma_start3A_878, %dma_start3A_880, %dma_start3A_881] : memref<4x128x32xf32, #tpu.memory_space<vmem>> -> memref<1x128x32xf32, #tpu.memory_space<vmem>>
      %dma_start3A_883 = tpu.memref_squeeze %dma_start3A_882 : memref<1x128x32xf32, #tpu.memory_space<vmem>> -> memref<128x32xf32, #tpu.memory_space<vmem>>
      %dma_start3A_884 = arith.constant 0 : i32
      %dma_start3A_885 = tpu.memref_slice %arg7[%add3A_858, %dma_start3A_884] : memref<320000x32xf32, #tpu.memory_space<hbm>> -> memref<128x32xf32, #tpu.memory_space<hbm>>
      %dma_start3A_886 = tpu.memref_slice %arg13[%dma_start3A_879] : memref<4x!tpu.dma_semaphore, #tpu.memory_space<semaphore_mem>> -> memref<1x!tpu.dma_semaphore, #tpu.memory_space<semaphore_mem>>
      %dma_start3A_887 = tpu.memref_squeeze %dma_start3A_886 : memref<1x!tpu.dma_semaphore, #tpu.memory_space<semaphore_mem>> -> memref<!tpu.dma_semaphore, #tpu.memory_space<semaphore_mem>>
      %dma_start3A_888 = arith.constant 0 : i32
      %dma_start3A_889 = tpu.memref_slice %arg7[%add3A_858, %dma_start3A_888] : memref<320000x32xf32, #tpu.memory_space<hbm>> -> memref<128x32xf32, #tpu.memory_space<hbm>>
      %dma_start3A_890 = arith.constant 0 : i32
      %dma_start3A_891 = arith.constant 0 : i32
      %dma_start3A_892 = tpu.memref_slice %arg11[%dma_start3A_878, %dma_start3A_890, %dma_start3A_891] : memref<4x128x32xf32, #tpu.memory_space<vmem>> -> memref<1x128x32xf32, #tpu.memory_space<vmem>>
      %dma_start3A_893 = tpu.memref_squeeze %dma_start3A_892 : memref<1x128x32xf32, #tpu.memory_space<vmem>> -> memref<128x32xf32, #tpu.memory_space<vmem>>
      tpu.enqueue_dma source(%dma_start3A_893 : memref<128x32xf32, #tpu.memory_space<vmem>>) target(%dma_start3A_889 : memref<128x32xf32, #tpu.memory_space<hbm>>) target_semaphore(%dma_start3A_887 : memref<!tpu.dma_semaphore, #tpu.memory_space<semaphore_mem>>)
      %dma_wait3A_894 = arith.constant 1 : i32
      %dma_wait3A_895 = arith.constant 1 : i32
      %dma_wait3A_896 = arith.constant 0 : i32
      %dma_wait3A_897 = arith.constant 0 : i32
      %dma_wait3A_898 = tpu.memref_slice %arg11[%dma_wait3A_894, %dma_wait3A_896, %dma_wait3A_897] : memref<4x128x32xf32, #tpu.memory_space<vmem>> -> memref<1x128x32xf32, #tpu.memory_space<vmem>>
      %dma_wait3A_899 = tpu.memref_squeeze %dma_wait3A_898 : memref<1x128x32xf32, #tpu.memory_space<vmem>> -> memref<128x32xf32, #tpu.memory_space<vmem>>
      %dma_wait3A_900 = arith.constant 0 : i32
      %dma_wait3A_901 = tpu.memref_slice %arg7[%add3A_858, %dma_wait3A_900] : memref<320000x32xf32, #tpu.memory_space<hbm>> -> memref<128x32xf32, #tpu.memory_space<hbm>>
      %dma_wait3A_902 = tpu.memref_slice %arg13[%dma_wait3A_895] : memref<4x!tpu.dma_semaphore, #tpu.memory_space<semaphore_mem>> -> memref<1x!tpu.dma_semaphore, #tpu.memory_space<semaphore_mem>>
      %dma_wait3A_903 = tpu.memref_squeeze %dma_wait3A_902 : memref<1x!tpu.dma_semaphore, #tpu.memory_space<semaphore_mem>> -> memref<!tpu.dma_semaphore, #tpu.memory_space<semaphore_mem>>
      %dma_wait3A_904 = arith.constant 0 : i32
      %dma_wait3A_905 = tpu.memref_slice %arg7[%add3A_858, %dma_wait3A_904] : memref<320000x32xf32, #tpu.memory_space<hbm>> -> memref<128x32xf32, #tpu.memory_space<hbm>>
      %dma_wait3A_906 = arith.constant 0 : i32
      %dma_wait3A_907 = arith.constant 0 : i32
      %dma_wait3A_908 = tpu.memref_slice %arg11[%dma_wait3A_894, %dma_wait3A_906, %dma_wait3A_907] : memref<4x128x32xf32, #tpu.memory_space<vmem>> -> memref<1x128x32xf32, #tpu.memory_space<vmem>>
      %dma_wait3A_909 = tpu.memref_squeeze %dma_wait3A_908 : memref<1x128x32xf32, #tpu.memory_space<vmem>> -> memref<128x32xf32, #tpu.memory_space<vmem>>
      tpu.wait_dma2 semaphore(%dma_wait3A_903 : memref<!tpu.dma_semaphore, #tpu.memory_space<semaphore_mem>>) src(%dma_wait3A_909 : memref<128x32xf32, #tpu.memory_space<vmem>>) dst(%dma_wait3A_905 : memref<128x32xf32, #tpu.memory_space<hbm>>)
      %add3A_910 = arith.constant 4 : i32
      %add3A_911 = arith.addi %add3A_910, %add3A_855 : i32
      %mul3A_912 = arith.constant 128 : i32
      %mul3A_913 = arith.muli %add3A_911, %mul3A_912 : i32
      %add3A_914 = arith.addi %sub3A_27, %mul3A_913 : i32
      %dma_start3A_915 = arith.constant 1 : i32
      %dma_start3A_916 = arith.constant 1 : i32
      %dma_start3A_917 = arith.constant 0 : i32
      %dma_start3A_918 = arith.constant 0 : i32
      %dma_start3A_919 = tpu.memref_slice %arg11[%dma_start3A_915, %dma_start3A_917, %dma_start3A_918] : memref<4x128x32xf32, #tpu.memory_space<vmem>> -> memref<1x128x32xf32, #tpu.memory_space<vmem>>
      %dma_start3A_920 = tpu.memref_squeeze %dma_start3A_919 : memref<1x128x32xf32, #tpu.memory_space<vmem>> -> memref<128x32xf32, #tpu.memory_space<vmem>>
      %dma_start3A_921 = tpu.memref_slice %arg10[%add3A_914] : memref<10240xi32, #tpu.memory_space<vmem>> -> memref<128xi32, #tpu.memory_space<vmem>>
      %dma_start3A_922 = arith.constant 0 : i32
      %dma_start3A_923 = arith.constant 0 : i32
      %dma_start3A_924 = tpu.memref_slice %arg8[%while3A_482, %dma_start3A_922, %dma_start3A_923] : memref<2x10000x32xf32, #tpu.memory_space<vmem_shared>> -> memref<1x10000x32xf32, #tpu.memory_space<vmem_shared>>
      %dma_start3A_925 = tpu.memref_squeeze %dma_start3A_924 : memref<1x10000x32xf32, #tpu.memory_space<vmem_shared>> -> memref<10000x32xf32, #tpu.memory_space<vmem_shared>>
      %dma_start3A_926 = arith.constant 0 : i32
      %dma_start3A_927 = arith.constant 0 : i32
      %dma_start3A_928 = tpu.memref_slice %dma_start3A_925[%dma_start3A_926, %dma_start3A_927] : memref<10000x32xf32, #tpu.memory_space<vmem_shared>> -> memref<10000x32xf32, #tpu.memory_space<vmem_shared>>
      %dma_start3A_929 = tpu.memref_slice %arg12[%dma_start3A_916] : memref<4x!tpu.dma_semaphore, #tpu.memory_space<semaphore_mem>> -> memref<1x!tpu.dma_semaphore, #tpu.memory_space<semaphore_mem>>
      %dma_start3A_930 = tpu.memref_squeeze %dma_start3A_929 : memref<1x!tpu.dma_semaphore, #tpu.memory_space<semaphore_mem>> -> memref<!tpu.dma_semaphore, #tpu.memory_space<semaphore_mem>>
      tpu.enqueue_indirect_dma source(%dma_start3A_928 : memref<10000x32xf32, #tpu.memory_space<vmem_shared>>) target(%dma_start3A_920 : memref<128x32xf32, #tpu.memory_space<vmem>>) offsets(%dma_start3A_921 : memref<128xi32, #tpu.memory_space<vmem>>) semaphore(%dma_start3A_930 : memref<!tpu.dma_semaphore, #tpu.memory_space<semaphore_mem>>)
      %mul3A_931 = arith.constant 4 : i32
      %mul3A_932 = arith.muli %while3A_772, %mul3A_931 : i32
      %add3A_933 = arith.constant 2 : i32
      %add3A_934 = arith.addi %mul3A_932, %add3A_933 : i32
      %mul3A_935 = arith.constant 128 : i32
      %mul3A_936 = arith.muli %add3A_934, %mul3A_935 : i32
      %add3A_937 = arith.addi %mul3A_2, %mul3A_936 : i32
      %mul3A_938 = arith.constant 128 : i32
      %mul3A_939 = arith.muli %add3A_934, %mul3A_938 : i32
      %add3A_940 = arith.addi %sub3A_27, %mul3A_939 : i32
      %dma_wait3A_941 = arith.constant 2 : i32
      %dma_wait3A_942 = arith.constant 2 : i32
      %dma_wait3A_943 = arith.constant 0 : i32
      %dma_wait3A_944 = arith.constant 0 : i32
      %dma_wait3A_945 = tpu.memref_slice %arg11[%dma_wait3A_941, %dma_wait3A_943, %dma_wait3A_944] : memref<4x128x32xf32, #tpu.memory_space<vmem>> -> memref<1x128x32xf32, #tpu.memory_space<vmem>>
      %dma_wait3A_946 = tpu.memref_squeeze %dma_wait3A_945 : memref<1x128x32xf32, #tpu.memory_space<vmem>> -> memref<128x32xf32, #tpu.memory_space<vmem>>
      %dma_wait3A_947 = tpu.memref_slice %arg10[%add3A_940] : memref<10240xi32, #tpu.memory_space<vmem>> -> memref<128xi32, #tpu.memory_space<vmem>>
      %dma_wait3A_948 = arith.constant 0 : i32
      %dma_wait3A_949 = arith.constant 0 : i32
      %dma_wait3A_950 = tpu.memref_slice %arg8[%while3A_482, %dma_wait3A_948, %dma_wait3A_949] : memref<2x10000x32xf32, #tpu.memory_space<vmem_shared>> -> memref<1x10000x32xf32, #tpu.memory_space<vmem_shared>>
      %dma_wait3A_951 = tpu.memref_squeeze %dma_wait3A_950 : memref<1x10000x32xf32, #tpu.memory_space<vmem_shared>> -> memref<10000x32xf32, #tpu.memory_space<vmem_shared>>
      %dma_wait3A_952 = arith.constant 0 : i32
      %dma_wait3A_953 = arith.constant 0 : i32
      %dma_wait3A_954 = tpu.memref_slice %dma_wait3A_951[%dma_wait3A_952, %dma_wait3A_953] : memref<10000x32xf32, #tpu.memory_space<vmem_shared>> -> memref<10000x32xf32, #tpu.memory_space<vmem_shared>>
      %dma_wait3A_955 = tpu.memref_slice %arg12[%dma_wait3A_942] : memref<4x!tpu.dma_semaphore, #tpu.memory_space<semaphore_mem>> -> memref<1x!tpu.dma_semaphore, #tpu.memory_space<semaphore_mem>>
      %dma_wait3A_956 = tpu.memref_squeeze %dma_wait3A_955 : memref<1x!tpu.dma_semaphore, #tpu.memory_space<semaphore_mem>> -> memref<!tpu.dma_semaphore, #tpu.memory_space<semaphore_mem>>
      tpu.wait_indirect_dma semaphore(%dma_wait3A_956 : memref<!tpu.dma_semaphore, #tpu.memory_space<semaphore_mem>>) src(%dma_wait3A_954 : memref<10000x32xf32, #tpu.memory_space<vmem_shared>>) dst(%dma_wait3A_946 : memref<128x32xf32, #tpu.memory_space<vmem>>)
      %dma_start3A_957 = arith.constant 2 : i32
      %dma_start3A_958 = arith.constant 2 : i32
      %dma_start3A_959 = arith.constant 0 : i32
      %dma_start3A_960 = arith.constant 0 : i32
      %dma_start3A_961 = tpu.memref_slice %arg11[%dma_start3A_957, %dma_start3A_959, %dma_start3A_960] : memref<4x128x32xf32, #tpu.memory_space<vmem>> -> memref<1x128x32xf32, #tpu.memory_space<vmem>>
      %dma_start3A_962 = tpu.memref_squeeze %dma_start3A_961 : memref<1x128x32xf32, #tpu.memory_space<vmem>> -> memref<128x32xf32, #tpu.memory_space<vmem>>
      %dma_start3A_963 = arith.constant 0 : i32
      %dma_start3A_964 = tpu.memref_slice %arg7[%add3A_937, %dma_start3A_963] : memref<320000x32xf32, #tpu.memory_space<hbm>> -> memref<128x32xf32, #tpu.memory_space<hbm>>
      %dma_start3A_965 = tpu.memref_slice %arg13[%dma_start3A_958] : memref<4x!tpu.dma_semaphore, #tpu.memory_space<semaphore_mem>> -> memref<1x!tpu.dma_semaphore, #tpu.memory_space<semaphore_mem>>
      %dma_start3A_966 = tpu.memref_squeeze %dma_start3A_965 : memref<1x!tpu.dma_semaphore, #tpu.memory_space<semaphore_mem>> -> memref<!tpu.dma_semaphore, #tpu.memory_space<semaphore_mem>>
      %dma_start3A_967 = arith.constant 0 : i32
      %dma_start3A_968 = tpu.memref_slice %arg7[%add3A_937, %dma_start3A_967] : memref<320000x32xf32, #tpu.memory_space<hbm>> -> memref<128x32xf32, #tpu.memory_space<hbm>>
      %dma_start3A_969 = arith.constant 0 : i32
      %dma_start3A_970 = arith.constant 0 : i32
      %dma_start3A_971 = tpu.memref_slice %arg11[%dma_start3A_957, %dma_start3A_969, %dma_start3A_970] : memref<4x128x32xf32, #tpu.memory_space<vmem>> -> memref<1x128x32xf32, #tpu.memory_space<vmem>>
      %dma_start3A_972 = tpu.memref_squeeze %dma_start3A_971 : memref<1x128x32xf32, #tpu.memory_space<vmem>> -> memref<128x32xf32, #tpu.memory_space<vmem>>
      tpu.enqueue_dma source(%dma_start3A_972 : memref<128x32xf32, #tpu.memory_space<vmem>>) target(%dma_start3A_968 : memref<128x32xf32, #tpu.memory_space<hbm>>) target_semaphore(%dma_start3A_966 : memref<!tpu.dma_semaphore, #tpu.memory_space<semaphore_mem>>)
      %dma_wait3A_973 = arith.constant 2 : i32
      %dma_wait3A_974 = arith.constant 2 : i32
      %dma_wait3A_975 = arith.constant 0 : i32
      %dma_wait3A_976 = arith.constant 0 : i32
      %dma_wait3A_977 = tpu.memref_slice %arg11[%dma_wait3A_973, %dma_wait3A_975, %dma_wait3A_976] : memref<4x128x32xf32, #tpu.memory_space<vmem>> -> memref<1x128x32xf32, #tpu.memory_space<vmem>>
      %dma_wait3A_978 = tpu.memref_squeeze %dma_wait3A_977 : memref<1x128x32xf32, #tpu.memory_space<vmem>> -> memref<128x32xf32, #tpu.memory_space<vmem>>
      %dma_wait3A_979 = arith.constant 0 : i32
      %dma_wait3A_980 = tpu.memref_slice %arg7[%add3A_937, %dma_wait3A_979] : memref<320000x32xf32, #tpu.memory_space<hbm>> -> memref<128x32xf32, #tpu.memory_space<hbm>>
      %dma_wait3A_981 = tpu.memref_slice %arg13[%dma_wait3A_974] : memref<4x!tpu.dma_semaphore, #tpu.memory_space<semaphore_mem>> -> memref<1x!tpu.dma_semaphore, #tpu.memory_space<semaphore_mem>>
      %dma_wait3A_982 = tpu.memref_squeeze %dma_wait3A_981 : memref<1x!tpu.dma_semaphore, #tpu.memory_space<semaphore_mem>> -> memref<!tpu.dma_semaphore, #tpu.memory_space<semaphore_mem>>
      %dma_wait3A_983 = arith.constant 0 : i32
      %dma_wait3A_984 = tpu.memref_slice %arg7[%add3A_937, %dma_wait3A_983] : memref<320000x32xf32, #tpu.memory_space<hbm>> -> memref<128x32xf32, #tpu.memory_space<hbm>>
      %dma_wait3A_985 = arith.constant 0 : i32
      %dma_wait3A_986 = arith.constant 0 : i32
      %dma_wait3A_987 = tpu.memref_slice %arg11[%dma_wait3A_973, %dma_wait3A_985, %dma_wait3A_986] : memref<4x128x32xf32, #tpu.memory_space<vmem>> -> memref<1x128x32xf32, #tpu.memory_space<vmem>>
      %dma_wait3A_988 = tpu.memref_squeeze %dma_wait3A_987 : memref<1x128x32xf32, #tpu.memory_space<vmem>> -> memref<128x32xf32, #tpu.memory_space<vmem>>
      tpu.wait_dma2 semaphore(%dma_wait3A_982 : memref<!tpu.dma_semaphore, #tpu.memory_space<semaphore_mem>>) src(%dma_wait3A_988 : memref<128x32xf32, #tpu.memory_space<vmem>>) dst(%dma_wait3A_984 : memref<128x32xf32, #tpu.memory_space<hbm>>)
      %add3A_989 = arith.constant 4 : i32
      %add3A_990 = arith.addi %add3A_989, %add3A_934 : i32
      %mul3A_991 = arith.constant 128 : i32
      %mul3A_992 = arith.muli %add3A_990, %mul3A_991 : i32
      %add3A_993 = arith.addi %sub3A_27, %mul3A_992 : i32
      %dma_start3A_994 = arith.constant 2 : i32
      %dma_start3A_995 = arith.constant 2 : i32
      %dma_start3A_996 = arith.constant 0 : i32
      %dma_start3A_997 = arith.constant 0 : i32
      %dma_start3A_998 = tpu.memref_slice %arg11[%dma_start3A_994, %dma_start3A_996, %dma_start3A_997] : memref<4x128x32xf32, #tpu.memory_space<vmem>> -> memref<1x128x32xf32, #tpu.memory_space<vmem>>
      %dma_start3A_999 = tpu.memref_squeeze %dma_start3A_998 : memref<1x128x32xf32, #tpu.memory_space<vmem>> -> memref<128x32xf32, #tpu.memory_space<vmem>>
      %dma_start3A_1000 = tpu.memref_slice %arg10[%add3A_993] : memref<10240xi32, #tpu.memory_space<vmem>> -> memref<128xi32, #tpu.memory_space<vmem>>
      %dma_start3A_1001 = arith.constant 0 : i32
      %dma_start3A_1002 = arith.constant 0 : i32
      %dma_start3A_1003 = tpu.memref_slice %arg8[%while3A_482, %dma_start3A_1001, %dma_start3A_1002] : memref<2x10000x32xf32, #tpu.memory_space<vmem_shared>> -> memref<1x10000x32xf32, #tpu.memory_space<vmem_shared>>
      %dma_start3A_1004 = tpu.memref_squeeze %dma_start3A_1003 : memref<1x10000x32xf32, #tpu.memory_space<vmem_shared>> -> memref<10000x32xf32, #tpu.memory_space<vmem_shared>>
      %dma_start3A_1005 = arith.constant 0 : i32
      %dma_start3A_1006 = arith.constant 0 : i32
      %dma_start3A_1007 = tpu.memref_slice %dma_start3A_1004[%dma_start3A_1005, %dma_start3A_1006] : memref<10000x32xf32, #tpu.memory_space<vmem_shared>> -> memref<10000x32xf32, #tpu.memory_space<vmem_shared>>
      %dma_start3A_1008 = tpu.memref_slice %arg12[%dma_start3A_995] : memref<4x!tpu.dma_semaphore, #tpu.memory_space<semaphore_mem>> -> memref<1x!tpu.dma_semaphore, #tpu.memory_space<semaphore_mem>>
      %dma_start3A_1009 = tpu.memref_squeeze %dma_start3A_1008 : memref<1x!tpu.dma_semaphore, #tpu.memory_space<semaphore_mem>> -> memref<!tpu.dma_semaphore, #tpu.memory_space<semaphore_mem>>
      tpu.enqueue_indirect_dma source(%dma_start3A_1007 : memref<10000x32xf32, #tpu.memory_space<vmem_shared>>) target(%dma_start3A_999 : memref<128x32xf32, #tpu.memory_space<vmem>>) offsets(%dma_start3A_1000 : memref<128xi32, #tpu.memory_space<vmem>>) semaphore(%dma_start3A_1009 : memref<!tpu.dma_semaphore, #tpu.memory_space<semaphore_mem>>)
      %mul3A_1010 = arith.constant 4 : i32
      %mul3A_1011 = arith.muli %while3A_772, %mul3A_1010 : i32
      %add3A_1012 = arith.constant 3 : i32
      %add3A_1013 = arith.addi %mul3A_1011, %add3A_1012 : i32
      %mul3A_1014 = arith.constant 128 : i32
      %mul3A_1015 = arith.muli %add3A_1013, %mul3A_1014 : i32
      %add3A_1016 = arith.addi %mul3A_2, %mul3A_1015 : i32
      %mul3A_1017 = arith.constant 128 : i32
      %mul3A_1018 = arith.muli %add3A_1013, %mul3A_1017 : i32
      %add3A_1019 = arith.addi %sub3A_27, %mul3A_1018 : i32
      %dma_wait3A_1020 = arith.constant 3 : i32
      %dma_wait3A_1021 = arith.constant 3 : i32
      %dma_wait3A_1022 = arith.constant 0 : i32
      %dma_wait3A_1023 = arith.constant 0 : i32
      %dma_wait3A_1024 = tpu.memref_slice %arg11[%dma_wait3A_1020, %dma_wait3A_1022, %dma_wait3A_1023] : memref<4x128x32xf32, #tpu.memory_space<vmem>> -> memref<1x128x32xf32, #tpu.memory_space<vmem>>
      %dma_wait3A_1025 = tpu.memref_squeeze %dma_wait3A_1024 : memref<1x128x32xf32, #tpu.memory_space<vmem>> -> memref<128x32xf32, #tpu.memory_space<vmem>>
      %dma_wait3A_1026 = tpu.memref_slice %arg10[%add3A_1019] : memref<10240xi32, #tpu.memory_space<vmem>> -> memref<128xi32, #tpu.memory_space<vmem>>
      %dma_wait3A_1027 = arith.constant 0 : i32
      %dma_wait3A_1028 = arith.constant 0 : i32
      %dma_wait3A_1029 = tpu.memref_slice %arg8[%while3A_482, %dma_wait3A_1027, %dma_wait3A_1028] : memref<2x10000x32xf32, #tpu.memory_space<vmem_shared>> -> memref<1x10000x32xf32, #tpu.memory_space<vmem_shared>>
      %dma_wait3A_1030 = tpu.memref_squeeze %dma_wait3A_1029 : memref<1x10000x32xf32, #tpu.memory_space<vmem_shared>> -> memref<10000x32xf32, #tpu.memory_space<vmem_shared>>
      %dma_wait3A_1031 = arith.constant 0 : i32
      %dma_wait3A_1032 = arith.constant 0 : i32
      %dma_wait3A_1033 = tpu.memref_slice %dma_wait3A_1030[%dma_wait3A_1031, %dma_wait3A_1032] : memref<10000x32xf32, #tpu.memory_space<vmem_shared>> -> memref<10000x32xf32, #tpu.memory_space<vmem_shared>>
      %dma_wait3A_1034 = tpu.memref_slice %arg12[%dma_wait3A_1021] : memref<4x!tpu.dma_semaphore, #tpu.memory_space<semaphore_mem>> -> memref<1x!tpu.dma_semaphore, #tpu.memory_space<semaphore_mem>>
      %dma_wait3A_1035 = tpu.memref_squeeze %dma_wait3A_1034 : memref<1x!tpu.dma_semaphore, #tpu.memory_space<semaphore_mem>> -> memref<!tpu.dma_semaphore, #tpu.memory_space<semaphore_mem>>
      tpu.wait_indirect_dma semaphore(%dma_wait3A_1035 : memref<!tpu.dma_semaphore, #tpu.memory_space<semaphore_mem>>) src(%dma_wait3A_1033 : memref<10000x32xf32, #tpu.memory_space<vmem_shared>>) dst(%dma_wait3A_1025 : memref<128x32xf32, #tpu.memory_space<vmem>>)
      %dma_start3A_1036 = arith.constant 3 : i32
      %dma_start3A_1037 = arith.constant 3 : i32
      %dma_start3A_1038 = arith.constant 0 : i32
      %dma_start3A_1039 = arith.constant 0 : i32
      %dma_start3A_1040 = tpu.memref_slice %arg11[%dma_start3A_1036, %dma_start3A_1038, %dma_start3A_1039] : memref<4x128x32xf32, #tpu.memory_space<vmem>> -> memref<1x128x32xf32, #tpu.memory_space<vmem>>
      %dma_start3A_1041 = tpu.memref_squeeze %dma_start3A_1040 : memref<1x128x32xf32, #tpu.memory_space<vmem>> -> memref<128x32xf32, #tpu.memory_space<vmem>>
      %dma_start3A_1042 = arith.constant 0 : i32
      %dma_start3A_1043 = tpu.memref_slice %arg7[%add3A_1016, %dma_start3A_1042] : memref<320000x32xf32, #tpu.memory_space<hbm>> -> memref<128x32xf32, #tpu.memory_space<hbm>>
      %dma_start3A_1044 = tpu.memref_slice %arg13[%dma_start3A_1037] : memref<4x!tpu.dma_semaphore, #tpu.memory_space<semaphore_mem>> -> memref<1x!tpu.dma_semaphore, #tpu.memory_space<semaphore_mem>>
      %dma_start3A_1045 = tpu.memref_squeeze %dma_start3A_1044 : memref<1x!tpu.dma_semaphore, #tpu.memory_space<semaphore_mem>> -> memref<!tpu.dma_semaphore, #tpu.memory_space<semaphore_mem>>
      %dma_start3A_1046 = arith.constant 0 : i32
      %dma_start3A_1047 = tpu.memref_slice %arg7[%add3A_1016, %dma_start3A_1046] : memref<320000x32xf32, #tpu.memory_space<hbm>> -> memref<128x32xf32, #tpu.memory_space<hbm>>
      %dma_start3A_1048 = arith.constant 0 : i32
      %dma_start3A_1049 = arith.constant 0 : i32
      %dma_start3A_1050 = tpu.memref_slice %arg11[%dma_start3A_1036, %dma_start3A_1048, %dma_start3A_1049] : memref<4x128x32xf32, #tpu.memory_space<vmem>> -> memref<1x128x32xf32, #tpu.memory_space<vmem>>
      %dma_start3A_1051 = tpu.memref_squeeze %dma_start3A_1050 : memref<1x128x32xf32, #tpu.memory_space<vmem>> -> memref<128x32xf32, #tpu.memory_space<vmem>>
      tpu.enqueue_dma source(%dma_start3A_1051 : memref<128x32xf32, #tpu.memory_space<vmem>>) target(%dma_start3A_1047 : memref<128x32xf32, #tpu.memory_space<hbm>>) target_semaphore(%dma_start3A_1045 : memref<!tpu.dma_semaphore, #tpu.memory_space<semaphore_mem>>)
      %dma_wait3A_1052 = arith.constant 3 : i32
      %dma_wait3A_1053 = arith.constant 3 : i32
      %dma_wait3A_1054 = arith.constant 0 : i32
      %dma_wait3A_1055 = arith.constant 0 : i32
      %dma_wait3A_1056 = tpu.memref_slice %arg11[%dma_wait3A_1052, %dma_wait3A_1054, %dma_wait3A_1055] : memref<4x128x32xf32, #tpu.memory_space<vmem>> -> memref<1x128x32xf32, #tpu.memory_space<vmem>>
      %dma_wait3A_1057 = tpu.memref_squeeze %dma_wait3A_1056 : memref<1x128x32xf32, #tpu.memory_space<vmem>> -> memref<128x32xf32, #tpu.memory_space<vmem>>
      %dma_wait3A_1058 = arith.constant 0 : i32
      %dma_wait3A_1059 = tpu.memref_slice %arg7[%add3A_1016, %dma_wait3A_1058] : memref<320000x32xf32, #tpu.memory_space<hbm>> -> memref<128x32xf32, #tpu.memory_space<hbm>>
      %dma_wait3A_1060 = tpu.memref_slice %arg13[%dma_wait3A_1053] : memref<4x!tpu.dma_semaphore, #tpu.memory_space<semaphore_mem>> -> memref<1x!tpu.dma_semaphore, #tpu.memory_space<semaphore_mem>>
      %dma_wait3A_1061 = tpu.memref_squeeze %dma_wait3A_1060 : memref<1x!tpu.dma_semaphore, #tpu.memory_space<semaphore_mem>> -> memref<!tpu.dma_semaphore, #tpu.memory_space<semaphore_mem>>
      %dma_wait3A_1062 = arith.constant 0 : i32
      %dma_wait3A_1063 = tpu.memref_slice %arg7[%add3A_1016, %dma_wait3A_1062] : memref<320000x32xf32, #tpu.memory_space<hbm>> -> memref<128x32xf32, #tpu.memory_space<hbm>>
      %dma_wait3A_1064 = arith.constant 0 : i32
      %dma_wait3A_1065 = arith.constant 0 : i32
      %dma_wait3A_1066 = tpu.memref_slice %arg11[%dma_wait3A_1052, %dma_wait3A_1064, %dma_wait3A_1065] : memref<4x128x32xf32, #tpu.memory_space<vmem>> -> memref<1x128x32xf32, #tpu.memory_space<vmem>>
      %dma_wait3A_1067 = tpu.memref_squeeze %dma_wait3A_1066 : memref<1x128x32xf32, #tpu.memory_space<vmem>> -> memref<128x32xf32, #tpu.memory_space<vmem>>
      tpu.wait_dma2 semaphore(%dma_wait3A_1061 : memref<!tpu.dma_semaphore, #tpu.memory_space<semaphore_mem>>) src(%dma_wait3A_1067 : memref<128x32xf32, #tpu.memory_space<vmem>>) dst(%dma_wait3A_1063 : memref<128x32xf32, #tpu.memory_space<hbm>>)
      %add3A_1068 = arith.constant 4 : i32
      %add3A_1069 = arith.addi %add3A_1068, %add3A_1013 : i32
      %mul3A_1070 = arith.constant 128 : i32
      %mul3A_1071 = arith.muli %add3A_1069, %mul3A_1070 : i32
      %add3A_1072 = arith.addi %sub3A_27, %mul3A_1071 : i32
      %dma_start3A_1073 = arith.constant 3 : i32
      %dma_start3A_1074 = arith.constant 3 : i32
      %dma_start3A_1075 = arith.constant 0 : i32
      %dma_start3A_1076 = arith.constant 0 : i32
      %dma_start3A_1077 = tpu.memref_slice %arg11[%dma_start3A_1073, %dma_start3A_1075, %dma_start3A_1076] : memref<4x128x32xf32, #tpu.memory_space<vmem>> -> memref<1x128x32xf32, #tpu.memory_space<vmem>>
      %dma_start3A_1078 = tpu.memref_squeeze %dma_start3A_1077 : memref<1x128x32xf32, #tpu.memory_space<vmem>> -> memref<128x32xf32, #tpu.memory_space<vmem>>
      %dma_start3A_1079 = tpu.memref_slice %arg10[%add3A_1072] : memref<10240xi32, #tpu.memory_space<vmem>> -> memref<128xi32, #tpu.memory_space<vmem>>
      %dma_start3A_1080 = arith.constant 0 : i32
      %dma_start3A_1081 = arith.constant 0 : i32
      %dma_start3A_1082 = tpu.memref_slice %arg8[%while3A_482, %dma_start3A_1080, %dma_start3A_1081] : memref<2x10000x32xf32, #tpu.memory_space<vmem_shared>> -> memref<1x10000x32xf32, #tpu.memory_space<vmem_shared>>
      %dma_start3A_1083 = tpu.memref_squeeze %dma_start3A_1082 : memref<1x10000x32xf32, #tpu.memory_space<vmem_shared>> -> memref<10000x32xf32, #tpu.memory_space<vmem_shared>>
      %dma_start3A_1084 = arith.constant 0 : i32
      %dma_start3A_1085 = arith.constant 0 : i32
      %dma_start3A_1086 = tpu.memref_slice %dma_start3A_1083[%dma_start3A_1084, %dma_start3A_1085] : memref<10000x32xf32, #tpu.memory_space<vmem_shared>> -> memref<10000x32xf32, #tpu.memory_space<vmem_shared>>
      %dma_start3A_1087 = tpu.memref_slice %arg12[%dma_start3A_1074] : memref<4x!tpu.dma_semaphore, #tpu.memory_space<semaphore_mem>> -> memref<1x!tpu.dma_semaphore, #tpu.memory_space<semaphore_mem>>
      %dma_start3A_1088 = tpu.memref_squeeze %dma_start3A_1087 : memref<1x!tpu.dma_semaphore, #tpu.memory_space<semaphore_mem>> -> memref<!tpu.dma_semaphore, #tpu.memory_space<semaphore_mem>>
      tpu.enqueue_indirect_dma source(%dma_start3A_1086 : memref<10000x32xf32, #tpu.memory_space<vmem_shared>>) target(%dma_start3A_1078 : memref<128x32xf32, #tpu.memory_space<vmem>>) offsets(%dma_start3A_1079 : memref<128xi32, #tpu.memory_space<vmem>>) semaphore(%dma_start3A_1088 : memref<!tpu.dma_semaphore, #tpu.memory_space<semaphore_mem>>)
    }
    %sub3A_492 = arith.constant 1 : i32
    %sub3A_493 = arith.subi %select_n3A_22, %sub3A_492 : i32
    %mul3A_494 = arith.constant 4 : i32
    %mul3A_495 = arith.muli %sub3A_493, %mul3A_494 : i32
    %add3A_496 = arith.constant 0 : i32
    %add3A_497 = arith.addi %mul3A_495, %add3A_496 : i32
    %mul3A_498 = arith.constant 128 : i32
    %mul3A_499 = arith.muli %add3A_497, %mul3A_498 : i32
    %add3A_500 = arith.addi %sub3A_27, %mul3A_499 : i32
    %dma_wait3A_501 = arith.constant 1 : i32
    %dma_wait3A_502 = arith.constant 0 : i32
    %dma_wait3A_503 = arith.constant 0 : i32
    %dma_wait3A_504 = arith.constant 0 : i32
    %dma_wait3A_505 = arith.constant 0 : i32
    %dma_wait3A_506 = tpu.memref_slice %arg11[%dma_wait3A_502, %dma_wait3A_504, %dma_wait3A_505] : memref<4x128x32xf32, #tpu.memory_space<vmem>> -> memref<1x128x32xf32, #tpu.memory_space<vmem>>
    %dma_wait3A_507 = tpu.memref_squeeze %dma_wait3A_506 : memref<1x128x32xf32, #tpu.memory_space<vmem>> -> memref<128x32xf32, #tpu.memory_space<vmem>>
    %dma_wait3A_508 = tpu.memref_slice %arg10[%add3A_500] : memref<10240xi32, #tpu.memory_space<vmem>> -> memref<128xi32, #tpu.memory_space<vmem>>
    %dma_wait3A_509 = arith.constant 0 : i32
    %dma_wait3A_510 = arith.constant 0 : i32
    %dma_wait3A_511 = tpu.memref_slice %arg8[%dma_wait3A_501, %dma_wait3A_509, %dma_wait3A_510] : memref<2x10000x32xf32, #tpu.memory_space<vmem_shared>> -> memref<1x10000x32xf32, #tpu.memory_space<vmem_shared>>
    %dma_wait3A_512 = tpu.memref_squeeze %dma_wait3A_511 : memref<1x10000x32xf32, #tpu.memory_space<vmem_shared>> -> memref<10000x32xf32, #tpu.memory_space<vmem_shared>>
    %dma_wait3A_513 = arith.constant 0 : i32
    %dma_wait3A_514 = arith.constant 0 : i32
    %dma_wait3A_515 = tpu.memref_slice %dma_wait3A_512[%dma_wait3A_513, %dma_wait3A_514] : memref<10000x32xf32, #tpu.memory_space<vmem_shared>> -> memref<10000x32xf32, #tpu.memory_space<vmem_shared>>
    %dma_wait3A_516 = tpu.memref_slice %arg12[%dma_wait3A_503] : memref<4x!tpu.dma_semaphore, #tpu.memory_space<semaphore_mem>> -> memref<1x!tpu.dma_semaphore, #tpu.memory_space<semaphore_mem>>
    %dma_wait3A_517 = tpu.memref_squeeze %dma_wait3A_516 : memref<1x!tpu.dma_semaphore, #tpu.memory_space<semaphore_mem>> -> memref<!tpu.dma_semaphore, #tpu.memory_space<semaphore_mem>>
    tpu.wait_indirect_dma semaphore(%dma_wait3A_517 : memref<!tpu.dma_semaphore, #tpu.memory_space<semaphore_mem>>) src(%dma_wait3A_515 : memref<10000x32xf32, #tpu.memory_space<vmem_shared>>) dst(%dma_wait3A_507 : memref<128x32xf32, #tpu.memory_space<vmem>>)
    %mul3A_518 = arith.constant 128 : i32
    %mul3A_519 = arith.muli %add3A_497, %mul3A_518 : i32
    %add3A_520 = arith.addi %mul3A_2, %mul3A_519 : i32
    %dma_start3A_521 = arith.constant 0 : i32
    %dma_start3A_522 = arith.constant 0 : i32
    %dma_start3A_523 = arith.constant 0 : i32
    %dma_start3A_524 = arith.constant 0 : i32
    %dma_start3A_525 = tpu.memref_slice %arg11[%dma_start3A_521, %dma_start3A_523, %dma_start3A_524] : memref<4x128x32xf32, #tpu.memory_space<vmem>> -> memref<1x128x32xf32, #tpu.memory_space<vmem>>
    %dma_start3A_526 = tpu.memref_squeeze %dma_start3A_525 : memref<1x128x32xf32, #tpu.memory_space<vmem>> -> memref<128x32xf32, #tpu.memory_space<vmem>>
    %dma_start3A_527 = arith.constant 0 : i32
    %dma_start3A_528 = tpu.memref_slice %arg7[%add3A_520, %dma_start3A_527] : memref<320000x32xf32, #tpu.memory_space<hbm>> -> memref<128x32xf32, #tpu.memory_space<hbm>>
    %dma_start3A_529 = tpu.memref_slice %arg13[%dma_start3A_522] : memref<4x!tpu.dma_semaphore, #tpu.memory_space<semaphore_mem>> -> memref<1x!tpu.dma_semaphore, #tpu.memory_space<semaphore_mem>>
    %dma_start3A_530 = tpu.memref_squeeze %dma_start3A_529 : memref<1x!tpu.dma_semaphore, #tpu.memory_space<semaphore_mem>> -> memref<!tpu.dma_semaphore, #tpu.memory_space<semaphore_mem>>
    %dma_start3A_531 = arith.constant 0 : i32
    %dma_start3A_532 = tpu.memref_slice %arg7[%add3A_520, %dma_start3A_531] : memref<320000x32xf32, #tpu.memory_space<hbm>> -> memref<128x32xf32, #tpu.memory_space<hbm>>
    %dma_start3A_533 = arith.constant 0 : i32
    %dma_start3A_534 = arith.constant 0 : i32
    %dma_start3A_535 = tpu.memref_slice %arg11[%dma_start3A_521, %dma_start3A_533, %dma_start3A_534] : memref<4x128x32xf32, #tpu.memory_space<vmem>> -> memref<1x128x32xf32, #tpu.memory_space<vmem>>
    %dma_start3A_536 = tpu.memref_squeeze %dma_start3A_535 : memref<1x128x32xf32, #tpu.memory_space<vmem>> -> memref<128x32xf32, #tpu.memory_space<vmem>>
    tpu.enqueue_dma source(%dma_start3A_536 : memref<128x32xf32, #tpu.memory_space<vmem>>) target(%dma_start3A_532 : memref<128x32xf32, #tpu.memory_space<hbm>>) target_semaphore(%dma_start3A_530 : memref<!tpu.dma_semaphore, #tpu.memory_space<semaphore_mem>>)
    %sub3A_537 = arith.constant 1 : i32
    %sub3A_538 = arith.subi %select_n3A_22, %sub3A_537 : i32
    %mul3A_539 = arith.constant 4 : i32
    %mul3A_540 = arith.muli %sub3A_538, %mul3A_539 : i32
    %add3A_541 = arith.constant 1 : i32
    %add3A_542 = arith.addi %mul3A_540, %add3A_541 : i32
    %mul3A_543 = arith.constant 128 : i32
    %mul3A_544 = arith.muli %add3A_542, %mul3A_543 : i32
    %add3A_545 = arith.addi %sub3A_27, %mul3A_544 : i32
    %dma_wait3A_546 = arith.constant 1 : i32
    %dma_wait3A_547 = arith.constant 1 : i32
    %dma_wait3A_548 = arith.constant 1 : i32
    %dma_wait3A_549 = arith.constant 0 : i32
    %dma_wait3A_550 = arith.constant 0 : i32
    %dma_wait3A_551 = tpu.memref_slice %arg11[%dma_wait3A_547, %dma_wait3A_549, %dma_wait3A_550] : memref<4x128x32xf32, #tpu.memory_space<vmem>> -> memref<1x128x32xf32, #tpu.memory_space<vmem>>
    %dma_wait3A_552 = tpu.memref_squeeze %dma_wait3A_551 : memref<1x128x32xf32, #tpu.memory_space<vmem>> -> memref<128x32xf32, #tpu.memory_space<vmem>>
    %dma_wait3A_553 = tpu.memref_slice %arg10[%add3A_545] : memref<10240xi32, #tpu.memory_space<vmem>> -> memref<128xi32, #tpu.memory_space<vmem>>
    %dma_wait3A_554 = arith.constant 0 : i32
    %dma_wait3A_555 = arith.constant 0 : i32
    %dma_wait3A_556 = tpu.memref_slice %arg8[%dma_wait3A_546, %dma_wait3A_554, %dma_wait3A_555] : memref<2x10000x32xf32, #tpu.memory_space<vmem_shared>> -> memref<1x10000x32xf32, #tpu.memory_space<vmem_shared>>
    %dma_wait3A_557 = tpu.memref_squeeze %dma_wait3A_556 : memref<1x10000x32xf32, #tpu.memory_space<vmem_shared>> -> memref<10000x32xf32, #tpu.memory_space<vmem_shared>>
    %dma_wait3A_558 = arith.constant 0 : i32
    %dma_wait3A_559 = arith.constant 0 : i32
    %dma_wait3A_560 = tpu.memref_slice %dma_wait3A_557[%dma_wait3A_558, %dma_wait3A_559] : memref<10000x32xf32, #tpu.memory_space<vmem_shared>> -> memref<10000x32xf32, #tpu.memory_space<vmem_shared>>
    %dma_wait3A_561 = tpu.memref_slice %arg12[%dma_wait3A_548] : memref<4x!tpu.dma_semaphore, #tpu.memory_space<semaphore_mem>> -> memref<1x!tpu.dma_semaphore, #tpu.memory_space<semaphore_mem>>
    %dma_wait3A_562 = tpu.memref_squeeze %dma_wait3A_561 : memref<1x!tpu.dma_semaphore, #tpu.memory_space<semaphore_mem>> -> memref<!tpu.dma_semaphore, #tpu.memory_space<semaphore_mem>>
    tpu.wait_indirect_dma semaphore(%dma_wait3A_562 : memref<!tpu.dma_semaphore, #tpu.memory_space<semaphore_mem>>) src(%dma_wait3A_560 : memref<10000x32xf32, #tpu.memory_space<vmem_shared>>) dst(%dma_wait3A_552 : memref<128x32xf32, #tpu.memory_space<vmem>>)
    %mul3A_563 = arith.constant 128 : i32
    %mul3A_564 = arith.muli %add3A_542, %mul3A_563 : i32
    %add3A_565 = arith.addi %mul3A_2, %mul3A_564 : i32
    %dma_start3A_566 = arith.constant 1 : i32
    %dma_start3A_567 = arith.constant 1 : i32
    %dma_start3A_568 = arith.constant 0 : i32
    %dma_start3A_569 = arith.constant 0 : i32
    %dma_start3A_570 = tpu.memref_slice %arg11[%dma_start3A_566, %dma_start3A_568, %dma_start3A_569] : memref<4x128x32xf32, #tpu.memory_space<vmem>> -> memref<1x128x32xf32, #tpu.memory_space<vmem>>
    %dma_start3A_571 = tpu.memref_squeeze %dma_start3A_570 : memref<1x128x32xf32, #tpu.memory_space<vmem>> -> memref<128x32xf32, #tpu.memory_space<vmem>>
    %dma_start3A_572 = arith.constant 0 : i32
    %dma_start3A_573 = tpu.memref_slice %arg7[%add3A_565, %dma_start3A_572] : memref<320000x32xf32, #tpu.memory_space<hbm>> -> memref<128x32xf32, #tpu.memory_space<hbm>>
    %dma_start3A_574 = tpu.memref_slice %arg13[%dma_start3A_567] : memref<4x!tpu.dma_semaphore, #tpu.memory_space<semaphore_mem>> -> memref<1x!tpu.dma_semaphore, #tpu.memory_space<semaphore_mem>>
    %dma_start3A_575 = tpu.memref_squeeze %dma_start3A_574 : memref<1x!tpu.dma_semaphore, #tpu.memory_space<semaphore_mem>> -> memref<!tpu.dma_semaphore, #tpu.memory_space<semaphore_mem>>
    %dma_start3A_576 = arith.constant 0 : i32
    %dma_start3A_577 = tpu.memref_slice %arg7[%add3A_565, %dma_start3A_576] : memref<320000x32xf32, #tpu.memory_space<hbm>> -> memref<128x32xf32, #tpu.memory_space<hbm>>
    %dma_start3A_578 = arith.constant 0 : i32
    %dma_start3A_579 = arith.constant 0 : i32
    %dma_start3A_580 = tpu.memref_slice %arg11[%dma_start3A_566, %dma_start3A_578, %dma_start3A_579] : memref<4x128x32xf32, #tpu.memory_space<vmem>> -> memref<1x128x32xf32, #tpu.memory_space<vmem>>
    %dma_start3A_581 = tpu.memref_squeeze %dma_start3A_580 : memref<1x128x32xf32, #tpu.memory_space<vmem>> -> memref<128x32xf32, #tpu.memory_space<vmem>>
    tpu.enqueue_dma source(%dma_start3A_581 : memref<128x32xf32, #tpu.memory_space<vmem>>) target(%dma_start3A_577 : memref<128x32xf32, #tpu.memory_space<hbm>>) target_semaphore(%dma_start3A_575 : memref<!tpu.dma_semaphore, #tpu.memory_space<semaphore_mem>>)
    %sub3A_582 = arith.constant 1 : i32
    %sub3A_583 = arith.subi %select_n3A_22, %sub3A_582 : i32
    %mul3A_584 = arith.constant 4 : i32
    %mul3A_585 = arith.muli %sub3A_583, %mul3A_584 : i32
    %add3A_586 = arith.constant 2 : i32
    %add3A_587 = arith.addi %mul3A_585, %add3A_586 : i32
    %mul3A_588 = arith.constant 128 : i32
    %mul3A_589 = arith.muli %add3A_587, %mul3A_588 : i32
    %add3A_590 = arith.addi %sub3A_27, %mul3A_589 : i32
    %dma_wait3A_591 = arith.constant 1 : i32
    %dma_wait3A_592 = arith.constant 2 : i32
    %dma_wait3A_593 = arith.constant 2 : i32
    %dma_wait3A_594 = arith.constant 0 : i32
    %dma_wait3A_595 = arith.constant 0 : i32
    %dma_wait3A_596 = tpu.memref_slice %arg11[%dma_wait3A_592, %dma_wait3A_594, %dma_wait3A_595] : memref<4x128x32xf32, #tpu.memory_space<vmem>> -> memref<1x128x32xf32, #tpu.memory_space<vmem>>
    %dma_wait3A_597 = tpu.memref_squeeze %dma_wait3A_596 : memref<1x128x32xf32, #tpu.memory_space<vmem>> -> memref<128x32xf32, #tpu.memory_space<vmem>>
    %dma_wait3A_598 = tpu.memref_slice %arg10[%add3A_590] : memref<10240xi32, #tpu.memory_space<vmem>> -> memref<128xi32, #tpu.memory_space<vmem>>
    %dma_wait3A_599 = arith.constant 0 : i32
    %dma_wait3A_600 = arith.constant 0 : i32
    %dma_wait3A_601 = tpu.memref_slice %arg8[%dma_wait3A_591, %dma_wait3A_599, %dma_wait3A_600] : memref<2x10000x32xf32, #tpu.memory_space<vmem_shared>> -> memref<1x10000x32xf32, #tpu.memory_space<vmem_shared>>
    %dma_wait3A_602 = tpu.memref_squeeze %dma_wait3A_601 : memref<1x10000x32xf32, #tpu.memory_space<vmem_shared>> -> memref<10000x32xf32, #tpu.memory_space<vmem_shared>>
    %dma_wait3A_603 = arith.constant 0 : i32
    %dma_wait3A_604 = arith.constant 0 : i32
    %dma_wait3A_605 = tpu.memref_slice %dma_wait3A_602[%dma_wait3A_603, %dma_wait3A_604] : memref<10000x32xf32, #tpu.memory_space<vmem_shared>> -> memref<10000x32xf32, #tpu.memory_space<vmem_shared>>
    %dma_wait3A_606 = tpu.memref_slice %arg12[%dma_wait3A_593] : memref<4x!tpu.dma_semaphore, #tpu.memory_space<semaphore_mem>> -> memref<1x!tpu.dma_semaphore, #tpu.memory_space<semaphore_mem>>
    %dma_wait3A_607 = tpu.memref_squeeze %dma_wait3A_606 : memref<1x!tpu.dma_semaphore, #tpu.memory_space<semaphore_mem>> -> memref<!tpu.dma_semaphore, #tpu.memory_space<semaphore_mem>>
    tpu.wait_indirect_dma semaphore(%dma_wait3A_607 : memref<!tpu.dma_semaphore, #tpu.memory_space<semaphore_mem>>) src(%dma_wait3A_605 : memref<10000x32xf32, #tpu.memory_space<vmem_shared>>) dst(%dma_wait3A_597 : memref<128x32xf32, #tpu.memory_space<vmem>>)
    %mul3A_608 = arith.constant 128 : i32
    %mul3A_609 = arith.muli %add3A_587, %mul3A_608 : i32
    %add3A_610 = arith.addi %mul3A_2, %mul3A_609 : i32
    %dma_start3A_611 = arith.constant 2 : i32
    %dma_start3A_612 = arith.constant 2 : i32
    %dma_start3A_613 = arith.constant 0 : i32
    %dma_start3A_614 = arith.constant 0 : i32
    %dma_start3A_615 = tpu.memref_slice %arg11[%dma_start3A_611, %dma_start3A_613, %dma_start3A_614] : memref<4x128x32xf32, #tpu.memory_space<vmem>> -> memref<1x128x32xf32, #tpu.memory_space<vmem>>
    %dma_start3A_616 = tpu.memref_squeeze %dma_start3A_615 : memref<1x128x32xf32, #tpu.memory_space<vmem>> -> memref<128x32xf32, #tpu.memory_space<vmem>>
    %dma_start3A_617 = arith.constant 0 : i32
    %dma_start3A_618 = tpu.memref_slice %arg7[%add3A_610, %dma_start3A_617] : memref<320000x32xf32, #tpu.memory_space<hbm>> -> memref<128x32xf32, #tpu.memory_space<hbm>>
    %dma_start3A_619 = tpu.memref_slice %arg13[%dma_start3A_612] : memref<4x!tpu.dma_semaphore, #tpu.memory_space<semaphore_mem>> -> memref<1x!tpu.dma_semaphore, #tpu.memory_space<semaphore_mem>>
    %dma_start3A_620 = tpu.memref_squeeze %dma_start3A_619 : memref<1x!tpu.dma_semaphore, #tpu.memory_space<semaphore_mem>> -> memref<!tpu.dma_semaphore, #tpu.memory_space<semaphore_mem>>
    %dma_start3A_621 = arith.constant 0 : i32
    %dma_start3A_622 = tpu.memref_slice %arg7[%add3A_610, %dma_start3A_621] : memref<320000x32xf32, #tpu.memory_space<hbm>> -> memref<128x32xf32, #tpu.memory_space<hbm>>
    %dma_start3A_623 = arith.constant 0 : i32
    %dma_start3A_624 = arith.constant 0 : i32
    %dma_start3A_625 = tpu.memref_slice %arg11[%dma_start3A_611, %dma_start3A_623, %dma_start3A_624] : memref<4x128x32xf32, #tpu.memory_space<vmem>> -> memref<1x128x32xf32, #tpu.memory_space<vmem>>
    %dma_start3A_626 = tpu.memref_squeeze %dma_start3A_625 : memref<1x128x32xf32, #tpu.memory_space<vmem>> -> memref<128x32xf32, #tpu.memory_space<vmem>>
    tpu.enqueue_dma source(%dma_start3A_626 : memref<128x32xf32, #tpu.memory_space<vmem>>) target(%dma_start3A_622 : memref<128x32xf32, #tpu.memory_space<hbm>>) target_semaphore(%dma_start3A_620 : memref<!tpu.dma_semaphore, #tpu.memory_space<semaphore_mem>>)
    %sub3A_627 = arith.constant 1 : i32
    %sub3A_628 = arith.subi %select_n3A_22, %sub3A_627 : i32
    %mul3A_629 = arith.constant 4 : i32
    %mul3A_630 = arith.muli %sub3A_628, %mul3A_629 : i32
    %add3A_631 = arith.constant 3 : i32
    %add3A_632 = arith.addi %mul3A_630, %add3A_631 : i32
    %mul3A_633 = arith.constant 128 : i32
    %mul3A_634 = arith.muli %add3A_632, %mul3A_633 : i32
    %add3A_635 = arith.addi %sub3A_27, %mul3A_634 : i32
    %dma_wait3A_636 = arith.constant 1 : i32
    %dma_wait3A_637 = arith.constant 3 : i32
    %dma_wait3A_638 = arith.constant 3 : i32
    %dma_wait3A_639 = arith.constant 0 : i32
    %dma_wait3A_640 = arith.constant 0 : i32
    %dma_wait3A_641 = tpu.memref_slice %arg11[%dma_wait3A_637, %dma_wait3A_639, %dma_wait3A_640] : memref<4x128x32xf32, #tpu.memory_space<vmem>> -> memref<1x128x32xf32, #tpu.memory_space<vmem>>
    %dma_wait3A_642 = tpu.memref_squeeze %dma_wait3A_641 : memref<1x128x32xf32, #tpu.memory_space<vmem>> -> memref<128x32xf32, #tpu.memory_space<vmem>>
    %dma_wait3A_643 = tpu.memref_slice %arg10[%add3A_635] : memref<10240xi32, #tpu.memory_space<vmem>> -> memref<128xi32, #tpu.memory_space<vmem>>
    %dma_wait3A_644 = arith.constant 0 : i32
    %dma_wait3A_645 = arith.constant 0 : i32
    %dma_wait3A_646 = tpu.memref_slice %arg8[%dma_wait3A_636, %dma_wait3A_644, %dma_wait3A_645] : memref<2x10000x32xf32, #tpu.memory_space<vmem_shared>> -> memref<1x10000x32xf32, #tpu.memory_space<vmem_shared>>
    %dma_wait3A_647 = tpu.memref_squeeze %dma_wait3A_646 : memref<1x10000x32xf32, #tpu.memory_space<vmem_shared>> -> memref<10000x32xf32, #tpu.memory_space<vmem_shared>>
    %dma_wait3A_648 = arith.constant 0 : i32
    %dma_wait3A_649 = arith.constant 0 : i32
    %dma_wait3A_650 = tpu.memref_slice %dma_wait3A_647[%dma_wait3A_648, %dma_wait3A_649] : memref<10000x32xf32, #tpu.memory_space<vmem_shared>> -> memref<10000x32xf32, #tpu.memory_space<vmem_shared>>
    %dma_wait3A_651 = tpu.memref_slice %arg12[%dma_wait3A_638] : memref<4x!tpu.dma_semaphore, #tpu.memory_space<semaphore_mem>> -> memref<1x!tpu.dma_semaphore, #tpu.memory_space<semaphore_mem>>
    %dma_wait3A_652 = tpu.memref_squeeze %dma_wait3A_651 : memref<1x!tpu.dma_semaphore, #tpu.memory_space<semaphore_mem>> -> memref<!tpu.dma_semaphore, #tpu.memory_space<semaphore_mem>>
    tpu.wait_indirect_dma semaphore(%dma_wait3A_652 : memref<!tpu.dma_semaphore, #tpu.memory_space<semaphore_mem>>) src(%dma_wait3A_650 : memref<10000x32xf32, #tpu.memory_space<vmem_shared>>) dst(%dma_wait3A_642 : memref<128x32xf32, #tpu.memory_space<vmem>>)
    %mul3A_653 = arith.constant 128 : i32
    %mul3A_654 = arith.muli %add3A_632, %mul3A_653 : i32
    %add3A_655 = arith.addi %mul3A_2, %mul3A_654 : i32
    %dma_start3A_656 = arith.constant 3 : i32
    %dma_start3A_657 = arith.constant 3 : i32
    %dma_start3A_658 = arith.constant 0 : i32
    %dma_start3A_659 = arith.constant 0 : i32
    %dma_start3A_660 = tpu.memref_slice %arg11[%dma_start3A_656, %dma_start3A_658, %dma_start3A_659] : memref<4x128x32xf32, #tpu.memory_space<vmem>> -> memref<1x128x32xf32, #tpu.memory_space<vmem>>
    %dma_start3A_661 = tpu.memref_squeeze %dma_start3A_660 : memref<1x128x32xf32, #tpu.memory_space<vmem>> -> memref<128x32xf32, #tpu.memory_space<vmem>>
    %dma_start3A_662 = arith.constant 0 : i32
    %dma_start3A_663 = tpu.memref_slice %arg7[%add3A_655, %dma_start3A_662] : memref<320000x32xf32, #tpu.memory_space<hbm>> -> memref<128x32xf32, #tpu.memory_space<hbm>>
    %dma_start3A_664 = tpu.memref_slice %arg13[%dma_start3A_657] : memref<4x!tpu.dma_semaphore, #tpu.memory_space<semaphore_mem>> -> memref<1x!tpu.dma_semaphore, #tpu.memory_space<semaphore_mem>>
    %dma_start3A_665 = tpu.memref_squeeze %dma_start3A_664 : memref<1x!tpu.dma_semaphore, #tpu.memory_space<semaphore_mem>> -> memref<!tpu.dma_semaphore, #tpu.memory_space<semaphore_mem>>
    %dma_start3A_666 = arith.constant 0 : i32
    %dma_start3A_667 = tpu.memref_slice %arg7[%add3A_655, %dma_start3A_666] : memref<320000x32xf32, #tpu.memory_space<hbm>> -> memref<128x32xf32, #tpu.memory_space<hbm>>
    %dma_start3A_668 = arith.constant 0 : i32
    %dma_start3A_669 = arith.constant 0 : i32
    %dma_start3A_670 = tpu.memref_slice %arg11[%dma_start3A_656, %dma_start3A_668, %dma_start3A_669] : memref<4x128x32xf32, #tpu.memory_space<vmem>> -> memref<1x128x32xf32, #tpu.memory_space<vmem>>
    %dma_start3A_671 = tpu.memref_squeeze %dma_start3A_670 : memref<1x128x32xf32, #tpu.memory_space<vmem>> -> memref<128x32xf32, #tpu.memory_space<vmem>>
    tpu.enqueue_dma source(%dma_start3A_671 : memref<128x32xf32, #tpu.memory_space<vmem>>) target(%dma_start3A_667 : memref<128x32xf32, #tpu.memory_space<hbm>>) target_semaphore(%dma_start3A_665 : memref<!tpu.dma_semaphore, #tpu.memory_space<semaphore_mem>>)
    %sub3A_672 = arith.constant 1 : i32
    %sub3A_673 = arith.subi %select_n3A_22, %sub3A_672 : i32
    %mul3A_674 = arith.constant 4 : i32
    %mul3A_675 = arith.muli %sub3A_673, %mul3A_674 : i32
    %add3A_676 = arith.constant 0 : i32
    %add3A_677 = arith.addi %mul3A_675, %add3A_676 : i32
    %mul3A_678 = arith.constant 128 : i32
    %mul3A_679 = arith.muli %add3A_677, %mul3A_678 : i32
    %add3A_680 = arith.addi %mul3A_2, %mul3A_679 : i32
    %dma_wait3A_681 = arith.constant 0 : i32
    %dma_wait3A_682 = arith.constant 0 : i32
    %dma_wait3A_683 = arith.constant 0 : i32
    %dma_wait3A_684 = arith.constant 0 : i32
    %dma_wait3A_685 = tpu.memref_slice %arg11[%dma_wait3A_681, %dma_wait3A_683, %dma_wait3A_684] : memref<4x128x32xf32, #tpu.memory_space<vmem>> -> memref<1x128x32xf32, #tpu.memory_space<vmem>>
    %dma_wait3A_686 = tpu.memref_squeeze %dma_wait3A_685 : memref<1x128x32xf32, #tpu.memory_space<vmem>> -> memref<128x32xf32, #tpu.memory_space<vmem>>
    %dma_wait3A_687 = arith.constant 0 : i32
    %dma_wait3A_688 = tpu.memref_slice %arg7[%add3A_680, %dma_wait3A_687] : memref<320000x32xf32, #tpu.memory_space<hbm>> -> memref<128x32xf32, #tpu.memory_space<hbm>>
    %dma_wait3A_689 = tpu.memref_slice %arg13[%dma_wait3A_682] : memref<4x!tpu.dma_semaphore, #tpu.memory_space<semaphore_mem>> -> memref<1x!tpu.dma_semaphore, #tpu.memory_space<semaphore_mem>>
    %dma_wait3A_690 = tpu.memref_squeeze %dma_wait3A_689 : memref<1x!tpu.dma_semaphore, #tpu.memory_space<semaphore_mem>> -> memref<!tpu.dma_semaphore, #tpu.memory_space<semaphore_mem>>
    %dma_wait3A_691 = arith.constant 0 : i32
    %dma_wait3A_692 = tpu.memref_slice %arg7[%add3A_680, %dma_wait3A_691] : memref<320000x32xf32, #tpu.memory_space<hbm>> -> memref<128x32xf32, #tpu.memory_space<hbm>>
    %dma_wait3A_693 = arith.constant 0 : i32
    %dma_wait3A_694 = arith.constant 0 : i32
    %dma_wait3A_695 = tpu.memref_slice %arg11[%dma_wait3A_681, %dma_wait3A_693, %dma_wait3A_694] : memref<4x128x32xf32, #tpu.memory_space<vmem>> -> memref<1x128x32xf32, #tpu.memory_space<vmem>>
    %dma_wait3A_696 = tpu.memref_squeeze %dma_wait3A_695 : memref<1x128x32xf32, #tpu.memory_space<vmem>> -> memref<128x32xf32, #tpu.memory_space<vmem>>
    tpu.wait_dma2 semaphore(%dma_wait3A_690 : memref<!tpu.dma_semaphore, #tpu.memory_space<semaphore_mem>>) src(%dma_wait3A_696 : memref<128x32xf32, #tpu.memory_space<vmem>>) dst(%dma_wait3A_692 : memref<128x32xf32, #tpu.memory_space<hbm>>)
    %sub3A_697 = arith.constant 1 : i32
    %sub3A_698 = arith.subi %select_n3A_22, %sub3A_697 : i32
    %mul3A_699 = arith.constant 4 : i32
    %mul3A_700 = arith.muli %sub3A_698, %mul3A_699 : i32
    %add3A_701 = arith.constant 1 : i32
    %add3A_702 = arith.addi %mul3A_700, %add3A_701 : i32
    %mul3A_703 = arith.constant 128 : i32
    %mul3A_704 = arith.muli %add3A_702, %mul3A_703 : i32
    %add3A_705 = arith.addi %mul3A_2, %mul3A_704 : i32
    %dma_wait3A_706 = arith.constant 1 : i32
    %dma_wait3A_707 = arith.constant 1 : i32
    %dma_wait3A_708 = arith.constant 0 : i32
    %dma_wait3A_709 = arith.constant 0 : i32
    %dma_wait3A_710 = tpu.memref_slice %arg11[%dma_wait3A_706, %dma_wait3A_708, %dma_wait3A_709] : memref<4x128x32xf32, #tpu.memory_space<vmem>> -> memref<1x128x32xf32, #tpu.memory_space<vmem>>
    %dma_wait3A_711 = tpu.memref_squeeze %dma_wait3A_710 : memref<1x128x32xf32, #tpu.memory_space<vmem>> -> memref<128x32xf32, #tpu.memory_space<vmem>>
    %dma_wait3A_712 = arith.constant 0 : i32
    %dma_wait3A_713 = tpu.memref_slice %arg7[%add3A_705, %dma_wait3A_712] : memref<320000x32xf32, #tpu.memory_space<hbm>> -> memref<128x32xf32, #tpu.memory_space<hbm>>
    %dma_wait3A_714 = tpu.memref_slice %arg13[%dma_wait3A_707] : memref<4x!tpu.dma_semaphore, #tpu.memory_space<semaphore_mem>> -> memref<1x!tpu.dma_semaphore, #tpu.memory_space<semaphore_mem>>
    %dma_wait3A_715 = tpu.memref_squeeze %dma_wait3A_714 : memref<1x!tpu.dma_semaphore, #tpu.memory_space<semaphore_mem>> -> memref<!tpu.dma_semaphore, #tpu.memory_space<semaphore_mem>>
    %dma_wait3A_716 = arith.constant 0 : i32
    %dma_wait3A_717 = tpu.memref_slice %arg7[%add3A_705, %dma_wait3A_716] : memref<320000x32xf32, #tpu.memory_space<hbm>> -> memref<128x32xf32, #tpu.memory_space<hbm>>
    %dma_wait3A_718 = arith.constant 0 : i32
    %dma_wait3A_719 = arith.constant 0 : i32
    %dma_wait3A_720 = tpu.memref_slice %arg11[%dma_wait3A_706, %dma_wait3A_718, %dma_wait3A_719] : memref<4x128x32xf32, #tpu.memory_space<vmem>> -> memref<1x128x32xf32, #tpu.memory_space<vmem>>
    %dma_wait3A_721 = tpu.memref_squeeze %dma_wait3A_720 : memref<1x128x32xf32, #tpu.memory_space<vmem>> -> memref<128x32xf32, #tpu.memory_space<vmem>>
    tpu.wait_dma2 semaphore(%dma_wait3A_715 : memref<!tpu.dma_semaphore, #tpu.memory_space<semaphore_mem>>) src(%dma_wait3A_721 : memref<128x32xf32, #tpu.memory_space<vmem>>) dst(%dma_wait3A_717 : memref<128x32xf32, #tpu.memory_space<hbm>>)
    %sub3A_722 = arith.constant 1 : i32
    %sub3A_723 = arith.subi %select_n3A_22, %sub3A_722 : i32
    %mul3A_724 = arith.constant 4 : i32
    %mul3A_725 = arith.muli %sub3A_723, %mul3A_724 : i32
    %add3A_726 = arith.constant 2 : i32
    %add3A_727 = arith.addi %mul3A_725, %add3A_726 : i32
    %mul3A_728 = arith.constant 128 : i32
    %mul3A_729 = arith.muli %add3A_727, %mul3A_728 : i32
    %add3A_730 = arith.addi %mul3A_2, %mul3A_729 : i32
    %dma_wait3A_731 = arith.constant 2 : i32
    %dma_wait3A_732 = arith.constant 2 : i32
    %dma_wait3A_733 = arith.constant 0 : i32
    %dma_wait3A_734 = arith.constant 0 : i32
    %dma_wait3A_735 = tpu.memref_slice %arg11[%dma_wait3A_731, %dma_wait3A_733, %dma_wait3A_734] : memref<4x128x32xf32, #tpu.memory_space<vmem>> -> memref<1x128x32xf32, #tpu.memory_space<vmem>>
    %dma_wait3A_736 = tpu.memref_squeeze %dma_wait3A_735 : memref<1x128x32xf32, #tpu.memory_space<vmem>> -> memref<128x32xf32, #tpu.memory_space<vmem>>
    %dma_wait3A_737 = arith.constant 0 : i32
    %dma_wait3A_738 = tpu.memref_slice %arg7[%add3A_730, %dma_wait3A_737] : memref<320000x32xf32, #tpu.memory_space<hbm>> -> memref<128x32xf32, #tpu.memory_space<hbm>>
    %dma_wait3A_739 = tpu.memref_slice %arg13[%dma_wait3A_732] : memref<4x!tpu.dma_semaphore, #tpu.memory_space<semaphore_mem>> -> memref<1x!tpu.dma_semaphore, #tpu.memory_space<semaphore_mem>>
    %dma_wait3A_740 = tpu.memref_squeeze %dma_wait3A_739 : memref<1x!tpu.dma_semaphore, #tpu.memory_space<semaphore_mem>> -> memref<!tpu.dma_semaphore, #tpu.memory_space<semaphore_mem>>
    %dma_wait3A_741 = arith.constant 0 : i32
    %dma_wait3A_742 = tpu.memref_slice %arg7[%add3A_730, %dma_wait3A_741] : memref<320000x32xf32, #tpu.memory_space<hbm>> -> memref<128x32xf32, #tpu.memory_space<hbm>>
    %dma_wait3A_743 = arith.constant 0 : i32
    %dma_wait3A_744 = arith.constant 0 : i32
    %dma_wait3A_745 = tpu.memref_slice %arg11[%dma_wait3A_731, %dma_wait3A_743, %dma_wait3A_744] : memref<4x128x32xf32, #tpu.memory_space<vmem>> -> memref<1x128x32xf32, #tpu.memory_space<vmem>>
    %dma_wait3A_746 = tpu.memref_squeeze %dma_wait3A_745 : memref<1x128x32xf32, #tpu.memory_space<vmem>> -> memref<128x32xf32, #tpu.memory_space<vmem>>
    tpu.wait_dma2 semaphore(%dma_wait3A_740 : memref<!tpu.dma_semaphore, #tpu.memory_space<semaphore_mem>>) src(%dma_wait3A_746 : memref<128x32xf32, #tpu.memory_space<vmem>>) dst(%dma_wait3A_742 : memref<128x32xf32, #tpu.memory_space<hbm>>)
    %sub3A_747 = arith.constant 1 : i32
    %sub3A_748 = arith.subi %select_n3A_22, %sub3A_747 : i32
    %mul3A_749 = arith.constant 4 : i32
    %mul3A_750 = arith.muli %sub3A_748, %mul3A_749 : i32
    %add3A_751 = arith.constant 3 : i32
    %add3A_752 = arith.addi %mul3A_750, %add3A_751 : i32
    %mul3A_753 = arith.constant 128 : i32
    %mul3A_754 = arith.muli %add3A_752, %mul3A_753 : i32
    %add3A_755 = arith.addi %mul3A_2, %mul3A_754 : i32
    %dma_wait3A_756 = arith.constant 3 : i32
    %dma_wait3A_757 = arith.constant 3 : i32
    %dma_wait3A_758 = arith.constant 0 : i32
    %dma_wait3A_759 = arith.constant 0 : i32
    %dma_wait3A_760 = tpu.memref_slice %arg11[%dma_wait3A_756, %dma_wait3A_758, %dma_wait3A_759] : memref<4x128x32xf32, #tpu.memory_space<vmem>> -> memref<1x128x32xf32, #tpu.memory_space<vmem>>
    %dma_wait3A_761 = tpu.memref_squeeze %dma_wait3A_760 : memref<1x128x32xf32, #tpu.memory_space<vmem>> -> memref<128x32xf32, #tpu.memory_space<vmem>>
    %dma_wait3A_762 = arith.constant 0 : i32
    %dma_wait3A_763 = tpu.memref_slice %arg7[%add3A_755, %dma_wait3A_762] : memref<320000x32xf32, #tpu.memory_space<hbm>> -> memref<128x32xf32, #tpu.memory_space<hbm>>
    %dma_wait3A_764 = tpu.memref_slice %arg13[%dma_wait3A_757] : memref<4x!tpu.dma_semaphore, #tpu.memory_space<semaphore_mem>> -> memref<1x!tpu.dma_semaphore, #tpu.memory_space<semaphore_mem>>
    %dma_wait3A_765 = tpu.memref_squeeze %dma_wait3A_764 : memref<1x!tpu.dma_semaphore, #tpu.memory_space<semaphore_mem>> -> memref<!tpu.dma_semaphore, #tpu.memory_space<semaphore_mem>>
    %dma_wait3A_766 = arith.constant 0 : i32
    %dma_wait3A_767 = tpu.memref_slice %arg7[%add3A_755, %dma_wait3A_766] : memref<320000x32xf32, #tpu.memory_space<hbm>> -> memref<128x32xf32, #tpu.memory_space<hbm>>
    %dma_wait3A_768 = arith.constant 0 : i32
    %dma_wait3A_769 = arith.constant 0 : i32
    %dma_wait3A_770 = tpu.memref_slice %arg11[%dma_wait3A_756, %dma_wait3A_768, %dma_wait3A_769] : memref<4x128x32xf32, #tpu.memory_space<vmem>> -> memref<1x128x32xf32, #tpu.memory_space<vmem>>
    %dma_wait3A_771 = tpu.memref_squeeze %dma_wait3A_770 : memref<1x128x32xf32, #tpu.memory_space<vmem>> -> memref<128x32xf32, #tpu.memory_space<vmem>>
    tpu.wait_dma2 semaphore(%dma_wait3A_765 : memref<!tpu.dma_semaphore, #tpu.memory_space<semaphore_mem>>) src(%dma_wait3A_771 : memref<128x32xf32, #tpu.memory_space<vmem>>) dst(%dma_wait3A_767 : memref<128x32xf32, #tpu.memory_space<hbm>>)
    return
  }
}

#map = affine_map<(d0, d1) -> (0, 0)>
#map1 = affine_map<(d0, d1) -> (0)>
#map2 = affine_map<(d0, d1) -> (0, 0, 0)>
module attributes {stable_mosaic.version = 14 : i64} {
  func.func @_sc_scatter_body(%arg0: i32, %arg1: i32, %arg2: memref<320000x32xf32, #tpu.memory_space<hbm>>, %arg3: memref<320000xi32, #tpu.memory_space<hbm>>, %arg4: memref<2x10000x32xf32, #tpu.memory_space<hbm>>, %arg5: memref<10000x32xf32, #tpu.memory_space<vmem_shared>>, %arg6: memref<625x32xf32, #tpu.memory_space<vmem>>, %arg7: memref<4x128xi32, #tpu.memory_space<vmem>>, %arg8: memref<4x128x32xf32, #tpu.memory_space<vmem>>, %arg9: memref<4x!tpu.dma_semaphore, #tpu.memory_space<semaphore_mem>>, %arg10: memref<4x!tpu.dma_semaphore, #tpu.memory_space<semaphore_mem>>) attributes {dimension_semantics = [#tpu.dimension_semantics<core_parallel>, #tpu.dimension_semantics<subcore_parallel>], iteration_bounds = array<i64: 2, 16>, scalar_prefetch = 0 : i64, scratch_operands = 6 : i64, tpu.core_type = #tpu.core_type<sc_vector_subcore>, window_params = [{transform_indices = #map}, {transform_indices = #map1}, {transform_indices = #map2}]} {
    %mul3A = arith.constant 2 : i32
    %mul3A_0 = arith.muli %arg1, %mul3A : i32
    %add3A = arith.addi %mul3A_0, %arg0 : i32
    %mul3A_1 = arith.constant 10240 : i32
    %mul3A_2 = arith.muli %add3A, %mul3A_1 : i32
    %eq3A = arith.constant 31 : i32
    %eq3A_3 = arith.cmpi eq, %add3A, %eq3A : i32
    %jit3A = arith.constant 20 : i32
    %jit3A_4 = arith.constant 80 : i32
    %select_n3A = arith.select %eq3A_3, %jit3A, %jit3A_4 : i32
    %jit3A_5 = arith.constant 4 : i32
    %div3A = arith.divsi %select_n3A, %jit3A_5 : i32
    %sign3A = arith.constant 0 : i32
    %sign3A_6 = arith.cmpi sgt, %select_n3A, %sign3A : i32
    %sign3A_7 = arith.extui %sign3A_6 : i1 to i32
    %sign3A_8 = arith.constant 0 : i32
    %sign3A_9 = arith.cmpi slt, %select_n3A, %sign3A_8 : i32
    %sign3A_10 = arith.extui %sign3A_9 : i1 to i32
    %sign3A_11 = arith.subi %sign3A_7, %sign3A_10 : i32
    %sign3A_12 = arith.constant 0 : i32
    %sign3A_13 = arith.cmpi sgt, %jit3A_5, %sign3A_12 : i32
    %sign3A_14 = arith.extui %sign3A_13 : i1 to i32
    %sign3A_15 = arith.constant 0 : i32
    %sign3A_16 = arith.cmpi slt, %jit3A_5, %sign3A_15 : i32
    %sign3A_17 = arith.extui %sign3A_16 : i1 to i32
    %sign3A_18 = arith.subi %sign3A_14, %sign3A_17 : i32
    %ne3A = arith.cmpi ne, %sign3A_11, %sign3A_18 : i32
    %rem3A = arith.remsi %select_n3A, %jit3A_5 : i32
    %ne3A_19 = arith.constant 0 : i32
    %ne3A_20 = arith.cmpi ne, %rem3A, %ne3A_19 : i32
    %and3A = arith.andi %ne3A, %ne3A_20 : i1
    %sub3A = arith.constant 1 : i32
    %sub3A_21 = arith.subi %div3A, %sub3A : i32
    %select_n3A_22 = arith.select %and3A, %sub3A_21, %div3A : i32
    %scan3A = arith.constant 0 : i32
    %scan3A_23 = arith.constant 0 : i32
    %scan3A_24 = arith.constant 625 : i32
    %scan3A_25 = arith.addi %scan3A_23, %scan3A_24 : i32
    %scan3A_26 = arith.constant 1 : i32
    scf.for %scan3A_452 = %scan3A_23 to %scan3A_25 step %scan3A_26  : i32 {
      %broadcast_in_dim3A = arith.constant 0.000000e+00 : f32
      %broadcast_in_dim3A_453 = vector.broadcast %broadcast_in_dim3A : f32 to vector<16xf32>
      %swap3A = arith.index_cast %scan3A_452 : i32 to index
      %swap3A_454 = arith.constant 0 : index
      %swap3A_455 = tpu.vector_load %arg6[%swap3A, %swap3A_454] {strides = array<i32>} : memref<625x32xf32, #tpu.memory_space<vmem>>, vector<1x16xf32>,
      %swap3A_456 = vector.shape_cast %swap3A_455 : vector<1x16xf32> to vector<16xf32>
      %swap3A_457 = vector.shape_cast %broadcast_in_dim3A_453 : vector<16xf32> to vector<1x16xf32>
      tpu.vector_store %arg6[%swap3A, %swap3A_454], %swap3A_457 {strides = array<i32>} : memref<625x32xf32, #tpu.memory_space<vmem>>, vector<1x16xf32>,
      %broadcast_in_dim3A_458 = arith.constant 0.000000e+00 : f32
      %broadcast_in_dim3A_459 = vector.broadcast %broadcast_in_dim3A_458 : f32 to vector<16xf32>
      %swap3A_460 = arith.index_cast %scan3A_452 : i32 to index
      %swap3A_461 = arith.constant 16 : index
      %swap3A_462 = tpu.vector_load %arg6[%swap3A_460, %swap3A_461] {strides = array<i32>} : memref<625x32xf32, #tpu.memory_space<vmem>>, vector<1x16xf32>,
      %swap3A_463 = vector.shape_cast %swap3A_462 : vector<1x16xf32> to vector<16xf32>
      %swap3A_464 = vector.shape_cast %broadcast_in_dim3A_459 : vector<16xf32> to vector<1x16xf32>
      tpu.vector_store %arg6[%swap3A_460, %swap3A_461], %swap3A_464 {strides = array<i32>} : memref<625x32xf32, #tpu.memory_space<vmem>>, vector<1x16xf32>,
    }
    %scan3A_27 = arith.constant 625 : i32
    %mul3A_28 = arith.constant 625 : i32
    %mul3A_29 = arith.muli %arg1, %mul3A_28 : i32
    "tpu.region"() ({
      %run_scoped3A = tpu.sem_alloc : memref<!tpu.dma_semaphore, #tpu.memory_space<semaphore_mem>>
      %dma_start3A_452 = arith.constant 0 : i32
      %dma_start3A_453 = tpu.memref_slice %arg5[%mul3A_29, %dma_start3A_452] : memref<10000x32xf32, #tpu.memory_space<vmem_shared>> -> memref<625x32xf32, #tpu.memory_space<vmem_shared>>
      %dma_start3A_454 = arith.constant 0 : i32
      %dma_start3A_455 = tpu.memref_slice %arg5[%mul3A_29, %dma_start3A_454] : memref<10000x32xf32, #tpu.memory_space<vmem_shared>> -> memref<625x32xf32, #tpu.memory_space<vmem_shared>>
      tpu.enqueue_dma source(%arg6 : memref<625x32xf32, #tpu.memory_space<vmem>>) target(%dma_start3A_455 : memref<625x32xf32, #tpu.memory_space<vmem_shared>>) target_semaphore(%run_scoped3A : memref<!tpu.dma_semaphore, #tpu.memory_space<semaphore_mem>>)
      %dma_wait3A_456 = arith.constant 0 : i32
      %dma_wait3A_457 = tpu.memref_slice %arg5[%mul3A_29, %dma_wait3A_456] : memref<10000x32xf32, #tpu.memory_space<vmem_shared>> -> memref<625x32xf32, #tpu.memory_space<vmem_shared>>
      %dma_wait3A_458 = arith.constant 0 : i32
      %dma_wait3A_459 = tpu.memref_slice %arg5[%mul3A_29, %dma_wait3A_458] : memref<10000x32xf32, #tpu.memory_space<vmem_shared>> -> memref<625x32xf32, #tpu.memory_space<vmem_shared>>
      tpu.wait_dma2 semaphore(%run_scoped3A : memref<!tpu.dma_semaphore, #tpu.memory_space<semaphore_mem>>) src(%arg6 : memref<625x32xf32, #tpu.memory_space<vmem>>) dst(%dma_wait3A_459 : memref<625x32xf32, #tpu.memory_space<vmem_shared>>)
      tpu.yield
    }) : () -> ()
    %barrier3A = arith.constant 0 : index
    tpu.barrier barrier_id(%barrier3A)
    %add3A_30 = arith.constant 0 : i32
    %add3A_31 = arith.addi %mul3A_2, %add3A_30 : i32
    %dma_start3A = arith.constant 0 : i32
    %dma_start3A_32 = arith.constant 0 : i32
    %dma_start3A_33 = arith.constant 0 : i32
    %dma_start3A_34 = tpu.memref_slice %arg7[%dma_start3A, %dma_start3A_33] : memref<4x128xi32, #tpu.memory_space<vmem>> -> memref<1x128xi32, #tpu.memory_space<vmem>>
    %dma_start3A_35 = tpu.memref_squeeze %dma_start3A_34 : memref<1x128xi32, #tpu.memory_space<vmem>> -> memref<128xi32, #tpu.memory_space<vmem>>
    %dma_start3A_36 = tpu.memref_slice %arg3[%add3A_31] : memref<320000xi32, #tpu.memory_space<hbm>> -> memref<128xi32, #tpu.memory_space<hbm>>
    %dma_start3A_37 = tpu.memref_slice %arg9[%dma_start3A_32] : memref<4x!tpu.dma_semaphore, #tpu.memory_space<semaphore_mem>> -> memref<1x!tpu.dma_semaphore, #tpu.memory_space<semaphore_mem>>
    %dma_start3A_38 = tpu.memref_squeeze %dma_start3A_37 : memref<1x!tpu.dma_semaphore, #tpu.memory_space<semaphore_mem>> -> memref<!tpu.dma_semaphore, #tpu.memory_space<semaphore_mem>>
    %dma_start3A_39 = arith.constant 0 : i32
    %dma_start3A_40 = tpu.memref_slice %arg7[%dma_start3A, %dma_start3A_39] : memref<4x128xi32, #tpu.memory_space<vmem>> -> memref<1x128xi32, #tpu.memory_space<vmem>>
    %dma_start3A_41 = tpu.memref_squeeze %dma_start3A_40 : memref<1x128xi32, #tpu.memory_space<vmem>> -> memref<128xi32, #tpu.memory_space<vmem>>
    %dma_start3A_42 = tpu.memref_slice %arg3[%add3A_31] : memref<320000xi32, #tpu.memory_space<hbm>> -> memref<128xi32, #tpu.memory_space<hbm>>
    tpu.enqueue_dma source(%dma_start3A_42 : memref<128xi32, #tpu.memory_space<hbm>>) target(%dma_start3A_41 : memref<128xi32, #tpu.memory_space<vmem>>) target_semaphore(%dma_start3A_38 : memref<!tpu.dma_semaphore, #tpu.memory_space<semaphore_mem>>)
    %add3A_43 = arith.constant 0 : i32
    %add3A_44 = arith.addi %mul3A_2, %add3A_43 : i32
    %dma_start3A_45 = arith.constant 0 : i32
    %dma_start3A_46 = arith.constant 0 : i32
    %dma_start3A_47 = arith.constant 0 : i32
    %dma_start3A_48 = arith.constant 0 : i32
    %dma_start3A_49 = tpu.memref_slice %arg8[%dma_start3A_45, %dma_start3A_47, %dma_start3A_48] : memref<4x128x32xf32, #tpu.memory_space<vmem>> -> memref<1x128x32xf32, #tpu.memory_space<vmem>>
    %dma_start3A_50 = tpu.memref_squeeze %dma_start3A_49 : memref<1x128x32xf32, #tpu.memory_space<vmem>> -> memref<128x32xf32, #tpu.memory_space<vmem>>
    %dma_start3A_51 = arith.constant 0 : i32
    %dma_start3A_52 = tpu.memref_slice %arg2[%add3A_44, %dma_start3A_51] : memref<320000x32xf32, #tpu.memory_space<hbm>> -> memref<128x32xf32, #tpu.memory_space<hbm>>
    %dma_start3A_53 = tpu.memref_slice %arg9[%dma_start3A_46] : memref<4x!tpu.dma_semaphore, #tpu.memory_space<semaphore_mem>> -> memref<1x!tpu.dma_semaphore, #tpu.memory_space<semaphore_mem>>
    %dma_start3A_54 = tpu.memref_squeeze %dma_start3A_53 : memref<1x!tpu.dma_semaphore, #tpu.memory_space<semaphore_mem>> -> memref<!tpu.dma_semaphore, #tpu.memory_space<semaphore_mem>>
    %dma_start3A_55 = arith.constant 0 : i32
    %dma_start3A_56 = arith.constant 0 : i32
    %dma_start3A_57 = tpu.memref_slice %arg8[%dma_start3A_45, %dma_start3A_55, %dma_start3A_56] : memref<4x128x32xf32, #tpu.memory_space<vmem>> -> memref<1x128x32xf32, #tpu.memory_space<vmem>>
    %dma_start3A_58 = tpu.memref_squeeze %dma_start3A_57 : memref<1x128x32xf32, #tpu.memory_space<vmem>> -> memref<128x32xf32, #tpu.memory_space<vmem>>
    %dma_start3A_59 = arith.constant 0 : i32
    %dma_start3A_60 = tpu.memref_slice %arg2[%add3A_44, %dma_start3A_59] : memref<320000x32xf32, #tpu.memory_space<hbm>> -> memref<128x32xf32, #tpu.memory_space<hbm>>
    tpu.enqueue_dma source(%dma_start3A_60 : memref<128x32xf32, #tpu.memory_space<hbm>>) target(%dma_start3A_58 : memref<128x32xf32, #tpu.memory_space<vmem>>) target_semaphore(%dma_start3A_54 : memref<!tpu.dma_semaphore, #tpu.memory_space<semaphore_mem>>)
    %add3A_61 = arith.constant 128 : i32
    %add3A_62 = arith.addi %mul3A_2, %add3A_61 : i32
    %dma_start3A_63 = arith.constant 1 : i32
    %dma_start3A_64 = arith.constant 1 : i32
    %dma_start3A_65 = arith.constant 0 : i32
    %dma_start3A_66 = tpu.memref_slice %arg7[%dma_start3A_63, %dma_start3A_65] : memref<4x128xi32, #tpu.memory_space<vmem>> -> memref<1x128xi32, #tpu.memory_space<vmem>>
    %dma_start3A_67 = tpu.memref_squeeze %dma_start3A_66 : memref<1x128xi32, #tpu.memory_space<vmem>> -> memref<128xi32, #tpu.memory_space<vmem>>
    %dma_start3A_68 = tpu.memref_slice %arg3[%add3A_62] : memref<320000xi32, #tpu.memory_space<hbm>> -> memref<128xi32, #tpu.memory_space<hbm>>
    %dma_start3A_69 = tpu.memref_slice %arg9[%dma_start3A_64] : memref<4x!tpu.dma_semaphore, #tpu.memory_space<semaphore_mem>> -> memref<1x!tpu.dma_semaphore, #tpu.memory_space<semaphore_mem>>
    %dma_start3A_70 = tpu.memref_squeeze %dma_start3A_69 : memref<1x!tpu.dma_semaphore, #tpu.memory_space<semaphore_mem>> -> memref<!tpu.dma_semaphore, #tpu.memory_space<semaphore_mem>>
    %dma_start3A_71 = arith.constant 0 : i32
    %dma_start3A_72 = tpu.memref_slice %arg7[%dma_start3A_63, %dma_start3A_71] : memref<4x128xi32, #tpu.memory_space<vmem>> -> memref<1x128xi32, #tpu.memory_space<vmem>>
    %dma_start3A_73 = tpu.memref_squeeze %dma_start3A_72 : memref<1x128xi32, #tpu.memory_space<vmem>> -> memref<128xi32, #tpu.memory_space<vmem>>
    %dma_start3A_74 = tpu.memref_slice %arg3[%add3A_62] : memref<320000xi32, #tpu.memory_space<hbm>> -> memref<128xi32, #tpu.memory_space<hbm>>
    tpu.enqueue_dma source(%dma_start3A_74 : memref<128xi32, #tpu.memory_space<hbm>>) target(%dma_start3A_73 : memref<128xi32, #tpu.memory_space<vmem>>) target_semaphore(%dma_start3A_70 : memref<!tpu.dma_semaphore, #tpu.memory_space<semaphore_mem>>)
    %add3A_75 = arith.constant 128 : i32
    %add3A_76 = arith.addi %mul3A_2, %add3A_75 : i32
    %dma_start3A_77 = arith.constant 1 : i32
    %dma_start3A_78 = arith.constant 1 : i32
    %dma_start3A_79 = arith.constant 0 : i32
    %dma_start3A_80 = arith.constant 0 : i32
    %dma_start3A_81 = tpu.memref_slice %arg8[%dma_start3A_77, %dma_start3A_79, %dma_start3A_80] : memref<4x128x32xf32, #tpu.memory_space<vmem>> -> memref<1x128x32xf32, #tpu.memory_space<vmem>>
    %dma_start3A_82 = tpu.memref_squeeze %dma_start3A_81 : memref<1x128x32xf32, #tpu.memory_space<vmem>> -> memref<128x32xf32, #tpu.memory_space<vmem>>
    %dma_start3A_83 = arith.constant 0 : i32
    %dma_start3A_84 = tpu.memref_slice %arg2[%add3A_76, %dma_start3A_83] : memref<320000x32xf32, #tpu.memory_space<hbm>> -> memref<128x32xf32, #tpu.memory_space<hbm>>
    %dma_start3A_85 = tpu.memref_slice %arg9[%dma_start3A_78] : memref<4x!tpu.dma_semaphore, #tpu.memory_space<semaphore_mem>> -> memref<1x!tpu.dma_semaphore, #tpu.memory_space<semaphore_mem>>
    %dma_start3A_86 = tpu.memref_squeeze %dma_start3A_85 : memref<1x!tpu.dma_semaphore, #tpu.memory_space<semaphore_mem>> -> memref<!tpu.dma_semaphore, #tpu.memory_space<semaphore_mem>>
    %dma_start3A_87 = arith.constant 0 : i32
    %dma_start3A_88 = arith.constant 0 : i32
    %dma_start3A_89 = tpu.memref_slice %arg8[%dma_start3A_77, %dma_start3A_87, %dma_start3A_88] : memref<4x128x32xf32, #tpu.memory_space<vmem>> -> memref<1x128x32xf32, #tpu.memory_space<vmem>>
    %dma_start3A_90 = tpu.memref_squeeze %dma_start3A_89 : memref<1x128x32xf32, #tpu.memory_space<vmem>> -> memref<128x32xf32, #tpu.memory_space<vmem>>
    %dma_start3A_91 = arith.constant 0 : i32
    %dma_start3A_92 = tpu.memref_slice %arg2[%add3A_76, %dma_start3A_91] : memref<320000x32xf32, #tpu.memory_space<hbm>> -> memref<128x32xf32, #tpu.memory_space<hbm>>
    tpu.enqueue_dma source(%dma_start3A_92 : memref<128x32xf32, #tpu.memory_space<hbm>>) target(%dma_start3A_90 : memref<128x32xf32, #tpu.memory_space<vmem>>) target_semaphore(%dma_start3A_86 : memref<!tpu.dma_semaphore, #tpu.memory_space<semaphore_mem>>)
    %add3A_93 = arith.constant 256 : i32
    %add3A_94 = arith.addi %mul3A_2, %add3A_93 : i32
    %dma_start3A_95 = arith.constant 2 : i32
    %dma_start3A_96 = arith.constant 2 : i32
    %dma_start3A_97 = arith.constant 0 : i32
    %dma_start3A_98 = tpu.memref_slice %arg7[%dma_start3A_95, %dma_start3A_97] : memref<4x128xi32, #tpu.memory_space<vmem>> -> memref<1x128xi32, #tpu.memory_space<vmem>>
    %dma_start3A_99 = tpu.memref_squeeze %dma_start3A_98 : memref<1x128xi32, #tpu.memory_space<vmem>> -> memref<128xi32, #tpu.memory_space<vmem>>
    %dma_start3A_100 = tpu.memref_slice %arg3[%add3A_94] : memref<320000xi32, #tpu.memory_space<hbm>> -> memref<128xi32, #tpu.memory_space<hbm>>
    %dma_start3A_101 = tpu.memref_slice %arg9[%dma_start3A_96] : memref<4x!tpu.dma_semaphore, #tpu.memory_space<semaphore_mem>> -> memref<1x!tpu.dma_semaphore, #tpu.memory_space<semaphore_mem>>
    %dma_start3A_102 = tpu.memref_squeeze %dma_start3A_101 : memref<1x!tpu.dma_semaphore, #tpu.memory_space<semaphore_mem>> -> memref<!tpu.dma_semaphore, #tpu.memory_space<semaphore_mem>>
    %dma_start3A_103 = arith.constant 0 : i32
    %dma_start3A_104 = tpu.memref_slice %arg7[%dma_start3A_95, %dma_start3A_103] : memref<4x128xi32, #tpu.memory_space<vmem>> -> memref<1x128xi32, #tpu.memory_space<vmem>>
    %dma_start3A_105 = tpu.memref_squeeze %dma_start3A_104 : memref<1x128xi32, #tpu.memory_space<vmem>> -> memref<128xi32, #tpu.memory_space<vmem>>
    %dma_start3A_106 = tpu.memref_slice %arg3[%add3A_94] : memref<320000xi32, #tpu.memory_space<hbm>> -> memref<128xi32, #tpu.memory_space<hbm>>
    tpu.enqueue_dma source(%dma_start3A_106 : memref<128xi32, #tpu.memory_space<hbm>>) target(%dma_start3A_105 : memref<128xi32, #tpu.memory_space<vmem>>) target_semaphore(%dma_start3A_102 : memref<!tpu.dma_semaphore, #tpu.memory_space<semaphore_mem>>)
    %add3A_107 = arith.constant 256 : i32
    %add3A_108 = arith.addi %mul3A_2, %add3A_107 : i32
    %dma_start3A_109 = arith.constant 2 : i32
    %dma_start3A_110 = arith.constant 2 : i32
    %dma_start3A_111 = arith.constant 0 : i32
    %dma_start3A_112 = arith.constant 0 : i32
    %dma_start3A_113 = tpu.memref_slice %arg8[%dma_start3A_109, %dma_start3A_111, %dma_start3A_112] : memref<4x128x32xf32, #tpu.memory_space<vmem>> -> memref<1x128x32xf32, #tpu.memory_space<vmem>>
    %dma_start3A_114 = tpu.memref_squeeze %dma_start3A_113 : memref<1x128x32xf32, #tpu.memory_space<vmem>> -> memref<128x32xf32, #tpu.memory_space<vmem>>
    %dma_start3A_115 = arith.constant 0 : i32
    %dma_start3A_116 = tpu.memref_slice %arg2[%add3A_108, %dma_start3A_115] : memref<320000x32xf32, #tpu.memory_space<hbm>> -> memref<128x32xf32, #tpu.memory_space<hbm>>
    %dma_start3A_117 = tpu.memref_slice %arg9[%dma_start3A_110] : memref<4x!tpu.dma_semaphore, #tpu.memory_space<semaphore_mem>> -> memref<1x!tpu.dma_semaphore, #tpu.memory_space<semaphore_mem>>
    %dma_start3A_118 = tpu.memref_squeeze %dma_start3A_117 : memref<1x!tpu.dma_semaphore, #tpu.memory_space<semaphore_mem>> -> memref<!tpu.dma_semaphore, #tpu.memory_space<semaphore_mem>>
    %dma_start3A_119 = arith.constant 0 : i32
    %dma_start3A_120 = arith.constant 0 : i32
    %dma_start3A_121 = tpu.memref_slice %arg8[%dma_start3A_109, %dma_start3A_119, %dma_start3A_120] : memref<4x128x32xf32, #tpu.memory_space<vmem>> -> memref<1x128x32xf32, #tpu.memory_space<vmem>>
    %dma_start3A_122 = tpu.memref_squeeze %dma_start3A_121 : memref<1x128x32xf32, #tpu.memory_space<vmem>> -> memref<128x32xf32, #tpu.memory_space<vmem>>
    %dma_start3A_123 = arith.constant 0 : i32
    %dma_start3A_124 = tpu.memref_slice %arg2[%add3A_108, %dma_start3A_123] : memref<320000x32xf32, #tpu.memory_space<hbm>> -> memref<128x32xf32, #tpu.memory_space<hbm>>
    tpu.enqueue_dma source(%dma_start3A_124 : memref<128x32xf32, #tpu.memory_space<hbm>>) target(%dma_start3A_122 : memref<128x32xf32, #tpu.memory_space<vmem>>) target_semaphore(%dma_start3A_118 : memref<!tpu.dma_semaphore, #tpu.memory_space<semaphore_mem>>)
    %add3A_125 = arith.constant 384 : i32
    %add3A_126 = arith.addi %mul3A_2, %add3A_125 : i32
    %dma_start3A_127 = arith.constant 3 : i32
    %dma_start3A_128 = arith.constant 3 : i32
    %dma_start3A_129 = arith.constant 0 : i32
    %dma_start3A_130 = tpu.memref_slice %arg7[%dma_start3A_127, %dma_start3A_129] : memref<4x128xi32, #tpu.memory_space<vmem>> -> memref<1x128xi32, #tpu.memory_space<vmem>>
    %dma_start3A_131 = tpu.memref_squeeze %dma_start3A_130 : memref<1x128xi32, #tpu.memory_space<vmem>> -> memref<128xi32, #tpu.memory_space<vmem>>
    %dma_start3A_132 = tpu.memref_slice %arg3[%add3A_126] : memref<320000xi32, #tpu.memory_space<hbm>> -> memref<128xi32, #tpu.memory_space<hbm>>
    %dma_start3A_133 = tpu.memref_slice %arg9[%dma_start3A_128] : memref<4x!tpu.dma_semaphore, #tpu.memory_space<semaphore_mem>> -> memref<1x!tpu.dma_semaphore, #tpu.memory_space<semaphore_mem>>
    %dma_start3A_134 = tpu.memref_squeeze %dma_start3A_133 : memref<1x!tpu.dma_semaphore, #tpu.memory_space<semaphore_mem>> -> memref<!tpu.dma_semaphore, #tpu.memory_space<semaphore_mem>>
    %dma_start3A_135 = arith.constant 0 : i32
    %dma_start3A_136 = tpu.memref_slice %arg7[%dma_start3A_127, %dma_start3A_135] : memref<4x128xi32, #tpu.memory_space<vmem>> -> memref<1x128xi32, #tpu.memory_space<vmem>>
    %dma_start3A_137 = tpu.memref_squeeze %dma_start3A_136 : memref<1x128xi32, #tpu.memory_space<vmem>> -> memref<128xi32, #tpu.memory_space<vmem>>
    %dma_start3A_138 = tpu.memref_slice %arg3[%add3A_126] : memref<320000xi32, #tpu.memory_space<hbm>> -> memref<128xi32, #tpu.memory_space<hbm>>
    tpu.enqueue_dma source(%dma_start3A_138 : memref<128xi32, #tpu.memory_space<hbm>>) target(%dma_start3A_137 : memref<128xi32, #tpu.memory_space<vmem>>) target_semaphore(%dma_start3A_134 : memref<!tpu.dma_semaphore, #tpu.memory_space<semaphore_mem>>)
    %add3A_139 = arith.constant 384 : i32
    %add3A_140 = arith.addi %mul3A_2, %add3A_139 : i32
    %dma_start3A_141 = arith.constant 3 : i32
    %dma_start3A_142 = arith.constant 3 : i32
    %dma_start3A_143 = arith.constant 0 : i32
    %dma_start3A_144 = arith.constant 0 : i32
    %dma_start3A_145 = tpu.memref_slice %arg8[%dma_start3A_141, %dma_start3A_143, %dma_start3A_144] : memref<4x128x32xf32, #tpu.memory_space<vmem>> -> memref<1x128x32xf32, #tpu.memory_space<vmem>>
    %dma_start3A_146 = tpu.memref_squeeze %dma_start3A_145 : memref<1x128x32xf32, #tpu.memory_space<vmem>> -> memref<128x32xf32, #tpu.memory_space<vmem>>
    %dma_start3A_147 = arith.constant 0 : i32
    %dma_start3A_148 = tpu.memref_slice %arg2[%add3A_140, %dma_start3A_147] : memref<320000x32xf32, #tpu.memory_space<hbm>> -> memref<128x32xf32, #tpu.memory_space<hbm>>
    %dma_start3A_149 = tpu.memref_slice %arg9[%dma_start3A_142] : memref<4x!tpu.dma_semaphore, #tpu.memory_space<semaphore_mem>> -> memref<1x!tpu.dma_semaphore, #tpu.memory_space<semaphore_mem>>
    %dma_start3A_150 = tpu.memref_squeeze %dma_start3A_149 : memref<1x!tpu.dma_semaphore, #tpu.memory_space<semaphore_mem>> -> memref<!tpu.dma_semaphore, #tpu.memory_space<semaphore_mem>>
    %dma_start3A_151 = arith.constant 0 : i32
    %dma_start3A_152 = arith.constant 0 : i32
    %dma_start3A_153 = tpu.memref_slice %arg8[%dma_start3A_141, %dma_start3A_151, %dma_start3A_152] : memref<4x128x32xf32, #tpu.memory_space<vmem>> -> memref<1x128x32xf32, #tpu.memory_space<vmem>>
    %dma_start3A_154 = tpu.memref_squeeze %dma_start3A_153 : memref<1x128x32xf32, #tpu.memory_space<vmem>> -> memref<128x32xf32, #tpu.memory_space<vmem>>
    %dma_start3A_155 = arith.constant 0 : i32
    %dma_start3A_156 = tpu.memref_slice %arg2[%add3A_140, %dma_start3A_155] : memref<320000x32xf32, #tpu.memory_space<hbm>> -> memref<128x32xf32, #tpu.memory_space<hbm>>
    tpu.enqueue_dma source(%dma_start3A_156 : memref<128x32xf32, #tpu.memory_space<hbm>>) target(%dma_start3A_154 : memref<128x32xf32, #tpu.memory_space<vmem>>) target_semaphore(%dma_start3A_150 : memref<!tpu.dma_semaphore, #tpu.memory_space<semaphore_mem>>)
    %sub3A_157 = arith.constant 1 : i32
    %sub3A_158 = arith.subi %select_n3A_22, %sub3A_157 : i32
    %while3A = arith.constant 0 : i32
    %while3A_159 = arith.constant 0 : i32
    %while3A_160 = arith.subi %sub3A_158, %while3A_159 : i32
    %while3A_161 = arith.addi %while3A_159, %while3A_160 : i32
    %while3A_162 = arith.constant 1 : i32
    %while3A_163 = arith.divsi %while3A_160, %while3A_162 : i32
    %while3A_164 = arith.muli %while3A_163, %while3A_162 : i32
    %while3A_165 = arith.addi %while3A_159, %while3A_164 : i32
    %while3A_166 = arith.constant 1 : i32
    scf.for %while3A_452 = %while3A_159 to %while3A_165 step %while3A_166  : i32 {
      %mul3A_453 = arith.constant 4 : i32
      %mul3A_454 = arith.muli %while3A_452, %mul3A_453 : i32
      %add3A_455 = arith.constant 0 : i32
      %add3A_456 = arith.addi %mul3A_454, %add3A_455 : i32
      %mul3A_457 = arith.constant 128 : i32
      %mul3A_458 = arith.muli %add3A_456, %mul3A_457 : i32
      %add3A_459 = arith.addi %mul3A_2, %mul3A_458 : i32
      %dma_wait3A_460 = arith.constant 0 : i32
      %dma_wait3A_461 = arith.constant 0 : i32
      %dma_wait3A_462 = arith.constant 0 : i32
      %dma_wait3A_463 = tpu.memref_slice %arg7[%dma_wait3A_460, %dma_wait3A_462] : memref<4x128xi32, #tpu.memory_space<vmem>> -> memref<1x128xi32, #tpu.memory_space<vmem>>
      %dma_wait3A_464 = tpu.memref_squeeze %dma_wait3A_463 : memref<1x128xi32, #tpu.memory_space<vmem>> -> memref<128xi32, #tpu.memory_space<vmem>>
      %dma_wait3A_465 = tpu.memref_slice %arg3[%add3A_459] : memref<320000xi32, #tpu.memory_space<hbm>> -> memref<128xi32, #tpu.memory_space<hbm>>
      %dma_wait3A_466 = tpu.memref_slice %arg9[%dma_wait3A_461] : memref<4x!tpu.dma_semaphore, #tpu.memory_space<semaphore_mem>> -> memref<1x!tpu.dma_semaphore, #tpu.memory_space<semaphore_mem>>
      %dma_wait3A_467 = tpu.memref_squeeze %dma_wait3A_466 : memref<1x!tpu.dma_semaphore, #tpu.memory_space<semaphore_mem>> -> memref<!tpu.dma_semaphore, #tpu.memory_space<semaphore_mem>>
      %dma_wait3A_468 = arith.constant 0 : i32
      %dma_wait3A_469 = tpu.memref_slice %arg7[%dma_wait3A_460, %dma_wait3A_468] : memref<4x128xi32, #tpu.memory_space<vmem>> -> memref<1x128xi32, #tpu.memory_space<vmem>>
      %dma_wait3A_470 = tpu.memref_squeeze %dma_wait3A_469 : memref<1x128xi32, #tpu.memory_space<vmem>> -> memref<128xi32, #tpu.memory_space<vmem>>
      %dma_wait3A_471 = tpu.memref_slice %arg3[%add3A_459] : memref<320000xi32, #tpu.memory_space<hbm>> -> memref<128xi32, #tpu.memory_space<hbm>>
      tpu.wait_dma2 semaphore(%dma_wait3A_467 : memref<!tpu.dma_semaphore, #tpu.memory_space<semaphore_mem>>) src(%dma_wait3A_471 : memref<128xi32, #tpu.memory_space<hbm>>) dst(%dma_wait3A_470 : memref<128xi32, #tpu.memory_space<vmem>>)
      %mul3A_472 = arith.constant 128 : i32
      %mul3A_473 = arith.muli %add3A_456, %mul3A_472 : i32
      %add3A_474 = arith.addi %mul3A_2, %mul3A_473 : i32
      %dma_wait3A_475 = arith.constant 0 : i32
      %dma_wait3A_476 = arith.constant 0 : i32
      %dma_wait3A_477 = arith.constant 0 : i32
      %dma_wait3A_478 = arith.constant 0 : i32
      %dma_wait3A_479 = tpu.memref_slice %arg8[%dma_wait3A_475, %dma_wait3A_477, %dma_wait3A_478] : memref<4x128x32xf32, #tpu.memory_space<vmem>> -> memref<1x128x32xf32, #tpu.memory_space<vmem>>
      %dma_wait3A_480 = tpu.memref_squeeze %dma_wait3A_479 : memref<1x128x32xf32, #tpu.memory_space<vmem>> -> memref<128x32xf32, #tpu.memory_space<vmem>>
      %dma_wait3A_481 = arith.constant 0 : i32
      %dma_wait3A_482 = tpu.memref_slice %arg2[%add3A_474, %dma_wait3A_481] : memref<320000x32xf32, #tpu.memory_space<hbm>> -> memref<128x32xf32, #tpu.memory_space<hbm>>
      %dma_wait3A_483 = tpu.memref_slice %arg9[%dma_wait3A_476] : memref<4x!tpu.dma_semaphore, #tpu.memory_space<semaphore_mem>> -> memref<1x!tpu.dma_semaphore, #tpu.memory_space<semaphore_mem>>
      %dma_wait3A_484 = tpu.memref_squeeze %dma_wait3A_483 : memref<1x!tpu.dma_semaphore, #tpu.memory_space<semaphore_mem>> -> memref<!tpu.dma_semaphore, #tpu.memory_space<semaphore_mem>>
      %dma_wait3A_485 = arith.constant 0 : i32
      %dma_wait3A_486 = arith.constant 0 : i32
      %dma_wait3A_487 = tpu.memref_slice %arg8[%dma_wait3A_475, %dma_wait3A_485, %dma_wait3A_486] : memref<4x128x32xf32, #tpu.memory_space<vmem>> -> memref<1x128x32xf32, #tpu.memory_space<vmem>>
      %dma_wait3A_488 = tpu.memref_squeeze %dma_wait3A_487 : memref<1x128x32xf32, #tpu.memory_space<vmem>> -> memref<128x32xf32, #tpu.memory_space<vmem>>
      %dma_wait3A_489 = arith.constant 0 : i32
      %dma_wait3A_490 = tpu.memref_slice %arg2[%add3A_474, %dma_wait3A_489] : memref<320000x32xf32, #tpu.memory_space<hbm>> -> memref<128x32xf32, #tpu.memory_space<hbm>>
      tpu.wait_dma2 semaphore(%dma_wait3A_484 : memref<!tpu.dma_semaphore, #tpu.memory_space<semaphore_mem>>) src(%dma_wait3A_490 : memref<128x32xf32, #tpu.memory_space<hbm>>) dst(%dma_wait3A_488 : memref<128x32xf32, #tpu.memory_space<vmem>>)
      %dma_start3A_491 = arith.constant 0 : i32
      %dma_start3A_492 = arith.constant 0 : i32
      %dma_start3A_493 = arith.constant 0 : i32
      %dma_start3A_494 = arith.constant 0 : i32
      %dma_start3A_495 = arith.constant 0 : i32
      %dma_start3A_496 = tpu.memref_slice %arg8[%dma_start3A_491, %dma_start3A_494, %dma_start3A_495] : memref<4x128x32xf32, #tpu.memory_space<vmem>> -> memref<1x128x32xf32, #tpu.memory_space<vmem>>
      %dma_start3A_497 = tpu.memref_squeeze %dma_start3A_496 : memref<1x128x32xf32, #tpu.memory_space<vmem>> -> memref<128x32xf32, #tpu.memory_space<vmem>>
      %dma_start3A_498 = arith.constant 0 : i32
      %dma_start3A_499 = tpu.memref_slice %arg7[%dma_start3A_492, %dma_start3A_498] : memref<4x128xi32, #tpu.memory_space<vmem>> -> memref<1x128xi32, #tpu.memory_space<vmem>>
      %dma_start3A_500 = tpu.memref_squeeze %dma_start3A_499 : memref<1x128xi32, #tpu.memory_space<vmem>> -> memref<128xi32, #tpu.memory_space<vmem>>
      %dma_start3A_501 = arith.constant 0 : i32
      %dma_start3A_502 = arith.constant 0 : i32
      %dma_start3A_503 = tpu.memref_slice %arg5[%dma_start3A_501, %dma_start3A_502] : memref<10000x32xf32, #tpu.memory_space<vmem_shared>> -> memref<10000x32xf32, #tpu.memory_space<vmem_shared>>
      %dma_start3A_504 = tpu.memref_slice %arg10[%dma_start3A_493] : memref<4x!tpu.dma_semaphore, #tpu.memory_space<semaphore_mem>> -> memref<1x!tpu.dma_semaphore, #tpu.memory_space<semaphore_mem>>
      %dma_start3A_505 = tpu.memref_squeeze %dma_start3A_504 : memref<1x!tpu.dma_semaphore, #tpu.memory_space<semaphore_mem>> -> memref<!tpu.dma_semaphore, #tpu.memory_space<semaphore_mem>>
      tpu.enqueue_indirect_dma source(%dma_start3A_497 : memref<128x32xf32, #tpu.memory_space<vmem>>) target(%dma_start3A_503 : memref<10000x32xf32, #tpu.memory_space<vmem_shared>>) offsets(%dma_start3A_500 : memref<128xi32, #tpu.memory_space<vmem>>) semaphore(%dma_start3A_505 : memref<!tpu.dma_semaphore, #tpu.memory_space<semaphore_mem>>) {add = true}
      %dma_wait3A_506 = arith.constant 0 : i32
      %dma_wait3A_507 = arith.constant 0 : i32
      %dma_wait3A_508 = arith.constant 0 : i32
      %dma_wait3A_509 = arith.constant 0 : i32
      %dma_wait3A_510 = arith.constant 0 : i32
      %dma_wait3A_511 = tpu.memref_slice %arg8[%dma_wait3A_506, %dma_wait3A_509, %dma_wait3A_510] : memref<4x128x32xf32, #tpu.memory_space<vmem>> -> memref<1x128x32xf32, #tpu.memory_space<vmem>>
      %dma_wait3A_512 = tpu.memref_squeeze %dma_wait3A_511 : memref<1x128x32xf32, #tpu.memory_space<vmem>> -> memref<128x32xf32, #tpu.memory_space<vmem>>
      %dma_wait3A_513 = arith.constant 0 : i32
      %dma_wait3A_514 = tpu.memref_slice %arg7[%dma_wait3A_507, %dma_wait3A_513] : memref<4x128xi32, #tpu.memory_space<vmem>> -> memref<1x128xi32, #tpu.memory_space<vmem>>
      %dma_wait3A_515 = tpu.memref_squeeze %dma_wait3A_514 : memref<1x128xi32, #tpu.memory_space<vmem>> -> memref<128xi32, #tpu.memory_space<vmem>>
      %dma_wait3A_516 = arith.constant 0 : i32
      %dma_wait3A_517 = arith.constant 0 : i32
      %dma_wait3A_518 = tpu.memref_slice %arg5[%dma_wait3A_516, %dma_wait3A_517] : memref<10000x32xf32, #tpu.memory_space<vmem_shared>> -> memref<10000x32xf32, #tpu.memory_space<vmem_shared>>
      %dma_wait3A_519 = tpu.memref_slice %arg10[%dma_wait3A_508] : memref<4x!tpu.dma_semaphore, #tpu.memory_space<semaphore_mem>> -> memref<1x!tpu.dma_semaphore, #tpu.memory_space<semaphore_mem>>
      %dma_wait3A_520 = tpu.memref_squeeze %dma_wait3A_519 : memref<1x!tpu.dma_semaphore, #tpu.memory_space<semaphore_mem>> -> memref<!tpu.dma_semaphore, #tpu.memory_space<semaphore_mem>>
      tpu.wait_indirect_dma semaphore(%dma_wait3A_520 : memref<!tpu.dma_semaphore, #tpu.memory_space<semaphore_mem>>) src(%dma_wait3A_512 : memref<128x32xf32, #tpu.memory_space<vmem>>) dst(%dma_wait3A_518 : memref<10000x32xf32, #tpu.memory_space<vmem_shared>>)
      %add3A_521 = arith.constant 4 : i32
      %add3A_522 = arith.addi %add3A_521, %add3A_456 : i32
      %mul3A_523 = arith.constant 128 : i32
      %mul3A_524 = arith.muli %add3A_522, %mul3A_523 : i32
      %add3A_525 = arith.addi %mul3A_2, %mul3A_524 : i32
      %dma_start3A_526 = arith.constant 0 : i32
      %dma_start3A_527 = arith.constant 0 : i32
      %dma_start3A_528 = arith.constant 0 : i32
      %dma_start3A_529 = tpu.memref_slice %arg7[%dma_start3A_526, %dma_start3A_528] : memref<4x128xi32, #tpu.memory_space<vmem>> -> memref<1x128xi32, #tpu.memory_space<vmem>>
      %dma_start3A_530 = tpu.memref_squeeze %dma_start3A_529 : memref<1x128xi32, #tpu.memory_space<vmem>> -> memref<128xi32, #tpu.memory_space<vmem>>
      %dma_start3A_531 = tpu.memref_slice %arg3[%add3A_525] : memref<320000xi32, #tpu.memory_space<hbm>> -> memref<128xi32, #tpu.memory_space<hbm>>
      %dma_start3A_532 = tpu.memref_slice %arg9[%dma_start3A_527] : memref<4x!tpu.dma_semaphore, #tpu.memory_space<semaphore_mem>> -> memref<1x!tpu.dma_semaphore, #tpu.memory_space<semaphore_mem>>
      %dma_start3A_533 = tpu.memref_squeeze %dma_start3A_532 : memref<1x!tpu.dma_semaphore, #tpu.memory_space<semaphore_mem>> -> memref<!tpu.dma_semaphore, #tpu.memory_space<semaphore_mem>>
      %dma_start3A_534 = arith.constant 0 : i32
      %dma_start3A_535 = tpu.memref_slice %arg7[%dma_start3A_526, %dma_start3A_534] : memref<4x128xi32, #tpu.memory_space<vmem>> -> memref<1x128xi32, #tpu.memory_space<vmem>>
      %dma_start3A_536 = tpu.memref_squeeze %dma_start3A_535 : memref<1x128xi32, #tpu.memory_space<vmem>> -> memref<128xi32, #tpu.memory_space<vmem>>
      %dma_start3A_537 = tpu.memref_slice %arg3[%add3A_525] : memref<320000xi32, #tpu.memory_space<hbm>> -> memref<128xi32, #tpu.memory_space<hbm>>
      tpu.enqueue_dma source(%dma_start3A_537 : memref<128xi32, #tpu.memory_space<hbm>>) target(%dma_start3A_536 : memref<128xi32, #tpu.memory_space<vmem>>) target_semaphore(%dma_start3A_533 : memref<!tpu.dma_semaphore, #tpu.memory_space<semaphore_mem>>)
      %mul3A_538 = arith.constant 128 : i32
      %mul3A_539 = arith.muli %add3A_522, %mul3A_538 : i32
      %add3A_540 = arith.addi %mul3A_2, %mul3A_539 : i32
      %dma_start3A_541 = arith.constant 0 : i32
      %dma_start3A_542 = arith.constant 0 : i32
      %dma_start3A_543 = arith.constant 0 : i32
      %dma_start3A_544 = arith.constant 0 : i32
      %dma_start3A_545 = tpu.memref_slice %arg8[%dma_start3A_541, %dma_start3A_543, %dma_start3A_544] : memref<4x128x32xf32, #tpu.memory_space<vmem>> -> memref<1x128x32xf32, #tpu.memory_space<vmem>>
      %dma_start3A_546 = tpu.memref_squeeze %dma_start3A_545 : memref<1x128x32xf32, #tpu.memory_space<vmem>> -> memref<128x32xf32, #tpu.memory_space<vmem>>
      %dma_start3A_547 = arith.constant 0 : i32
      %dma_start3A_548 = tpu.memref_slice %arg2[%add3A_540, %dma_start3A_547] : memref<320000x32xf32, #tpu.memory_space<hbm>> -> memref<128x32xf32, #tpu.memory_space<hbm>>
      %dma_start3A_549 = tpu.memref_slice %arg9[%dma_start3A_542] : memref<4x!tpu.dma_semaphore, #tpu.memory_space<semaphore_mem>> -> memref<1x!tpu.dma_semaphore, #tpu.memory_space<semaphore_mem>>
      %dma_start3A_550 = tpu.memref_squeeze %dma_start3A_549 : memref<1x!tpu.dma_semaphore, #tpu.memory_space<semaphore_mem>> -> memref<!tpu.dma_semaphore, #tpu.memory_space<semaphore_mem>>
      %dma_start3A_551 = arith.constant 0 : i32
      %dma_start3A_552 = arith.constant 0 : i32
      %dma_start3A_553 = tpu.memref_slice %arg8[%dma_start3A_541, %dma_start3A_551, %dma_start3A_552] : memref<4x128x32xf32, #tpu.memory_space<vmem>> -> memref<1x128x32xf32, #tpu.memory_space<vmem>>
      %dma_start3A_554 = tpu.memref_squeeze %dma_start3A_553 : memref<1x128x32xf32, #tpu.memory_space<vmem>> -> memref<128x32xf32, #tpu.memory_space<vmem>>
      %dma_start3A_555 = arith.constant 0 : i32
      %dma_start3A_556 = tpu.memref_slice %arg2[%add3A_540, %dma_start3A_555] : memref<320000x32xf32, #tpu.memory_space<hbm>> -> memref<128x32xf32, #tpu.memory_space<hbm>>
      tpu.enqueue_dma source(%dma_start3A_556 : memref<128x32xf32, #tpu.memory_space<hbm>>) target(%dma_start3A_554 : memref<128x32xf32, #tpu.memory_space<vmem>>) target_semaphore(%dma_start3A_550 : memref<!tpu.dma_semaphore, #tpu.memory_space<semaphore_mem>>)
      %mul3A_557 = arith.constant 4 : i32
      %mul3A_558 = arith.muli %while3A_452, %mul3A_557 : i32
      %add3A_559 = arith.constant 1 : i32
      %add3A_560 = arith.addi %mul3A_558, %add3A_559 : i32
      %mul3A_561 = arith.constant 128 : i32
      %mul3A_562 = arith.muli %add3A_560, %mul3A_561 : i32
      %add3A_563 = arith.addi %mul3A_2, %mul3A_562 : i32
      %dma_wait3A_564 = arith.constant 1 : i32
      %dma_wait3A_565 = arith.constant 1 : i32
      %dma_wait3A_566 = arith.constant 0 : i32
      %dma_wait3A_567 = tpu.memref_slice %arg7[%dma_wait3A_564, %dma_wait3A_566] : memref<4x128xi32, #tpu.memory_space<vmem>> -> memref<1x128xi32, #tpu.memory_space<vmem>>
      %dma_wait3A_568 = tpu.memref_squeeze %dma_wait3A_567 : memref<1x128xi32, #tpu.memory_space<vmem>> -> memref<128xi32, #tpu.memory_space<vmem>>
      %dma_wait3A_569 = tpu.memref_slice %arg3[%add3A_563] : memref<320000xi32, #tpu.memory_space<hbm>> -> memref<128xi32, #tpu.memory_space<hbm>>
      %dma_wait3A_570 = tpu.memref_slice %arg9[%dma_wait3A_565] : memref<4x!tpu.dma_semaphore, #tpu.memory_space<semaphore_mem>> -> memref<1x!tpu.dma_semaphore, #tpu.memory_space<semaphore_mem>>
      %dma_wait3A_571 = tpu.memref_squeeze %dma_wait3A_570 : memref<1x!tpu.dma_semaphore, #tpu.memory_space<semaphore_mem>> -> memref<!tpu.dma_semaphore, #tpu.memory_space<semaphore_mem>>
      %dma_wait3A_572 = arith.constant 0 : i32
      %dma_wait3A_573 = tpu.memref_slice %arg7[%dma_wait3A_564, %dma_wait3A_572] : memref<4x128xi32, #tpu.memory_space<vmem>> -> memref<1x128xi32, #tpu.memory_space<vmem>>
      %dma_wait3A_574 = tpu.memref_squeeze %dma_wait3A_573 : memref<1x128xi32, #tpu.memory_space<vmem>> -> memref<128xi32, #tpu.memory_space<vmem>>
      %dma_wait3A_575 = tpu.memref_slice %arg3[%add3A_563] : memref<320000xi32, #tpu.memory_space<hbm>> -> memref<128xi32, #tpu.memory_space<hbm>>
      tpu.wait_dma2 semaphore(%dma_wait3A_571 : memref<!tpu.dma_semaphore, #tpu.memory_space<semaphore_mem>>) src(%dma_wait3A_575 : memref<128xi32, #tpu.memory_space<hbm>>) dst(%dma_wait3A_574 : memref<128xi32, #tpu.memory_space<vmem>>)
      %mul3A_576 = arith.constant 128 : i32
      %mul3A_577 = arith.muli %add3A_560, %mul3A_576 : i32
      %add3A_578 = arith.addi %mul3A_2, %mul3A_577 : i32
      %dma_wait3A_579 = arith.constant 1 : i32
      %dma_wait3A_580 = arith.constant 1 : i32
      %dma_wait3A_581 = arith.constant 0 : i32
      %dma_wait3A_582 = arith.constant 0 : i32
      %dma_wait3A_583 = tpu.memref_slice %arg8[%dma_wait3A_579, %dma_wait3A_581, %dma_wait3A_582] : memref<4x128x32xf32, #tpu.memory_space<vmem>> -> memref<1x128x32xf32, #tpu.memory_space<vmem>>
      %dma_wait3A_584 = tpu.memref_squeeze %dma_wait3A_583 : memref<1x128x32xf32, #tpu.memory_space<vmem>> -> memref<128x32xf32, #tpu.memory_space<vmem>>
      %dma_wait3A_585 = arith.constant 0 : i32
      %dma_wait3A_586 = tpu.memref_slice %arg2[%add3A_578, %dma_wait3A_585] : memref<320000x32xf32, #tpu.memory_space<hbm>> -> memref<128x32xf32, #tpu.memory_space<hbm>>
      %dma_wait3A_587 = tpu.memref_slice %arg9[%dma_wait3A_580] : memref<4x!tpu.dma_semaphore, #tpu.memory_space<semaphore_mem>> -> memref<1x!tpu.dma_semaphore, #tpu.memory_space<semaphore_mem>>
      %dma_wait3A_588 = tpu.memref_squeeze %dma_wait3A_587 : memref<1x!tpu.dma_semaphore, #tpu.memory_space<semaphore_mem>> -> memref<!tpu.dma_semaphore, #tpu.memory_space<semaphore_mem>>
      %dma_wait3A_589 = arith.constant 0 : i32
      %dma_wait3A_590 = arith.constant 0 : i32
      %dma_wait3A_591 = tpu.memref_slice %arg8[%dma_wait3A_579, %dma_wait3A_589, %dma_wait3A_590] : memref<4x128x32xf32, #tpu.memory_space<vmem>> -> memref<1x128x32xf32, #tpu.memory_space<vmem>>
      %dma_wait3A_592 = tpu.memref_squeeze %dma_wait3A_591 : memref<1x128x32xf32, #tpu.memory_space<vmem>> -> memref<128x32xf32, #tpu.memory_space<vmem>>
      %dma_wait3A_593 = arith.constant 0 : i32
      %dma_wait3A_594 = tpu.memref_slice %arg2[%add3A_578, %dma_wait3A_593] : memref<320000x32xf32, #tpu.memory_space<hbm>> -> memref<128x32xf32, #tpu.memory_space<hbm>>
      tpu.wait_dma2 semaphore(%dma_wait3A_588 : memref<!tpu.dma_semaphore, #tpu.memory_space<semaphore_mem>>) src(%dma_wait3A_594 : memref<128x32xf32, #tpu.memory_space<hbm>>) dst(%dma_wait3A_592 : memref<128x32xf32, #tpu.memory_space<vmem>>)
      %dma_start3A_595 = arith.constant 1 : i32
      %dma_start3A_596 = arith.constant 1 : i32
      %dma_start3A_597 = arith.constant 1 : i32
      %dma_start3A_598 = arith.constant 0 : i32
      %dma_start3A_599 = arith.constant 0 : i32
      %dma_start3A_600 = tpu.memref_slice %arg8[%dma_start3A_595, %dma_start3A_598, %dma_start3A_599] : memref<4x128x32xf32, #tpu.memory_space<vmem>> -> memref<1x128x32xf32, #tpu.memory_space<vmem>>
      %dma_start3A_601 = tpu.memref_squeeze %dma_start3A_600 : memref<1x128x32xf32, #tpu.memory_space<vmem>> -> memref<128x32xf32, #tpu.memory_space<vmem>>
      %dma_start3A_602 = arith.constant 0 : i32
      %dma_start3A_603 = tpu.memref_slice %arg7[%dma_start3A_596, %dma_start3A_602] : memref<4x128xi32, #tpu.memory_space<vmem>> -> memref<1x128xi32, #tpu.memory_space<vmem>>
      %dma_start3A_604 = tpu.memref_squeeze %dma_start3A_603 : memref<1x128xi32, #tpu.memory_space<vmem>> -> memref<128xi32, #tpu.memory_space<vmem>>
      %dma_start3A_605 = arith.constant 0 : i32
      %dma_start3A_606 = arith.constant 0 : i32
      %dma_start3A_607 = tpu.memref_slice %arg5[%dma_start3A_605, %dma_start3A_606] : memref<10000x32xf32, #tpu.memory_space<vmem_shared>> -> memref<10000x32xf32, #tpu.memory_space<vmem_shared>>
      %dma_start3A_608 = tpu.memref_slice %arg10[%dma_start3A_597] : memref<4x!tpu.dma_semaphore, #tpu.memory_space<semaphore_mem>> -> memref<1x!tpu.dma_semaphore, #tpu.memory_space<semaphore_mem>>
      %dma_start3A_609 = tpu.memref_squeeze %dma_start3A_608 : memref<1x!tpu.dma_semaphore, #tpu.memory_space<semaphore_mem>> -> memref<!tpu.dma_semaphore, #tpu.memory_space<semaphore_mem>>
      tpu.enqueue_indirect_dma source(%dma_start3A_601 : memref<128x32xf32, #tpu.memory_space<vmem>>) target(%dma_start3A_607 : memref<10000x32xf32, #tpu.memory_space<vmem_shared>>) offsets(%dma_start3A_604 : memref<128xi32, #tpu.memory_space<vmem>>) semaphore(%dma_start3A_609 : memref<!tpu.dma_semaphore, #tpu.memory_space<semaphore_mem>>) {add = true}
      %dma_wait3A_610 = arith.constant 1 : i32
      %dma_wait3A_611 = arith.constant 1 : i32
      %dma_wait3A_612 = arith.constant 1 : i32
      %dma_wait3A_613 = arith.constant 0 : i32
      %dma_wait3A_614 = arith.constant 0 : i32
      %dma_wait3A_615 = tpu.memref_slice %arg8[%dma_wait3A_610, %dma_wait3A_613, %dma_wait3A_614] : memref<4x128x32xf32, #tpu.memory_space<vmem>> -> memref<1x128x32xf32, #tpu.memory_space<vmem>>
      %dma_wait3A_616 = tpu.memref_squeeze %dma_wait3A_615 : memref<1x128x32xf32, #tpu.memory_space<vmem>> -> memref<128x32xf32, #tpu.memory_space<vmem>>
      %dma_wait3A_617 = arith.constant 0 : i32
      %dma_wait3A_618 = tpu.memref_slice %arg7[%dma_wait3A_611, %dma_wait3A_617] : memref<4x128xi32, #tpu.memory_space<vmem>> -> memref<1x128xi32, #tpu.memory_space<vmem>>
      %dma_wait3A_619 = tpu.memref_squeeze %dma_wait3A_618 : memref<1x128xi32, #tpu.memory_space<vmem>> -> memref<128xi32, #tpu.memory_space<vmem>>
      %dma_wait3A_620 = arith.constant 0 : i32
      %dma_wait3A_621 = arith.constant 0 : i32
      %dma_wait3A_622 = tpu.memref_slice %arg5[%dma_wait3A_620, %dma_wait3A_621] : memref<10000x32xf32, #tpu.memory_space<vmem_shared>> -> memref<10000x32xf32, #tpu.memory_space<vmem_shared>>
      %dma_wait3A_623 = tpu.memref_slice %arg10[%dma_wait3A_612] : memref<4x!tpu.dma_semaphore, #tpu.memory_space<semaphore_mem>> -> memref<1x!tpu.dma_semaphore, #tpu.memory_space<semaphore_mem>>
      %dma_wait3A_624 = tpu.memref_squeeze %dma_wait3A_623 : memref<1x!tpu.dma_semaphore, #tpu.memory_space<semaphore_mem>> -> memref<!tpu.dma_semaphore, #tpu.memory_space<semaphore_mem>>
      tpu.wait_indirect_dma semaphore(%dma_wait3A_624 : memref<!tpu.dma_semaphore, #tpu.memory_space<semaphore_mem>>) src(%dma_wait3A_616 : memref<128x32xf32, #tpu.memory_space<vmem>>) dst(%dma_wait3A_622 : memref<10000x32xf32, #tpu.memory_space<vmem_shared>>)
      %add3A_625 = arith.constant 4 : i32
      %add3A_626 = arith.addi %add3A_625, %add3A_560 : i32
      %mul3A_627 = arith.constant 128 : i32
      %mul3A_628 = arith.muli %add3A_626, %mul3A_627 : i32
      %add3A_629 = arith.addi %mul3A_2, %mul3A_628 : i32
      %dma_start3A_630 = arith.constant 1 : i32
      %dma_start3A_631 = arith.constant 1 : i32
      %dma_start3A_632 = arith.constant 0 : i32
      %dma_start3A_633 = tpu.memref_slice %arg7[%dma_start3A_630, %dma_start3A_632] : memref<4x128xi32, #tpu.memory_space<vmem>> -> memref<1x128xi32, #tpu.memory_space<vmem>>
      %dma_start3A_634 = tpu.memref_squeeze %dma_start3A_633 : memref<1x128xi32, #tpu.memory_space<vmem>> -> memref<128xi32, #tpu.memory_space<vmem>>
      %dma_start3A_635 = tpu.memref_slice %arg3[%add3A_629] : memref<320000xi32, #tpu.memory_space<hbm>> -> memref<128xi32, #tpu.memory_space<hbm>>
      %dma_start3A_636 = tpu.memref_slice %arg9[%dma_start3A_631] : memref<4x!tpu.dma_semaphore, #tpu.memory_space<semaphore_mem>> -> memref<1x!tpu.dma_semaphore, #tpu.memory_space<semaphore_mem>>
      %dma_start3A_637 = tpu.memref_squeeze %dma_start3A_636 : memref<1x!tpu.dma_semaphore, #tpu.memory_space<semaphore_mem>> -> memref<!tpu.dma_semaphore, #tpu.memory_space<semaphore_mem>>
      %dma_start3A_638 = arith.constant 0 : i32
      %dma_start3A_639 = tpu.memref_slice %arg7[%dma_start3A_630, %dma_start3A_638] : memref<4x128xi32, #tpu.memory_space<vmem>> -> memref<1x128xi32, #tpu.memory_space<vmem>>
      %dma_start3A_640 = tpu.memref_squeeze %dma_start3A_639 : memref<1x128xi32, #tpu.memory_space<vmem>> -> memref<128xi32, #tpu.memory_space<vmem>>
      %dma_start3A_641 = tpu.memref_slice %arg3[%add3A_629] : memref<320000xi32, #tpu.memory_space<hbm>> -> memref<128xi32, #tpu.memory_space<hbm>>
      tpu.enqueue_dma source(%dma_start3A_641 : memref<128xi32, #tpu.memory_space<hbm>>) target(%dma_start3A_640 : memref<128xi32, #tpu.memory_space<vmem>>) target_semaphore(%dma_start3A_637 : memref<!tpu.dma_semaphore, #tpu.memory_space<semaphore_mem>>)
      %mul3A_642 = arith.constant 128 : i32
      %mul3A_643 = arith.muli %add3A_626, %mul3A_642 : i32
      %add3A_644 = arith.addi %mul3A_2, %mul3A_643 : i32
      %dma_start3A_645 = arith.constant 1 : i32
      %dma_start3A_646 = arith.constant 1 : i32
      %dma_start3A_647 = arith.constant 0 : i32
      %dma_start3A_648 = arith.constant 0 : i32
      %dma_start3A_649 = tpu.memref_slice %arg8[%dma_start3A_645, %dma_start3A_647, %dma_start3A_648] : memref<4x128x32xf32, #tpu.memory_space<vmem>> -> memref<1x128x32xf32, #tpu.memory_space<vmem>>
      %dma_start3A_650 = tpu.memref_squeeze %dma_start3A_649 : memref<1x128x32xf32, #tpu.memory_space<vmem>> -> memref<128x32xf32, #tpu.memory_space<vmem>>
      %dma_start3A_651 = arith.constant 0 : i32
      %dma_start3A_652 = tpu.memref_slice %arg2[%add3A_644, %dma_start3A_651] : memref<320000x32xf32, #tpu.memory_space<hbm>> -> memref<128x32xf32, #tpu.memory_space<hbm>>
      %dma_start3A_653 = tpu.memref_slice %arg9[%dma_start3A_646] : memref<4x!tpu.dma_semaphore, #tpu.memory_space<semaphore_mem>> -> memref<1x!tpu.dma_semaphore, #tpu.memory_space<semaphore_mem>>
      %dma_start3A_654 = tpu.memref_squeeze %dma_start3A_653 : memref<1x!tpu.dma_semaphore, #tpu.memory_space<semaphore_mem>> -> memref<!tpu.dma_semaphore, #tpu.memory_space<semaphore_mem>>
      %dma_start3A_655 = arith.constant 0 : i32
      %dma_start3A_656 = arith.constant 0 : i32
      %dma_start3A_657 = tpu.memref_slice %arg8[%dma_start3A_645, %dma_start3A_655, %dma_start3A_656] : memref<4x128x32xf32, #tpu.memory_space<vmem>> -> memref<1x128x32xf32, #tpu.memory_space<vmem>>
      %dma_start3A_658 = tpu.memref_squeeze %dma_start3A_657 : memref<1x128x32xf32, #tpu.memory_space<vmem>> -> memref<128x32xf32, #tpu.memory_space<vmem>>
      %dma_start3A_659 = arith.constant 0 : i32
      %dma_start3A_660 = tpu.memref_slice %arg2[%add3A_644, %dma_start3A_659] : memref<320000x32xf32, #tpu.memory_space<hbm>> -> memref<128x32xf32, #tpu.memory_space<hbm>>
      tpu.enqueue_dma source(%dma_start3A_660 : memref<128x32xf32, #tpu.memory_space<hbm>>) target(%dma_start3A_658 : memref<128x32xf32, #tpu.memory_space<vmem>>) target_semaphore(%dma_start3A_654 : memref<!tpu.dma_semaphore, #tpu.memory_space<semaphore_mem>>)
      %mul3A_661 = arith.constant 4 : i32
      %mul3A_662 = arith.muli %while3A_452, %mul3A_661 : i32
      %add3A_663 = arith.constant 2 : i32
      %add3A_664 = arith.addi %mul3A_662, %add3A_663 : i32
      %mul3A_665 = arith.constant 128 : i32
      %mul3A_666 = arith.muli %add3A_664, %mul3A_665 : i32
      %add3A_667 = arith.addi %mul3A_2, %mul3A_666 : i32
      %dma_wait3A_668 = arith.constant 2 : i32
      %dma_wait3A_669 = arith.constant 2 : i32
      %dma_wait3A_670 = arith.constant 0 : i32
      %dma_wait3A_671 = tpu.memref_slice %arg7[%dma_wait3A_668, %dma_wait3A_670] : memref<4x128xi32, #tpu.memory_space<vmem>> -> memref<1x128xi32, #tpu.memory_space<vmem>>
      %dma_wait3A_672 = tpu.memref_squeeze %dma_wait3A_671 : memref<1x128xi32, #tpu.memory_space<vmem>> -> memref<128xi32, #tpu.memory_space<vmem>>
      %dma_wait3A_673 = tpu.memref_slice %arg3[%add3A_667] : memref<320000xi32, #tpu.memory_space<hbm>> -> memref<128xi32, #tpu.memory_space<hbm>>
      %dma_wait3A_674 = tpu.memref_slice %arg9[%dma_wait3A_669] : memref<4x!tpu.dma_semaphore, #tpu.memory_space<semaphore_mem>> -> memref<1x!tpu.dma_semaphore, #tpu.memory_space<semaphore_mem>>
      %dma_wait3A_675 = tpu.memref_squeeze %dma_wait3A_674 : memref<1x!tpu.dma_semaphore, #tpu.memory_space<semaphore_mem>> -> memref<!tpu.dma_semaphore, #tpu.memory_space<semaphore_mem>>
      %dma_wait3A_676 = arith.constant 0 : i32
      %dma_wait3A_677 = tpu.memref_slice %arg7[%dma_wait3A_668, %dma_wait3A_676] : memref<4x128xi32, #tpu.memory_space<vmem>> -> memref<1x128xi32, #tpu.memory_space<vmem>>
      %dma_wait3A_678 = tpu.memref_squeeze %dma_wait3A_677 : memref<1x128xi32, #tpu.memory_space<vmem>> -> memref<128xi32, #tpu.memory_space<vmem>>
      %dma_wait3A_679 = tpu.memref_slice %arg3[%add3A_667] : memref<320000xi32, #tpu.memory_space<hbm>> -> memref<128xi32, #tpu.memory_space<hbm>>
      tpu.wait_dma2 semaphore(%dma_wait3A_675 : memref<!tpu.dma_semaphore, #tpu.memory_space<semaphore_mem>>) src(%dma_wait3A_679 : memref<128xi32, #tpu.memory_space<hbm>>) dst(%dma_wait3A_678 : memref<128xi32, #tpu.memory_space<vmem>>)
      %mul3A_680 = arith.constant 128 : i32
      %mul3A_681 = arith.muli %add3A_664, %mul3A_680 : i32
      %add3A_682 = arith.addi %mul3A_2, %mul3A_681 : i32
      %dma_wait3A_683 = arith.constant 2 : i32
      %dma_wait3A_684 = arith.constant 2 : i32
      %dma_wait3A_685 = arith.constant 0 : i32
      %dma_wait3A_686 = arith.constant 0 : i32
      %dma_wait3A_687 = tpu.memref_slice %arg8[%dma_wait3A_683, %dma_wait3A_685, %dma_wait3A_686] : memref<4x128x32xf32, #tpu.memory_space<vmem>> -> memref<1x128x32xf32, #tpu.memory_space<vmem>>
      %dma_wait3A_688 = tpu.memref_squeeze %dma_wait3A_687 : memref<1x128x32xf32, #tpu.memory_space<vmem>> -> memref<128x32xf32, #tpu.memory_space<vmem>>
      %dma_wait3A_689 = arith.constant 0 : i32
      %dma_wait3A_690 = tpu.memref_slice %arg2[%add3A_682, %dma_wait3A_689] : memref<320000x32xf32, #tpu.memory_space<hbm>> -> memref<128x32xf32, #tpu.memory_space<hbm>>
      %dma_wait3A_691 = tpu.memref_slice %arg9[%dma_wait3A_684] : memref<4x!tpu.dma_semaphore, #tpu.memory_space<semaphore_mem>> -> memref<1x!tpu.dma_semaphore, #tpu.memory_space<semaphore_mem>>
      %dma_wait3A_692 = tpu.memref_squeeze %dma_wait3A_691 : memref<1x!tpu.dma_semaphore, #tpu.memory_space<semaphore_mem>> -> memref<!tpu.dma_semaphore, #tpu.memory_space<semaphore_mem>>
      %dma_wait3A_693 = arith.constant 0 : i32
      %dma_wait3A_694 = arith.constant 0 : i32
      %dma_wait3A_695 = tpu.memref_slice %arg8[%dma_wait3A_683, %dma_wait3A_693, %dma_wait3A_694] : memref<4x128x32xf32, #tpu.memory_space<vmem>> -> memref<1x128x32xf32, #tpu.memory_space<vmem>>
      %dma_wait3A_696 = tpu.memref_squeeze %dma_wait3A_695 : memref<1x128x32xf32, #tpu.memory_space<vmem>> -> memref<128x32xf32, #tpu.memory_space<vmem>>
      %dma_wait3A_697 = arith.constant 0 : i32
      %dma_wait3A_698 = tpu.memref_slice %arg2[%add3A_682, %dma_wait3A_697] : memref<320000x32xf32, #tpu.memory_space<hbm>> -> memref<128x32xf32, #tpu.memory_space<hbm>>
      tpu.wait_dma2 semaphore(%dma_wait3A_692 : memref<!tpu.dma_semaphore, #tpu.memory_space<semaphore_mem>>) src(%dma_wait3A_698 : memref<128x32xf32, #tpu.memory_space<hbm>>) dst(%dma_wait3A_696 : memref<128x32xf32, #tpu.memory_space<vmem>>)
      %dma_start3A_699 = arith.constant 2 : i32
      %dma_start3A_700 = arith.constant 2 : i32
      %dma_start3A_701 = arith.constant 2 : i32
      %dma_start3A_702 = arith.constant 0 : i32
      %dma_start3A_703 = arith.constant 0 : i32
      %dma_start3A_704 = tpu.memref_slice %arg8[%dma_start3A_699, %dma_start3A_702, %dma_start3A_703] : memref<4x128x32xf32, #tpu.memory_space<vmem>> -> memref<1x128x32xf32, #tpu.memory_space<vmem>>
      %dma_start3A_705 = tpu.memref_squeeze %dma_start3A_704 : memref<1x128x32xf32, #tpu.memory_space<vmem>> -> memref<128x32xf32, #tpu.memory_space<vmem>>
      %dma_start3A_706 = arith.constant 0 : i32
      %dma_start3A_707 = tpu.memref_slice %arg7[%dma_start3A_700, %dma_start3A_706] : memref<4x128xi32, #tpu.memory_space<vmem>> -> memref<1x128xi32, #tpu.memory_space<vmem>>
      %dma_start3A_708 = tpu.memref_squeeze %dma_start3A_707 : memref<1x128xi32, #tpu.memory_space<vmem>> -> memref<128xi32, #tpu.memory_space<vmem>>
      %dma_start3A_709 = arith.constant 0 : i32
      %dma_start3A_710 = arith.constant 0 : i32
      %dma_start3A_711 = tpu.memref_slice %arg5[%dma_start3A_709, %dma_start3A_710] : memref<10000x32xf32, #tpu.memory_space<vmem_shared>> -> memref<10000x32xf32, #tpu.memory_space<vmem_shared>>
      %dma_start3A_712 = tpu.memref_slice %arg10[%dma_start3A_701] : memref<4x!tpu.dma_semaphore, #tpu.memory_space<semaphore_mem>> -> memref<1x!tpu.dma_semaphore, #tpu.memory_space<semaphore_mem>>
      %dma_start3A_713 = tpu.memref_squeeze %dma_start3A_712 : memref<1x!tpu.dma_semaphore, #tpu.memory_space<semaphore_mem>> -> memref<!tpu.dma_semaphore, #tpu.memory_space<semaphore_mem>>
      tpu.enqueue_indirect_dma source(%dma_start3A_705 : memref<128x32xf32, #tpu.memory_space<vmem>>) target(%dma_start3A_711 : memref<10000x32xf32, #tpu.memory_space<vmem_shared>>) offsets(%dma_start3A_708 : memref<128xi32, #tpu.memory_space<vmem>>) semaphore(%dma_start3A_713 : memref<!tpu.dma_semaphore, #tpu.memory_space<semaphore_mem>>) {add = true}
      %dma_wait3A_714 = arith.constant 2 : i32
      %dma_wait3A_715 = arith.constant 2 : i32
      %dma_wait3A_716 = arith.constant 2 : i32
      %dma_wait3A_717 = arith.constant 0 : i32
      %dma_wait3A_718 = arith.constant 0 : i32
      %dma_wait3A_719 = tpu.memref_slice %arg8[%dma_wait3A_714, %dma_wait3A_717, %dma_wait3A_718] : memref<4x128x32xf32, #tpu.memory_space<vmem>> -> memref<1x128x32xf32, #tpu.memory_space<vmem>>
      %dma_wait3A_720 = tpu.memref_squeeze %dma_wait3A_719 : memref<1x128x32xf32, #tpu.memory_space<vmem>> -> memref<128x32xf32, #tpu.memory_space<vmem>>
      %dma_wait3A_721 = arith.constant 0 : i32
      %dma_wait3A_722 = tpu.memref_slice %arg7[%dma_wait3A_715, %dma_wait3A_721] : memref<4x128xi32, #tpu.memory_space<vmem>> -> memref<1x128xi32, #tpu.memory_space<vmem>>
      %dma_wait3A_723 = tpu.memref_squeeze %dma_wait3A_722 : memref<1x128xi32, #tpu.memory_space<vmem>> -> memref<128xi32, #tpu.memory_space<vmem>>
      %dma_wait3A_724 = arith.constant 0 : i32
      %dma_wait3A_725 = arith.constant 0 : i32
      %dma_wait3A_726 = tpu.memref_slice %arg5[%dma_wait3A_724, %dma_wait3A_725] : memref<10000x32xf32, #tpu.memory_space<vmem_shared>> -> memref<10000x32xf32, #tpu.memory_space<vmem_shared>>
      %dma_wait3A_727 = tpu.memref_slice %arg10[%dma_wait3A_716] : memref<4x!tpu.dma_semaphore, #tpu.memory_space<semaphore_mem>> -> memref<1x!tpu.dma_semaphore, #tpu.memory_space<semaphore_mem>>
      %dma_wait3A_728 = tpu.memref_squeeze %dma_wait3A_727 : memref<1x!tpu.dma_semaphore, #tpu.memory_space<semaphore_mem>> -> memref<!tpu.dma_semaphore, #tpu.memory_space<semaphore_mem>>
      tpu.wait_indirect_dma semaphore(%dma_wait3A_728 : memref<!tpu.dma_semaphore, #tpu.memory_space<semaphore_mem>>) src(%dma_wait3A_720 : memref<128x32xf32, #tpu.memory_space<vmem>>) dst(%dma_wait3A_726 : memref<10000x32xf32, #tpu.memory_space<vmem_shared>>)
      %add3A_729 = arith.constant 4 : i32
      %add3A_730 = arith.addi %add3A_729, %add3A_664 : i32
      %mul3A_731 = arith.constant 128 : i32
      %mul3A_732 = arith.muli %add3A_730, %mul3A_731 : i32
      %add3A_733 = arith.addi %mul3A_2, %mul3A_732 : i32
      %dma_start3A_734 = arith.constant 2 : i32
      %dma_start3A_735 = arith.constant 2 : i32
      %dma_start3A_736 = arith.constant 0 : i32
      %dma_start3A_737 = tpu.memref_slice %arg7[%dma_start3A_734, %dma_start3A_736] : memref<4x128xi32, #tpu.memory_space<vmem>> -> memref<1x128xi32, #tpu.memory_space<vmem>>
      %dma_start3A_738 = tpu.memref_squeeze %dma_start3A_737 : memref<1x128xi32, #tpu.memory_space<vmem>> -> memref<128xi32, #tpu.memory_space<vmem>>
      %dma_start3A_739 = tpu.memref_slice %arg3[%add3A_733] : memref<320000xi32, #tpu.memory_space<hbm>> -> memref<128xi32, #tpu.memory_space<hbm>>
      %dma_start3A_740 = tpu.memref_slice %arg9[%dma_start3A_735] : memref<4x!tpu.dma_semaphore, #tpu.memory_space<semaphore_mem>> -> memref<1x!tpu.dma_semaphore, #tpu.memory_space<semaphore_mem>>
      %dma_start3A_741 = tpu.memref_squeeze %dma_start3A_740 : memref<1x!tpu.dma_semaphore, #tpu.memory_space<semaphore_mem>> -> memref<!tpu.dma_semaphore, #tpu.memory_space<semaphore_mem>>
      %dma_start3A_742 = arith.constant 0 : i32
      %dma_start3A_743 = tpu.memref_slice %arg7[%dma_start3A_734, %dma_start3A_742] : memref<4x128xi32, #tpu.memory_space<vmem>> -> memref<1x128xi32, #tpu.memory_space<vmem>>
      %dma_start3A_744 = tpu.memref_squeeze %dma_start3A_743 : memref<1x128xi32, #tpu.memory_space<vmem>> -> memref<128xi32, #tpu.memory_space<vmem>>
      %dma_start3A_745 = tpu.memref_slice %arg3[%add3A_733] : memref<320000xi32, #tpu.memory_space<hbm>> -> memref<128xi32, #tpu.memory_space<hbm>>
      tpu.enqueue_dma source(%dma_start3A_745 : memref<128xi32, #tpu.memory_space<hbm>>) target(%dma_start3A_744 : memref<128xi32, #tpu.memory_space<vmem>>) target_semaphore(%dma_start3A_741 : memref<!tpu.dma_semaphore, #tpu.memory_space<semaphore_mem>>)
      %mul3A_746 = arith.constant 128 : i32
      %mul3A_747 = arith.muli %add3A_730, %mul3A_746 : i32
      %add3A_748 = arith.addi %mul3A_2, %mul3A_747 : i32
      %dma_start3A_749 = arith.constant 2 : i32
      %dma_start3A_750 = arith.constant 2 : i32
      %dma_start3A_751 = arith.constant 0 : i32
      %dma_start3A_752 = arith.constant 0 : i32
      %dma_start3A_753 = tpu.memref_slice %arg8[%dma_start3A_749, %dma_start3A_751, %dma_start3A_752] : memref<4x128x32xf32, #tpu.memory_space<vmem>> -> memref<1x128x32xf32, #tpu.memory_space<vmem>>
      %dma_start3A_754 = tpu.memref_squeeze %dma_start3A_753 : memref<1x128x32xf32, #tpu.memory_space<vmem>> -> memref<128x32xf32, #tpu.memory_space<vmem>>
      %dma_start3A_755 = arith.constant 0 : i32
      %dma_start3A_756 = tpu.memref_slice %arg2[%add3A_748, %dma_start3A_755] : memref<320000x32xf32, #tpu.memory_space<hbm>> -> memref<128x32xf32, #tpu.memory_space<hbm>>
      %dma_start3A_757 = tpu.memref_slice %arg9[%dma_start3A_750] : memref<4x!tpu.dma_semaphore, #tpu.memory_space<semaphore_mem>> -> memref<1x!tpu.dma_semaphore, #tpu.memory_space<semaphore_mem>>
      %dma_start3A_758 = tpu.memref_squeeze %dma_start3A_757 : memref<1x!tpu.dma_semaphore, #tpu.memory_space<semaphore_mem>> -> memref<!tpu.dma_semaphore, #tpu.memory_space<semaphore_mem>>
      %dma_start3A_759 = arith.constant 0 : i32
      %dma_start3A_760 = arith.constant 0 : i32
      %dma_start3A_761 = tpu.memref_slice %arg8[%dma_start3A_749, %dma_start3A_759, %dma_start3A_760] : memref<4x128x32xf32, #tpu.memory_space<vmem>> -> memref<1x128x32xf32, #tpu.memory_space<vmem>>
      %dma_start3A_762 = tpu.memref_squeeze %dma_start3A_761 : memref<1x128x32xf32, #tpu.memory_space<vmem>> -> memref<128x32xf32, #tpu.memory_space<vmem>>
      %dma_start3A_763 = arith.constant 0 : i32
      %dma_start3A_764 = tpu.memref_slice %arg2[%add3A_748, %dma_start3A_763] : memref<320000x32xf32, #tpu.memory_space<hbm>> -> memref<128x32xf32, #tpu.memory_space<hbm>>
      tpu.enqueue_dma source(%dma_start3A_764 : memref<128x32xf32, #tpu.memory_space<hbm>>) target(%dma_start3A_762 : memref<128x32xf32, #tpu.memory_space<vmem>>) target_semaphore(%dma_start3A_758 : memref<!tpu.dma_semaphore, #tpu.memory_space<semaphore_mem>>)
      %mul3A_765 = arith.constant 4 : i32
      %mul3A_766 = arith.muli %while3A_452, %mul3A_765 : i32
      %add3A_767 = arith.constant 3 : i32
      %add3A_768 = arith.addi %mul3A_766, %add3A_767 : i32
      %mul3A_769 = arith.constant 128 : i32
      %mul3A_770 = arith.muli %add3A_768, %mul3A_769 : i32
      %add3A_771 = arith.addi %mul3A_2, %mul3A_770 : i32
      %dma_wait3A_772 = arith.constant 3 : i32
      %dma_wait3A_773 = arith.constant 3 : i32
      %dma_wait3A_774 = arith.constant 0 : i32
      %dma_wait3A_775 = tpu.memref_slice %arg7[%dma_wait3A_772, %dma_wait3A_774] : memref<4x128xi32, #tpu.memory_space<vmem>> -> memref<1x128xi32, #tpu.memory_space<vmem>>
      %dma_wait3A_776 = tpu.memref_squeeze %dma_wait3A_775 : memref<1x128xi32, #tpu.memory_space<vmem>> -> memref<128xi32, #tpu.memory_space<vmem>>
      %dma_wait3A_777 = tpu.memref_slice %arg3[%add3A_771] : memref<320000xi32, #tpu.memory_space<hbm>> -> memref<128xi32, #tpu.memory_space<hbm>>
      %dma_wait3A_778 = tpu.memref_slice %arg9[%dma_wait3A_773] : memref<4x!tpu.dma_semaphore, #tpu.memory_space<semaphore_mem>> -> memref<1x!tpu.dma_semaphore, #tpu.memory_space<semaphore_mem>>
      %dma_wait3A_779 = tpu.memref_squeeze %dma_wait3A_778 : memref<1x!tpu.dma_semaphore, #tpu.memory_space<semaphore_mem>> -> memref<!tpu.dma_semaphore, #tpu.memory_space<semaphore_mem>>
      %dma_wait3A_780 = arith.constant 0 : i32
      %dma_wait3A_781 = tpu.memref_slice %arg7[%dma_wait3A_772, %dma_wait3A_780] : memref<4x128xi32, #tpu.memory_space<vmem>> -> memref<1x128xi32, #tpu.memory_space<vmem>>
      %dma_wait3A_782 = tpu.memref_squeeze %dma_wait3A_781 : memref<1x128xi32, #tpu.memory_space<vmem>> -> memref<128xi32, #tpu.memory_space<vmem>>
      %dma_wait3A_783 = tpu.memref_slice %arg3[%add3A_771] : memref<320000xi32, #tpu.memory_space<hbm>> -> memref<128xi32, #tpu.memory_space<hbm>>
      tpu.wait_dma2 semaphore(%dma_wait3A_779 : memref<!tpu.dma_semaphore, #tpu.memory_space<semaphore_mem>>) src(%dma_wait3A_783 : memref<128xi32, #tpu.memory_space<hbm>>) dst(%dma_wait3A_782 : memref<128xi32, #tpu.memory_space<vmem>>)
      %mul3A_784 = arith.constant 128 : i32
      %mul3A_785 = arith.muli %add3A_768, %mul3A_784 : i32
      %add3A_786 = arith.addi %mul3A_2, %mul3A_785 : i32
      %dma_wait3A_787 = arith.constant 3 : i32
      %dma_wait3A_788 = arith.constant 3 : i32
      %dma_wait3A_789 = arith.constant 0 : i32
      %dma_wait3A_790 = arith.constant 0 : i32
      %dma_wait3A_791 = tpu.memref_slice %arg8[%dma_wait3A_787, %dma_wait3A_789, %dma_wait3A_790] : memref<4x128x32xf32, #tpu.memory_space<vmem>> -> memref<1x128x32xf32, #tpu.memory_space<vmem>>
      %dma_wait3A_792 = tpu.memref_squeeze %dma_wait3A_791 : memref<1x128x32xf32, #tpu.memory_space<vmem>> -> memref<128x32xf32, #tpu.memory_space<vmem>>
      %dma_wait3A_793 = arith.constant 0 : i32
      %dma_wait3A_794 = tpu.memref_slice %arg2[%add3A_786, %dma_wait3A_793] : memref<320000x32xf32, #tpu.memory_space<hbm>> -> memref<128x32xf32, #tpu.memory_space<hbm>>
      %dma_wait3A_795 = tpu.memref_slice %arg9[%dma_wait3A_788] : memref<4x!tpu.dma_semaphore, #tpu.memory_space<semaphore_mem>> -> memref<1x!tpu.dma_semaphore, #tpu.memory_space<semaphore_mem>>
      %dma_wait3A_796 = tpu.memref_squeeze %dma_wait3A_795 : memref<1x!tpu.dma_semaphore, #tpu.memory_space<semaphore_mem>> -> memref<!tpu.dma_semaphore, #tpu.memory_space<semaphore_mem>>
      %dma_wait3A_797 = arith.constant 0 : i32
      %dma_wait3A_798 = arith.constant 0 : i32
      %dma_wait3A_799 = tpu.memref_slice %arg8[%dma_wait3A_787, %dma_wait3A_797, %dma_wait3A_798] : memref<4x128x32xf32, #tpu.memory_space<vmem>> -> memref<1x128x32xf32, #tpu.memory_space<vmem>>
      %dma_wait3A_800 = tpu.memref_squeeze %dma_wait3A_799 : memref<1x128x32xf32, #tpu.memory_space<vmem>> -> memref<128x32xf32, #tpu.memory_space<vmem>>
      %dma_wait3A_801 = arith.constant 0 : i32
      %dma_wait3A_802 = tpu.memref_slice %arg2[%add3A_786, %dma_wait3A_801] : memref<320000x32xf32, #tpu.memory_space<hbm>> -> memref<128x32xf32, #tpu.memory_space<hbm>>
      tpu.wait_dma2 semaphore(%dma_wait3A_796 : memref<!tpu.dma_semaphore, #tpu.memory_space<semaphore_mem>>) src(%dma_wait3A_802 : memref<128x32xf32, #tpu.memory_space<hbm>>) dst(%dma_wait3A_800 : memref<128x32xf32, #tpu.memory_space<vmem>>)
      %dma_start3A_803 = arith.constant 3 : i32
      %dma_start3A_804 = arith.constant 3 : i32
      %dma_start3A_805 = arith.constant 3 : i32
      %dma_start3A_806 = arith.constant 0 : i32
      %dma_start3A_807 = arith.constant 0 : i32
      %dma_start3A_808 = tpu.memref_slice %arg8[%dma_start3A_803, %dma_start3A_806, %dma_start3A_807] : memref<4x128x32xf32, #tpu.memory_space<vmem>> -> memref<1x128x32xf32, #tpu.memory_space<vmem>>
      %dma_start3A_809 = tpu.memref_squeeze %dma_start3A_808 : memref<1x128x32xf32, #tpu.memory_space<vmem>> -> memref<128x32xf32, #tpu.memory_space<vmem>>
      %dma_start3A_810 = arith.constant 0 : i32
      %dma_start3A_811 = tpu.memref_slice %arg7[%dma_start3A_804, %dma_start3A_810] : memref<4x128xi32, #tpu.memory_space<vmem>> -> memref<1x128xi32, #tpu.memory_space<vmem>>
      %dma_start3A_812 = tpu.memref_squeeze %dma_start3A_811 : memref<1x128xi32, #tpu.memory_space<vmem>> -> memref<128xi32, #tpu.memory_space<vmem>>
      %dma_start3A_813 = arith.constant 0 : i32
      %dma_start3A_814 = arith.constant 0 : i32
      %dma_start3A_815 = tpu.memref_slice %arg5[%dma_start3A_813, %dma_start3A_814] : memref<10000x32xf32, #tpu.memory_space<vmem_shared>> -> memref<10000x32xf32, #tpu.memory_space<vmem_shared>>
      %dma_start3A_816 = tpu.memref_slice %arg10[%dma_start3A_805] : memref<4x!tpu.dma_semaphore, #tpu.memory_space<semaphore_mem>> -> memref<1x!tpu.dma_semaphore, #tpu.memory_space<semaphore_mem>>
      %dma_start3A_817 = tpu.memref_squeeze %dma_start3A_816 : memref<1x!tpu.dma_semaphore, #tpu.memory_space<semaphore_mem>> -> memref<!tpu.dma_semaphore, #tpu.memory_space<semaphore_mem>>
      tpu.enqueue_indirect_dma source(%dma_start3A_809 : memref<128x32xf32, #tpu.memory_space<vmem>>) target(%dma_start3A_815 : memref<10000x32xf32, #tpu.memory_space<vmem_shared>>) offsets(%dma_start3A_812 : memref<128xi32, #tpu.memory_space<vmem>>) semaphore(%dma_start3A_817 : memref<!tpu.dma_semaphore, #tpu.memory_space<semaphore_mem>>) {add = true}
      %dma_wait3A_818 = arith.constant 3 : i32
      %dma_wait3A_819 = arith.constant 3 : i32
      %dma_wait3A_820 = arith.constant 3 : i32
      %dma_wait3A_821 = arith.constant 0 : i32
      %dma_wait3A_822 = arith.constant 0 : i32
      %dma_wait3A_823 = tpu.memref_slice %arg8[%dma_wait3A_818, %dma_wait3A_821, %dma_wait3A_822] : memref<4x128x32xf32, #tpu.memory_space<vmem>> -> memref<1x128x32xf32, #tpu.memory_space<vmem>>
      %dma_wait3A_824 = tpu.memref_squeeze %dma_wait3A_823 : memref<1x128x32xf32, #tpu.memory_space<vmem>> -> memref<128x32xf32, #tpu.memory_space<vmem>>
      %dma_wait3A_825 = arith.constant 0 : i32
      %dma_wait3A_826 = tpu.memref_slice %arg7[%dma_wait3A_819, %dma_wait3A_825] : memref<4x128xi32, #tpu.memory_space<vmem>> -> memref<1x128xi32, #tpu.memory_space<vmem>>
      %dma_wait3A_827 = tpu.memref_squeeze %dma_wait3A_826 : memref<1x128xi32, #tpu.memory_space<vmem>> -> memref<128xi32, #tpu.memory_space<vmem>>
      %dma_wait3A_828 = arith.constant 0 : i32
      %dma_wait3A_829 = arith.constant 0 : i32
      %dma_wait3A_830 = tpu.memref_slice %arg5[%dma_wait3A_828, %dma_wait3A_829] : memref<10000x32xf32, #tpu.memory_space<vmem_shared>> -> memref<10000x32xf32, #tpu.memory_space<vmem_shared>>
      %dma_wait3A_831 = tpu.memref_slice %arg10[%dma_wait3A_820] : memref<4x!tpu.dma_semaphore, #tpu.memory_space<semaphore_mem>> -> memref<1x!tpu.dma_semaphore, #tpu.memory_space<semaphore_mem>>
      %dma_wait3A_832 = tpu.memref_squeeze %dma_wait3A_831 : memref<1x!tpu.dma_semaphore, #tpu.memory_space<semaphore_mem>> -> memref<!tpu.dma_semaphore, #tpu.memory_space<semaphore_mem>>
      tpu.wait_indirect_dma semaphore(%dma_wait3A_832 : memref<!tpu.dma_semaphore, #tpu.memory_space<semaphore_mem>>) src(%dma_wait3A_824 : memref<128x32xf32, #tpu.memory_space<vmem>>) dst(%dma_wait3A_830 : memref<10000x32xf32, #tpu.memory_space<vmem_shared>>)
      %add3A_833 = arith.constant 4 : i32
      %add3A_834 = arith.addi %add3A_833, %add3A_768 : i32
      %mul3A_835 = arith.constant 128 : i32
      %mul3A_836 = arith.muli %add3A_834, %mul3A_835 : i32
      %add3A_837 = arith.addi %mul3A_2, %mul3A_836 : i32
      %dma_start3A_838 = arith.constant 3 : i32
      %dma_start3A_839 = arith.constant 3 : i32
      %dma_start3A_840 = arith.constant 0 : i32
      %dma_start3A_841 = tpu.memref_slice %arg7[%dma_start3A_838, %dma_start3A_840] : memref<4x128xi32, #tpu.memory_space<vmem>> -> memref<1x128xi32, #tpu.memory_space<vmem>>
      %dma_start3A_842 = tpu.memref_squeeze %dma_start3A_841 : memref<1x128xi32, #tpu.memory_space<vmem>> -> memref<128xi32, #tpu.memory_space<vmem>>
      %dma_start3A_843 = tpu.memref_slice %arg3[%add3A_837] : memref<320000xi32, #tpu.memory_space<hbm>> -> memref<128xi32, #tpu.memory_space<hbm>>
      %dma_start3A_844 = tpu.memref_slice %arg9[%dma_start3A_839] : memref<4x!tpu.dma_semaphore, #tpu.memory_space<semaphore_mem>> -> memref<1x!tpu.dma_semaphore, #tpu.memory_space<semaphore_mem>>
      %dma_start3A_845 = tpu.memref_squeeze %dma_start3A_844 : memref<1x!tpu.dma_semaphore, #tpu.memory_space<semaphore_mem>> -> memref<!tpu.dma_semaphore, #tpu.memory_space<semaphore_mem>>
      %dma_start3A_846 = arith.constant 0 : i32
      %dma_start3A_847 = tpu.memref_slice %arg7[%dma_start3A_838, %dma_start3A_846] : memref<4x128xi32, #tpu.memory_space<vmem>> -> memref<1x128xi32, #tpu.memory_space<vmem>>
      %dma_start3A_848 = tpu.memref_squeeze %dma_start3A_847 : memref<1x128xi32, #tpu.memory_space<vmem>> -> memref<128xi32, #tpu.memory_space<vmem>>
      %dma_start3A_849 = tpu.memref_slice %arg3[%add3A_837] : memref<320000xi32, #tpu.memory_space<hbm>> -> memref<128xi32, #tpu.memory_space<hbm>>
      tpu.enqueue_dma source(%dma_start3A_849 : memref<128xi32, #tpu.memory_space<hbm>>) target(%dma_start3A_848 : memref<128xi32, #tpu.memory_space<vmem>>) target_semaphore(%dma_start3A_845 : memref<!tpu.dma_semaphore, #tpu.memory_space<semaphore_mem>>)
      %mul3A_850 = arith.constant 128 : i32
      %mul3A_851 = arith.muli %add3A_834, %mul3A_850 : i32
      %add3A_852 = arith.addi %mul3A_2, %mul3A_851 : i32
      %dma_start3A_853 = arith.constant 3 : i32
      %dma_start3A_854 = arith.constant 3 : i32
      %dma_start3A_855 = arith.constant 0 : i32
      %dma_start3A_856 = arith.constant 0 : i32
      %dma_start3A_857 = tpu.memref_slice %arg8[%dma_start3A_853, %dma_start3A_855, %dma_start3A_856] : memref<4x128x32xf32, #tpu.memory_space<vmem>> -> memref<1x128x32xf32, #tpu.memory_space<vmem>>
      %dma_start3A_858 = tpu.memref_squeeze %dma_start3A_857 : memref<1x128x32xf32, #tpu.memory_space<vmem>> -> memref<128x32xf32, #tpu.memory_space<vmem>>
      %dma_start3A_859 = arith.constant 0 : i32
      %dma_start3A_860 = tpu.memref_slice %arg2[%add3A_852, %dma_start3A_859] : memref<320000x32xf32, #tpu.memory_space<hbm>> -> memref<128x32xf32, #tpu.memory_space<hbm>>
      %dma_start3A_861 = tpu.memref_slice %arg9[%dma_start3A_854] : memref<4x!tpu.dma_semaphore, #tpu.memory_space<semaphore_mem>> -> memref<1x!tpu.dma_semaphore, #tpu.memory_space<semaphore_mem>>
      %dma_start3A_862 = tpu.memref_squeeze %dma_start3A_861 : memref<1x!tpu.dma_semaphore, #tpu.memory_space<semaphore_mem>> -> memref<!tpu.dma_semaphore, #tpu.memory_space<semaphore_mem>>
      %dma_start3A_863 = arith.constant 0 : i32
      %dma_start3A_864 = arith.constant 0 : i32
      %dma_start3A_865 = tpu.memref_slice %arg8[%dma_start3A_853, %dma_start3A_863, %dma_start3A_864] : memref<4x128x32xf32, #tpu.memory_space<vmem>> -> memref<1x128x32xf32, #tpu.memory_space<vmem>>
      %dma_start3A_866 = tpu.memref_squeeze %dma_start3A_865 : memref<1x128x32xf32, #tpu.memory_space<vmem>> -> memref<128x32xf32, #tpu.memory_space<vmem>>
      %dma_start3A_867 = arith.constant 0 : i32
      %dma_start3A_868 = tpu.memref_slice %arg2[%add3A_852, %dma_start3A_867] : memref<320000x32xf32, #tpu.memory_space<hbm>> -> memref<128x32xf32, #tpu.memory_space<hbm>>
      tpu.enqueue_dma source(%dma_start3A_868 : memref<128x32xf32, #tpu.memory_space<hbm>>) target(%dma_start3A_866 : memref<128x32xf32, #tpu.memory_space<vmem>>) target_semaphore(%dma_start3A_862 : memref<!tpu.dma_semaphore, #tpu.memory_space<semaphore_mem>>)
    }
    %while3A_167 = arith.constant 1 : i32
    scf.for %while3A_452 = %while3A_165 to %while3A_161 step %while3A_167  : i32 {
      %mul3A_453 = arith.constant 4 : i32
      %mul3A_454 = arith.muli %while3A_452, %mul3A_453 : i32
      %add3A_455 = arith.constant 0 : i32
      %add3A_456 = arith.addi %mul3A_454, %add3A_455 : i32
      %mul3A_457 = arith.constant 128 : i32
      %mul3A_458 = arith.muli %add3A_456, %mul3A_457 : i32
      %add3A_459 = arith.addi %mul3A_2, %mul3A_458 : i32
      %dma_wait3A_460 = arith.constant 0 : i32
      %dma_wait3A_461 = arith.constant 0 : i32
      %dma_wait3A_462 = arith.constant 0 : i32
      %dma_wait3A_463 = tpu.memref_slice %arg7[%dma_wait3A_460, %dma_wait3A_462] : memref<4x128xi32, #tpu.memory_space<vmem>> -> memref<1x128xi32, #tpu.memory_space<vmem>>
      %dma_wait3A_464 = tpu.memref_squeeze %dma_wait3A_463 : memref<1x128xi32, #tpu.memory_space<vmem>> -> memref<128xi32, #tpu.memory_space<vmem>>
      %dma_wait3A_465 = tpu.memref_slice %arg3[%add3A_459] : memref<320000xi32, #tpu.memory_space<hbm>> -> memref<128xi32, #tpu.memory_space<hbm>>
      %dma_wait3A_466 = tpu.memref_slice %arg9[%dma_wait3A_461] : memref<4x!tpu.dma_semaphore, #tpu.memory_space<semaphore_mem>> -> memref<1x!tpu.dma_semaphore, #tpu.memory_space<semaphore_mem>>
      %dma_wait3A_467 = tpu.memref_squeeze %dma_wait3A_466 : memref<1x!tpu.dma_semaphore, #tpu.memory_space<semaphore_mem>> -> memref<!tpu.dma_semaphore, #tpu.memory_space<semaphore_mem>>
      %dma_wait3A_468 = arith.constant 0 : i32
      %dma_wait3A_469 = tpu.memref_slice %arg7[%dma_wait3A_460, %dma_wait3A_468] : memref<4x128xi32, #tpu.memory_space<vmem>> -> memref<1x128xi32, #tpu.memory_space<vmem>>
      %dma_wait3A_470 = tpu.memref_squeeze %dma_wait3A_469 : memref<1x128xi32, #tpu.memory_space<vmem>> -> memref<128xi32, #tpu.memory_space<vmem>>
      %dma_wait3A_471 = tpu.memref_slice %arg3[%add3A_459] : memref<320000xi32, #tpu.memory_space<hbm>> -> memref<128xi32, #tpu.memory_space<hbm>>
      tpu.wait_dma2 semaphore(%dma_wait3A_467 : memref<!tpu.dma_semaphore, #tpu.memory_space<semaphore_mem>>) src(%dma_wait3A_471 : memref<128xi32, #tpu.memory_space<hbm>>) dst(%dma_wait3A_470 : memref<128xi32, #tpu.memory_space<vmem>>)
      %mul3A_472 = arith.constant 128 : i32
      %mul3A_473 = arith.muli %add3A_456, %mul3A_472 : i32
      %add3A_474 = arith.addi %mul3A_2, %mul3A_473 : i32
      %dma_wait3A_475 = arith.constant 0 : i32
      %dma_wait3A_476 = arith.constant 0 : i32
      %dma_wait3A_477 = arith.constant 0 : i32
      %dma_wait3A_478 = arith.constant 0 : i32
      %dma_wait3A_479 = tpu.memref_slice %arg8[%dma_wait3A_475, %dma_wait3A_477, %dma_wait3A_478] : memref<4x128x32xf32, #tpu.memory_space<vmem>> -> memref<1x128x32xf32, #tpu.memory_space<vmem>>
      %dma_wait3A_480 = tpu.memref_squeeze %dma_wait3A_479 : memref<1x128x32xf32, #tpu.memory_space<vmem>> -> memref<128x32xf32, #tpu.memory_space<vmem>>
      %dma_wait3A_481 = arith.constant 0 : i32
      %dma_wait3A_482 = tpu.memref_slice %arg2[%add3A_474, %dma_wait3A_481] : memref<320000x32xf32, #tpu.memory_space<hbm>> -> memref<128x32xf32, #tpu.memory_space<hbm>>
      %dma_wait3A_483 = tpu.memref_slice %arg9[%dma_wait3A_476] : memref<4x!tpu.dma_semaphore, #tpu.memory_space<semaphore_mem>> -> memref<1x!tpu.dma_semaphore, #tpu.memory_space<semaphore_mem>>
      %dma_wait3A_484 = tpu.memref_squeeze %dma_wait3A_483 : memref<1x!tpu.dma_semaphore, #tpu.memory_space<semaphore_mem>> -> memref<!tpu.dma_semaphore, #tpu.memory_space<semaphore_mem>>
      %dma_wait3A_485 = arith.constant 0 : i32
      %dma_wait3A_486 = arith.constant 0 : i32
      %dma_wait3A_487 = tpu.memref_slice %arg8[%dma_wait3A_475, %dma_wait3A_485, %dma_wait3A_486] : memref<4x128x32xf32, #tpu.memory_space<vmem>> -> memref<1x128x32xf32, #tpu.memory_space<vmem>>
      %dma_wait3A_488 = tpu.memref_squeeze %dma_wait3A_487 : memref<1x128x32xf32, #tpu.memory_space<vmem>> -> memref<128x32xf32, #tpu.memory_space<vmem>>
      %dma_wait3A_489 = arith.constant 0 : i32
      %dma_wait3A_490 = tpu.memref_slice %arg2[%add3A_474, %dma_wait3A_489] : memref<320000x32xf32, #tpu.memory_space<hbm>> -> memref<128x32xf32, #tpu.memory_space<hbm>>
      tpu.wait_dma2 semaphore(%dma_wait3A_484 : memref<!tpu.dma_semaphore, #tpu.memory_space<semaphore_mem>>) src(%dma_wait3A_490 : memref<128x32xf32, #tpu.memory_space<hbm>>) dst(%dma_wait3A_488 : memref<128x32xf32, #tpu.memory_space<vmem>>)
      %dma_start3A_491 = arith.constant 0 : i32
      %dma_start3A_492 = arith.constant 0 : i32
      %dma_start3A_493 = arith.constant 0 : i32
      %dma_start3A_494 = arith.constant 0 : i32
      %dma_start3A_495 = arith.constant 0 : i32
      %dma_start3A_496 = tpu.memref_slice %arg8[%dma_start3A_491, %dma_start3A_494, %dma_start3A_495] : memref<4x128x32xf32, #tpu.memory_space<vmem>> -> memref<1x128x32xf32, #tpu.memory_space<vmem>>
      %dma_start3A_497 = tpu.memref_squeeze %dma_start3A_496 : memref<1x128x32xf32, #tpu.memory_space<vmem>> -> memref<128x32xf32, #tpu.memory_space<vmem>>
      %dma_start3A_498 = arith.constant 0 : i32
      %dma_start3A_499 = tpu.memref_slice %arg7[%dma_start3A_492, %dma_start3A_498] : memref<4x128xi32, #tpu.memory_space<vmem>> -> memref<1x128xi32, #tpu.memory_space<vmem>>
      %dma_start3A_500 = tpu.memref_squeeze %dma_start3A_499 : memref<1x128xi32, #tpu.memory_space<vmem>> -> memref<128xi32, #tpu.memory_space<vmem>>
      %dma_start3A_501 = arith.constant 0 : i32
      %dma_start3A_502 = arith.constant 0 : i32
      %dma_start3A_503 = tpu.memref_slice %arg5[%dma_start3A_501, %dma_start3A_502] : memref<10000x32xf32, #tpu.memory_space<vmem_shared>> -> memref<10000x32xf32, #tpu.memory_space<vmem_shared>>
      %dma_start3A_504 = tpu.memref_slice %arg10[%dma_start3A_493] : memref<4x!tpu.dma_semaphore, #tpu.memory_space<semaphore_mem>> -> memref<1x!tpu.dma_semaphore, #tpu.memory_space<semaphore_mem>>
      %dma_start3A_505 = tpu.memref_squeeze %dma_start3A_504 : memref<1x!tpu.dma_semaphore, #tpu.memory_space<semaphore_mem>> -> memref<!tpu.dma_semaphore, #tpu.memory_space<semaphore_mem>>
      tpu.enqueue_indirect_dma source(%dma_start3A_497 : memref<128x32xf32, #tpu.memory_space<vmem>>) target(%dma_start3A_503 : memref<10000x32xf32, #tpu.memory_space<vmem_shared>>) offsets(%dma_start3A_500 : memref<128xi32, #tpu.memory_space<vmem>>) semaphore(%dma_start3A_505 : memref<!tpu.dma_semaphore, #tpu.memory_space<semaphore_mem>>) {add = true}
      %dma_wait3A_506 = arith.constant 0 : i32
      %dma_wait3A_507 = arith.constant 0 : i32
      %dma_wait3A_508 = arith.constant 0 : i32
      %dma_wait3A_509 = arith.constant 0 : i32
      %dma_wait3A_510 = arith.constant 0 : i32
      %dma_wait3A_511 = tpu.memref_slice %arg8[%dma_wait3A_506, %dma_wait3A_509, %dma_wait3A_510] : memref<4x128x32xf32, #tpu.memory_space<vmem>> -> memref<1x128x32xf32, #tpu.memory_space<vmem>>
      %dma_wait3A_512 = tpu.memref_squeeze %dma_wait3A_511 : memref<1x128x32xf32, #tpu.memory_space<vmem>> -> memref<128x32xf32, #tpu.memory_space<vmem>>
      %dma_wait3A_513 = arith.constant 0 : i32
      %dma_wait3A_514 = tpu.memref_slice %arg7[%dma_wait3A_507, %dma_wait3A_513] : memref<4x128xi32, #tpu.memory_space<vmem>> -> memref<1x128xi32, #tpu.memory_space<vmem>>
      %dma_wait3A_515 = tpu.memref_squeeze %dma_wait3A_514 : memref<1x128xi32, #tpu.memory_space<vmem>> -> memref<128xi32, #tpu.memory_space<vmem>>
      %dma_wait3A_516 = arith.constant 0 : i32
      %dma_wait3A_517 = arith.constant 0 : i32
      %dma_wait3A_518 = tpu.memref_slice %arg5[%dma_wait3A_516, %dma_wait3A_517] : memref<10000x32xf32, #tpu.memory_space<vmem_shared>> -> memref<10000x32xf32, #tpu.memory_space<vmem_shared>>
      %dma_wait3A_519 = tpu.memref_slice %arg10[%dma_wait3A_508] : memref<4x!tpu.dma_semaphore, #tpu.memory_space<semaphore_mem>> -> memref<1x!tpu.dma_semaphore, #tpu.memory_space<semaphore_mem>>
      %dma_wait3A_520 = tpu.memref_squeeze %dma_wait3A_519 : memref<1x!tpu.dma_semaphore, #tpu.memory_space<semaphore_mem>> -> memref<!tpu.dma_semaphore, #tpu.memory_space<semaphore_mem>>
      tpu.wait_indirect_dma semaphore(%dma_wait3A_520 : memref<!tpu.dma_semaphore, #tpu.memory_space<semaphore_mem>>) src(%dma_wait3A_512 : memref<128x32xf32, #tpu.memory_space<vmem>>) dst(%dma_wait3A_518 : memref<10000x32xf32, #tpu.memory_space<vmem_shared>>)
      %add3A_521 = arith.constant 4 : i32
      %add3A_522 = arith.addi %add3A_521, %add3A_456 : i32
      %mul3A_523 = arith.constant 128 : i32
      %mul3A_524 = arith.muli %add3A_522, %mul3A_523 : i32
      %add3A_525 = arith.addi %mul3A_2, %mul3A_524 : i32
      %dma_start3A_526 = arith.constant 0 : i32
      %dma_start3A_527 = arith.constant 0 : i32
      %dma_start3A_528 = arith.constant 0 : i32
      %dma_start3A_529 = tpu.memref_slice %arg7[%dma_start3A_526, %dma_start3A_528] : memref<4x128xi32, #tpu.memory_space<vmem>> -> memref<1x128xi32, #tpu.memory_space<vmem>>
      %dma_start3A_530 = tpu.memref_squeeze %dma_start3A_529 : memref<1x128xi32, #tpu.memory_space<vmem>> -> memref<128xi32, #tpu.memory_space<vmem>>
      %dma_start3A_531 = tpu.memref_slice %arg3[%add3A_525] : memref<320000xi32, #tpu.memory_space<hbm>> -> memref<128xi32, #tpu.memory_space<hbm>>
      %dma_start3A_532 = tpu.memref_slice %arg9[%dma_start3A_527] : memref<4x!tpu.dma_semaphore, #tpu.memory_space<semaphore_mem>> -> memref<1x!tpu.dma_semaphore, #tpu.memory_space<semaphore_mem>>
      %dma_start3A_533 = tpu.memref_squeeze %dma_start3A_532 : memref<1x!tpu.dma_semaphore, #tpu.memory_space<semaphore_mem>> -> memref<!tpu.dma_semaphore, #tpu.memory_space<semaphore_mem>>
      %dma_start3A_534 = arith.constant 0 : i32
      %dma_start3A_535 = tpu.memref_slice %arg7[%dma_start3A_526, %dma_start3A_534] : memref<4x128xi32, #tpu.memory_space<vmem>> -> memref<1x128xi32, #tpu.memory_space<vmem>>
      %dma_start3A_536 = tpu.memref_squeeze %dma_start3A_535 : memref<1x128xi32, #tpu.memory_space<vmem>> -> memref<128xi32, #tpu.memory_space<vmem>>
      %dma_start3A_537 = tpu.memref_slice %arg3[%add3A_525] : memref<320000xi32, #tpu.memory_space<hbm>> -> memref<128xi32, #tpu.memory_space<hbm>>
      tpu.enqueue_dma source(%dma_start3A_537 : memref<128xi32, #tpu.memory_space<hbm>>) target(%dma_start3A_536 : memref<128xi32, #tpu.memory_space<vmem>>) target_semaphore(%dma_start3A_533 : memref<!tpu.dma_semaphore, #tpu.memory_space<semaphore_mem>>)
      %mul3A_538 = arith.constant 128 : i32
      %mul3A_539 = arith.muli %add3A_522, %mul3A_538 : i32
      %add3A_540 = arith.addi %mul3A_2, %mul3A_539 : i32
      %dma_start3A_541 = arith.constant 0 : i32
      %dma_start3A_542 = arith.constant 0 : i32
      %dma_start3A_543 = arith.constant 0 : i32
      %dma_start3A_544 = arith.constant 0 : i32
      %dma_start3A_545 = tpu.memref_slice %arg8[%dma_start3A_541, %dma_start3A_543, %dma_start3A_544] : memref<4x128x32xf32, #tpu.memory_space<vmem>> -> memref<1x128x32xf32, #tpu.memory_space<vmem>>
      %dma_start3A_546 = tpu.memref_squeeze %dma_start3A_545 : memref<1x128x32xf32, #tpu.memory_space<vmem>> -> memref<128x32xf32, #tpu.memory_space<vmem>>
      %dma_start3A_547 = arith.constant 0 : i32
      %dma_start3A_548 = tpu.memref_slice %arg2[%add3A_540, %dma_start3A_547] : memref<320000x32xf32, #tpu.memory_space<hbm>> -> memref<128x32xf32, #tpu.memory_space<hbm>>
      %dma_start3A_549 = tpu.memref_slice %arg9[%dma_start3A_542] : memref<4x!tpu.dma_semaphore, #tpu.memory_space<semaphore_mem>> -> memref<1x!tpu.dma_semaphore, #tpu.memory_space<semaphore_mem>>
      %dma_start3A_550 = tpu.memref_squeeze %dma_start3A_549 : memref<1x!tpu.dma_semaphore, #tpu.memory_space<semaphore_mem>> -> memref<!tpu.dma_semaphore, #tpu.memory_space<semaphore_mem>>
      %dma_start3A_551 = arith.constant 0 : i32
      %dma_start3A_552 = arith.constant 0 : i32
      %dma_start3A_553 = tpu.memref_slice %arg8[%dma_start3A_541, %dma_start3A_551, %dma_start3A_552] : memref<4x128x32xf32, #tpu.memory_space<vmem>> -> memref<1x128x32xf32, #tpu.memory_space<vmem>>
      %dma_start3A_554 = tpu.memref_squeeze %dma_start3A_553 : memref<1x128x32xf32, #tpu.memory_space<vmem>> -> memref<128x32xf32, #tpu.memory_space<vmem>>
      %dma_start3A_555 = arith.constant 0 : i32
      %dma_start3A_556 = tpu.memref_slice %arg2[%add3A_540, %dma_start3A_555] : memref<320000x32xf32, #tpu.memory_space<hbm>> -> memref<128x32xf32, #tpu.memory_space<hbm>>
      tpu.enqueue_dma source(%dma_start3A_556 : memref<128x32xf32, #tpu.memory_space<hbm>>) target(%dma_start3A_554 : memref<128x32xf32, #tpu.memory_space<vmem>>) target_semaphore(%dma_start3A_550 : memref<!tpu.dma_semaphore, #tpu.memory_space<semaphore_mem>>)
      %mul3A_557 = arith.constant 4 : i32
      %mul3A_558 = arith.muli %while3A_452, %mul3A_557 : i32
      %add3A_559 = arith.constant 1 : i32
      %add3A_560 = arith.addi %mul3A_558, %add3A_559 : i32
      %mul3A_561 = arith.constant 128 : i32
      %mul3A_562 = arith.muli %add3A_560, %mul3A_561 : i32
      %add3A_563 = arith.addi %mul3A_2, %mul3A_562 : i32
      %dma_wait3A_564 = arith.constant 1 : i32
      %dma_wait3A_565 = arith.constant 1 : i32
      %dma_wait3A_566 = arith.constant 0 : i32
      %dma_wait3A_567 = tpu.memref_slice %arg7[%dma_wait3A_564, %dma_wait3A_566] : memref<4x128xi32, #tpu.memory_space<vmem>> -> memref<1x128xi32, #tpu.memory_space<vmem>>
      %dma_wait3A_568 = tpu.memref_squeeze %dma_wait3A_567 : memref<1x128xi32, #tpu.memory_space<vmem>> -> memref<128xi32, #tpu.memory_space<vmem>>
      %dma_wait3A_569 = tpu.memref_slice %arg3[%add3A_563] : memref<320000xi32, #tpu.memory_space<hbm>> -> memref<128xi32, #tpu.memory_space<hbm>>
      %dma_wait3A_570 = tpu.memref_slice %arg9[%dma_wait3A_565] : memref<4x!tpu.dma_semaphore, #tpu.memory_space<semaphore_mem>> -> memref<1x!tpu.dma_semaphore, #tpu.memory_space<semaphore_mem>>
      %dma_wait3A_571 = tpu.memref_squeeze %dma_wait3A_570 : memref<1x!tpu.dma_semaphore, #tpu.memory_space<semaphore_mem>> -> memref<!tpu.dma_semaphore, #tpu.memory_space<semaphore_mem>>
      %dma_wait3A_572 = arith.constant 0 : i32
      %dma_wait3A_573 = tpu.memref_slice %arg7[%dma_wait3A_564, %dma_wait3A_572] : memref<4x128xi32, #tpu.memory_space<vmem>> -> memref<1x128xi32, #tpu.memory_space<vmem>>
      %dma_wait3A_574 = tpu.memref_squeeze %dma_wait3A_573 : memref<1x128xi32, #tpu.memory_space<vmem>> -> memref<128xi32, #tpu.memory_space<vmem>>
      %dma_wait3A_575 = tpu.memref_slice %arg3[%add3A_563] : memref<320000xi32, #tpu.memory_space<hbm>> -> memref<128xi32, #tpu.memory_space<hbm>>
      tpu.wait_dma2 semaphore(%dma_wait3A_571 : memref<!tpu.dma_semaphore, #tpu.memory_space<semaphore_mem>>) src(%dma_wait3A_575 : memref<128xi32, #tpu.memory_space<hbm>>) dst(%dma_wait3A_574 : memref<128xi32, #tpu.memory_space<vmem>>)
      %mul3A_576 = arith.constant 128 : i32
      %mul3A_577 = arith.muli %add3A_560, %mul3A_576 : i32
      %add3A_578 = arith.addi %mul3A_2, %mul3A_577 : i32
      %dma_wait3A_579 = arith.constant 1 : i32
      %dma_wait3A_580 = arith.constant 1 : i32
      %dma_wait3A_581 = arith.constant 0 : i32
      %dma_wait3A_582 = arith.constant 0 : i32
      %dma_wait3A_583 = tpu.memref_slice %arg8[%dma_wait3A_579, %dma_wait3A_581, %dma_wait3A_582] : memref<4x128x32xf32, #tpu.memory_space<vmem>> -> memref<1x128x32xf32, #tpu.memory_space<vmem>>
      %dma_wait3A_584 = tpu.memref_squeeze %dma_wait3A_583 : memref<1x128x32xf32, #tpu.memory_space<vmem>> -> memref<128x32xf32, #tpu.memory_space<vmem>>
      %dma_wait3A_585 = arith.constant 0 : i32
      %dma_wait3A_586 = tpu.memref_slice %arg2[%add3A_578, %dma_wait3A_585] : memref<320000x32xf32, #tpu.memory_space<hbm>> -> memref<128x32xf32, #tpu.memory_space<hbm>>
      %dma_wait3A_587 = tpu.memref_slice %arg9[%dma_wait3A_580] : memref<4x!tpu.dma_semaphore, #tpu.memory_space<semaphore_mem>> -> memref<1x!tpu.dma_semaphore, #tpu.memory_space<semaphore_mem>>
      %dma_wait3A_588 = tpu.memref_squeeze %dma_wait3A_587 : memref<1x!tpu.dma_semaphore, #tpu.memory_space<semaphore_mem>> -> memref<!tpu.dma_semaphore, #tpu.memory_space<semaphore_mem>>
      %dma_wait3A_589 = arith.constant 0 : i32
      %dma_wait3A_590 = arith.constant 0 : i32
      %dma_wait3A_591 = tpu.memref_slice %arg8[%dma_wait3A_579, %dma_wait3A_589, %dma_wait3A_590] : memref<4x128x32xf32, #tpu.memory_space<vmem>> -> memref<1x128x32xf32, #tpu.memory_space<vmem>>
      %dma_wait3A_592 = tpu.memref_squeeze %dma_wait3A_591 : memref<1x128x32xf32, #tpu.memory_space<vmem>> -> memref<128x32xf32, #tpu.memory_space<vmem>>
      %dma_wait3A_593 = arith.constant 0 : i32
      %dma_wait3A_594 = tpu.memref_slice %arg2[%add3A_578, %dma_wait3A_593] : memref<320000x32xf32, #tpu.memory_space<hbm>> -> memref<128x32xf32, #tpu.memory_space<hbm>>
      tpu.wait_dma2 semaphore(%dma_wait3A_588 : memref<!tpu.dma_semaphore, #tpu.memory_space<semaphore_mem>>) src(%dma_wait3A_594 : memref<128x32xf32, #tpu.memory_space<hbm>>) dst(%dma_wait3A_592 : memref<128x32xf32, #tpu.memory_space<vmem>>)
      %dma_start3A_595 = arith.constant 1 : i32
      %dma_start3A_596 = arith.constant 1 : i32
      %dma_start3A_597 = arith.constant 1 : i32
      %dma_start3A_598 = arith.constant 0 : i32
      %dma_start3A_599 = arith.constant 0 : i32
      %dma_start3A_600 = tpu.memref_slice %arg8[%dma_start3A_595, %dma_start3A_598, %dma_start3A_599] : memref<4x128x32xf32, #tpu.memory_space<vmem>> -> memref<1x128x32xf32, #tpu.memory_space<vmem>>
      %dma_start3A_601 = tpu.memref_squeeze %dma_start3A_600 : memref<1x128x32xf32, #tpu.memory_space<vmem>> -> memref<128x32xf32, #tpu.memory_space<vmem>>
      %dma_start3A_602 = arith.constant 0 : i32
      %dma_start3A_603 = tpu.memref_slice %arg7[%dma_start3A_596, %dma_start3A_602] : memref<4x128xi32, #tpu.memory_space<vmem>> -> memref<1x128xi32, #tpu.memory_space<vmem>>
      %dma_start3A_604 = tpu.memref_squeeze %dma_start3A_603 : memref<1x128xi32, #tpu.memory_space<vmem>> -> memref<128xi32, #tpu.memory_space<vmem>>
      %dma_start3A_605 = arith.constant 0 : i32
      %dma_start3A_606 = arith.constant 0 : i32
      %dma_start3A_607 = tpu.memref_slice %arg5[%dma_start3A_605, %dma_start3A_606] : memref<10000x32xf32, #tpu.memory_space<vmem_shared>> -> memref<10000x32xf32, #tpu.memory_space<vmem_shared>>
      %dma_start3A_608 = tpu.memref_slice %arg10[%dma_start3A_597] : memref<4x!tpu.dma_semaphore, #tpu.memory_space<semaphore_mem>> -> memref<1x!tpu.dma_semaphore, #tpu.memory_space<semaphore_mem>>
      %dma_start3A_609 = tpu.memref_squeeze %dma_start3A_608 : memref<1x!tpu.dma_semaphore, #tpu.memory_space<semaphore_mem>> -> memref<!tpu.dma_semaphore, #tpu.memory_space<semaphore_mem>>
      tpu.enqueue_indirect_dma source(%dma_start3A_601 : memref<128x32xf32, #tpu.memory_space<vmem>>) target(%dma_start3A_607 : memref<10000x32xf32, #tpu.memory_space<vmem_shared>>) offsets(%dma_start3A_604 : memref<128xi32, #tpu.memory_space<vmem>>) semaphore(%dma_start3A_609 : memref<!tpu.dma_semaphore, #tpu.memory_space<semaphore_mem>>) {add = true}
      %dma_wait3A_610 = arith.constant 1 : i32
      %dma_wait3A_611 = arith.constant 1 : i32
      %dma_wait3A_612 = arith.constant 1 : i32
      %dma_wait3A_613 = arith.constant 0 : i32
      %dma_wait3A_614 = arith.constant 0 : i32
      %dma_wait3A_615 = tpu.memref_slice %arg8[%dma_wait3A_610, %dma_wait3A_613, %dma_wait3A_614] : memref<4x128x32xf32, #tpu.memory_space<vmem>> -> memref<1x128x32xf32, #tpu.memory_space<vmem>>
      %dma_wait3A_616 = tpu.memref_squeeze %dma_wait3A_615 : memref<1x128x32xf32, #tpu.memory_space<vmem>> -> memref<128x32xf32, #tpu.memory_space<vmem>>
      %dma_wait3A_617 = arith.constant 0 : i32
      %dma_wait3A_618 = tpu.memref_slice %arg7[%dma_wait3A_611, %dma_wait3A_617] : memref<4x128xi32, #tpu.memory_space<vmem>> -> memref<1x128xi32, #tpu.memory_space<vmem>>
      %dma_wait3A_619 = tpu.memref_squeeze %dma_wait3A_618 : memref<1x128xi32, #tpu.memory_space<vmem>> -> memref<128xi32, #tpu.memory_space<vmem>>
      %dma_wait3A_620 = arith.constant 0 : i32
      %dma_wait3A_621 = arith.constant 0 : i32
      %dma_wait3A_622 = tpu.memref_slice %arg5[%dma_wait3A_620, %dma_wait3A_621] : memref<10000x32xf32, #tpu.memory_space<vmem_shared>> -> memref<10000x32xf32, #tpu.memory_space<vmem_shared>>
      %dma_wait3A_623 = tpu.memref_slice %arg10[%dma_wait3A_612] : memref<4x!tpu.dma_semaphore, #tpu.memory_space<semaphore_mem>> -> memref<1x!tpu.dma_semaphore, #tpu.memory_space<semaphore_mem>>
      %dma_wait3A_624 = tpu.memref_squeeze %dma_wait3A_623 : memref<1x!tpu.dma_semaphore, #tpu.memory_space<semaphore_mem>> -> memref<!tpu.dma_semaphore, #tpu.memory_space<semaphore_mem>>
      tpu.wait_indirect_dma semaphore(%dma_wait3A_624 : memref<!tpu.dma_semaphore, #tpu.memory_space<semaphore_mem>>) src(%dma_wait3A_616 : memref<128x32xf32, #tpu.memory_space<vmem>>) dst(%dma_wait3A_622 : memref<10000x32xf32, #tpu.memory_space<vmem_shared>>)
      %add3A_625 = arith.constant 4 : i32
      %add3A_626 = arith.addi %add3A_625, %add3A_560 : i32
      %mul3A_627 = arith.constant 128 : i32
      %mul3A_628 = arith.muli %add3A_626, %mul3A_627 : i32
      %add3A_629 = arith.addi %mul3A_2, %mul3A_628 : i32
      %dma_start3A_630 = arith.constant 1 : i32
      %dma_start3A_631 = arith.constant 1 : i32
      %dma_start3A_632 = arith.constant 0 : i32
      %dma_start3A_633 = tpu.memref_slice %arg7[%dma_start3A_630, %dma_start3A_632] : memref<4x128xi32, #tpu.memory_space<vmem>> -> memref<1x128xi32, #tpu.memory_space<vmem>>
      %dma_start3A_634 = tpu.memref_squeeze %dma_start3A_633 : memref<1x128xi32, #tpu.memory_space<vmem>> -> memref<128xi32, #tpu.memory_space<vmem>>
      %dma_start3A_635 = tpu.memref_slice %arg3[%add3A_629] : memref<320000xi32, #tpu.memory_space<hbm>> -> memref<128xi32, #tpu.memory_space<hbm>>
      %dma_start3A_636 = tpu.memref_slice %arg9[%dma_start3A_631] : memref<4x!tpu.dma_semaphore, #tpu.memory_space<semaphore_mem>> -> memref<1x!tpu.dma_semaphore, #tpu.memory_space<semaphore_mem>>
      %dma_start3A_637 = tpu.memref_squeeze %dma_start3A_636 : memref<1x!tpu.dma_semaphore, #tpu.memory_space<semaphore_mem>> -> memref<!tpu.dma_semaphore, #tpu.memory_space<semaphore_mem>>
      %dma_start3A_638 = arith.constant 0 : i32
      %dma_start3A_639 = tpu.memref_slice %arg7[%dma_start3A_630, %dma_start3A_638] : memref<4x128xi32, #tpu.memory_space<vmem>> -> memref<1x128xi32, #tpu.memory_space<vmem>>
      %dma_start3A_640 = tpu.memref_squeeze %dma_start3A_639 : memref<1x128xi32, #tpu.memory_space<vmem>> -> memref<128xi32, #tpu.memory_space<vmem>>
      %dma_start3A_641 = tpu.memref_slice %arg3[%add3A_629] : memref<320000xi32, #tpu.memory_space<hbm>> -> memref<128xi32, #tpu.memory_space<hbm>>
      tpu.enqueue_dma source(%dma_start3A_641 : memref<128xi32, #tpu.memory_space<hbm>>) target(%dma_start3A_640 : memref<128xi32, #tpu.memory_space<vmem>>) target_semaphore(%dma_start3A_637 : memref<!tpu.dma_semaphore, #tpu.memory_space<semaphore_mem>>)
      %mul3A_642 = arith.constant 128 : i32
      %mul3A_643 = arith.muli %add3A_626, %mul3A_642 : i32
      %add3A_644 = arith.addi %mul3A_2, %mul3A_643 : i32
      %dma_start3A_645 = arith.constant 1 : i32
      %dma_start3A_646 = arith.constant 1 : i32
      %dma_start3A_647 = arith.constant 0 : i32
      %dma_start3A_648 = arith.constant 0 : i32
      %dma_start3A_649 = tpu.memref_slice %arg8[%dma_start3A_645, %dma_start3A_647, %dma_start3A_648] : memref<4x128x32xf32, #tpu.memory_space<vmem>> -> memref<1x128x32xf32, #tpu.memory_space<vmem>>
      %dma_start3A_650 = tpu.memref_squeeze %dma_start3A_649 : memref<1x128x32xf32, #tpu.memory_space<vmem>> -> memref<128x32xf32, #tpu.memory_space<vmem>>
      %dma_start3A_651 = arith.constant 0 : i32
      %dma_start3A_652 = tpu.memref_slice %arg2[%add3A_644, %dma_start3A_651] : memref<320000x32xf32, #tpu.memory_space<hbm>> -> memref<128x32xf32, #tpu.memory_space<hbm>>
      %dma_start3A_653 = tpu.memref_slice %arg9[%dma_start3A_646] : memref<4x!tpu.dma_semaphore, #tpu.memory_space<semaphore_mem>> -> memref<1x!tpu.dma_semaphore, #tpu.memory_space<semaphore_mem>>
      %dma_start3A_654 = tpu.memref_squeeze %dma_start3A_653 : memref<1x!tpu.dma_semaphore, #tpu.memory_space<semaphore_mem>> -> memref<!tpu.dma_semaphore, #tpu.memory_space<semaphore_mem>>
      %dma_start3A_655 = arith.constant 0 : i32
      %dma_start3A_656 = arith.constant 0 : i32
      %dma_start3A_657 = tpu.memref_slice %arg8[%dma_start3A_645, %dma_start3A_655, %dma_start3A_656] : memref<4x128x32xf32, #tpu.memory_space<vmem>> -> memref<1x128x32xf32, #tpu.memory_space<vmem>>
      %dma_start3A_658 = tpu.memref_squeeze %dma_start3A_657 : memref<1x128x32xf32, #tpu.memory_space<vmem>> -> memref<128x32xf32, #tpu.memory_space<vmem>>
      %dma_start3A_659 = arith.constant 0 : i32
      %dma_start3A_660 = tpu.memref_slice %arg2[%add3A_644, %dma_start3A_659] : memref<320000x32xf32, #tpu.memory_space<hbm>> -> memref<128x32xf32, #tpu.memory_space<hbm>>
      tpu.enqueue_dma source(%dma_start3A_660 : memref<128x32xf32, #tpu.memory_space<hbm>>) target(%dma_start3A_658 : memref<128x32xf32, #tpu.memory_space<vmem>>) target_semaphore(%dma_start3A_654 : memref<!tpu.dma_semaphore, #tpu.memory_space<semaphore_mem>>)
      %mul3A_661 = arith.constant 4 : i32
      %mul3A_662 = arith.muli %while3A_452, %mul3A_661 : i32
      %add3A_663 = arith.constant 2 : i32
      %add3A_664 = arith.addi %mul3A_662, %add3A_663 : i32
      %mul3A_665 = arith.constant 128 : i32
      %mul3A_666 = arith.muli %add3A_664, %mul3A_665 : i32
      %add3A_667 = arith.addi %mul3A_2, %mul3A_666 : i32
      %dma_wait3A_668 = arith.constant 2 : i32
      %dma_wait3A_669 = arith.constant 2 : i32
      %dma_wait3A_670 = arith.constant 0 : i32
      %dma_wait3A_671 = tpu.memref_slice %arg7[%dma_wait3A_668, %dma_wait3A_670] : memref<4x128xi32, #tpu.memory_space<vmem>> -> memref<1x128xi32, #tpu.memory_space<vmem>>
      %dma_wait3A_672 = tpu.memref_squeeze %dma_wait3A_671 : memref<1x128xi32, #tpu.memory_space<vmem>> -> memref<128xi32, #tpu.memory_space<vmem>>
      %dma_wait3A_673 = tpu.memref_slice %arg3[%add3A_667] : memref<320000xi32, #tpu.memory_space<hbm>> -> memref<128xi32, #tpu.memory_space<hbm>>
      %dma_wait3A_674 = tpu.memref_slice %arg9[%dma_wait3A_669] : memref<4x!tpu.dma_semaphore, #tpu.memory_space<semaphore_mem>> -> memref<1x!tpu.dma_semaphore, #tpu.memory_space<semaphore_mem>>
      %dma_wait3A_675 = tpu.memref_squeeze %dma_wait3A_674 : memref<1x!tpu.dma_semaphore, #tpu.memory_space<semaphore_mem>> -> memref<!tpu.dma_semaphore, #tpu.memory_space<semaphore_mem>>
      %dma_wait3A_676 = arith.constant 0 : i32
      %dma_wait3A_677 = tpu.memref_slice %arg7[%dma_wait3A_668, %dma_wait3A_676] : memref<4x128xi32, #tpu.memory_space<vmem>> -> memref<1x128xi32, #tpu.memory_space<vmem>>
      %dma_wait3A_678 = tpu.memref_squeeze %dma_wait3A_677 : memref<1x128xi32, #tpu.memory_space<vmem>> -> memref<128xi32, #tpu.memory_space<vmem>>
      %dma_wait3A_679 = tpu.memref_slice %arg3[%add3A_667] : memref<320000xi32, #tpu.memory_space<hbm>> -> memref<128xi32, #tpu.memory_space<hbm>>
      tpu.wait_dma2 semaphore(%dma_wait3A_675 : memref<!tpu.dma_semaphore, #tpu.memory_space<semaphore_mem>>) src(%dma_wait3A_679 : memref<128xi32, #tpu.memory_space<hbm>>) dst(%dma_wait3A_678 : memref<128xi32, #tpu.memory_space<vmem>>)
      %mul3A_680 = arith.constant 128 : i32
      %mul3A_681 = arith.muli %add3A_664, %mul3A_680 : i32
      %add3A_682 = arith.addi %mul3A_2, %mul3A_681 : i32
      %dma_wait3A_683 = arith.constant 2 : i32
      %dma_wait3A_684 = arith.constant 2 : i32
      %dma_wait3A_685 = arith.constant 0 : i32
      %dma_wait3A_686 = arith.constant 0 : i32
      %dma_wait3A_687 = tpu.memref_slice %arg8[%dma_wait3A_683, %dma_wait3A_685, %dma_wait3A_686] : memref<4x128x32xf32, #tpu.memory_space<vmem>> -> memref<1x128x32xf32, #tpu.memory_space<vmem>>
      %dma_wait3A_688 = tpu.memref_squeeze %dma_wait3A_687 : memref<1x128x32xf32, #tpu.memory_space<vmem>> -> memref<128x32xf32, #tpu.memory_space<vmem>>
      %dma_wait3A_689 = arith.constant 0 : i32
      %dma_wait3A_690 = tpu.memref_slice %arg2[%add3A_682, %dma_wait3A_689] : memref<320000x32xf32, #tpu.memory_space<hbm>> -> memref<128x32xf32, #tpu.memory_space<hbm>>
      %dma_wait3A_691 = tpu.memref_slice %arg9[%dma_wait3A_684] : memref<4x!tpu.dma_semaphore, #tpu.memory_space<semaphore_mem>> -> memref<1x!tpu.dma_semaphore, #tpu.memory_space<semaphore_mem>>
      %dma_wait3A_692 = tpu.memref_squeeze %dma_wait3A_691 : memref<1x!tpu.dma_semaphore, #tpu.memory_space<semaphore_mem>> -> memref<!tpu.dma_semaphore, #tpu.memory_space<semaphore_mem>>
      %dma_wait3A_693 = arith.constant 0 : i32
      %dma_wait3A_694 = arith.constant 0 : i32
      %dma_wait3A_695 = tpu.memref_slice %arg8[%dma_wait3A_683, %dma_wait3A_693, %dma_wait3A_694] : memref<4x128x32xf32, #tpu.memory_space<vmem>> -> memref<1x128x32xf32, #tpu.memory_space<vmem>>
      %dma_wait3A_696 = tpu.memref_squeeze %dma_wait3A_695 : memref<1x128x32xf32, #tpu.memory_space<vmem>> -> memref<128x32xf32, #tpu.memory_space<vmem>>
      %dma_wait3A_697 = arith.constant 0 : i32
      %dma_wait3A_698 = tpu.memref_slice %arg2[%add3A_682, %dma_wait3A_697] : memref<320000x32xf32, #tpu.memory_space<hbm>> -> memref<128x32xf32, #tpu.memory_space<hbm>>
      tpu.wait_dma2 semaphore(%dma_wait3A_692 : memref<!tpu.dma_semaphore, #tpu.memory_space<semaphore_mem>>) src(%dma_wait3A_698 : memref<128x32xf32, #tpu.memory_space<hbm>>) dst(%dma_wait3A_696 : memref<128x32xf32, #tpu.memory_space<vmem>>)
      %dma_start3A_699 = arith.constant 2 : i32
      %dma_start3A_700 = arith.constant 2 : i32
      %dma_start3A_701 = arith.constant 2 : i32
      %dma_start3A_702 = arith.constant 0 : i32
      %dma_start3A_703 = arith.constant 0 : i32
      %dma_start3A_704 = tpu.memref_slice %arg8[%dma_start3A_699, %dma_start3A_702, %dma_start3A_703] : memref<4x128x32xf32, #tpu.memory_space<vmem>> -> memref<1x128x32xf32, #tpu.memory_space<vmem>>
      %dma_start3A_705 = tpu.memref_squeeze %dma_start3A_704 : memref<1x128x32xf32, #tpu.memory_space<vmem>> -> memref<128x32xf32, #tpu.memory_space<vmem>>
      %dma_start3A_706 = arith.constant 0 : i32
      %dma_start3A_707 = tpu.memref_slice %arg7[%dma_start3A_700, %dma_start3A_706] : memref<4x128xi32, #tpu.memory_space<vmem>> -> memref<1x128xi32, #tpu.memory_space<vmem>>
      %dma_start3A_708 = tpu.memref_squeeze %dma_start3A_707 : memref<1x128xi32, #tpu.memory_space<vmem>> -> memref<128xi32, #tpu.memory_space<vmem>>
      %dma_start3A_709 = arith.constant 0 : i32
      %dma_start3A_710 = arith.constant 0 : i32
      %dma_start3A_711 = tpu.memref_slice %arg5[%dma_start3A_709, %dma_start3A_710] : memref<10000x32xf32, #tpu.memory_space<vmem_shared>> -> memref<10000x32xf32, #tpu.memory_space<vmem_shared>>
      %dma_start3A_712 = tpu.memref_slice %arg10[%dma_start3A_701] : memref<4x!tpu.dma_semaphore, #tpu.memory_space<semaphore_mem>> -> memref<1x!tpu.dma_semaphore, #tpu.memory_space<semaphore_mem>>
      %dma_start3A_713 = tpu.memref_squeeze %dma_start3A_712 : memref<1x!tpu.dma_semaphore, #tpu.memory_space<semaphore_mem>> -> memref<!tpu.dma_semaphore, #tpu.memory_space<semaphore_mem>>
      tpu.enqueue_indirect_dma source(%dma_start3A_705 : memref<128x32xf32, #tpu.memory_space<vmem>>) target(%dma_start3A_711 : memref<10000x32xf32, #tpu.memory_space<vmem_shared>>) offsets(%dma_start3A_708 : memref<128xi32, #tpu.memory_space<vmem>>) semaphore(%dma_start3A_713 : memref<!tpu.dma_semaphore, #tpu.memory_space<semaphore_mem>>) {add = true}
      %dma_wait3A_714 = arith.constant 2 : i32
      %dma_wait3A_715 = arith.constant 2 : i32
      %dma_wait3A_716 = arith.constant 2 : i32
      %dma_wait3A_717 = arith.constant 0 : i32
      %dma_wait3A_718 = arith.constant 0 : i32
      %dma_wait3A_719 = tpu.memref_slice %arg8[%dma_wait3A_714, %dma_wait3A_717, %dma_wait3A_718] : memref<4x128x32xf32, #tpu.memory_space<vmem>> -> memref<1x128x32xf32, #tpu.memory_space<vmem>>
      %dma_wait3A_720 = tpu.memref_squeeze %dma_wait3A_719 : memref<1x128x32xf32, #tpu.memory_space<vmem>> -> memref<128x32xf32, #tpu.memory_space<vmem>>
      %dma_wait3A_721 = arith.constant 0 : i32
      %dma_wait3A_722 = tpu.memref_slice %arg7[%dma_wait3A_715, %dma_wait3A_721] : memref<4x128xi32, #tpu.memory_space<vmem>> -> memref<1x128xi32, #tpu.memory_space<vmem>>
      %dma_wait3A_723 = tpu.memref_squeeze %dma_wait3A_722 : memref<1x128xi32, #tpu.memory_space<vmem>> -> memref<128xi32, #tpu.memory_space<vmem>>
      %dma_wait3A_724 = arith.constant 0 : i32
      %dma_wait3A_725 = arith.constant 0 : i32
      %dma_wait3A_726 = tpu.memref_slice %arg5[%dma_wait3A_724, %dma_wait3A_725] : memref<10000x32xf32, #tpu.memory_space<vmem_shared>> -> memref<10000x32xf32, #tpu.memory_space<vmem_shared>>
      %dma_wait3A_727 = tpu.memref_slice %arg10[%dma_wait3A_716] : memref<4x!tpu.dma_semaphore, #tpu.memory_space<semaphore_mem>> -> memref<1x!tpu.dma_semaphore, #tpu.memory_space<semaphore_mem>>
      %dma_wait3A_728 = tpu.memref_squeeze %dma_wait3A_727 : memref<1x!tpu.dma_semaphore, #tpu.memory_space<semaphore_mem>> -> memref<!tpu.dma_semaphore, #tpu.memory_space<semaphore_mem>>
      tpu.wait_indirect_dma semaphore(%dma_wait3A_728 : memref<!tpu.dma_semaphore, #tpu.memory_space<semaphore_mem>>) src(%dma_wait3A_720 : memref<128x32xf32, #tpu.memory_space<vmem>>) dst(%dma_wait3A_726 : memref<10000x32xf32, #tpu.memory_space<vmem_shared>>)
      %add3A_729 = arith.constant 4 : i32
      %add3A_730 = arith.addi %add3A_729, %add3A_664 : i32
      %mul3A_731 = arith.constant 128 : i32
      %mul3A_732 = arith.muli %add3A_730, %mul3A_731 : i32
      %add3A_733 = arith.addi %mul3A_2, %mul3A_732 : i32
      %dma_start3A_734 = arith.constant 2 : i32
      %dma_start3A_735 = arith.constant 2 : i32
      %dma_start3A_736 = arith.constant 0 : i32
      %dma_start3A_737 = tpu.memref_slice %arg7[%dma_start3A_734, %dma_start3A_736] : memref<4x128xi32, #tpu.memory_space<vmem>> -> memref<1x128xi32, #tpu.memory_space<vmem>>
      %dma_start3A_738 = tpu.memref_squeeze %dma_start3A_737 : memref<1x128xi32, #tpu.memory_space<vmem>> -> memref<128xi32, #tpu.memory_space<vmem>>
      %dma_start3A_739 = tpu.memref_slice %arg3[%add3A_733] : memref<320000xi32, #tpu.memory_space<hbm>> -> memref<128xi32, #tpu.memory_space<hbm>>
      %dma_start3A_740 = tpu.memref_slice %arg9[%dma_start3A_735] : memref<4x!tpu.dma_semaphore, #tpu.memory_space<semaphore_mem>> -> memref<1x!tpu.dma_semaphore, #tpu.memory_space<semaphore_mem>>
      %dma_start3A_741 = tpu.memref_squeeze %dma_start3A_740 : memref<1x!tpu.dma_semaphore, #tpu.memory_space<semaphore_mem>> -> memref<!tpu.dma_semaphore, #tpu.memory_space<semaphore_mem>>
      %dma_start3A_742 = arith.constant 0 : i32
      %dma_start3A_743 = tpu.memref_slice %arg7[%dma_start3A_734, %dma_start3A_742] : memref<4x128xi32, #tpu.memory_space<vmem>> -> memref<1x128xi32, #tpu.memory_space<vmem>>
      %dma_start3A_744 = tpu.memref_squeeze %dma_start3A_743 : memref<1x128xi32, #tpu.memory_space<vmem>> -> memref<128xi32, #tpu.memory_space<vmem>>
      %dma_start3A_745 = tpu.memref_slice %arg3[%add3A_733] : memref<320000xi32, #tpu.memory_space<hbm>> -> memref<128xi32, #tpu.memory_space<hbm>>
      tpu.enqueue_dma source(%dma_start3A_745 : memref<128xi32, #tpu.memory_space<hbm>>) target(%dma_start3A_744 : memref<128xi32, #tpu.memory_space<vmem>>) target_semaphore(%dma_start3A_741 : memref<!tpu.dma_semaphore, #tpu.memory_space<semaphore_mem>>)
      %mul3A_746 = arith.constant 128 : i32
      %mul3A_747 = arith.muli %add3A_730, %mul3A_746 : i32
      %add3A_748 = arith.addi %mul3A_2, %mul3A_747 : i32
      %dma_start3A_749 = arith.constant 2 : i32
      %dma_start3A_750 = arith.constant 2 : i32
      %dma_start3A_751 = arith.constant 0 : i32
      %dma_start3A_752 = arith.constant 0 : i32
      %dma_start3A_753 = tpu.memref_slice %arg8[%dma_start3A_749, %dma_start3A_751, %dma_start3A_752] : memref<4x128x32xf32, #tpu.memory_space<vmem>> -> memref<1x128x32xf32, #tpu.memory_space<vmem>>
      %dma_start3A_754 = tpu.memref_squeeze %dma_start3A_753 : memref<1x128x32xf32, #tpu.memory_space<vmem>> -> memref<128x32xf32, #tpu.memory_space<vmem>>
      %dma_start3A_755 = arith.constant 0 : i32
      %dma_start3A_756 = tpu.memref_slice %arg2[%add3A_748, %dma_start3A_755] : memref<320000x32xf32, #tpu.memory_space<hbm>> -> memref<128x32xf32, #tpu.memory_space<hbm>>
      %dma_start3A_757 = tpu.memref_slice %arg9[%dma_start3A_750] : memref<4x!tpu.dma_semaphore, #tpu.memory_space<semaphore_mem>> -> memref<1x!tpu.dma_semaphore, #tpu.memory_space<semaphore_mem>>
      %dma_start3A_758 = tpu.memref_squeeze %dma_start3A_757 : memref<1x!tpu.dma_semaphore, #tpu.memory_space<semaphore_mem>> -> memref<!tpu.dma_semaphore, #tpu.memory_space<semaphore_mem>>
      %dma_start3A_759 = arith.constant 0 : i32
      %dma_start3A_760 = arith.constant 0 : i32
      %dma_start3A_761 = tpu.memref_slice %arg8[%dma_start3A_749, %dma_start3A_759, %dma_start3A_760] : memref<4x128x32xf32, #tpu.memory_space<vmem>> -> memref<1x128x32xf32, #tpu.memory_space<vmem>>
      %dma_start3A_762 = tpu.memref_squeeze %dma_start3A_761 : memref<1x128x32xf32, #tpu.memory_space<vmem>> -> memref<128x32xf32, #tpu.memory_space<vmem>>
      %dma_start3A_763 = arith.constant 0 : i32
      %dma_start3A_764 = tpu.memref_slice %arg2[%add3A_748, %dma_start3A_763] : memref<320000x32xf32, #tpu.memory_space<hbm>> -> memref<128x32xf32, #tpu.memory_space<hbm>>
      tpu.enqueue_dma source(%dma_start3A_764 : memref<128x32xf32, #tpu.memory_space<hbm>>) target(%dma_start3A_762 : memref<128x32xf32, #tpu.memory_space<vmem>>) target_semaphore(%dma_start3A_758 : memref<!tpu.dma_semaphore, #tpu.memory_space<semaphore_mem>>)
      %mul3A_765 = arith.constant 4 : i32
      %mul3A_766 = arith.muli %while3A_452, %mul3A_765 : i32
      %add3A_767 = arith.constant 3 : i32
      %add3A_768 = arith.addi %mul3A_766, %add3A_767 : i32
      %mul3A_769 = arith.constant 128 : i32
      %mul3A_770 = arith.muli %add3A_768, %mul3A_769 : i32
      %add3A_771 = arith.addi %mul3A_2, %mul3A_770 : i32
      %dma_wait3A_772 = arith.constant 3 : i32
      %dma_wait3A_773 = arith.constant 3 : i32
      %dma_wait3A_774 = arith.constant 0 : i32
      %dma_wait3A_775 = tpu.memref_slice %arg7[%dma_wait3A_772, %dma_wait3A_774] : memref<4x128xi32, #tpu.memory_space<vmem>> -> memref<1x128xi32, #tpu.memory_space<vmem>>
      %dma_wait3A_776 = tpu.memref_squeeze %dma_wait3A_775 : memref<1x128xi32, #tpu.memory_space<vmem>> -> memref<128xi32, #tpu.memory_space<vmem>>
      %dma_wait3A_777 = tpu.memref_slice %arg3[%add3A_771] : memref<320000xi32, #tpu.memory_space<hbm>> -> memref<128xi32, #tpu.memory_space<hbm>>
      %dma_wait3A_778 = tpu.memref_slice %arg9[%dma_wait3A_773] : memref<4x!tpu.dma_semaphore, #tpu.memory_space<semaphore_mem>> -> memref<1x!tpu.dma_semaphore, #tpu.memory_space<semaphore_mem>>
      %dma_wait3A_779 = tpu.memref_squeeze %dma_wait3A_778 : memref<1x!tpu.dma_semaphore, #tpu.memory_space<semaphore_mem>> -> memref<!tpu.dma_semaphore, #tpu.memory_space<semaphore_mem>>
      %dma_wait3A_780 = arith.constant 0 : i32
      %dma_wait3A_781 = tpu.memref_slice %arg7[%dma_wait3A_772, %dma_wait3A_780] : memref<4x128xi32, #tpu.memory_space<vmem>> -> memref<1x128xi32, #tpu.memory_space<vmem>>
      %dma_wait3A_782 = tpu.memref_squeeze %dma_wait3A_781 : memref<1x128xi32, #tpu.memory_space<vmem>> -> memref<128xi32, #tpu.memory_space<vmem>>
      %dma_wait3A_783 = tpu.memref_slice %arg3[%add3A_771] : memref<320000xi32, #tpu.memory_space<hbm>> -> memref<128xi32, #tpu.memory_space<hbm>>
      tpu.wait_dma2 semaphore(%dma_wait3A_779 : memref<!tpu.dma_semaphore, #tpu.memory_space<semaphore_mem>>) src(%dma_wait3A_783 : memref<128xi32, #tpu.memory_space<hbm>>) dst(%dma_wait3A_782 : memref<128xi32, #tpu.memory_space<vmem>>)
      %mul3A_784 = arith.constant 128 : i32
      %mul3A_785 = arith.muli %add3A_768, %mul3A_784 : i32
      %add3A_786 = arith.addi %mul3A_2, %mul3A_785 : i32
      %dma_wait3A_787 = arith.constant 3 : i32
      %dma_wait3A_788 = arith.constant 3 : i32
      %dma_wait3A_789 = arith.constant 0 : i32
      %dma_wait3A_790 = arith.constant 0 : i32
      %dma_wait3A_791 = tpu.memref_slice %arg8[%dma_wait3A_787, %dma_wait3A_789, %dma_wait3A_790] : memref<4x128x32xf32, #tpu.memory_space<vmem>> -> memref<1x128x32xf32, #tpu.memory_space<vmem>>
      %dma_wait3A_792 = tpu.memref_squeeze %dma_wait3A_791 : memref<1x128x32xf32, #tpu.memory_space<vmem>> -> memref<128x32xf32, #tpu.memory_space<vmem>>
      %dma_wait3A_793 = arith.constant 0 : i32
      %dma_wait3A_794 = tpu.memref_slice %arg2[%add3A_786, %dma_wait3A_793] : memref<320000x32xf32, #tpu.memory_space<hbm>> -> memref<128x32xf32, #tpu.memory_space<hbm>>
      %dma_wait3A_795 = tpu.memref_slice %arg9[%dma_wait3A_788] : memref<4x!tpu.dma_semaphore, #tpu.memory_space<semaphore_mem>> -> memref<1x!tpu.dma_semaphore, #tpu.memory_space<semaphore_mem>>
      %dma_wait3A_796 = tpu.memref_squeeze %dma_wait3A_795 : memref<1x!tpu.dma_semaphore, #tpu.memory_space<semaphore_mem>> -> memref<!tpu.dma_semaphore, #tpu.memory_space<semaphore_mem>>
      %dma_wait3A_797 = arith.constant 0 : i32
      %dma_wait3A_798 = arith.constant 0 : i32
      %dma_wait3A_799 = tpu.memref_slice %arg8[%dma_wait3A_787, %dma_wait3A_797, %dma_wait3A_798] : memref<4x128x32xf32, #tpu.memory_space<vmem>> -> memref<1x128x32xf32, #tpu.memory_space<vmem>>
      %dma_wait3A_800 = tpu.memref_squeeze %dma_wait3A_799 : memref<1x128x32xf32, #tpu.memory_space<vmem>> -> memref<128x32xf32, #tpu.memory_space<vmem>>
      %dma_wait3A_801 = arith.constant 0 : i32
      %dma_wait3A_802 = tpu.memref_slice %arg2[%add3A_786, %dma_wait3A_801] : memref<320000x32xf32, #tpu.memory_space<hbm>> -> memref<128x32xf32, #tpu.memory_space<hbm>>
      tpu.wait_dma2 semaphore(%dma_wait3A_796 : memref<!tpu.dma_semaphore, #tpu.memory_space<semaphore_mem>>) src(%dma_wait3A_802 : memref<128x32xf32, #tpu.memory_space<hbm>>) dst(%dma_wait3A_800 : memref<128x32xf32, #tpu.memory_space<vmem>>)
      %dma_start3A_803 = arith.constant 3 : i32
      %dma_start3A_804 = arith.constant 3 : i32
      %dma_start3A_805 = arith.constant 3 : i32
      %dma_start3A_806 = arith.constant 0 : i32
      %dma_start3A_807 = arith.constant 0 : i32
      %dma_start3A_808 = tpu.memref_slice %arg8[%dma_start3A_803, %dma_start3A_806, %dma_start3A_807] : memref<4x128x32xf32, #tpu.memory_space<vmem>> -> memref<1x128x32xf32, #tpu.memory_space<vmem>>
      %dma_start3A_809 = tpu.memref_squeeze %dma_start3A_808 : memref<1x128x32xf32, #tpu.memory_space<vmem>> -> memref<128x32xf32, #tpu.memory_space<vmem>>
      %dma_start3A_810 = arith.constant 0 : i32
      %dma_start3A_811 = tpu.memref_slice %arg7[%dma_start3A_804, %dma_start3A_810] : memref<4x128xi32, #tpu.memory_space<vmem>> -> memref<1x128xi32, #tpu.memory_space<vmem>>
      %dma_start3A_812 = tpu.memref_squeeze %dma_start3A_811 : memref<1x128xi32, #tpu.memory_space<vmem>> -> memref<128xi32, #tpu.memory_space<vmem>>
      %dma_start3A_813 = arith.constant 0 : i32
      %dma_start3A_814 = arith.constant 0 : i32
      %dma_start3A_815 = tpu.memref_slice %arg5[%dma_start3A_813, %dma_start3A_814] : memref<10000x32xf32, #tpu.memory_space<vmem_shared>> -> memref<10000x32xf32, #tpu.memory_space<vmem_shared>>
      %dma_start3A_816 = tpu.memref_slice %arg10[%dma_start3A_805] : memref<4x!tpu.dma_semaphore, #tpu.memory_space<semaphore_mem>> -> memref<1x!tpu.dma_semaphore, #tpu.memory_space<semaphore_mem>>
      %dma_start3A_817 = tpu.memref_squeeze %dma_start3A_816 : memref<1x!tpu.dma_semaphore, #tpu.memory_space<semaphore_mem>> -> memref<!tpu.dma_semaphore, #tpu.memory_space<semaphore_mem>>
      tpu.enqueue_indirect_dma source(%dma_start3A_809 : memref<128x32xf32, #tpu.memory_space<vmem>>) target(%dma_start3A_815 : memref<10000x32xf32, #tpu.memory_space<vmem_shared>>) offsets(%dma_start3A_812 : memref<128xi32, #tpu.memory_space<vmem>>) semaphore(%dma_start3A_817 : memref<!tpu.dma_semaphore, #tpu.memory_space<semaphore_mem>>) {add = true}
      %dma_wait3A_818 = arith.constant 3 : i32
      %dma_wait3A_819 = arith.constant 3 : i32
      %dma_wait3A_820 = arith.constant 3 : i32
      %dma_wait3A_821 = arith.constant 0 : i32
      %dma_wait3A_822 = arith.constant 0 : i32
      %dma_wait3A_823 = tpu.memref_slice %arg8[%dma_wait3A_818, %dma_wait3A_821, %dma_wait3A_822] : memref<4x128x32xf32, #tpu.memory_space<vmem>> -> memref<1x128x32xf32, #tpu.memory_space<vmem>>
      %dma_wait3A_824 = tpu.memref_squeeze %dma_wait3A_823 : memref<1x128x32xf32, #tpu.memory_space<vmem>> -> memref<128x32xf32, #tpu.memory_space<vmem>>
      %dma_wait3A_825 = arith.constant 0 : i32
      %dma_wait3A_826 = tpu.memref_slice %arg7[%dma_wait3A_819, %dma_wait3A_825] : memref<4x128xi32, #tpu.memory_space<vmem>> -> memref<1x128xi32, #tpu.memory_space<vmem>>
      %dma_wait3A_827 = tpu.memref_squeeze %dma_wait3A_826 : memref<1x128xi32, #tpu.memory_space<vmem>> -> memref<128xi32, #tpu.memory_space<vmem>>
      %dma_wait3A_828 = arith.constant 0 : i32
      %dma_wait3A_829 = arith.constant 0 : i32
      %dma_wait3A_830 = tpu.memref_slice %arg5[%dma_wait3A_828, %dma_wait3A_829] : memref<10000x32xf32, #tpu.memory_space<vmem_shared>> -> memref<10000x32xf32, #tpu.memory_space<vmem_shared>>
      %dma_wait3A_831 = tpu.memref_slice %arg10[%dma_wait3A_820] : memref<4x!tpu.dma_semaphore, #tpu.memory_space<semaphore_mem>> -> memref<1x!tpu.dma_semaphore, #tpu.memory_space<semaphore_mem>>
      %dma_wait3A_832 = tpu.memref_squeeze %dma_wait3A_831 : memref<1x!tpu.dma_semaphore, #tpu.memory_space<semaphore_mem>> -> memref<!tpu.dma_semaphore, #tpu.memory_space<semaphore_mem>>
      tpu.wait_indirect_dma semaphore(%dma_wait3A_832 : memref<!tpu.dma_semaphore, #tpu.memory_space<semaphore_mem>>) src(%dma_wait3A_824 : memref<128x32xf32, #tpu.memory_space<vmem>>) dst(%dma_wait3A_830 : memref<10000x32xf32, #tpu.memory_space<vmem_shared>>)
      %add3A_833 = arith.constant 4 : i32
      %add3A_834 = arith.addi %add3A_833, %add3A_768 : i32
      %mul3A_835 = arith.constant 128 : i32
      %mul3A_836 = arith.muli %add3A_834, %mul3A_835 : i32
      %add3A_837 = arith.addi %mul3A_2, %mul3A_836 : i32
      %dma_start3A_838 = arith.constant 3 : i32
      %dma_start3A_839 = arith.constant 3 : i32
      %dma_start3A_840 = arith.constant 0 : i32
      %dma_start3A_841 = tpu.memref_slice %arg7[%dma_start3A_838, %dma_start3A_840] : memref<4x128xi32, #tpu.memory_space<vmem>> -> memref<1x128xi32, #tpu.memory_space<vmem>>
      %dma_start3A_842 = tpu.memref_squeeze %dma_start3A_841 : memref<1x128xi32, #tpu.memory_space<vmem>> -> memref<128xi32, #tpu.memory_space<vmem>>
      %dma_start3A_843 = tpu.memref_slice %arg3[%add3A_837] : memref<320000xi32, #tpu.memory_space<hbm>> -> memref<128xi32, #tpu.memory_space<hbm>>
      %dma_start3A_844 = tpu.memref_slice %arg9[%dma_start3A_839] : memref<4x!tpu.dma_semaphore, #tpu.memory_space<semaphore_mem>> -> memref<1x!tpu.dma_semaphore, #tpu.memory_space<semaphore_mem>>
      %dma_start3A_845 = tpu.memref_squeeze %dma_start3A_844 : memref<1x!tpu.dma_semaphore, #tpu.memory_space<semaphore_mem>> -> memref<!tpu.dma_semaphore, #tpu.memory_space<semaphore_mem>>
      %dma_start3A_846 = arith.constant 0 : i32
      %dma_start3A_847 = tpu.memref_slice %arg7[%dma_start3A_838, %dma_start3A_846] : memref<4x128xi32, #tpu.memory_space<vmem>> -> memref<1x128xi32, #tpu.memory_space<vmem>>
      %dma_start3A_848 = tpu.memref_squeeze %dma_start3A_847 : memref<1x128xi32, #tpu.memory_space<vmem>> -> memref<128xi32, #tpu.memory_space<vmem>>
      %dma_start3A_849 = tpu.memref_slice %arg3[%add3A_837] : memref<320000xi32, #tpu.memory_space<hbm>> -> memref<128xi32, #tpu.memory_space<hbm>>
      tpu.enqueue_dma source(%dma_start3A_849 : memref<128xi32, #tpu.memory_space<hbm>>) target(%dma_start3A_848 : memref<128xi32, #tpu.memory_space<vmem>>) target_semaphore(%dma_start3A_845 : memref<!tpu.dma_semaphore, #tpu.memory_space<semaphore_mem>>)
      %mul3A_850 = arith.constant 128 : i32
      %mul3A_851 = arith.muli %add3A_834, %mul3A_850 : i32
      %add3A_852 = arith.addi %mul3A_2, %mul3A_851 : i32
      %dma_start3A_853 = arith.constant 3 : i32
      %dma_start3A_854 = arith.constant 3 : i32
      %dma_start3A_855 = arith.constant 0 : i32
      %dma_start3A_856 = arith.constant 0 : i32
      %dma_start3A_857 = tpu.memref_slice %arg8[%dma_start3A_853, %dma_start3A_855, %dma_start3A_856] : memref<4x128x32xf32, #tpu.memory_space<vmem>> -> memref<1x128x32xf32, #tpu.memory_space<vmem>>
      %dma_start3A_858 = tpu.memref_squeeze %dma_start3A_857 : memref<1x128x32xf32, #tpu.memory_space<vmem>> -> memref<128x32xf32, #tpu.memory_space<vmem>>
      %dma_start3A_859 = arith.constant 0 : i32
      %dma_start3A_860 = tpu.memref_slice %arg2[%add3A_852, %dma_start3A_859] : memref<320000x32xf32, #tpu.memory_space<hbm>> -> memref<128x32xf32, #tpu.memory_space<hbm>>
      %dma_start3A_861 = tpu.memref_slice %arg9[%dma_start3A_854] : memref<4x!tpu.dma_semaphore, #tpu.memory_space<semaphore_mem>> -> memref<1x!tpu.dma_semaphore, #tpu.memory_space<semaphore_mem>>
      %dma_start3A_862 = tpu.memref_squeeze %dma_start3A_861 : memref<1x!tpu.dma_semaphore, #tpu.memory_space<semaphore_mem>> -> memref<!tpu.dma_semaphore, #tpu.memory_space<semaphore_mem>>
      %dma_start3A_863 = arith.constant 0 : i32
      %dma_start3A_864 = arith.constant 0 : i32
      %dma_start3A_865 = tpu.memref_slice %arg8[%dma_start3A_853, %dma_start3A_863, %dma_start3A_864] : memref<4x128x32xf32, #tpu.memory_space<vmem>> -> memref<1x128x32xf32, #tpu.memory_space<vmem>>
      %dma_start3A_866 = tpu.memref_squeeze %dma_start3A_865 : memref<1x128x32xf32, #tpu.memory_space<vmem>> -> memref<128x32xf32, #tpu.memory_space<vmem>>
      %dma_start3A_867 = arith.constant 0 : i32
      %dma_start3A_868 = tpu.memref_slice %arg2[%add3A_852, %dma_start3A_867] : memref<320000x32xf32, #tpu.memory_space<hbm>> -> memref<128x32xf32, #tpu.memory_space<hbm>>
      tpu.enqueue_dma source(%dma_start3A_868 : memref<128x32xf32, #tpu.memory_space<hbm>>) target(%dma_start3A_866 : memref<128x32xf32, #tpu.memory_space<vmem>>) target_semaphore(%dma_start3A_862 : memref<!tpu.dma_semaphore, #tpu.memory_space<semaphore_mem>>)
    }
    %sub3A_168 = arith.constant 1 : i32
    %sub3A_169 = arith.subi %select_n3A_22, %sub3A_168 : i32
    %mul3A_170 = arith.constant 4 : i32
    %mul3A_171 = arith.muli %sub3A_169, %mul3A_170 : i32
    %add3A_172 = arith.constant 0 : i32
    %add3A_173 = arith.addi %mul3A_171, %add3A_172 : i32
    %mul3A_174 = arith.constant 128 : i32
    %mul3A_175 = arith.muli %add3A_173, %mul3A_174 : i32
    %add3A_176 = arith.addi %mul3A_2, %mul3A_175 : i32
    %dma_wait3A = arith.constant 0 : i32
    %dma_wait3A_177 = arith.constant 0 : i32
    %dma_wait3A_178 = arith.constant 0 : i32
    %dma_wait3A_179 = tpu.memref_slice %arg7[%dma_wait3A, %dma_wait3A_178] : memref<4x128xi32, #tpu.memory_space<vmem>> -> memref<1x128xi32, #tpu.memory_space<vmem>>
    %dma_wait3A_180 = tpu.memref_squeeze %dma_wait3A_179 : memref<1x128xi32, #tpu.memory_space<vmem>> -> memref<128xi32, #tpu.memory_space<vmem>>
    %dma_wait3A_181 = tpu.memref_slice %arg3[%add3A_176] : memref<320000xi32, #tpu.memory_space<hbm>> -> memref<128xi32, #tpu.memory_space<hbm>>
    %dma_wait3A_182 = tpu.memref_slice %arg9[%dma_wait3A_177] : memref<4x!tpu.dma_semaphore, #tpu.memory_space<semaphore_mem>> -> memref<1x!tpu.dma_semaphore, #tpu.memory_space<semaphore_mem>>
    %dma_wait3A_183 = tpu.memref_squeeze %dma_wait3A_182 : memref<1x!tpu.dma_semaphore, #tpu.memory_space<semaphore_mem>> -> memref<!tpu.dma_semaphore, #tpu.memory_space<semaphore_mem>>
    %dma_wait3A_184 = arith.constant 0 : i32
    %dma_wait3A_185 = tpu.memref_slice %arg7[%dma_wait3A, %dma_wait3A_184] : memref<4x128xi32, #tpu.memory_space<vmem>> -> memref<1x128xi32, #tpu.memory_space<vmem>>
    %dma_wait3A_186 = tpu.memref_squeeze %dma_wait3A_185 : memref<1x128xi32, #tpu.memory_space<vmem>> -> memref<128xi32, #tpu.memory_space<vmem>>
    %dma_wait3A_187 = tpu.memref_slice %arg3[%add3A_176] : memref<320000xi32, #tpu.memory_space<hbm>> -> memref<128xi32, #tpu.memory_space<hbm>>
    tpu.wait_dma2 semaphore(%dma_wait3A_183 : memref<!tpu.dma_semaphore, #tpu.memory_space<semaphore_mem>>) src(%dma_wait3A_187 : memref<128xi32, #tpu.memory_space<hbm>>) dst(%dma_wait3A_186 : memref<128xi32, #tpu.memory_space<vmem>>)
    %mul3A_188 = arith.constant 128 : i32
    %mul3A_189 = arith.muli %add3A_173, %mul3A_188 : i32
    %add3A_190 = arith.addi %mul3A_2, %mul3A_189 : i32
    %dma_wait3A_191 = arith.constant 0 : i32
    %dma_wait3A_192 = arith.constant 0 : i32
    %dma_wait3A_193 = arith.constant 0 : i32
    %dma_wait3A_194 = arith.constant 0 : i32
    %dma_wait3A_195 = tpu.memref_slice %arg8[%dma_wait3A_191, %dma_wait3A_193, %dma_wait3A_194] : memref<4x128x32xf32, #tpu.memory_space<vmem>> -> memref<1x128x32xf32, #tpu.memory_space<vmem>>
    %dma_wait3A_196 = tpu.memref_squeeze %dma_wait3A_195 : memref<1x128x32xf32, #tpu.memory_space<vmem>> -> memref<128x32xf32, #tpu.memory_space<vmem>>
    %dma_wait3A_197 = arith.constant 0 : i32
    %dma_wait3A_198 = tpu.memref_slice %arg2[%add3A_190, %dma_wait3A_197] : memref<320000x32xf32, #tpu.memory_space<hbm>> -> memref<128x32xf32, #tpu.memory_space<hbm>>
    %dma_wait3A_199 = tpu.memref_slice %arg9[%dma_wait3A_192] : memref<4x!tpu.dma_semaphore, #tpu.memory_space<semaphore_mem>> -> memref<1x!tpu.dma_semaphore, #tpu.memory_space<semaphore_mem>>
    %dma_wait3A_200 = tpu.memref_squeeze %dma_wait3A_199 : memref<1x!tpu.dma_semaphore, #tpu.memory_space<semaphore_mem>> -> memref<!tpu.dma_semaphore, #tpu.memory_space<semaphore_mem>>
    %dma_wait3A_201 = arith.constant 0 : i32
    %dma_wait3A_202 = arith.constant 0 : i32
    %dma_wait3A_203 = tpu.memref_slice %arg8[%dma_wait3A_191, %dma_wait3A_201, %dma_wait3A_202] : memref<4x128x32xf32, #tpu.memory_space<vmem>> -> memref<1x128x32xf32, #tpu.memory_space<vmem>>
    %dma_wait3A_204 = tpu.memref_squeeze %dma_wait3A_203 : memref<1x128x32xf32, #tpu.memory_space<vmem>> -> memref<128x32xf32, #tpu.memory_space<vmem>>
    %dma_wait3A_205 = arith.constant 0 : i32
    %dma_wait3A_206 = tpu.memref_slice %arg2[%add3A_190, %dma_wait3A_205] : memref<320000x32xf32, #tpu.memory_space<hbm>> -> memref<128x32xf32, #tpu.memory_space<hbm>>
    tpu.wait_dma2 semaphore(%dma_wait3A_200 : memref<!tpu.dma_semaphore, #tpu.memory_space<semaphore_mem>>) src(%dma_wait3A_206 : memref<128x32xf32, #tpu.memory_space<hbm>>) dst(%dma_wait3A_204 : memref<128x32xf32, #tpu.memory_space<vmem>>)
    %dma_start3A_207 = arith.constant 0 : i32
    %dma_start3A_208 = arith.constant 0 : i32
    %dma_start3A_209 = arith.constant 0 : i32
    %dma_start3A_210 = arith.constant 0 : i32
    %dma_start3A_211 = arith.constant 0 : i32
    %dma_start3A_212 = tpu.memref_slice %arg8[%dma_start3A_207, %dma_start3A_210, %dma_start3A_211] : memref<4x128x32xf32, #tpu.memory_space<vmem>> -> memref<1x128x32xf32, #tpu.memory_space<vmem>>
    %dma_start3A_213 = tpu.memref_squeeze %dma_start3A_212 : memref<1x128x32xf32, #tpu.memory_space<vmem>> -> memref<128x32xf32, #tpu.memory_space<vmem>>
    %dma_start3A_214 = arith.constant 0 : i32
    %dma_start3A_215 = tpu.memref_slice %arg7[%dma_start3A_208, %dma_start3A_214] : memref<4x128xi32, #tpu.memory_space<vmem>> -> memref<1x128xi32, #tpu.memory_space<vmem>>
    %dma_start3A_216 = tpu.memref_squeeze %dma_start3A_215 : memref<1x128xi32, #tpu.memory_space<vmem>> -> memref<128xi32, #tpu.memory_space<vmem>>
    %dma_start3A_217 = arith.constant 0 : i32
    %dma_start3A_218 = arith.constant 0 : i32
    %dma_start3A_219 = tpu.memref_slice %arg5[%dma_start3A_217, %dma_start3A_218] : memref<10000x32xf32, #tpu.memory_space<vmem_shared>> -> memref<10000x32xf32, #tpu.memory_space<vmem_shared>>
    %dma_start3A_220 = tpu.memref_slice %arg10[%dma_start3A_209] : memref<4x!tpu.dma_semaphore, #tpu.memory_space<semaphore_mem>> -> memref<1x!tpu.dma_semaphore, #tpu.memory_space<semaphore_mem>>
    %dma_start3A_221 = tpu.memref_squeeze %dma_start3A_220 : memref<1x!tpu.dma_semaphore, #tpu.memory_space<semaphore_mem>> -> memref<!tpu.dma_semaphore, #tpu.memory_space<semaphore_mem>>
    tpu.enqueue_indirect_dma source(%dma_start3A_213 : memref<128x32xf32, #tpu.memory_space<vmem>>) target(%dma_start3A_219 : memref<10000x32xf32, #tpu.memory_space<vmem_shared>>) offsets(%dma_start3A_216 : memref<128xi32, #tpu.memory_space<vmem>>) semaphore(%dma_start3A_221 : memref<!tpu.dma_semaphore, #tpu.memory_space<semaphore_mem>>) {add = true}
    %dma_wait3A_222 = arith.constant 0 : i32
    %dma_wait3A_223 = arith.constant 0 : i32
    %dma_wait3A_224 = arith.constant 0 : i32
    %dma_wait3A_225 = arith.constant 0 : i32
    %dma_wait3A_226 = arith.constant 0 : i32
    %dma_wait3A_227 = tpu.memref_slice %arg8[%dma_wait3A_222, %dma_wait3A_225, %dma_wait3A_226] : memref<4x128x32xf32, #tpu.memory_space<vmem>> -> memref<1x128x32xf32, #tpu.memory_space<vmem>>
    %dma_wait3A_228 = tpu.memref_squeeze %dma_wait3A_227 : memref<1x128x32xf32, #tpu.memory_space<vmem>> -> memref<128x32xf32, #tpu.memory_space<vmem>>
    %dma_wait3A_229 = arith.constant 0 : i32
    %dma_wait3A_230 = tpu.memref_slice %arg7[%dma_wait3A_223, %dma_wait3A_229] : memref<4x128xi32, #tpu.memory_space<vmem>> -> memref<1x128xi32, #tpu.memory_space<vmem>>
    %dma_wait3A_231 = tpu.memref_squeeze %dma_wait3A_230 : memref<1x128xi32, #tpu.memory_space<vmem>> -> memref<128xi32, #tpu.memory_space<vmem>>
    %dma_wait3A_232 = arith.constant 0 : i32
    %dma_wait3A_233 = arith.constant 0 : i32
    %dma_wait3A_234 = tpu.memref_slice %arg5[%dma_wait3A_232, %dma_wait3A_233] : memref<10000x32xf32, #tpu.memory_space<vmem_shared>> -> memref<10000x32xf32, #tpu.memory_space<vmem_shared>>
    %dma_wait3A_235 = tpu.memref_slice %arg10[%dma_wait3A_224] : memref<4x!tpu.dma_semaphore, #tpu.memory_space<semaphore_mem>> -> memref<1x!tpu.dma_semaphore, #tpu.memory_space<semaphore_mem>>
    %dma_wait3A_236 = tpu.memref_squeeze %dma_wait3A_235 : memref<1x!tpu.dma_semaphore, #tpu.memory_space<semaphore_mem>> -> memref<!tpu.dma_semaphore, #tpu.memory_space<semaphore_mem>>
    tpu.wait_indirect_dma semaphore(%dma_wait3A_236 : memref<!tpu.dma_semaphore, #tpu.memory_space<semaphore_mem>>) src(%dma_wait3A_228 : memref<128x32xf32, #tpu.memory_space<vmem>>) dst(%dma_wait3A_234 : memref<10000x32xf32, #tpu.memory_space<vmem_shared>>)
    %sub3A_237 = arith.constant 1 : i32
    %sub3A_238 = arith.subi %select_n3A_22, %sub3A_237 : i32
    %mul3A_239 = arith.constant 4 : i32
    %mul3A_240 = arith.muli %sub3A_238, %mul3A_239 : i32
    %add3A_241 = arith.constant 1 : i32
    %add3A_242 = arith.addi %mul3A_240, %add3A_241 : i32
    %mul3A_243 = arith.constant 128 : i32
    %mul3A_244 = arith.muli %add3A_242, %mul3A_243 : i32
    %add3A_245 = arith.addi %mul3A_2, %mul3A_244 : i32
    %dma_wait3A_246 = arith.constant 1 : i32
    %dma_wait3A_247 = arith.constant 1 : i32
    %dma_wait3A_248 = arith.constant 0 : i32
    %dma_wait3A_249 = tpu.memref_slice %arg7[%dma_wait3A_246, %dma_wait3A_248] : memref<4x128xi32, #tpu.memory_space<vmem>> -> memref<1x128xi32, #tpu.memory_space<vmem>>
    %dma_wait3A_250 = tpu.memref_squeeze %dma_wait3A_249 : memref<1x128xi32, #tpu.memory_space<vmem>> -> memref<128xi32, #tpu.memory_space<vmem>>
    %dma_wait3A_251 = tpu.memref_slice %arg3[%add3A_245] : memref<320000xi32, #tpu.memory_space<hbm>> -> memref<128xi32, #tpu.memory_space<hbm>>
    %dma_wait3A_252 = tpu.memref_slice %arg9[%dma_wait3A_247] : memref<4x!tpu.dma_semaphore, #tpu.memory_space<semaphore_mem>> -> memref<1x!tpu.dma_semaphore, #tpu.memory_space<semaphore_mem>>
    %dma_wait3A_253 = tpu.memref_squeeze %dma_wait3A_252 : memref<1x!tpu.dma_semaphore, #tpu.memory_space<semaphore_mem>> -> memref<!tpu.dma_semaphore, #tpu.memory_space<semaphore_mem>>
    %dma_wait3A_254 = arith.constant 0 : i32
    %dma_wait3A_255 = tpu.memref_slice %arg7[%dma_wait3A_246, %dma_wait3A_254] : memref<4x128xi32, #tpu.memory_space<vmem>> -> memref<1x128xi32, #tpu.memory_space<vmem>>
    %dma_wait3A_256 = tpu.memref_squeeze %dma_wait3A_255 : memref<1x128xi32, #tpu.memory_space<vmem>> -> memref<128xi32, #tpu.memory_space<vmem>>
    %dma_wait3A_257 = tpu.memref_slice %arg3[%add3A_245] : memref<320000xi32, #tpu.memory_space<hbm>> -> memref<128xi32, #tpu.memory_space<hbm>>
    tpu.wait_dma2 semaphore(%dma_wait3A_253 : memref<!tpu.dma_semaphore, #tpu.memory_space<semaphore_mem>>) src(%dma_wait3A_257 : memref<128xi32, #tpu.memory_space<hbm>>) dst(%dma_wait3A_256 : memref<128xi32, #tpu.memory_space<vmem>>)
    %mul3A_258 = arith.constant 128 : i32
    %mul3A_259 = arith.muli %add3A_242, %mul3A_258 : i32
    %add3A_260 = arith.addi %mul3A_2, %mul3A_259 : i32
    %dma_wait3A_261 = arith.constant 1 : i32
    %dma_wait3A_262 = arith.constant 1 : i32
    %dma_wait3A_263 = arith.constant 0 : i32
    %dma_wait3A_264 = arith.constant 0 : i32
    %dma_wait3A_265 = tpu.memref_slice %arg8[%dma_wait3A_261, %dma_wait3A_263, %dma_wait3A_264] : memref<4x128x32xf32, #tpu.memory_space<vmem>> -> memref<1x128x32xf32, #tpu.memory_space<vmem>>
    %dma_wait3A_266 = tpu.memref_squeeze %dma_wait3A_265 : memref<1x128x32xf32, #tpu.memory_space<vmem>> -> memref<128x32xf32, #tpu.memory_space<vmem>>
    %dma_wait3A_267 = arith.constant 0 : i32
    %dma_wait3A_268 = tpu.memref_slice %arg2[%add3A_260, %dma_wait3A_267] : memref<320000x32xf32, #tpu.memory_space<hbm>> -> memref<128x32xf32, #tpu.memory_space<hbm>>
    %dma_wait3A_269 = tpu.memref_slice %arg9[%dma_wait3A_262] : memref<4x!tpu.dma_semaphore, #tpu.memory_space<semaphore_mem>> -> memref<1x!tpu.dma_semaphore, #tpu.memory_space<semaphore_mem>>
    %dma_wait3A_270 = tpu.memref_squeeze %dma_wait3A_269 : memref<1x!tpu.dma_semaphore, #tpu.memory_space<semaphore_mem>> -> memref<!tpu.dma_semaphore, #tpu.memory_space<semaphore_mem>>
    %dma_wait3A_271 = arith.constant 0 : i32
    %dma_wait3A_272 = arith.constant 0 : i32
    %dma_wait3A_273 = tpu.memref_slice %arg8[%dma_wait3A_261, %dma_wait3A_271, %dma_wait3A_272] : memref<4x128x32xf32, #tpu.memory_space<vmem>> -> memref<1x128x32xf32, #tpu.memory_space<vmem>>
    %dma_wait3A_274 = tpu.memref_squeeze %dma_wait3A_273 : memref<1x128x32xf32, #tpu.memory_space<vmem>> -> memref<128x32xf32, #tpu.memory_space<vmem>>
    %dma_wait3A_275 = arith.constant 0 : i32
    %dma_wait3A_276 = tpu.memref_slice %arg2[%add3A_260, %dma_wait3A_275] : memref<320000x32xf32, #tpu.memory_space<hbm>> -> memref<128x32xf32, #tpu.memory_space<hbm>>
    tpu.wait_dma2 semaphore(%dma_wait3A_270 : memref<!tpu.dma_semaphore, #tpu.memory_space<semaphore_mem>>) src(%dma_wait3A_276 : memref<128x32xf32, #tpu.memory_space<hbm>>) dst(%dma_wait3A_274 : memref<128x32xf32, #tpu.memory_space<vmem>>)
    %dma_start3A_277 = arith.constant 1 : i32
    %dma_start3A_278 = arith.constant 1 : i32
    %dma_start3A_279 = arith.constant 1 : i32
    %dma_start3A_280 = arith.constant 0 : i32
    %dma_start3A_281 = arith.constant 0 : i32
    %dma_start3A_282 = tpu.memref_slice %arg8[%dma_start3A_277, %dma_start3A_280, %dma_start3A_281] : memref<4x128x32xf32, #tpu.memory_space<vmem>> -> memref<1x128x32xf32, #tpu.memory_space<vmem>>
    %dma_start3A_283 = tpu.memref_squeeze %dma_start3A_282 : memref<1x128x32xf32, #tpu.memory_space<vmem>> -> memref<128x32xf32, #tpu.memory_space<vmem>>
    %dma_start3A_284 = arith.constant 0 : i32
    %dma_start3A_285 = tpu.memref_slice %arg7[%dma_start3A_278, %dma_start3A_284] : memref<4x128xi32, #tpu.memory_space<vmem>> -> memref<1x128xi32, #tpu.memory_space<vmem>>
    %dma_start3A_286 = tpu.memref_squeeze %dma_start3A_285 : memref<1x128xi32, #tpu.memory_space<vmem>> -> memref<128xi32, #tpu.memory_space<vmem>>
    %dma_start3A_287 = arith.constant 0 : i32
    %dma_start3A_288 = arith.constant 0 : i32
    %dma_start3A_289 = tpu.memref_slice %arg5[%dma_start3A_287, %dma_start3A_288] : memref<10000x32xf32, #tpu.memory_space<vmem_shared>> -> memref<10000x32xf32, #tpu.memory_space<vmem_shared>>
    %dma_start3A_290 = tpu.memref_slice %arg10[%dma_start3A_279] : memref<4x!tpu.dma_semaphore, #tpu.memory_space<semaphore_mem>> -> memref<1x!tpu.dma_semaphore, #tpu.memory_space<semaphore_mem>>
    %dma_start3A_291 = tpu.memref_squeeze %dma_start3A_290 : memref<1x!tpu.dma_semaphore, #tpu.memory_space<semaphore_mem>> -> memref<!tpu.dma_semaphore, #tpu.memory_space<semaphore_mem>>
    tpu.enqueue_indirect_dma source(%dma_start3A_283 : memref<128x32xf32, #tpu.memory_space<vmem>>) target(%dma_start3A_289 : memref<10000x32xf32, #tpu.memory_space<vmem_shared>>) offsets(%dma_start3A_286 : memref<128xi32, #tpu.memory_space<vmem>>) semaphore(%dma_start3A_291 : memref<!tpu.dma_semaphore, #tpu.memory_space<semaphore_mem>>) {add = true}
    %dma_wait3A_292 = arith.constant 1 : i32
    %dma_wait3A_293 = arith.constant 1 : i32
    %dma_wait3A_294 = arith.constant 1 : i32
    %dma_wait3A_295 = arith.constant 0 : i32
    %dma_wait3A_296 = arith.constant 0 : i32
    %dma_wait3A_297 = tpu.memref_slice %arg8[%dma_wait3A_292, %dma_wait3A_295, %dma_wait3A_296] : memref<4x128x32xf32, #tpu.memory_space<vmem>> -> memref<1x128x32xf32, #tpu.memory_space<vmem>>
    %dma_wait3A_298 = tpu.memref_squeeze %dma_wait3A_297 : memref<1x128x32xf32, #tpu.memory_space<vmem>> -> memref<128x32xf32, #tpu.memory_space<vmem>>
    %dma_wait3A_299 = arith.constant 0 : i32
    %dma_wait3A_300 = tpu.memref_slice %arg7[%dma_wait3A_293, %dma_wait3A_299] : memref<4x128xi32, #tpu.memory_space<vmem>> -> memref<1x128xi32, #tpu.memory_space<vmem>>
    %dma_wait3A_301 = tpu.memref_squeeze %dma_wait3A_300 : memref<1x128xi32, #tpu.memory_space<vmem>> -> memref<128xi32, #tpu.memory_space<vmem>>
    %dma_wait3A_302 = arith.constant 0 : i32
    %dma_wait3A_303 = arith.constant 0 : i32
    %dma_wait3A_304 = tpu.memref_slice %arg5[%dma_wait3A_302, %dma_wait3A_303] : memref<10000x32xf32, #tpu.memory_space<vmem_shared>> -> memref<10000x32xf32, #tpu.memory_space<vmem_shared>>
    %dma_wait3A_305 = tpu.memref_slice %arg10[%dma_wait3A_294] : memref<4x!tpu.dma_semaphore, #tpu.memory_space<semaphore_mem>> -> memref<1x!tpu.dma_semaphore, #tpu.memory_space<semaphore_mem>>
    %dma_wait3A_306 = tpu.memref_squeeze %dma_wait3A_305 : memref<1x!tpu.dma_semaphore, #tpu.memory_space<semaphore_mem>> -> memref<!tpu.dma_semaphore, #tpu.memory_space<semaphore_mem>>
    tpu.wait_indirect_dma semaphore(%dma_wait3A_306 : memref<!tpu.dma_semaphore, #tpu.memory_space<semaphore_mem>>) src(%dma_wait3A_298 : memref<128x32xf32, #tpu.memory_space<vmem>>) dst(%dma_wait3A_304 : memref<10000x32xf32, #tpu.memory_space<vmem_shared>>)
    %sub3A_307 = arith.constant 1 : i32
    %sub3A_308 = arith.subi %select_n3A_22, %sub3A_307 : i32
    %mul3A_309 = arith.constant 4 : i32
    %mul3A_310 = arith.muli %sub3A_308, %mul3A_309 : i32
    %add3A_311 = arith.constant 2 : i32
    %add3A_312 = arith.addi %mul3A_310, %add3A_311 : i32
    %mul3A_313 = arith.constant 128 : i32
    %mul3A_314 = arith.muli %add3A_312, %mul3A_313 : i32
    %add3A_315 = arith.addi %mul3A_2, %mul3A_314 : i32
    %dma_wait3A_316 = arith.constant 2 : i32
    %dma_wait3A_317 = arith.constant 2 : i32
    %dma_wait3A_318 = arith.constant 0 : i32
    %dma_wait3A_319 = tpu.memref_slice %arg7[%dma_wait3A_316, %dma_wait3A_318] : memref<4x128xi32, #tpu.memory_space<vmem>> -> memref<1x128xi32, #tpu.memory_space<vmem>>
    %dma_wait3A_320 = tpu.memref_squeeze %dma_wait3A_319 : memref<1x128xi32, #tpu.memory_space<vmem>> -> memref<128xi32, #tpu.memory_space<vmem>>
    %dma_wait3A_321 = tpu.memref_slice %arg3[%add3A_315] : memref<320000xi32, #tpu.memory_space<hbm>> -> memref<128xi32, #tpu.memory_space<hbm>>
    %dma_wait3A_322 = tpu.memref_slice %arg9[%dma_wait3A_317] : memref<4x!tpu.dma_semaphore, #tpu.memory_space<semaphore_mem>> -> memref<1x!tpu.dma_semaphore, #tpu.memory_space<semaphore_mem>>
    %dma_wait3A_323 = tpu.memref_squeeze %dma_wait3A_322 : memref<1x!tpu.dma_semaphore, #tpu.memory_space<semaphore_mem>> -> memref<!tpu.dma_semaphore, #tpu.memory_space<semaphore_mem>>
    %dma_wait3A_324 = arith.constant 0 : i32
    %dma_wait3A_325 = tpu.memref_slice %arg7[%dma_wait3A_316, %dma_wait3A_324] : memref<4x128xi32, #tpu.memory_space<vmem>> -> memref<1x128xi32, #tpu.memory_space<vmem>>
    %dma_wait3A_326 = tpu.memref_squeeze %dma_wait3A_325 : memref<1x128xi32, #tpu.memory_space<vmem>> -> memref<128xi32, #tpu.memory_space<vmem>>
    %dma_wait3A_327 = tpu.memref_slice %arg3[%add3A_315] : memref<320000xi32, #tpu.memory_space<hbm>> -> memref<128xi32, #tpu.memory_space<hbm>>
    tpu.wait_dma2 semaphore(%dma_wait3A_323 : memref<!tpu.dma_semaphore, #tpu.memory_space<semaphore_mem>>) src(%dma_wait3A_327 : memref<128xi32, #tpu.memory_space<hbm>>) dst(%dma_wait3A_326 : memref<128xi32, #tpu.memory_space<vmem>>)
    %mul3A_328 = arith.constant 128 : i32
    %mul3A_329 = arith.muli %add3A_312, %mul3A_328 : i32
    %add3A_330 = arith.addi %mul3A_2, %mul3A_329 : i32
    %dma_wait3A_331 = arith.constant 2 : i32
    %dma_wait3A_332 = arith.constant 2 : i32
    %dma_wait3A_333 = arith.constant 0 : i32
    %dma_wait3A_334 = arith.constant 0 : i32
    %dma_wait3A_335 = tpu.memref_slice %arg8[%dma_wait3A_331, %dma_wait3A_333, %dma_wait3A_334] : memref<4x128x32xf32, #tpu.memory_space<vmem>> -> memref<1x128x32xf32, #tpu.memory_space<vmem>>
    %dma_wait3A_336 = tpu.memref_squeeze %dma_wait3A_335 : memref<1x128x32xf32, #tpu.memory_space<vmem>> -> memref<128x32xf32, #tpu.memory_space<vmem>>
    %dma_wait3A_337 = arith.constant 0 : i32
    %dma_wait3A_338 = tpu.memref_slice %arg2[%add3A_330, %dma_wait3A_337] : memref<320000x32xf32, #tpu.memory_space<hbm>> -> memref<128x32xf32, #tpu.memory_space<hbm>>
    %dma_wait3A_339 = tpu.memref_slice %arg9[%dma_wait3A_332] : memref<4x!tpu.dma_semaphore, #tpu.memory_space<semaphore_mem>> -> memref<1x!tpu.dma_semaphore, #tpu.memory_space<semaphore_mem>>
    %dma_wait3A_340 = tpu.memref_squeeze %dma_wait3A_339 : memref<1x!tpu.dma_semaphore, #tpu.memory_space<semaphore_mem>> -> memref<!tpu.dma_semaphore, #tpu.memory_space<semaphore_mem>>
    %dma_wait3A_341 = arith.constant 0 : i32
    %dma_wait3A_342 = arith.constant 0 : i32
    %dma_wait3A_343 = tpu.memref_slice %arg8[%dma_wait3A_331, %dma_wait3A_341, %dma_wait3A_342] : memref<4x128x32xf32, #tpu.memory_space<vmem>> -> memref<1x128x32xf32, #tpu.memory_space<vmem>>
    %dma_wait3A_344 = tpu.memref_squeeze %dma_wait3A_343 : memref<1x128x32xf32, #tpu.memory_space<vmem>> -> memref<128x32xf32, #tpu.memory_space<vmem>>
    %dma_wait3A_345 = arith.constant 0 : i32
    %dma_wait3A_346 = tpu.memref_slice %arg2[%add3A_330, %dma_wait3A_345] : memref<320000x32xf32, #tpu.memory_space<hbm>> -> memref<128x32xf32, #tpu.memory_space<hbm>>
    tpu.wait_dma2 semaphore(%dma_wait3A_340 : memref<!tpu.dma_semaphore, #tpu.memory_space<semaphore_mem>>) src(%dma_wait3A_346 : memref<128x32xf32, #tpu.memory_space<hbm>>) dst(%dma_wait3A_344 : memref<128x32xf32, #tpu.memory_space<vmem>>)
    %dma_start3A_347 = arith.constant 2 : i32
    %dma_start3A_348 = arith.constant 2 : i32
    %dma_start3A_349 = arith.constant 2 : i32
    %dma_start3A_350 = arith.constant 0 : i32
    %dma_start3A_351 = arith.constant 0 : i32
    %dma_start3A_352 = tpu.memref_slice %arg8[%dma_start3A_347, %dma_start3A_350, %dma_start3A_351] : memref<4x128x32xf32, #tpu.memory_space<vmem>> -> memref<1x128x32xf32, #tpu.memory_space<vmem>>
    %dma_start3A_353 = tpu.memref_squeeze %dma_start3A_352 : memref<1x128x32xf32, #tpu.memory_space<vmem>> -> memref<128x32xf32, #tpu.memory_space<vmem>>
    %dma_start3A_354 = arith.constant 0 : i32
    %dma_start3A_355 = tpu.memref_slice %arg7[%dma_start3A_348, %dma_start3A_354] : memref<4x128xi32, #tpu.memory_space<vmem>> -> memref<1x128xi32, #tpu.memory_space<vmem>>
    %dma_start3A_356 = tpu.memref_squeeze %dma_start3A_355 : memref<1x128xi32, #tpu.memory_space<vmem>> -> memref<128xi32, #tpu.memory_space<vmem>>
    %dma_start3A_357 = arith.constant 0 : i32
    %dma_start3A_358 = arith.constant 0 : i32
    %dma_start3A_359 = tpu.memref_slice %arg5[%dma_start3A_357, %dma_start3A_358] : memref<10000x32xf32, #tpu.memory_space<vmem_shared>> -> memref<10000x32xf32, #tpu.memory_space<vmem_shared>>
    %dma_start3A_360 = tpu.memref_slice %arg10[%dma_start3A_349] : memref<4x!tpu.dma_semaphore, #tpu.memory_space<semaphore_mem>> -> memref<1x!tpu.dma_semaphore, #tpu.memory_space<semaphore_mem>>
    %dma_start3A_361 = tpu.memref_squeeze %dma_start3A_360 : memref<1x!tpu.dma_semaphore, #tpu.memory_space<semaphore_mem>> -> memref<!tpu.dma_semaphore, #tpu.memory_space<semaphore_mem>>
    tpu.enqueue_indirect_dma source(%dma_start3A_353 : memref<128x32xf32, #tpu.memory_space<vmem>>) target(%dma_start3A_359 : memref<10000x32xf32, #tpu.memory_space<vmem_shared>>) offsets(%dma_start3A_356 : memref<128xi32, #tpu.memory_space<vmem>>) semaphore(%dma_start3A_361 : memref<!tpu.dma_semaphore, #tpu.memory_space<semaphore_mem>>) {add = true}
    %dma_wait3A_362 = arith.constant 2 : i32
    %dma_wait3A_363 = arith.constant 2 : i32
    %dma_wait3A_364 = arith.constant 2 : i32
    %dma_wait3A_365 = arith.constant 0 : i32
    %dma_wait3A_366 = arith.constant 0 : i32
    %dma_wait3A_367 = tpu.memref_slice %arg8[%dma_wait3A_362, %dma_wait3A_365, %dma_wait3A_366] : memref<4x128x32xf32, #tpu.memory_space<vmem>> -> memref<1x128x32xf32, #tpu.memory_space<vmem>>
    %dma_wait3A_368 = tpu.memref_squeeze %dma_wait3A_367 : memref<1x128x32xf32, #tpu.memory_space<vmem>> -> memref<128x32xf32, #tpu.memory_space<vmem>>
    %dma_wait3A_369 = arith.constant 0 : i32
    %dma_wait3A_370 = tpu.memref_slice %arg7[%dma_wait3A_363, %dma_wait3A_369] : memref<4x128xi32, #tpu.memory_space<vmem>> -> memref<1x128xi32, #tpu.memory_space<vmem>>
    %dma_wait3A_371 = tpu.memref_squeeze %dma_wait3A_370 : memref<1x128xi32, #tpu.memory_space<vmem>> -> memref<128xi32, #tpu.memory_space<vmem>>
    %dma_wait3A_372 = arith.constant 0 : i32
    %dma_wait3A_373 = arith.constant 0 : i32
    %dma_wait3A_374 = tpu.memref_slice %arg5[%dma_wait3A_372, %dma_wait3A_373] : memref<10000x32xf32, #tpu.memory_space<vmem_shared>> -> memref<10000x32xf32, #tpu.memory_space<vmem_shared>>
    %dma_wait3A_375 = tpu.memref_slice %arg10[%dma_wait3A_364] : memref<4x!tpu.dma_semaphore, #tpu.memory_space<semaphore_mem>> -> memref<1x!tpu.dma_semaphore, #tpu.memory_space<semaphore_mem>>
    %dma_wait3A_376 = tpu.memref_squeeze %dma_wait3A_375 : memref<1x!tpu.dma_semaphore, #tpu.memory_space<semaphore_mem>> -> memref<!tpu.dma_semaphore, #tpu.memory_space<semaphore_mem>>
    tpu.wait_indirect_dma semaphore(%dma_wait3A_376 : memref<!tpu.dma_semaphore, #tpu.memory_space<semaphore_mem>>) src(%dma_wait3A_368 : memref<128x32xf32, #tpu.memory_space<vmem>>) dst(%dma_wait3A_374 : memref<10000x32xf32, #tpu.memory_space<vmem_shared>>)
    %sub3A_377 = arith.constant 1 : i32
    %sub3A_378 = arith.subi %select_n3A_22, %sub3A_377 : i32
    %mul3A_379 = arith.constant 4 : i32
    %mul3A_380 = arith.muli %sub3A_378, %mul3A_379 : i32
    %add3A_381 = arith.constant 3 : i32
    %add3A_382 = arith.addi %mul3A_380, %add3A_381 : i32
    %mul3A_383 = arith.constant 128 : i32
    %mul3A_384 = arith.muli %add3A_382, %mul3A_383 : i32
    %add3A_385 = arith.addi %mul3A_2, %mul3A_384 : i32
    %dma_wait3A_386 = arith.constant 3 : i32
    %dma_wait3A_387 = arith.constant 3 : i32
    %dma_wait3A_388 = arith.constant 0 : i32
    %dma_wait3A_389 = tpu.memref_slice %arg7[%dma_wait3A_386, %dma_wait3A_388] : memref<4x128xi32, #tpu.memory_space<vmem>> -> memref<1x128xi32, #tpu.memory_space<vmem>>
    %dma_wait3A_390 = tpu.memref_squeeze %dma_wait3A_389 : memref<1x128xi32, #tpu.memory_space<vmem>> -> memref<128xi32, #tpu.memory_space<vmem>>
    %dma_wait3A_391 = tpu.memref_slice %arg3[%add3A_385] : memref<320000xi32, #tpu.memory_space<hbm>> -> memref<128xi32, #tpu.memory_space<hbm>>
    %dma_wait3A_392 = tpu.memref_slice %arg9[%dma_wait3A_387] : memref<4x!tpu.dma_semaphore, #tpu.memory_space<semaphore_mem>> -> memref<1x!tpu.dma_semaphore, #tpu.memory_space<semaphore_mem>>
    %dma_wait3A_393 = tpu.memref_squeeze %dma_wait3A_392 : memref<1x!tpu.dma_semaphore, #tpu.memory_space<semaphore_mem>> -> memref<!tpu.dma_semaphore, #tpu.memory_space<semaphore_mem>>
    %dma_wait3A_394 = arith.constant 0 : i32
    %dma_wait3A_395 = tpu.memref_slice %arg7[%dma_wait3A_386, %dma_wait3A_394] : memref<4x128xi32, #tpu.memory_space<vmem>> -> memref<1x128xi32, #tpu.memory_space<vmem>>
    %dma_wait3A_396 = tpu.memref_squeeze %dma_wait3A_395 : memref<1x128xi32, #tpu.memory_space<vmem>> -> memref<128xi32, #tpu.memory_space<vmem>>
    %dma_wait3A_397 = tpu.memref_slice %arg3[%add3A_385] : memref<320000xi32, #tpu.memory_space<hbm>> -> memref<128xi32, #tpu.memory_space<hbm>>
    tpu.wait_dma2 semaphore(%dma_wait3A_393 : memref<!tpu.dma_semaphore, #tpu.memory_space<semaphore_mem>>) src(%dma_wait3A_397 : memref<128xi32, #tpu.memory_space<hbm>>) dst(%dma_wait3A_396 : memref<128xi32, #tpu.memory_space<vmem>>)
    %mul3A_398 = arith.constant 128 : i32
    %mul3A_399 = arith.muli %add3A_382, %mul3A_398 : i32
    %add3A_400 = arith.addi %mul3A_2, %mul3A_399 : i32
    %dma_wait3A_401 = arith.constant 3 : i32
    %dma_wait3A_402 = arith.constant 3 : i32
    %dma_wait3A_403 = arith.constant 0 : i32
    %dma_wait3A_404 = arith.constant 0 : i32
    %dma_wait3A_405 = tpu.memref_slice %arg8[%dma_wait3A_401, %dma_wait3A_403, %dma_wait3A_404] : memref<4x128x32xf32, #tpu.memory_space<vmem>> -> memref<1x128x32xf32, #tpu.memory_space<vmem>>
    %dma_wait3A_406 = tpu.memref_squeeze %dma_wait3A_405 : memref<1x128x32xf32, #tpu.memory_space<vmem>> -> memref<128x32xf32, #tpu.memory_space<vmem>>
    %dma_wait3A_407 = arith.constant 0 : i32
    %dma_wait3A_408 = tpu.memref_slice %arg2[%add3A_400, %dma_wait3A_407] : memref<320000x32xf32, #tpu.memory_space<hbm>> -> memref<128x32xf32, #tpu.memory_space<hbm>>
    %dma_wait3A_409 = tpu.memref_slice %arg9[%dma_wait3A_402] : memref<4x!tpu.dma_semaphore, #tpu.memory_space<semaphore_mem>> -> memref<1x!tpu.dma_semaphore, #tpu.memory_space<semaphore_mem>>
    %dma_wait3A_410 = tpu.memref_squeeze %dma_wait3A_409 : memref<1x!tpu.dma_semaphore, #tpu.memory_space<semaphore_mem>> -> memref<!tpu.dma_semaphore, #tpu.memory_space<semaphore_mem>>
    %dma_wait3A_411 = arith.constant 0 : i32
    %dma_wait3A_412 = arith.constant 0 : i32
    %dma_wait3A_413 = tpu.memref_slice %arg8[%dma_wait3A_401, %dma_wait3A_411, %dma_wait3A_412] : memref<4x128x32xf32, #tpu.memory_space<vmem>> -> memref<1x128x32xf32, #tpu.memory_space<vmem>>
    %dma_wait3A_414 = tpu.memref_squeeze %dma_wait3A_413 : memref<1x128x32xf32, #tpu.memory_space<vmem>> -> memref<128x32xf32, #tpu.memory_space<vmem>>
    %dma_wait3A_415 = arith.constant 0 : i32
    %dma_wait3A_416 = tpu.memref_slice %arg2[%add3A_400, %dma_wait3A_415] : memref<320000x32xf32, #tpu.memory_space<hbm>> -> memref<128x32xf32, #tpu.memory_space<hbm>>
    tpu.wait_dma2 semaphore(%dma_wait3A_410 : memref<!tpu.dma_semaphore, #tpu.memory_space<semaphore_mem>>) src(%dma_wait3A_416 : memref<128x32xf32, #tpu.memory_space<hbm>>) dst(%dma_wait3A_414 : memref<128x32xf32, #tpu.memory_space<vmem>>)
    %dma_start3A_417 = arith.constant 3 : i32
    %dma_start3A_418 = arith.constant 3 : i32
    %dma_start3A_419 = arith.constant 3 : i32
    %dma_start3A_420 = arith.constant 0 : i32
    %dma_start3A_421 = arith.constant 0 : i32
    %dma_start3A_422 = tpu.memref_slice %arg8[%dma_start3A_417, %dma_start3A_420, %dma_start3A_421] : memref<4x128x32xf32, #tpu.memory_space<vmem>> -> memref<1x128x32xf32, #tpu.memory_space<vmem>>
    %dma_start3A_423 = tpu.memref_squeeze %dma_start3A_422 : memref<1x128x32xf32, #tpu.memory_space<vmem>> -> memref<128x32xf32, #tpu.memory_space<vmem>>
    %dma_start3A_424 = arith.constant 0 : i32
    %dma_start3A_425 = tpu.memref_slice %arg7[%dma_start3A_418, %dma_start3A_424] : memref<4x128xi32, #tpu.memory_space<vmem>> -> memref<1x128xi32, #tpu.memory_space<vmem>>
    %dma_start3A_426 = tpu.memref_squeeze %dma_start3A_425 : memref<1x128xi32, #tpu.memory_space<vmem>> -> memref<128xi32, #tpu.memory_space<vmem>>
    %dma_start3A_427 = arith.constant 0 : i32
    %dma_start3A_428 = arith.constant 0 : i32
    %dma_start3A_429 = tpu.memref_slice %arg5[%dma_start3A_427, %dma_start3A_428] : memref<10000x32xf32, #tpu.memory_space<vmem_shared>> -> memref<10000x32xf32, #tpu.memory_space<vmem_shared>>
    %dma_start3A_430 = tpu.memref_slice %arg10[%dma_start3A_419] : memref<4x!tpu.dma_semaphore, #tpu.memory_space<semaphore_mem>> -> memref<1x!tpu.dma_semaphore, #tpu.memory_space<semaphore_mem>>
    %dma_start3A_431 = tpu.memref_squeeze %dma_start3A_430 : memref<1x!tpu.dma_semaphore, #tpu.memory_space<semaphore_mem>> -> memref<!tpu.dma_semaphore, #tpu.memory_space<semaphore_mem>>
    tpu.enqueue_indirect_dma source(%dma_start3A_423 : memref<128x32xf32, #tpu.memory_space<vmem>>) target(%dma_start3A_429 : memref<10000x32xf32, #tpu.memory_space<vmem_shared>>) offsets(%dma_start3A_426 : memref<128xi32, #tpu.memory_space<vmem>>) semaphore(%dma_start3A_431 : memref<!tpu.dma_semaphore, #tpu.memory_space<semaphore_mem>>) {add = true}
    %dma_wait3A_432 = arith.constant 3 : i32
    %dma_wait3A_433 = arith.constant 3 : i32
    %dma_wait3A_434 = arith.constant 3 : i32
    %dma_wait3A_435 = arith.constant 0 : i32
    %dma_wait3A_436 = arith.constant 0 : i32
    %dma_wait3A_437 = tpu.memref_slice %arg8[%dma_wait3A_432, %dma_wait3A_435, %dma_wait3A_436] : memref<4x128x32xf32, #tpu.memory_space<vmem>> -> memref<1x128x32xf32, #tpu.memory_space<vmem>>
    %dma_wait3A_438 = tpu.memref_squeeze %dma_wait3A_437 : memref<1x128x32xf32, #tpu.memory_space<vmem>> -> memref<128x32xf32, #tpu.memory_space<vmem>>
    %dma_wait3A_439 = arith.constant 0 : i32
    %dma_wait3A_440 = tpu.memref_slice %arg7[%dma_wait3A_433, %dma_wait3A_439] : memref<4x128xi32, #tpu.memory_space<vmem>> -> memref<1x128xi32, #tpu.memory_space<vmem>>
    %dma_wait3A_441 = tpu.memref_squeeze %dma_wait3A_440 : memref<1x128xi32, #tpu.memory_space<vmem>> -> memref<128xi32, #tpu.memory_space<vmem>>
    %dma_wait3A_442 = arith.constant 0 : i32
    %dma_wait3A_443 = arith.constant 0 : i32
    %dma_wait3A_444 = tpu.memref_slice %arg5[%dma_wait3A_442, %dma_wait3A_443] : memref<10000x32xf32, #tpu.memory_space<vmem_shared>> -> memref<10000x32xf32, #tpu.memory_space<vmem_shared>>
    %dma_wait3A_445 = tpu.memref_slice %arg10[%dma_wait3A_434] : memref<4x!tpu.dma_semaphore, #tpu.memory_space<semaphore_mem>> -> memref<1x!tpu.dma_semaphore, #tpu.memory_space<semaphore_mem>>
    %dma_wait3A_446 = tpu.memref_squeeze %dma_wait3A_445 : memref<1x!tpu.dma_semaphore, #tpu.memory_space<semaphore_mem>> -> memref<!tpu.dma_semaphore, #tpu.memory_space<semaphore_mem>>
    tpu.wait_indirect_dma semaphore(%dma_wait3A_446 : memref<!tpu.dma_semaphore, #tpu.memory_space<semaphore_mem>>) src(%dma_wait3A_438 : memref<128x32xf32, #tpu.memory_space<vmem>>) dst(%dma_wait3A_444 : memref<10000x32xf32, #tpu.memory_space<vmem_shared>>)
    %barrier3A_447 = arith.constant 0 : index
    tpu.barrier barrier_id(%barrier3A_447)
    %mul3A_448 = arith.constant 625 : i32
    %mul3A_449 = arith.muli %arg1, %mul3A_448 : i32
    "tpu.region"() ({
      %run_scoped3A = tpu.sem_alloc : memref<!tpu.dma_semaphore, #tpu.memory_space<semaphore_mem>>
      %dma_start3A_452 = arith.constant 0 : i32
      %dma_start3A_453 = tpu.memref_slice %arg5[%mul3A_449, %dma_start3A_452] : memref<10000x32xf32, #tpu.memory_space<vmem_shared>> -> memref<625x32xf32, #tpu.memory_space<vmem_shared>>
      %dma_start3A_454 = arith.constant 0 : i32
      %dma_start3A_455 = tpu.memref_slice %arg5[%mul3A_449, %dma_start3A_454] : memref<10000x32xf32, #tpu.memory_space<vmem_shared>> -> memref<625x32xf32, #tpu.memory_space<vmem_shared>>
      tpu.enqueue_dma source(%dma_start3A_455 : memref<625x32xf32, #tpu.memory_space<vmem_shared>>) target(%arg6 : memref<625x32xf32, #tpu.memory_space<vmem>>) target_semaphore(%run_scoped3A : memref<!tpu.dma_semaphore, #tpu.memory_space<semaphore_mem>>)
      %dma_wait3A_456 = arith.constant 0 : i32
      %dma_wait3A_457 = tpu.memref_slice %arg5[%mul3A_449, %dma_wait3A_456] : memref<10000x32xf32, #tpu.memory_space<vmem_shared>> -> memref<625x32xf32, #tpu.memory_space<vmem_shared>>
      %dma_wait3A_458 = arith.constant 0 : i32
      %dma_wait3A_459 = tpu.memref_slice %arg5[%mul3A_449, %dma_wait3A_458] : memref<10000x32xf32, #tpu.memory_space<vmem_shared>> -> memref<625x32xf32, #tpu.memory_space<vmem_shared>>
      tpu.wait_dma2 semaphore(%run_scoped3A : memref<!tpu.dma_semaphore, #tpu.memory_space<semaphore_mem>>) src(%dma_wait3A_459 : memref<625x32xf32, #tpu.memory_space<vmem_shared>>) dst(%arg6 : memref<625x32xf32, #tpu.memory_space<vmem>>)
      tpu.yield
    }) : () -> ()
    %mul3A_450 = arith.constant 625 : i32
    %mul3A_451 = arith.muli %arg1, %mul3A_450 : i32
    "tpu.region"() ({
      %run_scoped3A = tpu.sem_alloc : memref<!tpu.dma_semaphore, #tpu.memory_space<semaphore_mem>>
      %dma_start3A_452 = arith.constant 0 : i32
      %dma_start3A_453 = tpu.memref_slice %arg4[%arg0, %mul3A_451, %dma_start3A_452] : memref<2x10000x32xf32, #tpu.memory_space<hbm>> -> memref<1x625x32xf32, #tpu.memory_space<hbm>>
      %dma_start3A_454 = tpu.memref_squeeze %dma_start3A_453 : memref<1x625x32xf32, #tpu.memory_space<hbm>> -> memref<625x32xf32, #tpu.memory_space<hbm>>
      %dma_start3A_455 = arith.constant 0 : i32
      %dma_start3A_456 = tpu.memref_slice %arg4[%arg0, %mul3A_451, %dma_start3A_455] : memref<2x10000x32xf32, #tpu.memory_space<hbm>> -> memref<1x625x32xf32, #tpu.memory_space<hbm>>
      %dma_start3A_457 = tpu.memref_squeeze %dma_start3A_456 : memref<1x625x32xf32, #tpu.memory_space<hbm>> -> memref<625x32xf32, #tpu.memory_space<hbm>>
      tpu.enqueue_dma source(%arg6 : memref<625x32xf32, #tpu.memory_space<vmem>>) target(%dma_start3A_457 : memref<625x32xf32, #tpu.memory_space<hbm>>) target_semaphore(%run_scoped3A : memref<!tpu.dma_semaphore, #tpu.memory_space<semaphore_mem>>)
      %dma_wait3A_458 = arith.constant 0 : i32
      %dma_wait3A_459 = tpu.memref_slice %arg4[%arg0, %mul3A_451, %dma_wait3A_458] : memref<2x10000x32xf32, #tpu.memory_space<hbm>> -> memref<1x625x32xf32, #tpu.memory_space<hbm>>
      %dma_wait3A_460 = tpu.memref_squeeze %dma_wait3A_459 : memref<1x625x32xf32, #tpu.memory_space<hbm>> -> memref<625x32xf32, #tpu.memory_space<hbm>>
      %dma_wait3A_461 = arith.constant 0 : i32
      %dma_wait3A_462 = tpu.memref_slice %arg4[%arg0, %mul3A_451, %dma_wait3A_461] : memref<2x10000x32xf32, #tpu.memory_space<hbm>> -> memref<1x625x32xf32, #tpu.memory_space<hbm>>
      %dma_wait3A_463 = tpu.memref_squeeze %dma_wait3A_462 : memref<1x625x32xf32, #tpu.memory_space<hbm>> -> memref<625x32xf32, #tpu.memory_space<hbm>>
      tpu.wait_dma2 semaphore(%run_scoped3A : memref<!tpu.dma_semaphore, #tpu.memory_space<semaphore_mem>>) src(%arg6 : memref<625x32xf32, #tpu.memory_space<vmem>>) dst(%dma_wait3A_463 : memref<625x32xf32, #tpu.memory_space<hbm>>)
      tpu.yield
    }) : () -> ()
    return
  }
}

module attributes {stable_mosaic.version = 14 : i64} {
  func.func @_prep_body(%arg0: memref<10000x128xf32, #tpu.memory_space<vmem>>, %arg1: memref<128x32xf32, #tpu.memory_space<vmem>>, %arg2: memref<128x32xf32, #tpu.memory_space<vmem>>, %arg3: memref<10000x32xf32, #tpu.memory_space<vmem>>, %arg4: memref<10000x32xf32, #tpu.memory_space<vmem>>) attributes {dimension_semantics = [], scalar_prefetch = 0 : i64, scratch_operands = 0 : i64, tpu.core_type = #tpu.core_type<tc>} {
    %get3A = arith.constant 0 : index
    %get3A_0 = arith.constant 0 : index
    %get3A_1 = vector.load %arg0[%get3A, %get3A_0] : memref<10000x128xf32, #tpu.memory_space<vmem>>, vector<10000x128xf32>
    %get3A_2 = arith.constant 0 : index
    %get3A_3 = arith.constant 0 : index
    %get3A_4 = vector.load %arg1[%get3A_2, %get3A_3] : memref<128x32xf32, #tpu.memory_space<vmem>>, vector<128x32xf32>
    %dot_general3A = arith.constant dense<0.000000e+00> : vector<10000x32xf32>
    %dot_general3A_5 = tpu.matmul %get3A_1, %get3A_4, %dot_general3A {dimension_numbers = #tpu.dot_dimension_numbers<[1], [0], [0], [1], [0, 0, 1, 1], [], []>, transpose_lhs_hint = false} : vector<10000x128xf32>, vector<128x32xf32>, vector<10000x32xf32> -> vector<10000x32xf32>
    %swap3A = arith.constant 0 : index
    %swap3A_6 = arith.constant 0 : index
    %swap3A_7 = vector.load %arg3[%swap3A, %swap3A_6] : memref<10000x32xf32, #tpu.memory_space<vmem>>, vector<10000x32xf32>
    tpu.vector_store %arg3[%swap3A, %swap3A_6], %dot_general3A_5 {strides = array<i32>} : memref<10000x32xf32, #tpu.memory_space<vmem>>, vector<10000x32xf32>,
    %get3A_8 = arith.constant 0 : index
    %get3A_9 = arith.constant 0 : index
    %get3A_10 = vector.load %arg2[%get3A_8, %get3A_9] : memref<128x32xf32, #tpu.memory_space<vmem>>, vector<128x32xf32>
    %dot_general3A_11 = arith.constant dense<0.000000e+00> : vector<10000x32xf32>
    %dot_general3A_12 = tpu.matmul %get3A_1, %get3A_10, %dot_general3A_11 {dimension_numbers = #tpu.dot_dimension_numbers<[1], [0], [0], [1], [0, 0, 1, 1], [], []>, transpose_lhs_hint = false} : vector<10000x128xf32>, vector<128x32xf32>, vector<10000x32xf32> -> vector<10000x32xf32>
    %swap3A_13 = arith.constant 0 : index
    %swap3A_14 = arith.constant 0 : index
    %swap3A_15 = vector.load %arg4[%swap3A_13, %swap3A_14] : memref<10000x32xf32, #tpu.memory_space<vmem>>, vector<10000x32xf32>
    tpu.vector_store %arg4[%swap3A_13, %swap3A_14], %dot_general3A_12 {strides = array<i32>} : memref<10000x32xf32, #tpu.memory_space<vmem>>, vector<10000x32xf32>,
    return
  }
}

module attributes {stable_mosaic.version = 14 : i64} {
  func.func @_edge_body(%arg0: i32, %arg1: memref<2000x64xf32, #tpu.memory_space<vmem>>, %arg2: memref<2000x128xf32, #tpu.memory_space<vmem>>, %arg3: memref<2000x128xf32, #tpu.memory_space<vmem>>, %arg4: memref<64x128xf32, #tpu.memory_space<vmem>>, %arg5: memref<1x128xf32, #tpu.memory_space<vmem>>, %arg6: memref<128x128xf32, #tpu.memory_space<vmem>>, %arg7: memref<1x128xf32, #tpu.memory_space<vmem>>, %arg8: memref<2000x128xf32, #tpu.memory_space<vmem>>, %arg9: memref<1x128xf32, #tpu.memory_space<vmem>>) attributes {dimension_semantics = [#tpu.dimension_semantics<arbitrary>], iteration_bounds = array<i64: 40>, scalar_prefetch = 0 : i64, scratch_operands = 0 : i64, tpu.core_type = #tpu.core_type<tc>, window_params = [{transform_indices = @transform_0, window_bounds = array<i64: 2000, 64>}, {transform_indices = @transform_1, window_bounds = array<i64: 2000, 128>}, {transform_indices = @transform_2, window_bounds = array<i64: 2000, 128>}, {pipeline_mode = #tpu.pipeline_mode<synchronous>, transform_indices = @transform_3, window_bounds = array<i64: 64, 128>}, {pipeline_mode = #tpu.pipeline_mode<synchronous>, transform_indices = @transform_4, window_bounds = array<i64: 1, 128>}, {pipeline_mode = #tpu.pipeline_mode<synchronous>, transform_indices = @transform_5, window_bounds = array<i64: 128, 128>}, {pipeline_mode = #tpu.pipeline_mode<synchronous>, transform_indices = @transform_6, window_bounds = array<i64: 1, 128>}, {transform_indices = @transform_7, window_bounds = array<i64: 2000, 128>}, {pipeline_mode = #tpu.pipeline_mode<synchronous>, transform_indices = @transform_8, window_bounds = array<i64: 1, 128>}]} {
    %get3A = arith.constant 0 : index
    %get3A_0 = arith.constant 0 : index
    %get3A_1 = vector.load %arg1[%get3A, %get3A_0] : memref<2000x64xf32, #tpu.memory_space<vmem>>, vector<2000x64xf32>
    %get3A_2 = arith.constant 0 : index
    %get3A_3 = arith.constant 0 : index
    %get3A_4 = vector.load %arg4[%get3A_2, %get3A_3] : memref<64x128xf32, #tpu.memory_space<vmem>>, vector<64x128xf32>
    %dot_general3A = arith.constant dense<0.000000e+00> : vector<2000x128xf32>
    %dot_general3A_5 = tpu.matmul %get3A_1, %get3A_4, %dot_general3A {dimension_numbers = #tpu.dot_dimension_numbers<[1], [0], [0], [1], [0, 0, 1, 1], [], []>, transpose_lhs_hint = false} : vector<2000x64xf32>, vector<64x128xf32>, vector<2000x128xf32> -> vector<2000x128xf32>
    %get3A_6 = arith.constant 0 : index
    %get3A_7 = arith.constant 0 : index
    %get3A_8 = vector.load %arg2[%get3A_6, %get3A_7] : memref<2000x128xf32, #tpu.memory_space<vmem>>, vector<2000x128xf32>
    %get3A_9 = arith.constant 0 : index
    %get3A_10 = arith.constant 0 : index
    %get3A_11 = vector.load %arg3[%get3A_9, %get3A_10] : memref<2000x128xf32, #tpu.memory_space<vmem>>, vector<2000x128xf32>
    %add3A = arith.addf %get3A_8, %get3A_11 : vector<2000x128xf32>
    %get3A_12 = arith.constant 0 : index
    %get3A_13 = arith.constant 0 : index
    %get3A_14 = vector.load %arg5[%get3A_12, %get3A_13] : memref<1x128xf32, #tpu.memory_space<vmem>>, vector<1x128xf32>
    %add3A_15 = vector.broadcast %get3A_14 : vector<1x128xf32> to vector<2000x128xf32>
    %add3A_16 = arith.addf %dot_general3A_5, %add3A_15 : vector<2000x128xf32>
    %add3A_17 = arith.addf %add3A_16, %add3A : vector<2000x128xf32>
    %ge3A = arith.constant 0.000000e+00 : f32
    %ge3A_18 = vector.broadcast %ge3A : f32 to vector<2000x128xf32>
    %ge3A_19 = arith.cmpf oge, %add3A_17, %ge3A_18 : vector<2000x128xf32>
    %mul3A = arith.constant 0.00999999977 : f32
    %mul3A_20 = vector.broadcast %mul3A : f32 to vector<2000x128xf32>
    %mul3A_21 = arith.mulf %mul3A_20, %add3A_17 : vector<2000x128xf32>
    %select_n3A = arith.select %ge3A_19, %add3A_17, %mul3A_21 : vector<2000x128xi1>, vector<2000x128xf32>
    %get3A_22 = arith.constant 0 : index
    %get3A_23 = arith.constant 0 : index
    %get3A_24 = vector.load %arg6[%get3A_22, %get3A_23] : memref<128x128xf32, #tpu.memory_space<vmem>>, vector<128x128xf32>
    %dot_general3A_25 = arith.constant dense<0.000000e+00> : vector<2000x128xf32>
    %dot_general3A_26 = tpu.matmul %select_n3A, %get3A_24, %dot_general3A_25 {dimension_numbers = #tpu.dot_dimension_numbers<[1], [0], [0], [1], [0, 0, 1, 1], [], []>, transpose_lhs_hint = false} : vector<2000x128xf32>, vector<128x128xf32>, vector<2000x128xf32> -> vector<2000x128xf32>
    %get3A_27 = arith.constant 0 : index
    %get3A_28 = arith.constant 0 : index
    %get3A_29 = vector.load %arg7[%get3A_27, %get3A_28] : memref<1x128xf32, #tpu.memory_space<vmem>>, vector<1x128xf32>
    %add3A_30 = vector.broadcast %get3A_29 : vector<1x128xf32> to vector<2000x128xf32>
    %add3A_31 = arith.addf %dot_general3A_26, %add3A_30 : vector<2000x128xf32>
    %ge3A_32 = arith.constant 0.000000e+00 : f32
    %ge3A_33 = vector.broadcast %ge3A_32 : f32 to vector<2000x128xf32>
    %ge3A_34 = arith.cmpf oge, %add3A_31, %ge3A_33 : vector<2000x128xf32>
    %mul3A_35 = arith.constant 0.00999999977 : f32
    %mul3A_36 = vector.broadcast %mul3A_35 : f32 to vector<2000x128xf32>
    %mul3A_37 = arith.mulf %mul3A_36, %add3A_31 : vector<2000x128xf32>
    %select_n3A_38 = arith.select %ge3A_34, %add3A_31, %mul3A_37 : vector<2000x128xi1>, vector<2000x128xf32>
    %swap3A = arith.constant 0 : index
    %swap3A_39 = arith.constant 0 : index
    %swap3A_40 = vector.load %arg8[%swap3A, %swap3A_39] : memref<2000x128xf32, #tpu.memory_space<vmem>>, vector<2000x128xf32>
    tpu.vector_store %arg8[%swap3A, %swap3A_39], %select_n3A_38 {strides = array<i32>} : memref<2000x128xf32, #tpu.memory_space<vmem>>, vector<2000x128xf32>,
    %eq3A = arith.constant 0 : i32
    %eq3A_41 = arith.cmpi eq, %arg0, %eq3A : i32
    %convert_element_type3A = arith.extui %eq3A_41 : i1 to i32
    %cond3A = arith.constant 0 : i32
    %cond3A_42 = arith.cmpi ne, %convert_element_type3A, %cond3A : i32
    scf.if %cond3A_42 {
      %broadcast_in_dim3A_51 = arith.constant 0.000000e+00 : f32
      %broadcast_in_dim3A_52 = vector.broadcast %broadcast_in_dim3A_51 : f32 to vector<1x128xf32>
      %swap3A_53 = arith.constant 0 : index
      %swap3A_54 = arith.constant 0 : index
      %swap3A_55 = vector.load %arg9[%swap3A_53, %swap3A_54] : memref<1x128xf32, #tpu.memory_space<vmem>>, vector<1x128xf32>
      tpu.vector_store %arg9[%swap3A_53, %swap3A_54], %broadcast_in_dim3A_52 {strides = array<i32>} : memref<1x128xf32, #tpu.memory_space<vmem>>, vector<1x128xf32>,
    } else {
    }
    %get3A_43 = arith.constant 0 : index
    %get3A_44 = arith.constant 0 : index
    %get3A_45 = vector.load %arg9[%get3A_43, %get3A_44] : memref<1x128xf32, #tpu.memory_space<vmem>>, vector<1x128xf32>
    %reduce_sum3A = arith.constant dense<0.000000e+00> : vector<128xf32>
    %reduce_sum3A_46 = vector.multi_reduction <add>, %select_n3A_38, %reduce_sum3A [0] : vector<2000x128xf32> to vector<128xf32>
    %broadcast_in_dim3A = vector.shape_cast %reduce_sum3A_46 : vector<128xf32> to vector<1x128xf32>
    %add3A_47 = arith.addf %get3A_45, %broadcast_in_dim3A : vector<1x128xf32>
    %swap3A_48 = arith.constant 0 : index
    %swap3A_49 = arith.constant 0 : index
    %swap3A_50 = vector.load %arg9[%swap3A_48, %swap3A_49] : memref<1x128xf32, #tpu.memory_space<vmem>>, vector<1x128xf32>
    tpu.vector_store %arg9[%swap3A_48, %swap3A_49], %add3A_47 {strides = array<i32>} : memref<1x128xf32, #tpu.memory_space<vmem>>, vector<1x128xf32>,
    return
  }
  func.func @transform_0(%arg0: i32) -> (i32, i32) {
    %c0_i32 = arith.constant 0 : i32
    %c0_i32_0 = arith.constant 0 : i32
    return %arg0, %c0_i32 : i32, i32
  }
  func.func @transform_1(%arg0: i32) -> (i32, i32) {
    %c0_i32 = arith.constant 0 : i32
    %c0_i32_0 = arith.constant 0 : i32
    return %arg0, %c0_i32 : i32, i32
  }
  func.func @transform_2(%arg0: i32) -> (i32, i32) {
    %c0_i32 = arith.constant 0 : i32
    %c0_i32_0 = arith.constant 0 : i32
    return %arg0, %c0_i32 : i32, i32
  }
  func.func @transform_3(%arg0: i32) -> (i32, i32) {
    %c0_i32 = arith.constant 0 : i32
    %c0_i32_0 = arith.constant 0 : i32
    %c0_i32_1 = arith.constant 0 : i32
    return %c0_i32, %c0_i32_0 : i32, i32
  }
  func.func @transform_4(%arg0: i32) -> (i32, i32) {
    %c0_i32 = arith.constant 0 : i32
    %c0_i32_0 = arith.constant 0 : i32
    %c0_i32_1 = arith.constant 0 : i32
    return %c0_i32, %c0_i32_0 : i32, i32
  }
  func.func @transform_5(%arg0: i32) -> (i32, i32) {
    %c0_i32 = arith.constant 0 : i32
    %c0_i32_0 = arith.constant 0 : i32
    %c0_i32_1 = arith.constant 0 : i32
    return %c0_i32, %c0_i32_0 : i32, i32
  }
  func.func @transform_6(%arg0: i32) -> (i32, i32) {
    %c0_i32 = arith.constant 0 : i32
    %c0_i32_0 = arith.constant 0 : i32
    %c0_i32_1 = arith.constant 0 : i32
    return %c0_i32, %c0_i32_0 : i32, i32
  }
  func.func @transform_7(%arg0: i32) -> (i32, i32) {
    %c0_i32 = arith.constant 0 : i32
    %c0_i32_0 = arith.constant 0 : i32
    return %arg0, %c0_i32 : i32, i32
  }
  func.func @transform_8(%arg0: i32) -> (i32, i32) {
    %c0_i32 = arith.constant 0 : i32
    %c0_i32_0 = arith.constant 0 : i32
    %c0_i32_1 = arith.constant 0 : i32
    return %c0_i32, %c0_i32_0 : i32, i32
  }
}

module attributes {stable_mosaic.version = 14 : i64} {
  func.func @_node_body(%arg0: memref<10000x128xf32, #tpu.memory_space<vmem>>, %arg1: memref<2x10000x32xf32, #tpu.memory_space<vmem>>, %arg2: memref<1x128xf32, #tpu.memory_space<vmem>>, %arg3: memref<128x32xf32, #tpu.memory_space<vmem>>, %arg4: memref<32x32xf32, #tpu.memory_space<vmem>>, %arg5: memref<1x32xf32, #tpu.memory_space<vmem>>, %arg6: memref<32x32xf32, #tpu.memory_space<vmem>>, %arg7: memref<1x32xf32, #tpu.memory_space<vmem>>, %arg8: memref<64x32xf32, #tpu.memory_space<vmem>>, %arg9: memref<1x32xf32, #tpu.memory_space<vmem>>, %arg10: memref<32x32xf32, #tpu.memory_space<vmem>>, %arg11: memref<1x32xf32, #tpu.memory_space<vmem>>, %arg12: memref<10000x32xf32, #tpu.memory_space<vmem>>, %arg13: memref<1x32xf32, #tpu.memory_space<vmem>>) attributes {dimension_semantics = [], scalar_prefetch = 0 : i64, scratch_operands = 0 : i64, tpu.core_type = #tpu.core_type<tc>} {
    %get3A = arith.constant 0 : index
    %get3A_0 = arith.constant 0 : index
    %get3A_1 = arith.constant 0 : index
    %get3A_2 = vector.load %arg1[%get3A, %get3A_0, %get3A_1] : memref<2x10000x32xf32, #tpu.memory_space<vmem>>, vector<1x10000x32xf32>
    %get3A_3 = vector.shape_cast %get3A_2 : vector<1x10000x32xf32> to vector<10000x32xf32>
    %get3A_4 = arith.constant 1 : index
    %get3A_5 = arith.constant 0 : index
    %get3A_6 = arith.constant 0 : index
    %get3A_7 = vector.load %arg1[%get3A_4, %get3A_5, %get3A_6] : memref<2x10000x32xf32, #tpu.memory_space<vmem>>, vector<1x10000x32xf32>
    %get3A_8 = vector.shape_cast %get3A_7 : vector<1x10000x32xf32> to vector<10000x32xf32>
    %add3A = arith.addf %get3A_3, %get3A_8 : vector<10000x32xf32>
    %get3A_9 = arith.constant 0 : index
    %get3A_10 = arith.constant 0 : index
    %get3A_11 = vector.load %arg0[%get3A_9, %get3A_10] : memref<10000x128xf32, #tpu.memory_space<vmem>>, vector<10000x128xf32>
    %get3A_12 = arith.constant 0 : index
    %get3A_13 = arith.constant 0 : index
    %get3A_14 = vector.load %arg3[%get3A_12, %get3A_13] : memref<128x32xf32, #tpu.memory_space<vmem>>, vector<128x32xf32>
    %dot_general3A = arith.constant dense<0.000000e+00> : vector<10000x32xf32>
    %dot_general3A_15 = tpu.matmul %get3A_11, %get3A_14, %dot_general3A {dimension_numbers = #tpu.dot_dimension_numbers<[1], [0], [0], [1], [0, 0, 1, 1], [], []>, transpose_lhs_hint = false} : vector<10000x128xf32>, vector<128x32xf32>, vector<10000x32xf32> -> vector<10000x32xf32>
    %get3A_16 = arith.constant 0 : index
    %get3A_17 = arith.constant 0 : index
    %get3A_18 = vector.load %arg4[%get3A_16, %get3A_17] : memref<32x32xf32, #tpu.memory_space<vmem>>, vector<32x32xf32>
    %dot_general3A_19 = arith.constant dense<0.000000e+00> : vector<10000x32xf32>
    %dot_general3A_20 = tpu.matmul %add3A, %get3A_18, %dot_general3A_19 {dimension_numbers = #tpu.dot_dimension_numbers<[1], [0], [0], [1], [0, 0, 1, 1], [], []>, transpose_lhs_hint = false} : vector<10000x32xf32>, vector<32x32xf32>, vector<10000x32xf32> -> vector<10000x32xf32>
    %add3A_21 = arith.addf %dot_general3A_15, %dot_general3A_20 : vector<10000x32xf32>
    %get3A_22 = arith.constant 0 : index
    %get3A_23 = arith.constant 0 : index
    %get3A_24 = vector.load %arg5[%get3A_22, %get3A_23] : memref<1x32xf32, #tpu.memory_space<vmem>>, vector<1x32xf32>
    %add3A_25 = vector.broadcast %get3A_24 : vector<1x32xf32> to vector<10000x32xf32>
    %add3A_26 = arith.addf %add3A_21, %add3A_25 : vector<10000x32xf32>
    %ge3A = arith.constant 0.000000e+00 : f32
    %ge3A_27 = vector.broadcast %ge3A : f32 to vector<10000x32xf32>
    %ge3A_28 = arith.cmpf oge, %add3A_26, %ge3A_27 : vector<10000x32xf32>
    %mul3A = arith.constant 0.00999999977 : f32
    %mul3A_29 = vector.broadcast %mul3A : f32 to vector<10000x32xf32>
    %mul3A_30 = arith.mulf %mul3A_29, %add3A_26 : vector<10000x32xf32>
    %select_n3A = arith.select %ge3A_28, %add3A_26, %mul3A_30 : vector<10000x32xi1>, vector<10000x32xf32>
    %get3A_31 = arith.constant 0 : index
    %get3A_32 = arith.constant 0 : index
    %get3A_33 = vector.load %arg6[%get3A_31, %get3A_32] : memref<32x32xf32, #tpu.memory_space<vmem>>, vector<32x32xf32>
    %dot_general3A_34 = arith.constant dense<0.000000e+00> : vector<10000x32xf32>
    %dot_general3A_35 = tpu.matmul %select_n3A, %get3A_33, %dot_general3A_34 {dimension_numbers = #tpu.dot_dimension_numbers<[1], [0], [0], [1], [0, 0, 1, 1], [], []>, transpose_lhs_hint = false} : vector<10000x32xf32>, vector<32x32xf32>, vector<10000x32xf32> -> vector<10000x32xf32>
    %get3A_36 = arith.constant 0 : index
    %get3A_37 = arith.constant 0 : index
    %get3A_38 = vector.load %arg7[%get3A_36, %get3A_37] : memref<1x32xf32, #tpu.memory_space<vmem>>, vector<1x32xf32>
    %add3A_39 = vector.broadcast %get3A_38 : vector<1x32xf32> to vector<10000x32xf32>
    %add3A_40 = arith.addf %dot_general3A_35, %add3A_39 : vector<10000x32xf32>
    %ge3A_41 = arith.constant 0.000000e+00 : f32
    %ge3A_42 = vector.broadcast %ge3A_41 : f32 to vector<10000x32xf32>
    %ge3A_43 = arith.cmpf oge, %add3A_40, %ge3A_42 : vector<10000x32xf32>
    %mul3A_44 = arith.constant 0.00999999977 : f32
    %mul3A_45 = vector.broadcast %mul3A_44 : f32 to vector<10000x32xf32>
    %mul3A_46 = arith.mulf %mul3A_45, %add3A_40 : vector<10000x32xf32>
    %select_n3A_47 = arith.select %ge3A_43, %add3A_40, %mul3A_46 : vector<10000x32xi1>, vector<10000x32xf32>
    %swap3A = arith.constant 0 : index
    %swap3A_48 = arith.constant 0 : index
    %swap3A_49 = vector.load %arg12[%swap3A, %swap3A_48] : memref<10000x32xf32, #tpu.memory_space<vmem>>, vector<10000x32xf32>
    tpu.vector_store %arg12[%swap3A, %swap3A_48], %select_n3A_47 {strides = array<i32>} : memref<10000x32xf32, #tpu.memory_space<vmem>>, vector<10000x32xf32>,
    %reduce_sum3A = arith.constant dense<0.000000e+00> : vector<32xf32>
    %reduce_sum3A_50 = vector.multi_reduction <add>, %select_n3A_47, %reduce_sum3A [0] : vector<10000x32xf32> to vector<32xf32>
    %broadcast_in_dim3A = vector.shape_cast %reduce_sum3A_50 : vector<32xf32> to vector<1x32xf32>
    %get3A_51 = arith.constant 0 : index
    %get3A_52 = arith.constant 0 : index
    %get3A_53 = vector.load %arg2[%get3A_51, %get3A_52] : memref<1x128xf32, #tpu.memory_space<vmem>>, vector<1x128xf32>
    %slice3A = vector.extract_strided_slice %get3A_53 {offsets = [0, 0], sizes = [1, 32], strides = [1, 1]} : vector<1x128xf32> to vector<1x32xf32>
    %slice3A_54 = vector.extract_strided_slice %get3A_53 {offsets = [0, 32], sizes = [1, 32], strides = [1, 1]} : vector<1x128xf32> to vector<1x32xf32>
    %add3A_55 = arith.addf %slice3A, %slice3A_54 : vector<1x32xf32>
    %slice3A_56 = vector.extract_strided_slice %get3A_53 {offsets = [0, 64], sizes = [1, 32], strides = [1, 1]} : vector<1x128xf32> to vector<1x32xf32>
    %add3A_57 = arith.addf %add3A_55, %slice3A_56 : vector<1x32xf32>
    %slice3A_58 = vector.extract_strided_slice %get3A_53 {offsets = [0, 96], sizes = [1, 32], strides = [1, 1]} : vector<1x128xf32> to vector<1x32xf32>
    %add3A_59 = arith.addf %add3A_57, %slice3A_58 : vector<1x32xf32>
    %get3A_60 = arith.constant 0 : index
    %get3A_61 = arith.constant 0 : index
    %get3A_62 = vector.load %arg8[%get3A_60, %get3A_61] : memref<64x32xf32, #tpu.memory_space<vmem>>, vector<32x32xf32>
    %dot_general3A_63 = arith.constant dense<0.000000e+00> : vector<1x32xf32>
    %dot_general3A_64 = tpu.matmul %broadcast_in_dim3A, %get3A_62, %dot_general3A_63 {dimension_numbers = #tpu.dot_dimension_numbers<[1], [0], [0], [1], [0, 0, 1, 1], [], []>, transpose_lhs_hint = false} : vector<1x32xf32>, vector<32x32xf32>, vector<1x32xf32> -> vector<1x32xf32>
    %get3A_65 = arith.constant 32 : index
    %get3A_66 = arith.constant 0 : index
    %get3A_67 = vector.load %arg8[%get3A_65, %get3A_66] : memref<64x32xf32, #tpu.memory_space<vmem>>, vector<32x32xf32>
    %dot_general3A_68 = arith.constant dense<0.000000e+00> : vector<1x32xf32>
    %dot_general3A_69 = tpu.matmul %add3A_59, %get3A_67, %dot_general3A_68 {dimension_numbers = #tpu.dot_dimension_numbers<[1], [0], [0], [1], [0, 0, 1, 1], [], []>, transpose_lhs_hint = false} : vector<1x32xf32>, vector<32x32xf32>, vector<1x32xf32> -> vector<1x32xf32>
    %add3A_70 = arith.addf %dot_general3A_64, %dot_general3A_69 : vector<1x32xf32>
    %get3A_71 = arith.constant 0 : index
    %get3A_72 = arith.constant 0 : index
    %get3A_73 = vector.load %arg9[%get3A_71, %get3A_72] : memref<1x32xf32, #tpu.memory_space<vmem>>, vector<1x32xf32>
    %add3A_74 = arith.addf %add3A_70, %get3A_73 : vector<1x32xf32>
    %ge3A_75 = arith.constant 0.000000e+00 : f32
    %ge3A_76 = vector.broadcast %ge3A_75 : f32 to vector<1x32xf32>
    %ge3A_77 = arith.cmpf oge, %add3A_74, %ge3A_76 : vector<1x32xf32>
    %mul3A_78 = arith.constant 0.00999999977 : f32
    %mul3A_79 = vector.broadcast %mul3A_78 : f32 to vector<1x32xf32>
    %mul3A_80 = arith.mulf %mul3A_79, %add3A_74 : vector<1x32xf32>
    %select_n3A_81 = arith.select %ge3A_77, %add3A_74, %mul3A_80 : vector<1x32xi1>, vector<1x32xf32>
    %get3A_82 = arith.constant 0 : index
    %get3A_83 = arith.constant 0 : index
    %get3A_84 = vector.load %arg10[%get3A_82, %get3A_83] : memref<32x32xf32, #tpu.memory_space<vmem>>, vector<32x32xf32>
    %dot_general3A_85 = arith.constant dense<0.000000e+00> : vector<1x32xf32>
    %dot_general3A_86 = tpu.matmul %select_n3A_81, %get3A_84, %dot_general3A_85 {dimension_numbers = #tpu.dot_dimension_numbers<[1], [0], [0], [1], [0, 0, 1, 1], [], []>, transpose_lhs_hint = false} : vector<1x32xf32>, vector<32x32xf32>, vector<1x32xf32> -> vector<1x32xf32>
    %get3A_87 = arith.constant 0 : index
    %get3A_88 = arith.constant 0 : index
    %get3A_89 = vector.load %arg11[%get3A_87, %get3A_88] : memref<1x32xf32, #tpu.memory_space<vmem>>, vector<1x32xf32>
    %add3A_90 = arith.addf %dot_general3A_86, %get3A_89 : vector<1x32xf32>
    %ge3A_91 = arith.constant 0.000000e+00 : f32
    %ge3A_92 = vector.broadcast %ge3A_91 : f32 to vector<1x32xf32>
    %ge3A_93 = arith.cmpf oge, %add3A_90, %ge3A_92 : vector<1x32xf32>
    %mul3A_94 = arith.constant 0.00999999977 : f32
    %mul3A_95 = vector.broadcast %mul3A_94 : f32 to vector<1x32xf32>
    %mul3A_96 = arith.mulf %mul3A_95, %add3A_90 : vector<1x32xf32>
    %select_n3A_97 = arith.select %ge3A_93, %add3A_90, %mul3A_96 : vector<1x32xi1>, vector<1x32xf32>
    %swap3A_98 = arith.constant 0 : index
    %swap3A_99 = arith.constant 0 : index
    %swap3A_100 = vector.load %arg13[%swap3A_98, %swap3A_99] : memref<1x32xf32, #tpu.memory_space<vmem>>, vector<1x32xf32>
    tpu.vector_store %arg13[%swap3A_98, %swap3A_99], %select_n3A_97 {strides = array<i32>} : memref<1x32xf32, #tpu.memory_space<vmem>>, vector<1x32xf32>,
    return
  }
}

</mosaic_0001>

<sc_bundles>
// kernel: kernel.10.cloned.1.call-start
scs
__scs_entry_jumppad:
0x0: {  	(pc) =	sbr.rel $0x88, $3  }
0x1: {  	(tag) =	ssettag $0x0;
	lr =	simm.s32 $0x1  }
0x2: {  	[smem:$0x3F91] =	sst lr;
	_ =	strace $0xD0000000  }
0x3: {  	_ = 	snop  }
0x4: {  	_ = 	snop  }
0x5: {  	_ = 	snop  }
0x6: {  	_ = 	snop  }
0x7: {  	_ = 	snop  }
__scs_overlays_trampoline_lowered:
0x8: {  	[smem:$0x3FA0] =	sst s0  }
0x9: {  	[smem:$0x3FA1] =	sst s1  }
0xa: {  	[smem:$0x3FA2] =	sst s2  }
0xb: {  	[smem:$0x3FA3] =	sst s3  }
0xc: {  	[smem:$0x3FA4] =	sst s4  }
0xd: {  	[smem:$0x3FA5] =	sst s5  }
0xe: {  	[smem:$0x3FA6] =	sst s6  }
0xf: {  	[smem:$0x3FA7] =	sst s7  }
0x10: {  	[smem:$0x3FA8] =	sst s8  }
0x11: {  	[smem:$0x3FA9] =	sst s9;
	s0 =	simm.s32 @!p0 $0x0  }
0x12: {  	s1 =	sld [smem:$0x3F8F];
	s0 =	simm.s32 @p0 $0x1  }
0x13: {  	[smem:$0x3FAA] =	sst s0;
	s0 =	simm.s32 @!p1 $0x0  }
0x14: {  	s2 =	sld [smem:$0x3F8E];
	s0 =	simm.s32 @p1 $0x1  }
0x15: {  	[smem:$0x3FAB] =	sst s0;
	s0 =	simm.s32 @!p2 $0x0  }
0x16: {  	s3 =	sld [smem:$0x3FDB];
	s0 =	simm.s32 @p2 $0x1  }
0x17: {  	s4 =	simm.s32 $0x1BF5;
	[smem:$0x3FAD] =	sst s0  }
0x18: {  	s0 =	sld [smem:$0x3F90];
	_ =	swait.ge [sflag:s4], $0x0  }
0x19: {  	s7 =	sld [smem:$0x3F91]  }
0x1a: {  	s8 =	sadd.s32 $0xFFFFE003, lr  }
0x1b: {  	s9 =	sadd.s32 $0xFFFFFEF7, lr;
	s5 =	simm.s32 $0xFFFFFFFF;
	p2 =	slt.u32 s8, $0xFFFFF086  }
0x1c: {  	p1 =	slt.u32 s9, $0xF7A;
	s5 =	simm.s32 @!p2 $0x0  }
0x1d: {  	s5 =	simm.s32 @p1 $0x1;
	p0 =	seq.s32 s7, s2  }
0x1e: {  	s7 =	smul.u32 @!p0 $0xF7A, s2;
	p2 =	seq.s32 @!p0 s5, $0x0  }
0x1f: {  	s9 =	smul.u32 $0xF7A, s1;
	s8 =	simm.s32 @!p0 $0x1BF5;
	p2 =	por !p2, p0  }
0x20: {  	[sflag:s8] =	ssyncset.s32 @!p0 $0xFFFFF086;
	s6 =	sadd.s32 @!p0 s3, s7;
	s7 =	simm.s32 @!p0 $0x108  }
0x21: {  	s3 =	sadd.s32 s3, s9;
	s6 =	sadd.s32 @!p0 $0x88, s6;
	s7 =	simm.s32 @p2 $0x1082  }
0x22: {  	[simem:s7], [sflag:s8] =	dma.local @!p0 [hbm:s6], $0xF7A  }
0x23: {  	s9 =	sor.u32 $0xD0000000, s2;
	s6 =	simm.s32 $0x108;
	_ =	swait.ge @!p0 [sflag:s8], $0x0  }
0x24: {  	s3 =	sadd.s32 $0x88, s3;
	s6 =	simm.s32 @!p1 $0x1082;
	[sflag:s4] =	ssyncset.s32 $0xFFFFF086  }
0x25: {  	[simem:s6], [sflag:s4] =	dma.local [hbm:s3], $0xF7A  }
0x26: {  	[smem:$0x3F91] =	sst s1;
	(tag) =	ssettag s2;
	_ =	strace s9  }
0x27: {  	s1 =	sld [smem:$0x3FA1]  }
0x28: {  	s2 =	sld [smem:$0x3FA2]  }
0x29: {  	s4 =	sld [smem:$0x3FA4]  }
0x2a: {  	p0 =	seq.s32 s5, $0x0;
	s5 =	sld [smem:$0x3FA5]  }
0x2b: {  	s6 =	sld [smem:$0x3FA6]  }
0x2c: {  	s7 =	sld [smem:$0x3FA7]  }
0x2d: {  	s3 =	simm.s32 $0x108;
	s8 =	sld [smem:$0x3FA8]  }
0x2e: {  	s3 =	simm.s32 @!p0 $0x1082;
	s9 =	sld [smem:$0x3FA9]  }
0x2f: {  	lr =	sadd.s32 s0, s3;
	s0 =	sld [smem:$0x3FA0]  }
0x30: {  	s3 =	sld [smem:$0x3FA3]  }
0x31: {  	[smem:$0x3FAC] =	sst s10  }
0x32: {  	s10 =	sld [smem:$0x3FAA];
	_ =	sdelay $0x3  }
0x33: {  	p0 =	seq.s32 s10, $0x1;
	s10 =	sld [smem:$0x3FAC];
	_ =	sdelay $0x3  }
0x34: {  	[smem:$0x3FAC] =	sst s10  }
0x35: {  	s10 =	sld [smem:$0x3FAB];
	_ =	sdelay $0x3  }
0x36: {  	p1 =	seq.s32 s10, $0x1;
	s10 =	sld [smem:$0x3FAC];
	_ =	sdelay $0x3  }
0x37: {  	[smem:$0x3FAC] =	sst s10  }
0x38: {  	s10 =	sld [smem:$0x3FAD]  }
0x39: {  	_ = 	snop;
	(pc) =	sbr.ind lr, $3  }
0x3a: {  	_ = 	snop  }
0x3b: {  	_ = 	snop  }
0x3c: {  	p2 =	seq.s32 s10, $0x1;
	s10 =	sld [smem:$0x3FAC]  }
0x3d: {  	_ =	shalt  }
0x3e: {  	_ =	shalt  }
0x3f: {  	_ =	shalt  }
0x40: {  	_ =	shalt  }
0x41: {  	_ =	shalt  }
0x42: {  	_ =	shalt  }
0x43: {  	_ =	shalt  }
0x44: {  	_ =	shalt  }
0x45: {  	_ =	shalt  }
0x46: {  	_ =	shalt  }
0x47: {  	_ =	shalt  }
0x48: {  	_ =	shalt  }
0x49: {  	_ =	shalt  }
0x4a: {  	_ =	shalt  }
0x4b: {  	_ =	shalt  }
0x4c: {  	_ =	shalt  }
0x4d: {  	_ =	shalt  }
0x4e: {  	_ =	shalt  }
0x4f: {  	_ =	shalt  }
0x50: {  	_ =	shalt  }
0x51: {  	_ =	shalt  }
0x52: {  	_ =	shalt  }
0x53: {  	_ =	shalt  }
0x54: {  	_ =	shalt  }
0x55: {  	_ =	shalt  }
0x56: {  	_ =	shalt  }
0x57: {  	_ =	shalt  }
0x58: {  	_ =	shalt  }
0x59: {  	_ =	shalt  }
0x5a: {  	_ =	shalt  }
0x5b: {  	_ =	shalt  }
0x5c: {  	_ =	shalt  }
0x5d: {  	_ =	shalt  }
0x5e: {  	_ =	shalt  }
0x5f: {  	_ =	shalt  }
0x60: {  	_ =	shalt  }
0x61: {  	_ =	shalt  }
0x62: {  	_ =	shalt  }
0x63: {  	_ =	shalt  }
0x64: {  	_ =	shalt  }
0x65: {  	_ =	shalt  }
0x66: {  	_ =	shalt  }
0x67: {  	_ =	shalt  }
0x68: {  	_ =	shalt  }
0x69: {  	_ =	shalt  }
0x6a: {  	_ =	shalt  }
0x6b: {  	_ =	shalt  }
0x6c: {  	_ =	shalt  }
0x6d: {  	_ =	shalt  }
0x6e: {  	_ =	shalt  }
0x6f: {  	_ =	shalt  }
0x70: {  	_ =	shalt  }
0x71: {  	_ =	shalt  }
0x72: {  	_ =	shalt  }
0x73: {  	_ =	shalt  }
0x74: {  	_ =	shalt  }
0x75: {  	_ =	shalt  }
0x76: {  	_ =	shalt  }
0x77: {  	_ =	shalt  }
0x78: {  	_ =	shalt  }
0x79: {  	_ =	shalt  }
0x7a: {  	_ =	shalt  }
0x7b: {  	_ =	shalt  }
0x7c: {  	_ =	shalt  }
0x7d: {  	_ =	shalt  }
0x7e: {  	_ =	shalt  }
0x7f: {  	_ =	shalt  }
0x80: {  	_ =	shalt  }
0x81: {  	_ =	shalt  }
0x82: {  	_ =	shalt  }
0x83: {  	_ =	shalt  }
0x84: {  	_ =	shalt  }
0x85: {  	_ =	shalt  }
0x86: {  	_ =	shalt  }
0x87: {  	_ =	shalt  }
.Lfunc_end0:
.L_simem_size_0:
called_computation.2_lowered:
.L_overlay_start_0:
0x88: {  	s2 =	sld [smem:$0x3FD9]  }
0x89: {  	s3 =	sld [smem:$0x3FFE];
	_ =	sdelay $0x1  }
0x8a: {  	s1 =	srdreg.scid  }
0x8b: {  	s0 =	sand.u32 $0x1, s1  }
0x8c: {  	s17 =	sshll.u32 s0, $0xA;
	s2 =	sadd.s32 s3, s2  }
0x8d: {  	s2 =	sadd.s32 s2, s17  }
0x8e: {  	[smem:$0x3FB8] =	sst s2  }
0x8f: {  	_ = 	snop  }
0x90: {  	s2 =	sld [smem:$0x3FC6];
	(tm) =	ssettm $0x1  }
0x91: {  	s18 =	sld [smem:$0x3FFB];
	_ =	sdelay $0x3  }
0x92: {  	_ =	strace s18  }
0x93: {  	s3 =	sld [smem:$0x3FFC];
	_ =	sdelay $0x3  }
0x94: {  	_ =	strace s3  }
0x95: {  	s3 =	sld [smem:$0x3FFD];
	_ =	sdelay $0x3  }
0x96: {  	_ =	strace s3  }
0x97: {  	_ =	strace $0x8FFFFFFF  }
0x98: {  	s19 =	sld [smem:$0x3FDB];
	_ =	sdelay $0x1  }
0x99: {  	s4 =	simm.s32 $_scs_section_size  }
0x9a: {  	s5 =	simm.s32 $_size__tile_overlayer_lowered;
	s6 =	simm.s32 $_tile_overlayer_lowered  }
0x9b: {  	s22 =	simm.s32 $0x1BFF;
	s21 =	sshll.u32 s6, $0x1;
	s3 =	sadd.s32 s4, s19  }
0x9c: {  	s7 =	simm.s32 $0x0;
	s20 =	sshll.u32 s5, $0x1;
	s5 =	sadd.s32 s21, s3  }
0x9d: {  	[timem:s7], [sflag:s22] =	dma.local [hbm:s5], s20  }
0x9e: {  	_ =	swait.ge [sflag:s22], s20  }
0x9f: {  	s4 =	ssub.s32 $0x0, s20;
	[sflag:s22] =	ssyncset.done $0x0  }
0xa0: {  	[sflag:s22] =	ssyncadd.s32 s4;
	_ =	sdelay $0x1  }
0xa1: {  	s23 =	simm.s32 $0x1B8B  }
0xa2: {  	_ =	swait.ge [sflag:s23], $0x1  }
0xa3: {  	[sflag:s23] =	ssyncset.done $0x0  }
0xa4: {  	s25 =	simm.s32 $0x1B8E;
	s24 =	sld [smem:$0x3FFE];
	[sflag:s23] =	ssyncadd.s32 $0xFFFFFFFF  }
0xa5: {  	s26 =	simm.s32 $execute0_lowered;
	[smem:$0x3FD2] =	sst s25  }
0xa6: {  	s5 =	sshll.u32 s26, $0x1;
	_ =	strace $0x80000049;
	[dreg:$0x1] =	wrdreg $0xFFFFFFFF  }
0xa7: {  	s28 =	simm.s32 $_size_execute0_lowered;
	s3 =	sadd.s32 s3, s5;
	[dreg:$0x0] =	wrdreg $0x0  }
0xa8: {  	s5 =	sshll.u32 s28, $0x1;
	[dreg:$0x2] =	wrdreg s3  }
0xa9: {  	[dreg:$0x3] =	wrdreg s5  }
0xaa: {  	[dreg:$0x4] =	wrdreg $0xC0  }
0xab: {  	_ =	task [dreg:s7], $0x5FFFF  }
0xac: {  	[dreg:$0x1] =	wrdreg $0xFFFFFFFF  }
0xad: {  	[dreg:$0x0] =	wrdreg $0x60  }
0xae: {  	[dreg:$0x2] =	wrdreg s24  }
0xaf: {  	[dreg:$0x3] =	wrdreg s2  }
0xb0: {  	[dreg:$0x4] =	wrdreg $0x0  }
0xb1: {  	[dreg:$0x5] =	wrdreg $0xA  }
0xb2: {  	_ =	task.clear_ibuf [dreg:s7], $0x6FFFF;
	_ =	strace $0x90000049  }
0xb3: {  	s29 =	simm.s32 $0xA;
	_ =	strace $0x8000004B  }
0xb4: {  	_ =	swait.ge [sflag:s29], $0x1  }
0xb5: {  	[sflag:s29] =	ssyncadd.s32 $0xFFFFFFFF  }
0xb6: {  	_ =	strace $0x9000004B  }
0xb7: {  	_ =	sfence  }
0xb8: {  	s30 =	sld [smem:$0x0];
	_ =	sdelay $0x2  }
0xb9: {  	s31 =	sshll.u32 s1, $0xD;
	s1 =	sshrl.u32 s1, $0x2  }
0xba: {  	s3 =	sand.u32 $0x4000, s31;
	s1 =	sadd.s32 s1, s30  }
0xbb: {  	s0 =	sor.u32 s3, s0;
	s1 =	sshll.u32 s1, $0x11  }
0xbc: {  	s0 =	sor.u32 s1, s0  }
0xbd: {  	s0 =	sadd.s32 $0x8F2B, s0  }
0xbe: {  	[sflag:s0] =	ssyncadd.remote.s32 $0x1  }
0xbf: {  	_ =	sfence.sel $0xFFFF  }
0xc0: {  	[dreg:$0x0] =	wrdreg $0xFFFFFFFF;
	(pc) =	sbr.abs _section_cstart, $3  }
0xc1: {  	[dreg:$0x1] =	wrdreg $0xFFFFFFFF  }
0xc2: {  	_ =	task.clear_ibuf [dreg:s7], $0x2FFFF;
	_ =	strace $0x9FFFFFFF  }
0xc3: {  	(tm) =	ssettm $0x7FFFFFFF  }
tec
execute0_lowered:
.L_overlay_start_1:
0x0: {  	(tag) =	ssettag $0x1  }
0x1: {  	s0 =	rddreg [dreg:$0x0]  }
0x2: {  	s2 =	rddreg [dreg:$0x1]  }
0x3: {  	s1 =	srdreg.scid;
	s14 =	stileid.u32  }
0x4: {  	s3 =	rddreg [dreg:$0x2];
	s4 =	simm.s32 $0x0;
	s28 =	simm.s32 $0x9D40  }
0x5: {  	s29 =	simm.s32 $0xBE40;
	s30 =	simm.s32 $0x9DC0;
	s8 =	smul.u32 $0x4E20, s14  }
0x6: {  	s31 =	simm.s32 $0xCE40;
	s1 =	sand.u32 $0x1, s1;
	s17 =	smul.u32 $0x14000, s14  }
0x7: {  	[smem:$0x7FF] =	sst s4;
	s9 =	sshll.u32 s14, $0x1;
	s20 =	smul.u32 $0x5000, s14  }
0x8: {  	s5 =	sadd.s32 $0x27F600, s0;
	s6 =	smul.u32 $0x4E200, s1;
	s9 =	sor.u32 s1, s9  }
0x9: {  	s14 =	simm.s32 $0x8;
	s7 =	ssub.s32 $0x2, s1;
	s11 =	smul.u32 $0x2800, s9  }
0xa: {  	s21 =	sshrl.u32 s7, $0x1;
	p0 =	seq.s32 s9, $0x1F;
	s9 =	smul.u32 $0xA000, s9  }
0xb: {  	s6 =	sadd.s32 s8, s6;
	s10 =	ssub.s32 s7, s21;
	s7 =	simm.s32 $0x4  }
0xc: {  	_ =	strace $0x8000004A;
	s6 =	sshrl.u32 s6, $0x3;
	s7 =	simm.s32 @!p0 $0x13  }
0xd: {  	s12 =	sshrl.u32 s11, $0x3;
	s23 =	sadd.s32 s5, s9;
	s24 =	sor.u32 $0x80, s11  }
0xe: {  	s13 =	sor.u32 $0x100, s11;
	s19 =	sor.u32 $0x180, s11;
	s11 =	simm.s32 $0x6  }
0xf: {  	s0 =	sadd.s32 s6, s0;
	s6 =	simm.s32 $0x4;
	[dreg:$0x4] =	wrdreg s7  }
0x10: {  	s7 =	sadd.s32 s8, s3;
	s22 =	sadd.s32 s2, s12;
	[dreg:$0x7] =	wrdreg s23  }
0x11: {  	s25 =	sshrl.u32 s24, $0x3;
	s9 =	sshll.u32 s24, $0x2;
	s12 =	sshrl.u32 s13, $0x3  }
0x12: {  	s16 =	sshll.u32 s13, $0x2;
	s21 =	sshrl.u32 s19, $0x3;
	[dreg:$0x6] =	wrdreg s22  }
0x13: {  	s13 =	simm.s32 $0x7;
	s26 =	sadd.s32 s2, s25;
	[dreg:$0x5] =	wrdreg s7  }
0x14: {  	s9 =	sadd.s32 s5, s9;
	s15 =	sadd.s32 s2, s12;
	[dreg:$0x8] =	wrdreg s26  }
0x15: {  	s18 =	sadd.s32 s5, s16;
	s22 =	smul.u32 $0x2800, s1;
	[dreg:$0x9] =	wrdreg s9  }
0x16: {  	s23 =	sadd.s32 s2, s21;
	s1 =	smul.u32 $0xA000, s1;
	[dreg:$0xa] =	wrdreg s15  }
0x17: {  	s0 =	sadd.s32 $0x4800, s0;
	s25 =	smax.u32 s10, $0x1;
	[dreg:$0xb] =	wrdreg s18  }
0x18: {  	s21 =	simm.s32 $0x4E20;
	s10 =	simm.s32 $0x2;
	[dreg:$0xc] =	wrdreg s23  }
0x19: {  	s12 =	simm.s32 $0x3;
	s9 =	sshll.u32 s19, $0x2;
	[dreg:$0xe] =	wrdreg s0  }
0x1a: {  	[dreg:$0xf] =	wrdreg s25;
	s23 =	simm.s32 $0x9C40;
	s25 =	simm.s32 $0x9CC0  }
0x1b: {  	s0 =	simm.s32 $0x80;
	s15 =	simm.s32 $0x0;
	s24 =	sadd.s32 s5, s9  }
0x1c: {  	s26 =	sadd.s32 s22, s20;
	s19 =	sadd.s32 s1, s17;
	s22 =	simm.s32 $0x9  }
0x1d: {  	s1 =	simm.s32 $0x1;
	s9 =	simm.s32 $0x5;
	[dreg:$0xd] =	wrdreg s24  }
0x1e: {  	v0 =	vimm.f32 $0.0e+00;
	s18 =	sor.u32 $0x380, s26;
	s24 =	simm.s32 $0x9E40;
	s26 =	simm.s32 $0xAE40  }
.LBB2_1:
0x1f: {  	s16 =	simm.s32 $0x80;
	s17 =	simm.s32 $0x0  }
.LBB2_2:
0x20: {  	p0 =	sne.s32 s16, $0x13800;
	[tilespmem:s17+$0x4E20] =	vst v0;
	s20 =	smov.u32 s16;
	s16 =	sadd.s32 $0x80, s16  }
.Ltmp0:
0x21: {  	[tilespmem:s17+$0x4E30] =	vst v0;
	(pc) =	sbr.rel @p0 .LBB2_2-.Ltmp0, $2  }
0x22: {  	_ =	sdelay $0x2  }
0x23: {  	s17 =	sshra.s32 s20, $0x2  }
0x24: {  	[tilespmem:s17+$0x4E20] =	vst v0  }
0x25: {  	[tilespmem:s17+$0x4E30] =	vst v0  }
0x26: {  	[spmem:s7] =	stream.linear.scatter [tilespmem:s21], [sflag:$0x9], $0x4E20, $0x38;
	[tilespmem:$0xDE40] =	vst v63  }
0x27: {  	_ =	swait.ge [sflag:s22], $0x4E20  }
0x28: {  	[sflag:s22] =	ssyncset.done $0x0  }
0x29: {  	[sflag:s22] =	ssyncadd.s32 $0xFFFFB1E0  }
0x2a: {  	[bflag:$0x0] =	sbarrier.arrive $0xFFFF  }
0x2b: {  	s8 =	rddreg [dreg:$0x6]  }
0x2c: {  	[tilespmem:s23], [sflag:$0x1] =	stream.linear.gather [hbm4b:s8+s4], $0x80, $0x38;
	[tilespmem:$0xDE40] =	vst v63  }
0x2d: {  	s16 =	rddreg [dreg:$0x7]  }
0x2e: {  	[tilespmem:s24], [sflag:$0x1] =	stream.linear.gather [hbm4b:s16+s4], $0x1000, $0x38;
	[tilespmem:$0xDE40] =	vst v63  }
0x2f: {  	s17 =	rddreg [dreg:$0x8]  }
0x30: {  	[tilespmem:s25], [sflag:$0x2] =	stream.linear.gather [hbm4b:s17+s4], $0x80, $0x38;
	[tilespmem:$0xDE40] =	vst v63  }
0x31: {  	s20 =	rddreg [dreg:$0x9]  }
0x32: {  	[tilespmem:s26], [sflag:$0x2] =	stream.linear.gather [hbm4b:s20+s4], $0x1000, $0x38;
	[tilespmem:$0xDE40] =	vst v63  }
0x33: {  	s21 =	rddreg [dreg:$0xa]  }
0x34: {  	[tilespmem:s28], [sflag:$0x3] =	stream.linear.gather [hbm4b:s21+s4], $0x80, $0x38;
	[tilespmem:$0xDE40] =	vst v63  }
0x35: {  	s8 =	rddreg [dreg:$0xb]  }
0x36: {  	[tilespmem:s29], [sflag:$0x3] =	stream.linear.gather [hbm4b:s8+s4], $0x1000, $0x38;
	[tilespmem:$0xDE40] =	vst v63  }
0x37: {  	s16 =	rddreg [dreg:$0xc]  }
0x38: {  	[tilespmem:s30], [sflag:$0x4] =	stream.linear.gather [hbm4b:s16+s4], $0x80, $0x38;
	[tilespmem:$0xDE40] =	vst v63  }
0x39: {  	s17 =	rddreg [dreg:$0xd]  }
0x3a: {  	[tilespmem:s31], [sflag:$0x4] =	stream.linear.gather [hbm4b:s17+s4], $0x1000, $0x38;
	[tilespmem:$0xDE40] =	vst v63  }
0x3b: {  	_ =	swait.ge [sflag:s1], $0x80  }
0x3c: {  	[sflag:s1] =	ssyncset.done $0x0  }
0x3d: {  	[sflag:s1] =	ssyncadd.s32 $0xFFFFFF80  }
0x3e: {  	_ =	swait.ge [sflag:s1], $0x1000  }
0x3f: {  	[sflag:s1] =	ssyncset.done $0x0  }
0x40: {  	s16 =	sadd.s32 $0xFFFFFE80, s18;
	[sflag:s1] =	ssyncadd.s32 $0xFFFFF000  }
0x41: {  	[spmem:s3] =	stream.indirect.scatter.add.f32 [tilespmem:s24], [sflag:$0x5], $0x20, s23, s0, $0xb8;
	[tilespmem:$0xDE40] =	vst v63  }
0x42: {  	s16 =	sshrl.u32 s16, $0x3;
	_ =	swait.ge [sflag:s9], $0x1000  }
0x43: {  	s20 =	sadd.s32 s2, s16;
	s16 =	sadd.s32 $0x800, s19;
	[sflag:s9] =	ssyncset.done $0x0  }
0x44: {  	s21 =	sand.u32 $0x1FFFF800, s16;
	[sflag:s9] =	ssyncadd.s32 $0xFFFFF000  }
0x45: {  	[tilespmem:s23], [sflag:$0x1] =	stream.linear.gather [hbm4b:s20+s4], $0x80, $0x38;
	[tilespmem:$0xDE40] =	vst v63  }
0x46: {  	s17 =	sadd.s32 s5, s21  }
0x47: {  	[tilespmem:s24], [sflag:$0x1] =	stream.linear.gather [hbm4b:s17+s4], $0x1000, $0x38;
	[tilespmem:$0xDE40] =	vst v63  }
0x48: {  	_ =	swait.ge [sflag:s10], $0x80  }
0x49: {  	[sflag:s10] =	ssyncset.done $0x0  }
0x4a: {  	[sflag:s10] =	ssyncadd.s32 $0xFFFFFF80  }
0x4b: {  	_ =	swait.ge [sflag:s10], $0x1000  }
0x4c: {  	[sflag:s10] =	ssyncset.done $0x0  }
0x4d: {  	[sflag:s10] =	ssyncadd.s32 $0xFFFFF000  }
0x4e: {  	[spmem:s3] =	stream.indirect.scatter.add.f32 [tilespmem:s26], [sflag:$0x6], $0x20, s25, s0, $0xb8;
	[tilespmem:$0xDE40] =	vst v63  }
0x4f: {  	s7 =	sadd.s32 $0xFFFFFF00, s18;
	_ =	swait.ge [sflag:s11], $0x1000  }
0x50: {  	s20 =	sadd.s32 $0xA00, s19;
	s17 =	sshrl.u32 s7, $0x3;
	[sflag:s11] =	ssyncset.done $0x0  }
0x51: {  	s20 =	sand.u32 $0x1FFFFA00, s20;
	s17 =	sadd.s32 s2, s17;
	[sflag:s11] =	ssyncadd.s32 $0xFFFFF000  }
0x52: {  	[tilespmem:s25], [sflag:$0x2] =	stream.linear.gather [hbm4b:s17+s4], $0x80, $0x38;
	[tilespmem:$0xDE40] =	vst v63  }
0x53: {  	s8 =	sadd.s32 s5, s20  }
0x54: {  	[tilespmem:s26], [sflag:$0x2] =	stream.linear.gather [hbm4b:s8+s4], $0x1000, $0x38;
	[tilespmem:$0xDE40] =	vst v63  }
0x55: {  	_ =	swait.ge [sflag:s12], $0x80  }
0x56: {  	[sflag:s12] =	ssyncset.done $0x0  }
0x57: {  	[sflag:s12] =	ssyncadd.s32 $0xFFFFFF80  }
0x58: {  	_ =	swait.ge [sflag:s12], $0x1000  }
0x59: {  	[sflag:s12] =	ssyncset.done $0x0  }
0x5a: {  	[sflag:s12] =	ssyncadd.s32 $0xFFFFF000  }
0x5b: {  	[spmem:s3] =	stream.indirect.scatter.add.f32 [tilespmem:s29], [sflag:$0x7], $0x20, s28, s0, $0xb8;
	[tilespmem:$0xDE40] =	vst v63  }
0x5c: {  	s20 =	sadd.s32 $0xFFFFFF80, s18;
	_ =	swait.ge [sflag:s13], $0x1000  }
0x5d: {  	s21 =	sadd.s32 $0xC00, s19;
	s17 =	sshrl.u32 s20, $0x3;
	[sflag:s13] =	ssyncset.done $0x0  }
0x5e: {  	s20 =	sand.u32 $0x1FFFFC00, s21;
	s17 =	sadd.s32 s2, s17;
	[sflag:s13] =	ssyncadd.s32 $0xFFFFF000  }
0x5f: {  	[tilespmem:s28], [sflag:$0x3] =	stream.linear.gather [hbm4b:s17+s4], $0x80, $0x38;
	[tilespmem:$0xDE40] =	vst v63  }
0x60: {  	s7 =	sadd.s32 s5, s20  }
0x61: {  	[tilespmem:s29], [sflag:$0x3] =	stream.linear.gather [hbm4b:s7+s4], $0x1000, $0x38;
	[tilespmem:$0xDE40] =	vst v63  }
0x62: {  	_ =	swait.ge [sflag:s6], $0x80  }
0x63: {  	[sflag:s6] =	ssyncset.done $0x0  }
0x64: {  	[sflag:s6] =	ssyncadd.s32 $0xFFFFFF80  }
0x65: {  	_ =	swait.ge [sflag:s6], $0x1000  }
0x66: {  	[sflag:s6] =	ssyncset.done $0x0  }
0x67: {  	[sflag:s6] =	ssyncadd.s32 $0xFFFFF000  }
0x68: {  	[spmem:s3] =	stream.indirect.scatter.add.f32 [tilespmem:s31], [sflag:$0x8], $0x20, s30, s0, $0xb8;
	[tilespmem:$0xDE40] =	vst v63  }
0x69: {  	_ =	swait.ge [sflag:s14], $0x1000  }
0x6a: {  	s20 =	rddreg [dreg:$0x4]  }
0x6b: {  	p0 =	sne.s32 s20, $0x1  }
.Ltmp1:
0x6c: {  	_ = 	snop;
	(pc) =	sbr.rel @!p0 .LBB2_5-.Ltmp1, $4  }
0x6d: {  	s8 =	sshrl.u32 s18, $0x3;
	[sflag:s14] =	ssyncset.done $0x0  }
0x6e: {  	s21 =	sadd.s32 $0xE00, s19;
	s17 =	sadd.s32 s2, s8;
	[sflag:s14] =	ssyncadd.s32 $0xFFFFF000  }
0x6f: {  	[tilespmem:s30], [sflag:$0x4] =	stream.linear.gather [hbm4b:s17+s4], $0x80, $0x38;
	[tilespmem:$0xDE40] =	vst v63  }
0x70: {  	s21 =	sand.u32 $0x1FFFFE00, s21;
	s17 =	sadd.s32 $0xFFFFFFFF, s20;
	s20 =	smov.u32 s18  }
.LBB2_4:
0x71: {  	p0 =	sne.s32 s17, $0x1;
	s21 =	sadd.s32 s5, s21;
	s20 =	sadd.s32 $0x200, s20  }
0x72: {  	[tilespmem:s31], [sflag:$0x4] =	stream.linear.gather [hbm4b:s21+s4], $0x1000, $0x38;
	[tilespmem:$0xDE40] =	vst v63  }
0x73: {  	s17 =	sadd.s32 $0xFFFFFFFF, s17;
	s21 =	smov.u32 s16;
	_ =	swait.ge [sflag:s1], $0x80  }
0x74: {  	[sflag:s1] =	ssyncset.done $0x0  }
0x75: {  	[sflag:s1] =	ssyncadd.s32 $0xFFFFFF80  }
0x76: {  	_ =	swait.ge [sflag:s1], $0x1000  }
0x77: {  	[sflag:s1] =	ssyncset.done $0x0  }
0x78: {  	[sflag:s1] =	ssyncadd.s32 $0xFFFFF000  }
0x79: {  	[spmem:s3] =	stream.indirect.scatter.add.f32 [tilespmem:s24], [sflag:$0x5], $0x20, s23, s0, $0xb8;
	[tilespmem:$0xDE40] =	vst v63  }
0x7a: {  	s8 =	sadd.s32 $0xFFFFFE80, s20;
	_ =	swait.ge [sflag:s9], $0x1000  }
0x7b: {  	s8 =	sshrl.u32 s8, $0x3;
	[sflag:s9] =	ssyncset.done $0x0  }
0x7c: {  	s16 =	sadd.s32 $0x800, s16;
	s8 =	sadd.s32 s2, s8;
	[sflag:s9] =	ssyncadd.s32 $0xFFFFF000  }
0x7d: {  	[tilespmem:s23], [sflag:$0x1] =	stream.linear.gather [hbm4b:s8+s4], $0x80, $0x38;
	[tilespmem:$0xDE40] =	vst v63  }
0x7e: {  	s8 =	sand.u32 $0x1FFFF800, s16  }
0x7f: {  	s8 =	sadd.s32 s5, s8  }
0x80: {  	[tilespmem:s24], [sflag:$0x1] =	stream.linear.gather [hbm4b:s8+s4], $0x1000, $0x38;
	[tilespmem:$0xDE40] =	vst v63  }
0x81: {  	_ =	swait.ge [sflag:s10], $0x80  }
0x82: {  	[sflag:s10] =	ssyncset.done $0x0  }
0x83: {  	[sflag:s10] =	ssyncadd.s32 $0xFFFFFF80  }
0x84: {  	_ =	swait.ge [sflag:s10], $0x1000  }
0x85: {  	[sflag:s10] =	ssyncset.done $0x0  }
0x86: {  	s8 =	sadd.s32 $0xFFFFFF00, s20;
	[sflag:s10] =	ssyncadd.s32 $0xFFFFF000  }
0x87: {  	[spmem:s3] =	stream.indirect.scatter.add.f32 [tilespmem:s26], [sflag:$0x6], $0x20, s25, s0, $0xb8;
	[tilespmem:$0xDE40] =	vst v63  }
0x88: {  	s8 =	sshrl.u32 s8, $0x3;
	_ =	swait.ge [sflag:s11], $0x1000  }
0x89: {  	s7 =	sadd.s32 $0xA00, s21;
	s8 =	sadd.s32 s2, s8;
	[sflag:s11] =	ssyncset.done $0x0  }
0x8a: {  	s7 =	sand.u32 $0x1FFFFA00, s7;
	[sflag:s11] =	ssyncadd.s32 $0xFFFFF000  }
0x8b: {  	[tilespmem:s25], [sflag:$0x2] =	stream.linear.gather [hbm4b:s8+s4], $0x80, $0x38;
	[tilespmem:$0xDE40] =	vst v63  }
0x8c: {  	s7 =	sadd.s32 s5, s7  }
0x8d: {  	[tilespmem:s26], [sflag:$0x2] =	stream.linear.gather [hbm4b:s7+s4], $0x1000, $0x38;
	[tilespmem:$0xDE40] =	vst v63  }
0x8e: {  	_ =	swait.ge [sflag:s12], $0x80  }
0x8f: {  	[sflag:s12] =	ssyncset.done $0x0  }
0x90: {  	[sflag:s12] =	ssyncadd.s32 $0xFFFFFF80  }
0x91: {  	_ =	swait.ge [sflag:s12], $0x1000  }
0x92: {  	[sflag:s12] =	ssyncset.done $0x0  }
0x93: {  	s7 =	sadd.s32 $0xFFFFFF80, s20;
	[sflag:s12] =	ssyncadd.s32 $0xFFFFF000  }
0x94: {  	[spmem:s3] =	stream.indirect.scatter.add.f32 [tilespmem:s29], [sflag:$0x7], $0x20, s28, s0, $0xb8;
	[tilespmem:$0xDE40] =	vst v63  }
0x95: {  	s7 =	sshrl.u32 s7, $0x3;
	_ =	swait.ge [sflag:s13], $0x1000  }
0x96: {  	s8 =	sadd.s32 $0xC00, s21;
	s7 =	sadd.s32 s2, s7;
	[sflag:s13] =	ssyncset.done $0x0  }
0x97: {  	s8 =	sand.u32 $0x1FFFFC00, s8;
	[sflag:s13] =	ssyncadd.s32 $0xFFFFF000  }
0x98: {  	[tilespmem:s28], [sflag:$0x3] =	stream.linear.gather [hbm4b:s7+s4], $0x80, $0x38;
	[tilespmem:$0xDE40] =	vst v63  }
0x99: {  	s7 =	sadd.s32 s5, s8  }
0x9a: {  	[tilespmem:s29], [sflag:$0x3] =	stream.linear.gather [hbm4b:s7+s4], $0x1000, $0x38;
	[tilespmem:$0xDE40] =	vst v63  }
0x9b: {  	_ =	swait.ge [sflag:s6], $0x80  }
0x9c: {  	[sflag:s6] =	ssyncset.done $0x0  }
0x9d: {  	[sflag:s6] =	ssyncadd.s32 $0xFFFFFF80  }
0x9e: {  	_ =	swait.ge [sflag:s6], $0x1000  }
0x9f: {  	[sflag:s6] =	ssyncset.done $0x0  }
0xa0: {  	[sflag:s6] =	ssyncadd.s32 $0xFFFFF000  }
0xa1: {  	[spmem:s3] =	stream.indirect.scatter.add.f32 [tilespmem:s31], [sflag:$0x8], $0x20, s30, s0, $0xb8;
	[tilespmem:$0xDE40] =	vst v63  }
.Ltmp2:
0xa2: {  	_ = 	snop;
	(pc) =	sbr.rel @p0 .LBB2_4-.Ltmp2, $4  }
0xa3: {  	s7 =	sshrl.u32 s20, $0x3;
	_ =	swait.ge [sflag:s14], $0x1000  }
0xa4: {  	s8 =	sadd.s32 $0xE00, s21;
	s7 =	sadd.s32 s2, s7;
	[sflag:s14] =	ssyncset.done $0x0  }
0xa5: {  	s21 =	sand.u32 $0x1FFFFE00, s8;
	[sflag:s14] =	ssyncadd.s32 $0xFFFFF000  }
0xa6: {  	[tilespmem:s30], [sflag:$0x4] =	stream.linear.gather [hbm4b:s7+s4], $0x80, $0x38;
	[tilespmem:$0xDE40] =	vst v63  }
.LBB2_5:
0xa7: {  	s7 =	sadd.s32 s5, s21  }
0xa8: {  	[tilespmem:s31], [sflag:$0x4] =	stream.linear.gather [hbm4b:s7+s4], $0x1000, $0x38;
	[tilespmem:$0xDE40] =	vst v63  }
0xa9: {  	_ =	swait.ge [sflag:s1], $0x80  }
0xaa: {  	[sflag:s1] =	ssyncset.done $0x0  }
0xab: {  	[sflag:s1] =	ssyncadd.s32 $0xFFFFFF80  }
0xac: {  	_ =	swait.ge [sflag:s1], $0x1000  }
0xad: {  	[sflag:s1] =	ssyncset.done $0x0  }
0xae: {  	[sflag:s1] =	ssyncadd.s32 $0xFFFFF000  }
0xaf: {  	[spmem:s3] =	stream.indirect.scatter.add.f32 [tilespmem:s24], [sflag:$0x5], $0x20, s23, s0, $0xb8;
	[tilespmem:$0xDE40] =	vst v63  }
0xb0: {  	_ =	swait.ge [sflag:s9], $0x1000  }
0xb1: {  	[sflag:s9] =	ssyncset.done $0x0  }
0xb2: {  	[sflag:s9] =	ssyncadd.s32 $0xFFFFF000  }
0xb3: {  	_ =	swait.ge [sflag:s10], $0x80  }
0xb4: {  	[sflag:s10] =	ssyncset.done $0x0  }
0xb5: {  	[sflag:s10] =	ssyncadd.s32 $0xFFFFFF80  }
0xb6: {  	_ =	swait.ge [sflag:s10], $0x1000  }
0xb7: {  	[sflag:s10] =	ssyncset.done $0x0  }
0xb8: {  	[sflag:s10] =	ssyncadd.s32 $0xFFFFF000  }
0xb9: {  	[spmem:s3] =	stream.indirect.scatter.add.f32 [tilespmem:s26], [sflag:$0x6], $0x20, s25, s0, $0xb8;
	[tilespmem:$0xDE40] =	vst v63  }
0xba: {  	_ =	swait.ge [sflag:s11], $0x1000  }
0xbb: {  	[sflag:s11] =	ssyncset.done $0x0  }
0xbc: {  	[sflag:s11] =	ssyncadd.s32 $0xFFFFF000  }
0xbd: {  	_ =	swait.ge [sflag:s12], $0x80  }
0xbe: {  	[sflag:s12] =	ssyncset.done $0x0  }
0xbf: {  	[sflag:s12] =	ssyncadd.s32 $0xFFFFFF80  }
0xc0: {  	_ =	swait.ge [sflag:s12], $0x1000  }
0xc1: {  	[sflag:s12] =	ssyncset.done $0x0  }
0xc2: {  	[sflag:s12] =	ssyncadd.s32 $0xFFFFF000  }
0xc3: {  	[spmem:s3] =	stream.indirect.scatter.add.f32 [tilespmem:s29], [sflag:$0x7], $0x20, s28, s0, $0xb8;
	[tilespmem:$0xDE40] =	vst v63  }
0xc4: {  	_ =	swait.ge [sflag:s13], $0x1000  }
0xc5: {  	[sflag:s13] =	ssyncset.done $0x0  }
0xc6: {  	[sflag:s13] =	ssyncadd.s32 $0xFFFFF000  }
0xc7: {  	_ =	swait.ge [sflag:s6], $0x80  }
0xc8: {  	[sflag:s6] =	ssyncset.done $0x0  }
0xc9: {  	[sflag:s6] =	ssyncadd.s32 $0xFFFFFF80  }
0xca: {  	_ =	swait.ge [sflag:s6], $0x1000  }
0xcb: {  	[sflag:s6] =	ssyncset.done $0x0  }
0xcc: {  	[sflag:s6] =	ssyncadd.s32 $0xFFFFF000  }
0xcd: {  	[spmem:s3] =	stream.indirect.scatter.add.f32 [tilespmem:s31], [sflag:$0x8], $0x20, s30, s0, $0xb8;
	[tilespmem:$0xDE40] =	vst v63  }
0xce: {  	_ =	swait.ge [sflag:s14], $0x1000  }
0xcf: {  	[sflag:s14] =	ssyncset.done $0x0  }
0xd0: {  	[sflag:s14] =	ssyncadd.s32 $0xFFFFF000  }
0xd1: {  	[bflag:$0x0] =	sbarrier.arrive $0xFFFF  }
0xd2: {  	s21 =	simm.s32 $0x4E20;
	s7 =	rddreg [dreg:$0x5]  }
0xd3: {  	[tilespmem:s21], [sflag:$0x9] =	stream.linear.gather [spmem:s7], $0x4E20, $0x38;
	[tilespmem:$0xDE40] =	vst v63  }
0xd4: {  	_ =	swait.ge [sflag:s22], $0x4E20  }
0xd5: {  	[sflag:s22] =	ssyncset.done $0x0  }
0xd6: {  	s8 =	rddreg [dreg:$0xe];
	[sflag:s22] =	ssyncadd.s32 $0xFFFFB1E0  }
0xd7: {  	[hbm4b:s8+s4] =	stream.linear.scatter [tilespmem:s21], [sflag:$0x9], $0x4E20, $0x38;
	[tilespmem:$0xDE40] =	vst v63  }
0xd8: {  	_ =	swait.ge [sflag:s22], $0x4E20  }
0xd9: {  	s15 =	sadd.s32 $0x1, s15;
	s20 =	rddreg [dreg:$0xf]  }
0xda: {  	p0 =	sne.s32 s15, s20  }
.Ltmp3:
0xdb: {  	_ = 	snop;
	(pc) =	sbr.rel @p0 .LBB2_1-.Ltmp3, $3  }
0xdc: {  	_ =	sdelay $0x1  }
0xdd: {  	[sflag:s22] =	ssyncset.done $0x0  }
0xde: {  	[sflag:s22] =	ssyncadd.s32 $0xFFFFB1E0  }
0xdf: {  	_ =	sfence.sel $0x180000  }
0xe0: {  	[bflag:$0x0] =	sbarrier.arrive $0xFFFF  }
0xe1: {  	_ =	strace $0x9000004A  }
0xe2: {  	s0 =	stileid.u32;
	[bflag:$0x2] =	sbarrier.arrive $0xFFFF  }
0xe3: {  	p0 =	sne.s32 s0, $0x0;
	s0 =	rddreg [dreg:$0x3]  }
0xe4: {  	s0 =	sadd.s32 @!p0 $0x100000, s0  }
0xe5: {  	[sflag:s0] =	ssyncadd.tile.s32 @!p0 $0x1;
	_ =	shalt  }
.Lfunc_end2:
_tile_overlayer_lowered:
.L_overlay_start_2:
0xe6: {  	(tag) =	ssettag $0x2  }
0xe7: {  	s0 =	rddreg [dreg:$0x0];
	s2 =	stileid.u32  }
0xe8: {  	s1 =	rddreg [dreg:$0x1];
	p0 =	sne.s32 s2, $0x0  }
0xe9: {  	s3 =	rddreg [dreg:$0x2];
	[bflag:$0x3] =	sbarrier.arrive $0xFFFF;
	s2 =	simm.s32 @!p0 $0x1C09  }
0xea: {  	[timem:s3], [sflag:s2] =	dma.local @!p0 [hbm:s0], s1  }
0xeb: {  	s0 =	simm.s32 @!p0 $0x9  }
0xec: {  	_ =	swait.ge @!p0 [sflag:s0], s1  }
0xed: {  	s1 =	ssub.s32 @!p0 $0x0, s1;
	[sflag:s0] =	ssyncset.done @!p0 $0x0  }
0xee: {  	[sflag:s0] =	ssyncadd.s32 @!p0 s1  }
0xef: {  	[bflag:$0x3] =	sbarrier.arrive $0xFFFF  }
0xf0: {  	_ =	shalt  }

// kernel: kernel.7.cloned.1.call-start
scs
__scs_entry_jumppad:
0x0: {  	(pc) =	sbr.rel $0x88, $3  }
0x1: {  	(tag) =	ssettag $0x0;
	lr =	simm.s32 $0x1  }
0x2: {  	[smem:$0x3F91] =	sst lr;
	_ =	strace $0xD0000000  }
0x3: {  	_ = 	snop  }
0x4: {  	_ = 	snop  }
0x5: {  	_ = 	snop  }
0x6: {  	_ = 	snop  }
0x7: {  	_ = 	snop  }
__scs_overlays_trampoline_lowered:
0x8: {  	[smem:$0x3FA0] =	sst s0  }
0x9: {  	[smem:$0x3FA1] =	sst s1  }
0xa: {  	[smem:$0x3FA2] =	sst s2  }
0xb: {  	[smem:$0x3FA3] =	sst s3  }
0xc: {  	[smem:$0x3FA4] =	sst s4  }
0xd: {  	[smem:$0x3FA5] =	sst s5  }
0xe: {  	[smem:$0x3FA6] =	sst s6  }
0xf: {  	[smem:$0x3FA7] =	sst s7  }
0x10: {  	[smem:$0x3FA8] =	sst s8  }
0x11: {  	[smem:$0x3FA9] =	sst s9;
	s0 =	simm.s32 @!p0 $0x0  }
0x12: {  	s1 =	sld [smem:$0x3F8F];
	s0 =	simm.s32 @p0 $0x1  }
0x13: {  	[smem:$0x3FAA] =	sst s0;
	s0 =	simm.s32 @!p1 $0x0  }
0x14: {  	s2 =	sld [smem:$0x3F8E];
	s0 =	simm.s32 @p1 $0x1  }
0x15: {  	[smem:$0x3FAB] =	sst s0;
	s0 =	simm.s32 @!p2 $0x0  }
0x16: {  	s3 =	sld [smem:$0x3FDB];
	s0 =	simm.s32 @p2 $0x1  }
0x17: {  	s4 =	simm.s32 $0x1BF5;
	[smem:$0x3FAD] =	sst s0  }
0x18: {  	s0 =	sld [smem:$0x3F90];
	_ =	swait.ge [sflag:s4], $0x0  }
0x19: {  	s7 =	sld [smem:$0x3F91]  }
0x1a: {  	s8 =	sadd.s32 $0xFFFFE003, lr  }
0x1b: {  	s9 =	sadd.s32 $0xFFFFFEF7, lr;
	s5 =	simm.s32 $0xFFFFFFFF;
	p2 =	slt.u32 s8, $0xFFFFF086  }
0x1c: {  	p1 =	slt.u32 s9, $0xF7A;
	s5 =	simm.s32 @!p2 $0x0  }
0x1d: {  	s5 =	simm.s32 @p1 $0x1;
	p0 =	seq.s32 s7, s2  }
0x1e: {  	s7 =	smul.u32 @!p0 $0xF7A, s2;
	p2 =	seq.s32 @!p0 s5, $0x0  }
0x1f: {  	s9 =	smul.u32 $0xF7A, s1;
	s8 =	simm.s32 @!p0 $0x1BF5;
	p2 =	por !p2, p0  }
0x20: {  	[sflag:s8] =	ssyncset.s32 @!p0 $0xFFFFF086;
	s6 =	sadd.s32 @!p0 s3, s7;
	s7 =	simm.s32 @!p0 $0x108  }
0x21: {  	s3 =	sadd.s32 s3, s9;
	s6 =	sadd.s32 @!p0 $0x88, s6;
	s7 =	simm.s32 @p2 $0x1082  }
0x22: {  	[simem:s7], [sflag:s8] =	dma.local @!p0 [hbm:s6], $0xF7A  }
0x23: {  	s9 =	sor.u32 $0xD0000000, s2;
	s6 =	simm.s32 $0x108;
	_ =	swait.ge @!p0 [sflag:s8], $0x0  }
0x24: {  	s3 =	sadd.s32 $0x88, s3;
	s6 =	simm.s32 @!p1 $0x1082;
	[sflag:s4] =	ssyncset.s32 $0xFFFFF086  }
0x25: {  	[simem:s6], [sflag:s4] =	dma.local [hbm:s3], $0xF7A  }
0x26: {  	[smem:$0x3F91] =	sst s1;
	(tag) =	ssettag s2;
	_ =	strace s9  }
0x27: {  	s1 =	sld [smem:$0x3FA1]  }
0x28: {  	s2 =	sld [smem:$0x3FA2]  }
0x29: {  	s4 =	sld [smem:$0x3FA4]  }
0x2a: {  	p0 =	seq.s32 s5, $0x0;
	s5 =	sld [smem:$0x3FA5]  }
0x2b: {  	s6 =	sld [smem:$0x3FA6]  }
0x2c: {  	s7 =	sld [smem:$0x3FA7]  }
0x2d: {  	s3 =	simm.s32 $0x108;
	s8 =	sld [smem:$0x3FA8]  }
0x2e: {  	s3 =	simm.s32 @!p0 $0x1082;
	s9 =	sld [smem:$0x3FA9]  }
0x2f: {  	lr =	sadd.s32 s0, s3;
	s0 =	sld [smem:$0x3FA0]  }
0x30: {  	s3 =	sld [smem:$0x3FA3]  }
0x31: {  	[smem:$0x3FAC] =	sst s10  }
0x32: {  	s10 =	sld [smem:$0x3FAA];
	_ =	sdelay $0x3  }
0x33: {  	p0 =	seq.s32 s10, $0x1;
	s10 =	sld [smem:$0x3FAC];
	_ =	sdelay $0x3  }
0x34: {  	[smem:$0x3FAC] =	sst s10  }
0x35: {  	s10 =	sld [smem:$0x3FAB];
	_ =	sdelay $0x3  }
0x36: {  	p1 =	seq.s32 s10, $0x1;
	s10 =	sld [smem:$0x3FAC];
	_ =	sdelay $0x3  }
0x37: {  	[smem:$0x3FAC] =	sst s10  }
0x38: {  	s10 =	sld [smem:$0x3FAD]  }
0x39: {  	_ = 	snop;
	(pc) =	sbr.ind lr, $3  }
0x3a: {  	_ = 	snop  }
0x3b: {  	_ = 	snop  }
0x3c: {  	p2 =	seq.s32 s10, $0x1;
	s10 =	sld [smem:$0x3FAC]  }
0x3d: {  	_ =	shalt  }
0x3e: {  	_ =	shalt  }
0x3f: {  	_ =	shalt  }
0x40: {  	_ =	shalt  }
0x41: {  	_ =	shalt  }
0x42: {  	_ =	shalt  }
0x43: {  	_ =	shalt  }
0x44: {  	_ =	shalt  }
0x45: {  	_ =	shalt  }
0x46: {  	_ =	shalt  }
0x47: {  	_ =	shalt  }
0x48: {  	_ =	shalt  }
0x49: {  	_ =	shalt  }
0x4a: {  	_ =	shalt  }
0x4b: {  	_ =	shalt  }
0x4c: {  	_ =	shalt  }
0x4d: {  	_ =	shalt  }
0x4e: {  	_ =	shalt  }
0x4f: {  	_ =	shalt  }
0x50: {  	_ =	shalt  }
0x51: {  	_ =	shalt  }
0x52: {  	_ =	shalt  }
0x53: {  	_ =	shalt  }
0x54: {  	_ =	shalt  }
0x55: {  	_ =	shalt  }
0x56: {  	_ =	shalt  }
0x57: {  	_ =	shalt  }
0x58: {  	_ =	shalt  }
0x59: {  	_ =	shalt  }
0x5a: {  	_ =	shalt  }
0x5b: {  	_ =	shalt  }
0x5c: {  	_ =	shalt  }
0x5d: {  	_ =	shalt  }
0x5e: {  	_ =	shalt  }
0x5f: {  	_ =	shalt  }
0x60: {  	_ =	shalt  }
0x61: {  	_ =	shalt  }
0x62: {  	_ =	shalt  }
0x63: {  	_ =	shalt  }
0x64: {  	_ =	shalt  }
0x65: {  	_ =	shalt  }
0x66: {  	_ =	shalt  }
0x67: {  	_ =	shalt  }
0x68: {  	_ =	shalt  }
0x69: {  	_ =	shalt  }
0x6a: {  	_ =	shalt  }
0x6b: {  	_ =	shalt  }
0x6c: {  	_ =	shalt  }
0x6d: {  	_ =	shalt  }
0x6e: {  	_ =	shalt  }
0x6f: {  	_ =	shalt  }
0x70: {  	_ =	shalt  }
0x71: {  	_ =	shalt  }
0x72: {  	_ =	shalt  }
0x73: {  	_ =	shalt  }
0x74: {  	_ =	shalt  }
0x75: {  	_ =	shalt  }
0x76: {  	_ =	shalt  }
0x77: {  	_ =	shalt  }
0x78: {  	_ =	shalt  }
0x79: {  	_ =	shalt  }
0x7a: {  	_ =	shalt  }
0x7b: {  	_ =	shalt  }
0x7c: {  	_ =	shalt  }
0x7d: {  	_ =	shalt  }
0x7e: {  	_ =	shalt  }
0x7f: {  	_ =	shalt  }
0x80: {  	_ =	shalt  }
0x81: {  	_ =	shalt  }
0x82: {  	_ =	shalt  }
0x83: {  	_ =	shalt  }
0x84: {  	_ =	shalt  }
0x85: {  	_ =	shalt  }
0x86: {  	_ =	shalt  }
0x87: {  	_ =	shalt  }
.Lfunc_end0:
.L_simem_size_0:
called_computation.1_lowered:
.L_overlay_start_0:
0x88: {  	s2 =	sld [smem:$0x3FD9]  }
0x89: {  	s3 =	sld [smem:$0x3FFE];
	_ =	sdelay $0x1  }
0x8a: {  	s1 =	srdreg.scid  }
0x8b: {  	s0 =	sand.u32 $0x1, s1  }
0x8c: {  	s14 =	sshll.u32 s0, $0xA;
	s2 =	sadd.s32 s3, s2  }
0x8d: {  	s2 =	sadd.s32 s2, s14  }
0x8e: {  	[smem:$0x3FB8] =	sst s2  }
0x8f: {  	_ = 	snop  }
0x90: {  	s2 =	sld [smem:$0x3FD0];
	_ =	sdelay $0x1  }
0x91: {  	s15 =	sld [smem:$0x3FC7]  }
0x92: {  	s5 =	simm.s32 $0xB;
	s6 =	simm.s32 $0x10;
	s4 =	sld [smem:$0x3FC6]  }
0x93: {  	[smem:s6], [sflag:s5] =	dma.local [hbm:s2], $0x1  }
0x94: {  	_ =	swait.eq [sflag:s5], $0x1  }
0x95: {  	[sflag:s5] =	ssyncset.done $0x0  }
0x96: {  	[sflag:s5] =	ssyncadd.s32 $0xFFFFFFFF  }
0x97: {  	s16 =	sld [smem:$0x10];
	(tm) =	ssettm $0x1  }
0x98: {  	s17 =	sld [smem:$0x3FFB];
	_ =	sdelay $0x3  }
0x99: {  	_ =	strace s17  }
0x9a: {  	s5 =	sld [smem:$0x3FFC];
	_ =	sdelay $0x3  }
0x9b: {  	_ =	strace s5  }
0x9c: {  	s5 =	sld [smem:$0x3FFD];
	_ =	sdelay $0x3  }
0x9d: {  	_ =	strace s5  }
0x9e: {  	_ =	strace $0x8FFFFFFF  }
0x9f: {  	s18 =	sld [smem:$0x3FDB];
	_ =	sdelay $0x1  }
0xa0: {  	s19 =	simm.s32 $_scs_section_size  }
0xa1: {  	s7 =	simm.s32 $_size__tile_overlayer_lowered;
	s8 =	simm.s32 $_tile_overlayer_lowered  }
0xa2: {  	s22 =	simm.s32 $0x1BFF;
	s21 =	sshll.u32 s8, $0x1;
	s5 =	sadd.s32 s19, s18  }
0xa3: {  	s9 =	simm.s32 $0x0;
	s20 =	sshll.u32 s7, $0x1;
	s7 =	sadd.s32 s21, s5  }
0xa4: {  	[timem:s9], [sflag:s22] =	dma.local [hbm:s7], s20  }
0xa5: {  	_ =	swait.ge [sflag:s22], s20  }
0xa6: {  	s6 =	ssub.s32 $0x0, s20;
	[sflag:s22] =	ssyncset.done $0x0  }
0xa7: {  	[sflag:s22] =	ssyncadd.s32 s6;
	_ =	sdelay $0x1  }
0xa8: {  	s23 =	simm.s32 $0x1B8B  }
0xa9: {  	_ =	swait.ge [sflag:s23], $0x1  }
0xaa: {  	[sflag:s23] =	ssyncset.done $0x0  }
0xab: {  	s25 =	simm.s32 $0x1B8E;
	s24 =	sld [smem:$0x3FFE];
	[sflag:s23] =	ssyncadd.s32 $0xFFFFFFFF  }
0xac: {  	s26 =	simm.s32 $execute0_lowered;
	[smem:$0x3FD2] =	sst s25  }
0xad: {  	s7 =	sshll.u32 s26, $0x1;
	_ =	strace $0x80000046;
	[dreg:$0x1] =	wrdreg $0xFFFFFFFF  }
0xae: {  	s28 =	simm.s32 $_size_execute0_lowered;
	s5 =	sadd.s32 s5, s7;
	[dreg:$0x0] =	wrdreg $0x0  }
0xaf: {  	s7 =	sshll.u32 s28, $0x1;
	[dreg:$0x2] =	wrdreg s5  }
0xb0: {  	[dreg:$0x3] =	wrdreg s7  }
0xb1: {  	[dreg:$0x4] =	wrdreg $0xC0  }
0xb2: {  	_ =	task [dreg:s9], $0x5FFFF  }
0xb3: {  	[dreg:$0x1] =	wrdreg $0xFFFFFFFF  }
0xb4: {  	[dreg:$0x0] =	wrdreg $0x60  }
0xb5: {  	[dreg:$0x2] =	wrdreg s16  }
0xb6: {  	[dreg:$0x3] =	wrdreg s24  }
0xb7: {  	[dreg:$0x4] =	wrdreg s4  }
0xb8: {  	[dreg:$0x5] =	wrdreg s15  }
0xb9: {  	[dreg:$0x6] =	wrdreg $0x0  }
0xba: {  	[dreg:$0x7] =	wrdreg $0x9  }
0xbb: {  	_ =	task.clear_ibuf [dreg:s9], $0x8FFFF;
	_ =	strace $0x90000046  }
0xbc: {  	s29 =	simm.s32 $0x9;
	_ =	strace $0x80000048  }
0xbd: {  	_ =	swait.ge [sflag:s29], $0x1  }
0xbe: {  	[sflag:s29] =	ssyncadd.s32 $0xFFFFFFFF  }
0xbf: {  	_ =	strace $0x90000048  }
0xc0: {  	_ =	sfence  }
0xc1: {  	s30 =	sld [smem:$0x0];
	_ =	sdelay $0x2  }
0xc2: {  	s31 =	sshll.u32 s1, $0xD;
	s1 =	sshrl.u32 s1, $0x2  }
0xc3: {  	s3 =	sand.u32 $0x4000, s31;
	s1 =	sadd.s32 s1, s30  }
0xc4: {  	s0 =	sor.u32 s3, s0;
	s1 =	sshll.u32 s1, $0x11  }
0xc5: {  	s0 =	sor.u32 s1, s0  }
0xc6: {  	s0 =	sadd.s32 $0x8F2B, s0  }
0xc7: {  	[sflag:s0] =	ssyncadd.remote.s32 $0x1  }
0xc8: {  	_ =	sfence.sel $0xFFFF  }
0xc9: {  	[dreg:$0x0] =	wrdreg $0xFFFFFFFF;
	(pc) =	sbr.abs _section_cstart, $3  }
0xca: {  	[dreg:$0x1] =	wrdreg $0xFFFFFFFF  }
0xcb: {  	_ =	task.clear_ibuf [dreg:s9], $0x2FFFF;
	_ =	strace $0x9FFFFFFF  }
0xcc: {  	(tm) =	ssettm $0x7FFFFFFF  }
0xcd: {  	_ =	shalt  }
tec
execute0_lowered:
.L_overlay_start_1:
0x0: {  	(tag) =	ssettag $0x1  }
0x1: {  	s0 =	rddreg [dreg:$0x0]  }
0x2: {  	s1 =	rddreg [dreg:$0x1]  }
0x3: {  	s6 =	rddreg [dreg:$0x2]  }
0x4: {  	s7 =	rddreg [dreg:$0x3]  }
0x5: {  	s2 =	rddreg [dreg:$0x4]  }
0x6: {  	s3 =	simm.s32 $0x0;
	s16 =	stileid.u32;
	s4 =	srdreg.scid  }
0x7: {  	s17 =	simm.s32 $0x4;
	s29 =	simm.s32 $0x4;
	s8 =	smul.u32 $0x4E20, s16  }
0x8: {  	s9 =	sand.u32 $0x1, s4;
	s23 =	sshll.u32 s16, $0x1;
	[smem:$0x7FF] =	sst s3  }
0x9: {  	s4 =	sadd.s32 $0xE600, s1;
	s5 =	sadd.s32 $0x146E00, s1;
	s22 =	smul.u32 $0xA0000, s16  }
0xa: {  	s31 =	sadd.s32 $0x4E200, s2;
	s10 =	sor.u32 s9, s23;
	_ =	strace $0x80000047  }
0xb: {  	s14 =	ssub.s32 $0x2, s9;
	s11 =	sshrl.u32 s8, $0x3;
	s12 =	smul.u32 $0x2800, s10  }
0xc: {  	s24 =	sshrl.u32 s14, $0x1;
	p0 =	seq.s32 s10, $0x1F;
	s18 =	sadd.s32 s8, s2  }
0xd: {  	s19 =	smul.u32 $0x50000, s10;
	s10 =	simm.s32 $0x11260;
	s13 =	sadd.s32 s11, s1  }
0xe: {  	s1 =	ssub.s32 s14, s24;
	s17 =	simm.s32 @!p0 $0x13;
	s0 =	sadd.s32 s0, s11  }
0xf: {  	s24 =	smul.u32 $0x50000, s9;
	[dreg:$0x8] =	wrdreg s18;
	s15 =	smov.u32 s12  }
0x10: {  	[dreg:$0x7] =	wrdreg s0;
	s26 =	sadd.s32 $0x4800, s13;
	s20 =	sshll.u32 s17, $0xE  }
0x11: {  	s21 =	sshll.u32 s17, $0x9;
	[dreg:$0x6] =	wrdreg s17;
	s15 =	simm.s32 @p0 $0x4BA00  }
0x12: {  	s1 =	smax.u32 s1, $0x1;
	[dreg:$0x9] =	wrdreg s26;
	s30 =	sshrl.u32 s15, $0x3  }
0x13: {  	[dreg:$0x1a] =	wrdreg s1;
	s25 =	ssub.s32 s12, s15;
	s6 =	sadd.s32 s6, s30  }
0x14: {  	s23 =	sadd.s32 s12, s21;
	s8 =	sadd.s32 $0xEA60, s25;
	[dreg:$0xa] =	wrdreg s6  }
0x15: {  	s1 =	simm.s32 $0x9;
	s11 =	sadd.s32 $0xEAE0, s25;
	[dreg:$0xb] =	wrdreg s8  }
0x16: {  	s13 =	sadd.s32 $0xEB60, s25;
	s14 =	sadd.s32 $0xEBE0, s25;
	[dreg:$0xc] =	wrdreg s11  }
0x17: {  	s25 =	smul.u32 $0x14000, s16;
	s0 =	sadd.s32 s7, s30;
	[dreg:$0xd] =	wrdreg s13  }
0x18: {  	s30 =	smul.u32 $0xA000, s9;
	[dreg:$0xe] =	wrdreg s14;
	s6 =	sadd.s32 s19, s20  }
0x19: {  	s8 =	sshll.u32 s23, $0x2;
	[dreg:$0xf] =	wrdreg s0;
	s14 =	sadd.s32 s24, s22  }
0x1a: {  	s22 =	sshll.u32 s15, $0x2;
	s15 =	simm.s32 $0x13260;
	s6 =	sshrl.u32 s6, $0x3  }
0x1b: {  	s26 =	sor.u32 $0x200, s8;
	[dreg:$0x11] =	wrdreg s14;
	s16 =	sor.u32 $0x400, s8  }
0x1c: {  	s8 =	sor.u32 $0x600, s8;
	s0 =	sadd.s32 s30, s25;
	s24 =	ssub.s32 $0x0, s22  }
0x1d: {  	s30 =	sadd.s32 $0x4E200, s18;
	s18 =	simm.s32 $0xEA60;
	[dreg:$0x12] =	wrdreg s0  }
0x1e: {  	s22 =	simm.s32 $0x6;
	s9 =	sadd.s32 s4, s6;
	[dreg:$0x1b] =	wrdreg s30  }
0x1f: {  	s13 =	sand.u32 $0x1FFFFA00, s26;
	s6 =	sadd.s32 s5, s6;
	[dreg:$0x10] =	wrdreg s9  }
0x20: {  	s20 =	sand.u32 $0x1FFFFC00, s16;
	s19 =	sadd.s32 s4, s13;
	[dreg:$0x14] =	wrdreg s6  }
0x21: {  	s8 =	sand.u32 $0x1FFFFE00, s8;
	s21 =	sadd.s32 s5, s13;
	[dreg:$0x13] =	wrdreg s19  }
0x22: {  	s16 =	simm.s32 $0x14260;
	s23 =	sadd.s32 s4, s20;
	[dreg:$0x15] =	wrdreg s21  }
0x23: {  	s0 =	sadd.s32 s5, s20;
	s25 =	sadd.s32 s4, s8;
	[dreg:$0x16] =	wrdreg s23  }
0x24: {  	s26 =	sadd.s32 s5, s8;
	s9 =	simm.s32 $0x80;
	[dreg:$0x17] =	wrdreg s0  }
0x25: {  	s8 =	simm.s32 $0x12260;
	s20 =	simm.s32 $0x5;
	[dreg:$0x18] =	wrdreg s25  }
0x26: {  	[dreg:$0x19] =	wrdreg s26;
	s0 =	sshra.s32 s24, $0x2;
	s19 =	simm.s32 $0x1  }
0x27: {  	s21 =	simm.s32 $0x2;
	s23 =	simm.s32 $0x3;
	s24 =	simm.s32 $0x7  }
0x28: {  	s25 =	simm.s32 $0x8;
	s26 =	simm.s32 $0x0;
	s28 =	sadd.s32 $0xEA60, s0  }
.LBB2_1:
0x29: {  	s0 =	rddreg [dreg:$0x7];
	s6 =	simm.s32 $0x9C40  }
0x2a: {  	[tilespmem:s6], [sflag:$0x9] =	stream.linear.gather [hbm4b:s0+s3], $0x4E20, $0x38;
	[tilespmem:$0x15260] =	vst v63  }
0x2b: {  	_ =	swait.ge [sflag:s1], $0x4E20  }
0x2c: {  	[sflag:s1] =	ssyncset.done $0x0  }
0x2d: {  	s7 =	rddreg [dreg:$0x8];
	[sflag:s1] =	ssyncadd.s32 $0xFFFFB1E0  }
0x2e: {  	[spmem:s7] =	stream.linear.scatter [tilespmem:s6], [sflag:$0x9], $0x4E20, $0x38;
	[tilespmem:$0x15260] =	vst v63  }
0x2f: {  	_ =	swait.ge [sflag:s1], $0x4E20  }
0x30: {  	[sflag:s1] =	ssyncset.done $0x0  }
0x31: {  	s11 =	rddreg [dreg:$0x9];
	[sflag:s1] =	ssyncadd.s32 $0xFFFFB1E0  }
0x32: {  	[tilespmem:s6], [sflag:$0x9] =	stream.linear.gather [hbm4b:s11+s3], $0x4E20, $0x38;
	[tilespmem:$0x15260] =	vst v63  }
0x33: {  	_ =	swait.ge [sflag:s1], $0x4E20  }
0x34: {  	[sflag:s1] =	ssyncset.done $0x0  }
0x35: {  	s12 =	rddreg [dreg:$0x1b];
	[sflag:s1] =	ssyncadd.s32 $0xFFFFB1E0  }
0x36: {  	[spmem:s12] =	stream.linear.scatter [tilespmem:s6], [sflag:$0x9], $0x4E20, $0x38;
	[tilespmem:$0x15260] =	vst v63  }
0x37: {  	_ =	swait.ge [sflag:s1], $0x4E20  }
0x38: {  	[sflag:s1] =	ssyncset.done $0x0  }
0x39: {  	[sflag:s1] =	ssyncadd.s32 $0xFFFFB1E0  }
0x3a: {  	[bflag:$0x0] =	sbarrier.arrive $0xFFFF  }
0x3b: {  	s13 =	rddreg [dreg:$0xa]  }
0x3c: {  	[tilespmem:s18], [sflag:$0x9] =	stream.linear.gather [hbm4b:s13+s3], $0x2800, $0x38;
	[tilespmem:$0x15260] =	vst v63  }
0x3d: {  	_ =	swait.ge [sflag:s1], $0x2800  }
0x3e: {  	[sflag:s1] =	ssyncset.done $0x0  }
0x3f: {  	s14 =	rddreg [dreg:$0xb];
	[sflag:s1] =	ssyncadd.s32 $0xFFFFD800  }
0x40: {  	[tilespmem:s10], [sflag:$0x1] =	stream.indirect.gather [spmem:s2], $0x20, s14, s9, $0xb8;
	[tilespmem:$0x15260] =	vst v63  }
0x41: {  	s18 =	rddreg [dreg:$0xc]  }
0x42: {  	[tilespmem:s8], [sflag:$0x2] =	stream.indirect.gather [spmem:s2], $0x20, s18, s9, $0xb8;
	[tilespmem:$0x15260] =	vst v63  }
0x43: {  	s6 =	rddreg [dreg:$0xd]  }
0x44: {  	[tilespmem:s15], [sflag:$0x3] =	stream.indirect.gather [spmem:s2], $0x20, s6, s9, $0xb8;
	[tilespmem:$0x15260] =	vst v63  }
0x45: {  	s7 =	rddreg [dreg:$0xe]  }
0x46: {  	[tilespmem:s16], [sflag:$0x4] =	stream.indirect.gather [spmem:s2], $0x20, s7, s9, $0xb8;
	[tilespmem:$0x15260] =	vst v63  }
0x47: {  	_ =	swait.ge [sflag:s19], $0x1000  }
0x48: {  	s12 =	rddreg [dreg:$0x11]  }
0x49: {  	[sflag:s19] =	ssyncset.done $0x0;
	s11 =	sshrl.u32 s12, $0x3  }
0x4a: {  	[sflag:s19] =	ssyncadd.s32 $0xFFFFF000;
	[dreg:$0x1c] =	wrdreg s11;
	s0 =	sadd.s32 s4, s11  }
0x4b: {  	[hbm4b:s0+s3] =	stream.linear.scatter [tilespmem:s10], [sflag:$0x5], $0x1000, $0x38;
	[tilespmem:$0x15260] =	vst v63  }
0x4c: {  	_ =	swait.ge [sflag:s20], $0x1000  }
0x4d: {  	s18 =	rddreg [dreg:$0x12]  }
0x4e: {  	s13 =	sshra.s32 s18, $0x2  }
0x4f: {  	s7 =	sadd.s32 s13, s28  }
0x50: {  	[sflag:s20] =	ssyncset.done $0x0;
	s0 =	sadd.s32 $0x200, s7  }
0x51: {  	[sflag:s20] =	ssyncadd.s32 $0xFFFFF000;
	[dreg:$0x1d] =	wrdreg s0  }
0x52: {  	[tilespmem:s10], [sflag:$0x1] =	stream.indirect.gather [spmem:s2], $0x20, s0, s9, $0xb8;
	[tilespmem:$0x15260] =	vst v63  }
0x53: {  	s14 =	sadd.s32 $0x200, s18;
	_ =	swait.ge [sflag:s21], $0x1000  }
0x54: {  	s0 =	sand.u32 $0x1FFFFA00, s14;
	[sflag:s21] =	ssyncset.done $0x0  }
0x55: {  	[dreg:$0x1e] =	wrdreg s0;
	s0 =	sadd.s32 s4, s0;
	[sflag:s21] =	ssyncadd.s32 $0xFFFFF000  }
0x56: {  	[hbm4b:s0+s3] =	stream.linear.scatter [tilespmem:s8], [sflag:$0x6], $0x1000, $0x38;
	[tilespmem:$0x15260] =	vst v63  }
0x57: {  	_ =	swait.ge [sflag:s22], $0x1000  }
0x58: {  	[sflag:s22] =	ssyncset.done $0x0  }
0x59: {  	s13 =	sadd.s32 $0x280, s7;
	[sflag:s22] =	ssyncadd.s32 $0xFFFFF000  }
0x5a: {  	[tilespmem:s8], [sflag:$0x2] =	stream.indirect.gather [spmem:s2], $0x20, s13, s9, $0xb8;
	[tilespmem:$0x15260] =	vst v63  }
0x5b: {  	s6 =	sadd.s32 $0x400, s18;
	_ =	swait.ge [sflag:s23], $0x1000  }
0x5c: {  	s14 =	sand.u32 $0x1FFFFC00, s6;
	[sflag:s23] =	ssyncset.done $0x0  }
0x5d: {  	s0 =	sadd.s32 s4, s14;
	[sflag:s23] =	ssyncadd.s32 $0xFFFFF000  }
0x5e: {  	[hbm4b:s0+s3] =	stream.linear.scatter [tilespmem:s15], [sflag:$0x7], $0x1000, $0x38;
	[tilespmem:$0x15260] =	vst v63  }
0x5f: {  	_ =	swait.ge [sflag:s24], $0x1000  }
0x60: {  	[sflag:s24] =	ssyncset.done $0x0  }
0x61: {  	s0 =	sadd.s32 $0x300, s7;
	[sflag:s24] =	ssyncadd.s32 $0xFFFFF000  }
0x62: {  	[tilespmem:s15], [sflag:$0x3] =	stream.indirect.gather [spmem:s2], $0x20, s0, s9, $0xb8;
	[tilespmem:$0x15260] =	vst v63  }
0x63: {  	s11 =	sadd.s32 $0x600, s18;
	_ =	swait.ge [sflag:s29], $0x1000  }
0x64: {  	p0 =	sne.s32 s17, $0x1;
	s6 =	sand.u32 $0x1FFFFE00, s11;
	[sflag:s29] =	ssyncset.done $0x0  }
.Ltmp0:
0x65: {  	s11 =	sadd.s32 s4, s6;
	[sflag:s29] =	ssyncadd.s32 $0xFFFFF000;
	(pc) =	sbr.rel @!p0 .LBB2_3-.Ltmp0, $4  }
0x66: {  	[hbm4b:s11+s3] =	stream.linear.scatter [tilespmem:s16], [sflag:$0x8], $0x1000, $0x38;
	[tilespmem:$0x15260] =	vst v63  }
0x67: {  	s17 =	sadd.s32 $0xFFFFFFFF, s17;
	_ =	swait.ge [sflag:s25], $0x1000  }
0x68: {  	s18 =	sadd.s32 $0x800, s18;
	s30 =	sadd.s32 $0x380, s7;
	[sflag:s25] =	ssyncset.done $0x0  }
0x69: {  	s7 =	sadd.s32 $0x4000, s12;
	s11 =	smov.u32 s30;
	[sflag:s25] =	ssyncadd.s32 $0xFFFFF000  }
.LBB2_2:
0x6a: {  	[tilespmem:s16], [sflag:$0x4] =	stream.indirect.gather [spmem:s2], $0x20, s11, s9, $0xb8;
	[tilespmem:$0x15260] =	vst v63  }
0x6b: {  	p1 =	sne.s32 s17, $0x1;
	s17 =	sadd.s32 $0xFFFFFFFF, s17;
	_ =	swait.ge [sflag:s19], $0x1000  }
0x6c: {  	s11 =	sshrl.u32 s7, $0x3;
	[sflag:s19] =	ssyncset.done $0x0  }
0x6d: {  	s11 =	sadd.s32 s4, s11;
	[sflag:s19] =	ssyncadd.s32 $0xFFFFF000  }
0x6e: {  	[hbm4b:s11+s3] =	stream.linear.scatter [tilespmem:s10], [sflag:$0x5], $0x1000, $0x38;
	[tilespmem:$0x15260] =	vst v63  }
0x6f: {  	s11 =	sshra.s32 s18, $0x2;
	_ =	swait.ge [sflag:s20], $0x1000  }
0x70: {  	s11 =	sadd.s32 s11, s28;
	[sflag:s20] =	ssyncset.done $0x0  }
0x71: {  	s12 =	sadd.s32 $0x200, s11;
	[sflag:s20] =	ssyncadd.s32 $0xFFFFF000  }
0x72: {  	[tilespmem:s10], [sflag:$0x1] =	stream.indirect.gather [spmem:s2], $0x20, s12, s9, $0xb8;
	[tilespmem:$0x15260] =	vst v63  }
0x73: {  	s12 =	sadd.s32 $0x200, s18;
	_ =	swait.ge [sflag:s21], $0x1000  }
0x74: {  	s12 =	sand.u32 $0x1FFFFA00, s12;
	[sflag:s21] =	ssyncset.done $0x0  }
0x75: {  	s12 =	sadd.s32 s4, s12;
	[sflag:s21] =	ssyncadd.s32 $0xFFFFF000  }
0x76: {  	[hbm4b:s12+s3] =	stream.linear.scatter [tilespmem:s8], [sflag:$0x6], $0x1000, $0x38;
	[tilespmem:$0x15260] =	vst v63  }
0x77: {  	_ =	swait.ge [sflag:s22], $0x1000  }
0x78: {  	[sflag:s22] =	ssyncset.done $0x0  }
0x79: {  	s12 =	sadd.s32 $0x280, s11;
	[sflag:s22] =	ssyncadd.s32 $0xFFFFF000  }
0x7a: {  	[tilespmem:s8], [sflag:$0x2] =	stream.indirect.gather [spmem:s2], $0x20, s12, s9, $0xb8;
	[tilespmem:$0x15260] =	vst v63  }
0x7b: {  	s12 =	sadd.s32 $0x400, s18;
	_ =	swait.ge [sflag:s23], $0x1000  }
0x7c: {  	s12 =	sand.u32 $0x1FFFFC00, s12;
	[sflag:s23] =	ssyncset.done $0x0  }
0x7d: {  	s12 =	sadd.s32 s4, s12;
	[sflag:s23] =	ssyncadd.s32 $0xFFFFF000  }
0x7e: {  	[hbm4b:s12+s3] =	stream.linear.scatter [tilespmem:s15], [sflag:$0x7], $0x1000, $0x38;
	[tilespmem:$0x15260] =	vst v63  }
0x7f: {  	_ =	swait.ge [sflag:s24], $0x1000  }
0x80: {  	[sflag:s24] =	ssyncset.done $0x0  }
0x81: {  	s12 =	sadd.s32 $0x300, s11;
	[sflag:s24] =	ssyncadd.s32 $0xFFFFF000  }
0x82: {  	[tilespmem:s15], [sflag:$0x3] =	stream.indirect.gather [spmem:s2], $0x20, s12, s9, $0xb8;
	[tilespmem:$0x15260] =	vst v63  }
0x83: {  	s12 =	sadd.s32 $0x600, s18;
	_ =	swait.ge [sflag:s29], $0x1000  }
0x84: {  	s12 =	sand.u32 $0x1FFFFE00, s12;
	[sflag:s29] =	ssyncset.done $0x0  }
.Ltmp1:
0x85: {  	s12 =	sadd.s32 s4, s12;
	[sflag:s29] =	ssyncadd.s32 $0xFFFFF000;
	(pc) =	sbr.rel @p1 .LBB2_2-.Ltmp1, $4  }
0x86: {  	[hbm4b:s12+s3] =	stream.linear.scatter [tilespmem:s16], [sflag:$0x8], $0x1000, $0x38;
	[tilespmem:$0x15260] =	vst v63  }
0x87: {  	_ =	swait.ge [sflag:s25], $0x1000  }
0x88: {  	s18 =	sadd.s32 $0x800, s18;
	[sflag:s25] =	ssyncset.done $0x0  }
0x89: {  	s7 =	sadd.s32 $0x4000, s7;
	s11 =	sadd.s32 $0x380, s11;
	[sflag:s25] =	ssyncadd.s32 $0xFFFFF000  }
.LBB2_3:
0x8a: {  	[tilespmem:s16], [sflag:$0x4] =	stream.indirect.gather [spmem:s2], $0x20, s11, s9, $0xb8;
	[tilespmem:$0x15260] =	vst v63  }
0x8b: {  	_ =	swait.ge [sflag:s19], $0x1000  }
0x8c: {  	[sflag:s19] =	ssyncset.done $0x0  }
0x8d: {  	s7 =	rddreg [dreg:$0x10];
	[sflag:s19] =	ssyncadd.s32 $0xFFFFF000  }
0x8e: {  	[hbm4b:s7+s3] =	stream.linear.scatter [tilespmem:s10], [sflag:$0x5], $0x1000, $0x38;
	[tilespmem:$0x15260] =	vst v63  }
0x8f: {  	_ =	swait.ge [sflag:s21], $0x1000  }
0x90: {  	[sflag:s21] =	ssyncset.done $0x0  }
0x91: {  	s17 =	rddreg [dreg:$0x13];
	[sflag:s21] =	ssyncadd.s32 $0xFFFFF000  }
0x92: {  	[hbm4b:s17+s3] =	stream.linear.scatter [tilespmem:s8], [sflag:$0x6], $0x1000, $0x38;
	[tilespmem:$0x15260] =	vst v63  }
0x93: {  	_ =	swait.ge [sflag:s23], $0x1000  }
0x94: {  	[sflag:s23] =	ssyncset.done $0x0  }
0x95: {  	s18 =	rddreg [dreg:$0x16];
	[sflag:s23] =	ssyncadd.s32 $0xFFFFF000  }
0x96: {  	[hbm4b:s18+s3] =	stream.linear.scatter [tilespmem:s15], [sflag:$0x7], $0x1000, $0x38;
	[tilespmem:$0x15260] =	vst v63  }
0x97: {  	_ =	swait.ge [sflag:s29], $0x1000  }
0x98: {  	[sflag:s29] =	ssyncset.done $0x0  }
0x99: {  	s11 =	rddreg [dreg:$0x18];
	[sflag:s29] =	ssyncadd.s32 $0xFFFFF000  }
0x9a: {  	[hbm4b:s11+s3] =	stream.linear.scatter [tilespmem:s16], [sflag:$0x8], $0x1000, $0x38;
	[tilespmem:$0x15260] =	vst v63  }
0x9b: {  	_ =	swait.ge [sflag:s20], $0x1000  }
0x9c: {  	[sflag:s20] =	ssyncset.done $0x0  }
0x9d: {  	[sflag:s20] =	ssyncadd.s32 $0xFFFFF000  }
0x9e: {  	_ =	swait.ge [sflag:s22], $0x1000  }
0x9f: {  	[sflag:s22] =	ssyncset.done $0x0  }
0xa0: {  	[sflag:s22] =	ssyncadd.s32 $0xFFFFF000  }
0xa1: {  	_ =	swait.ge [sflag:s24], $0x1000  }
0xa2: {  	[sflag:s24] =	ssyncset.done $0x0  }
0xa3: {  	[sflag:s24] =	ssyncadd.s32 $0xFFFFF000  }
0xa4: {  	_ =	swait.ge [sflag:s25], $0x1000  }
0xa5: {  	[sflag:s25] =	ssyncset.done $0x0  }
0xa6: {  	s18 =	simm.s32 $0xEA60;
	s12 =	rddreg [dreg:$0xf];
	[sflag:s25] =	ssyncadd.s32 $0xFFFFF000  }
0xa7: {  	[tilespmem:s18], [sflag:$0x9] =	stream.linear.gather [hbm4b:s12+s3], $0x2800, $0x38;
	[tilespmem:$0x15260] =	vst v63  }
0xa8: {  	_ =	swait.ge [sflag:s1], $0x2800  }
0xa9: {  	[sflag:s1] =	ssyncset.done $0x0  }
0xaa: {  	s17 =	rddreg [dreg:$0xb];
	[sflag:s1] =	ssyncadd.s32 $0xFFFFD800  }
0xab: {  	[tilespmem:s10], [sflag:$0x1] =	stream.indirect.gather [spmem:s31], $0x20, s17, s9, $0xb8;
	[tilespmem:$0x15260] =	vst v63  }
0xac: {  	s11 =	rddreg [dreg:$0xc]  }
0xad: {  	[tilespmem:s8], [sflag:$0x2] =	stream.indirect.gather [spmem:s31], $0x20, s11, s9, $0xb8;
	[tilespmem:$0x15260] =	vst v63  }
0xae: {  	s12 =	rddreg [dreg:$0xd]  }
0xaf: {  	[tilespmem:s15], [sflag:$0x3] =	stream.indirect.gather [spmem:s31], $0x20, s12, s9, $0xb8;
	[tilespmem:$0x15260] =	vst v63  }
0xb0: {  	s17 =	rddreg [dreg:$0xe]  }
0xb1: {  	[tilespmem:s16], [sflag:$0x4] =	stream.indirect.gather [spmem:s31], $0x20, s17, s9, $0xb8;
	[tilespmem:$0x15260] =	vst v63  }
0xb2: {  	_ =	swait.ge [sflag:s19], $0x1000  }
0xb3: {  	[sflag:s19] =	ssyncset.done $0x0;
	s11 =	rddreg [dreg:$0x1c]  }
0xb4: {  	[sflag:s19] =	ssyncadd.s32 $0xFFFFF000;
	s7 =	sadd.s32 s5, s11  }
0xb5: {  	[hbm4b:s7+s3] =	stream.linear.scatter [tilespmem:s10], [sflag:$0x5], $0x1000, $0x38;
	[tilespmem:$0x15260] =	vst v63  }
0xb6: {  	_ =	swait.ge [sflag:s20], $0x1000  }
0xb7: {  	[sflag:s20] =	ssyncset.done $0x0  }
0xb8: {  	s12 =	rddreg [dreg:$0x1d];
	[sflag:s20] =	ssyncadd.s32 $0xFFFFF000  }
0xb9: {  	[tilespmem:s10], [sflag:$0x1] =	stream.indirect.gather [spmem:s31], $0x20, s12, s9, $0xb8;
	[tilespmem:$0x15260] =	vst v63  }
0xba: {  	_ =	swait.ge [sflag:s21], $0x1000  }
0xbb: {  	[sflag:s21] =	ssyncset.done $0x0;
	s17 =	rddreg [dreg:$0x1e]  }
0xbc: {  	[sflag:s21] =	ssyncadd.s32 $0xFFFFF000;
	s7 =	sadd.s32 s5, s17  }
0xbd: {  	[hbm4b:s7+s3] =	stream.linear.scatter [tilespmem:s8], [sflag:$0x6], $0x1000, $0x38;
	[tilespmem:$0x15260] =	vst v63  }
0xbe: {  	_ =	swait.ge [sflag:s22], $0x1000  }
0xbf: {  	[sflag:s22] =	ssyncset.done $0x0  }
0xc0: {  	[sflag:s22] =	ssyncadd.s32 $0xFFFFF000  }
0xc1: {  	[tilespmem:s8], [sflag:$0x2] =	stream.indirect.gather [spmem:s31], $0x20, s13, s9, $0xb8;
	[tilespmem:$0x15260] =	vst v63  }
0xc2: {  	_ =	swait.ge [sflag:s23], $0x1000  }
0xc3: {  	[sflag:s23] =	ssyncset.done $0x0  }
0xc4: {  	s11 =	sadd.s32 s5, s14;
	[sflag:s23] =	ssyncadd.s32 $0xFFFFF000  }
0xc5: {  	[hbm4b:s11+s3] =	stream.linear.scatter [tilespmem:s15], [sflag:$0x7], $0x1000, $0x38;
	[tilespmem:$0x15260] =	vst v63  }
0xc6: {  	_ =	swait.ge [sflag:s24], $0x1000  }
0xc7: {  	[sflag:s24] =	ssyncset.done $0x0  }
0xc8: {  	[sflag:s24] =	ssyncadd.s32 $0xFFFFF000  }
0xc9: {  	[tilespmem:s15], [sflag:$0x3] =	stream.indirect.gather [spmem:s31], $0x20, s0, s9, $0xb8;
	[tilespmem:$0x15260] =	vst v63  }
0xca: {  	_ =	swait.ge [sflag:s29], $0x1000  }
0xcb: {  	[sflag:s29] =	ssyncset.done $0x0  }
0xcc: {  	s12 =	sadd.s32 s5, s6;
	[sflag:s29] =	ssyncadd.s32 $0xFFFFF000  }
0xcd: {  	[hbm4b:s12+s3] =	stream.linear.scatter [tilespmem:s16], [sflag:$0x8], $0x1000, $0x38;
	[tilespmem:$0x15260] =	vst v63  }
.Ltmp2:
0xce: {  	_ =	swait.ge [sflag:s25], $0x1000;
	(pc) =	sbr.rel @!p0 .LBB2_5-.Ltmp2, $4  }
0xcf: {  	s17 =	rddreg [dreg:$0x6]  }
0xd0: {  	s13 =	rddreg [dreg:$0x12]  }
0xd1: {  	[sflag:s25] =	ssyncset.done $0x0;
	s14 =	rddreg [dreg:$0x11];
	s0 =	sadd.s32 $0xFFFFFFFF, s17  }
0xd2: {  	s6 =	sadd.s32 $0x800, s13;
	[sflag:s25] =	ssyncadd.s32 $0xFFFFF000;
	s7 =	sadd.s32 $0x4000, s14  }
.LBB2_4:
0xd3: {  	[tilespmem:s16], [sflag:$0x4] =	stream.indirect.gather [spmem:s31], $0x20, s30, s9, $0xb8;
	[tilespmem:$0x15260] =	vst v63  }
0xd4: {  	p0 =	sne.s32 s0, $0x1;
	s0 =	sadd.s32 $0xFFFFFFFF, s0;
	_ =	swait.ge [sflag:s19], $0x1000  }
0xd5: {  	s11 =	sshrl.u32 s7, $0x3;
	[sflag:s19] =	ssyncset.done $0x0  }
0xd6: {  	s11 =	sadd.s32 s5, s11;
	[sflag:s19] =	ssyncadd.s32 $0xFFFFF000  }
0xd7: {  	[hbm4b:s11+s3] =	stream.linear.scatter [tilespmem:s10], [sflag:$0x5], $0x1000, $0x38;
	[tilespmem:$0x15260] =	vst v63  }
0xd8: {  	s11 =	sshra.s32 s6, $0x2;
	_ =	swait.ge [sflag:s20], $0x1000  }
0xd9: {  	s11 =	sadd.s32 s11, s28;
	[sflag:s20] =	ssyncset.done $0x0  }
0xda: {  	s12 =	sadd.s32 $0x200, s11;
	[sflag:s20] =	ssyncadd.s32 $0xFFFFF000  }
0xdb: {  	[tilespmem:s10], [sflag:$0x1] =	stream.indirect.gather [spmem:s31], $0x20, s12, s9, $0xb8;
	[tilespmem:$0x15260] =	vst v63  }
0xdc: {  	s12 =	sadd.s32 $0x200, s6;
	_ =	swait.ge [sflag:s21], $0x1000  }
0xdd: {  	s12 =	sand.u32 $0x1FFFFA00, s12;
	[sflag:s21] =	ssyncset.done $0x0  }
0xde: {  	s12 =	sadd.s32 s5, s12;
	[sflag:s21] =	ssyncadd.s32 $0xFFFFF000  }
0xdf: {  	[hbm4b:s12+s3] =	stream.linear.scatter [tilespmem:s8], [sflag:$0x6], $0x1000, $0x38;
	[tilespmem:$0x15260] =	vst v63  }
0xe0: {  	_ =	swait.ge [sflag:s22], $0x1000  }
0xe1: {  	[sflag:s22] =	ssyncset.done $0x0  }
0xe2: {  	s12 =	sadd.s32 $0x280, s11;
	[sflag:s22] =	ssyncadd.s32 $0xFFFFF000  }
0xe3: {  	[tilespmem:s8], [sflag:$0x2] =	stream.indirect.gather [spmem:s31], $0x20, s12, s9, $0xb8;
	[tilespmem:$0x15260] =	vst v63  }
0xe4: {  	s12 =	sadd.s32 $0x400, s6;
	_ =	swait.ge [sflag:s23], $0x1000  }
0xe5: {  	s12 =	sand.u32 $0x1FFFFC00, s12;
	[sflag:s23] =	ssyncset.done $0x0  }
0xe6: {  	s12 =	sadd.s32 s5, s12;
	[sflag:s23] =	ssyncadd.s32 $0xFFFFF000  }
0xe7: {  	[hbm4b:s12+s3] =	stream.linear.scatter [tilespmem:s15], [sflag:$0x7], $0x1000, $0x38;
	[tilespmem:$0x15260] =	vst v63  }
0xe8: {  	_ =	swait.ge [sflag:s24], $0x1000  }
0xe9: {  	[sflag:s24] =	ssyncset.done $0x0  }
0xea: {  	s12 =	sadd.s32 $0x300, s11;
	[sflag:s24] =	ssyncadd.s32 $0xFFFFF000  }
0xeb: {  	[tilespmem:s15], [sflag:$0x3] =	stream.indirect.gather [spmem:s31], $0x20, s12, s9, $0xb8;
	[tilespmem:$0x15260] =	vst v63  }
0xec: {  	s12 =	sadd.s32 $0x600, s6;
	_ =	swait.ge [sflag:s29], $0x1000  }
0xed: {  	s12 =	sand.u32 $0x1FFFFE00, s12;
	[sflag:s29] =	ssyncset.done $0x0  }
.Ltmp3:
0xee: {  	s12 =	sadd.s32 s5, s12;
	[sflag:s29] =	ssyncadd.s32 $0xFFFFF000;
	(pc) =	sbr.rel @p0 .LBB2_4-.Ltmp3, $4  }
0xef: {  	[hbm4b:s12+s3] =	stream.linear.scatter [tilespmem:s16], [sflag:$0x8], $0x1000, $0x38;
	[tilespmem:$0x15260] =	vst v63  }
0xf0: {  	_ =	swait.ge [sflag:s25], $0x1000  }
0xf1: {  	s6 =	sadd.s32 $0x800, s6;
	[sflag:s25] =	ssyncset.done $0x0  }
0xf2: {  	s7 =	sadd.s32 $0x4000, s7;
	s30 =	sadd.s32 $0x380, s11;
	[sflag:s25] =	ssyncadd.s32 $0xFFFFF000  }
.LBB2_5:
0xf3: {  	[tilespmem:s16], [sflag:$0x4] =	stream.indirect.gather [spmem:s31], $0x20, s30, s9, $0xb8;
	[tilespmem:$0x15260] =	vst v63  }
0xf4: {  	_ =	swait.ge [sflag:s19], $0x1000  }
0xf5: {  	[sflag:s19] =	ssyncset.done $0x0  }
0xf6: {  	s0 =	rddreg [dreg:$0x14];
	[sflag:s19] =	ssyncadd.s32 $0xFFFFF000  }
0xf7: {  	[hbm4b:s0+s3] =	stream.linear.scatter [tilespmem:s10], [sflag:$0x5], $0x1000, $0x38;
	[tilespmem:$0x15260] =	vst v63  }
0xf8: {  	_ =	swait.ge [sflag:s21], $0x1000  }
0xf9: {  	[sflag:s21] =	ssyncset.done $0x0  }
0xfa: {  	s12 =	rddreg [dreg:$0x15];
	[sflag:s21] =	ssyncadd.s32 $0xFFFFF000  }
0xfb: {  	[hbm4b:s12+s3] =	stream.linear.scatter [tilespmem:s8], [sflag:$0x6], $0x1000, $0x38;
	[tilespmem:$0x15260] =	vst v63  }
0xfc: {  	_ =	swait.ge [sflag:s23], $0x1000  }
0xfd: {  	[sflag:s23] =	ssyncset.done $0x0  }
0xfe: {  	s13 =	rddreg [dreg:$0x17];
	[sflag:s23] =	ssyncadd.s32 $0xFFFFF000  }
0xff: {  	[hbm4b:s13+s3] =	stream.linear.scatter [tilespmem:s15], [sflag:$0x7], $0x1000, $0x38;
	[tilespmem:$0x15260] =	vst v63  }
0x100: {  	_ =	swait.ge [sflag:s29], $0x1000  }
0x101: {  	[sflag:s29] =	ssyncset.done $0x0  }
0x102: {  	s14 =	rddreg [dreg:$0x19];
	[sflag:s29] =	ssyncadd.s32 $0xFFFFF000  }
0x103: {  	[hbm4b:s14+s3] =	stream.linear.scatter [tilespmem:s16], [sflag:$0x8], $0x1000, $0x38;
	[tilespmem:$0x15260] =	vst v63  }
0x104: {  	_ =	swait.ge [sflag:s20], $0x1000  }
0x105: {  	[sflag:s20] =	ssyncset.done $0x0  }
0x106: {  	[sflag:s20] =	ssyncadd.s32 $0xFFFFF000  }
0x107: {  	_ =	swait.ge [sflag:s22], $0x1000  }
0x108: {  	[sflag:s22] =	ssyncset.done $0x0  }
0x109: {  	[sflag:s22] =	ssyncadd.s32 $0xFFFFF000  }
0x10a: {  	_ =	swait.ge [sflag:s24], $0x1000  }
0x10b: {  	[sflag:s24] =	ssyncset.done $0x0  }
0x10c: {  	[sflag:s24] =	ssyncadd.s32 $0xFFFFF000  }
0x10d: {  	_ =	swait.ge [sflag:s25], $0x1000  }
0x10e: {  	s26 =	sadd.s32 $0x1, s26;
	s30 =	rddreg [dreg:$0x1a]  }
0x10f: {  	p0 =	sne.s32 s26, s30  }
.Ltmp4:
0x110: {  	_ = 	snop;
	(pc) =	sbr.rel @p0 .LBB2_1-.Ltmp4, $3  }
0x111: {  	_ =	sdelay $0x1  }
0x112: {  	[sflag:s25] =	ssyncset.done $0x0  }
0x113: {  	[sflag:s25] =	ssyncadd.s32 $0xFFFFF000  }
0x114: {  	_ =	sfence.sel $0x180000  }
0x115: {  	[bflag:$0x0] =	sbarrier.arrive $0xFFFF  }
0x116: {  	_ =	strace $0x90000047  }
0x117: {  	s0 =	stileid.u32;
	[bflag:$0x2] =	sbarrier.arrive $0xFFFF  }
0x118: {  	p0 =	sne.s32 s0, $0x0;
	s0 =	rddreg [dreg:$0x5]  }
0x119: {  	s0 =	sadd.s32 @!p0 $0x100000, s0  }
0x11a: {  	[sflag:s0] =	ssyncadd.tile.s32 @!p0 $0x1;
	_ =	shalt  }
.Lfunc_end2:
_tile_overlayer_lowered:
.L_overlay_start_2:
0x11b: {  	(tag) =	ssettag $0x2  }
0x11c: {  	s0 =	rddreg [dreg:$0x0];
	s2 =	stileid.u32  }
0x11d: {  	s1 =	rddreg [dreg:$0x1];
	p0 =	sne.s32 s2, $0x0  }
0x11e: {  	s3 =	rddreg [dreg:$0x2];
	[bflag:$0x3] =	sbarrier.arrive $0xFFFF;
	s2 =	simm.s32 @!p0 $0x1C09  }
0x11f: {  	[timem:s3], [sflag:s2] =	dma.local @!p0 [hbm:s0], s1  }
0x120: {  	s0 =	simm.s32 @!p0 $0x9  }
0x121: {  	_ =	swait.ge @!p0 [sflag:s0], s1  }
0x122: {  	s1 =	ssub.s32 @!p0 $0x0, s1;
	[sflag:s0] =	ssyncset.done @!p0 $0x0  }
0x123: {  	[sflag:s0] =	ssyncadd.s32 @!p0 s1  }
0x124: {  	[bflag:$0x3] =	sbarrier.arrive $0xFFFF  }
0x125: {  	_ =	shalt  }

// kernel: sparse-core-data-format-call.cloned.1.call-start
scs
called_computation_lowered:
.L_overlay_start_0:
0x0: {  	s2 =	sld [smem:$0x3FD9]  }
0x1: {  	s3 =	sld [smem:$0x3FFE];
	_ =	sdelay $0x1  }
0x2: {  	s1 =	srdreg.scid  }
0x3: {  	s0 =	sand.u32 $0x1, s1  }
0x4: {  	s16 =	sshll.u32 s0, $0xA;
	s2 =	sadd.s32 s3, s2  }
0x5: {  	s2 =	sadd.s32 s2, s16  }
0x6: {  	[smem:$0x3FB8] =	sst s2  }
0x7: {  	_ = 	snop  }
0x8: {  	s2 =	sld [smem:$0x3FD0];
	_ =	sdelay $0x2  }
0x9: {  	s17 =	simm.s32 $0xB;
	s4 =	simm.s32 $0x10  }
0xa: {  	[smem:s4], [sflag:s17] =	dma.local [hbm:s2], $0x1  }
0xb: {  	_ =	swait.eq [sflag:s17], $0x1  }
0xc: {  	[sflag:s17] =	ssyncset.done $0x0  }
0xd: {  	[sflag:s17] =	ssyncadd.s32 $0xFFFFFFFF  }
0xe: {  	s18 =	sld [smem:$0x11];
	(tm) =	ssettm $0x1  }
0xf: {  	s19 =	sld [smem:$0x3FFB];
	_ =	sdelay $0x3  }
0x10: {  	_ =	strace s19  }
0x11: {  	s2 =	sld [smem:$0x3FFC];
	_ =	sdelay $0x3  }
0x12: {  	_ =	strace s2  }
0x13: {  	s2 =	sld [smem:$0x3FFD];
	_ =	sdelay $0x3  }
0x14: {  	_ =	strace s2  }
0x15: {  	_ =	strace $0x8FFFFFFF  }
0x16: {  	s20 =	sld [smem:$0x3FDB];
	_ =	sdelay $0x1  }
0x17: {  	s21 =	simm.s32 $_scs_section_size  }
0x18: {  	s5 =	simm.s32 $_size__tile_overlayer_lowered;
	s6 =	simm.s32 $_tile_overlayer_lowered  }
0x19: {  	s7 =	simm.s32 $0x1BFF;
	s22 =	sshll.u32 s6, $0x1;
	s4 =	sadd.s32 s21, s20  }
0x1a: {  	s23 =	simm.s32 $0x0;
	s5 =	sshll.u32 s5, $0x1;
	s6 =	sadd.s32 s22, s4  }
0x1b: {  	[timem:s23], [sflag:s7] =	dma.local [hbm:s6], s5  }
0x1c: {  	_ =	swait.ge [sflag:s7], s5  }
0x1d: {  	s5 =	ssub.s32 $0x0, s5;
	[sflag:s7] =	ssyncset.done $0x0  }
0x1e: {  	[sflag:s7] =	ssyncadd.s32 s5;
	_ =	sdelay $0x1  }
0x1f: {  	s24 =	simm.s32 $0x1B8B  }
0x20: {  	_ =	swait.ge [sflag:s24], $0x1  }
0x21: {  	[sflag:s24] =	ssyncset.done $0x0  }
0x22: {  	[sflag:s24] =	ssyncadd.s32 $0xFFFFFFFF  }
0x23: {  	s5 =	sld [smem:$0x0]  }
0x24: {  	s6 =	sand.u32 $0xFFFFFFFE, s1  }
0x25: {  	p0 =	sne.s32 s1, s6  }
0x26: {  	s6 =	sshll.u32 @p0 s6, $0xE  }
0x27: {  	s6 =	sadd.s32 @p0 $0x11B8D, s6;
	s7 =	sshll.u32 @p0 s5, $0x11  }
0x28: {  	s6 =	sor.u32 @p0 s7, s6  }
0x29: {  	[sflag:s6] =	ssyncadd.remote.s32 @p0 $0x1;
	_ =	sdelay $0x1  }
0x2a: {  	s6 =	simm.s32 @p0 $0x1B8D  }
0x2b: {  	_ =	swait.eq @p0 [sflag:s6], $0x1  }
0x2c: {  	[sflag:s6] =	ssyncadd.s32 @p0 $0xFFFFFFFF  }
0x2d: {  	s7 =	sshll.u32 @!p0 s1, $0xE  }
0x2e: {  	s7 =	sor.u32 @!p0 $0x4000, s7;
	s6 =	simm.s32 @!p0 $0x1B8D  }
0x2f: {  	s5 =	sshll.u32 @!p0 s5, $0x11;
	s7 =	sadd.s32 @!p0 $0x11B8D, s7;
	_ =	swait.eq @!p0 [sflag:s6], $0x1  }
0x30: {  	s5 =	sor.u32 @!p0 s5, s7;
	[sflag:s6] =	ssyncadd.s32 @!p0 $0xFFFFFFFF  }
0x31: {  	s26 =	simm.s32 $0x1B8E;
	s25 =	sld [smem:$0x3FFE];
	[sflag:s5] =	ssyncadd.remote.s32 @!p0 $0x1  }
0x32: {  	s27 =	simm.s32 $execute0_lowered;
	[smem:$0x3FD2] =	sst s26  }
0x33: {  	s6 =	sshll.u32 s27, $0x1;
	_ =	strace $0x8000004C;
	[dreg:$0x1] =	wrdreg $0xFFFFFFFF  }
0x34: {  	s28 =	simm.s32 $_size_execute0_lowered;
	s4 =	sadd.s32 s4, s6;
	[dreg:$0x0] =	wrdreg $0x0  }
0x35: {  	s6 =	sshll.u32 s28, $0x1;
	[dreg:$0x2] =	wrdreg s4  }
0x36: {  	[dreg:$0x3] =	wrdreg s6  }
0x37: {  	[dreg:$0x4] =	wrdreg $0xC0  }
0x38: {  	_ =	task [dreg:s23], $0x5FFFF  }
0x39: {  	[dreg:$0x1] =	wrdreg $0xFFFFFFFF  }
0x3a: {  	[dreg:$0x0] =	wrdreg $0x60  }
0x3b: {  	[dreg:$0x2] =	wrdreg s25  }
0x3c: {  	[dreg:$0x3] =	wrdreg s18  }
0x3d: {  	[dreg:$0x4] =	wrdreg $0x9  }
0x3e: {  	_ =	task.clear_ibuf [dreg:s23], $0x5FFFF;
	_ =	strace $0x9000004C  }
0x3f: {  	s29 =	simm.s32 $0x9;
	_ =	strace $0x8000004E  }
0x40: {  	_ =	swait.ge [sflag:s29], $0x1  }
0x41: {  	[sflag:s29] =	ssyncadd.s32 $0xFFFFFFFF  }
0x42: {  	_ =	strace $0x9000004E  }
0x43: {  	_ =	sfence  }
0x44: {  	s30 =	sld [smem:$0x0];
	_ =	sdelay $0x2  }
0x45: {  	s31 =	sshll.u32 s1, $0xD;
	s1 =	sshrl.u32 s1, $0x2  }
0x46: {  	s4 =	sand.u32 $0x4000, s31;
	s1 =	sadd.s32 s1, s30  }
0x47: {  	s0 =	sor.u32 s4, s0;
	s1 =	sshll.u32 s1, $0x11  }
0x48: {  	s0 =	sor.u32 s1, s0  }
0x49: {  	s0 =	sadd.s32 $0x8F2B, s0  }
0x4a: {  	[sflag:s0] =	ssyncadd.remote.s32 $0x1  }
0x4b: {  	_ =	sfence.sel $0xFFFF  }
0x4c: {  	[dreg:$0x0] =	wrdreg $0xFFFFFFFF;
	(pc) =	sbr.abs _section_cstart, $3  }
0x4d: {  	[dreg:$0x1] =	wrdreg $0xFFFFFFFF  }
0x4e: {  	_ =	task.clear_ibuf [dreg:s23], $0x2FFFF;
	_ =	strace $0x9FFFFFFF  }
0x4f: {  	(tm) =	ssettm $0x7FFFFFFF  }
tec
execute0_lowered:
.L_overlay_start_1:
0x0: {  	(tag) =	ssettag $0x1  }
0x1: {  	s0 =	srdreg.scid  }
0x2: {  	s1 =	sshll.u32 s0, $0x4  }
0x3: {  	s4 =	rddreg [dreg:$0x0];
	s0 =	stileid.u32;
	s1 =	sand.u32 $0x10, s1  }
0x4: {  	s2 =	rddreg [dreg:$0x1];
	s7 =	simm.s32 $0x1;
	s1 =	sor.u32 s0, s1  }
0x5: {  	s8 =	simm.s32 $0x2;
	s11 =	simm.s32 $0x0;
	s3 =	sshll.u32 s1, $0x7  }
0x6: {  	s10 =	simm.s32 $0x0;
	s4 =	sadd.s32 $0x3B7E00, s4;
	s6 =	ssub.s32 $0x4E200, s3  }
.Ltmp0:
0x7: {  	s1 =	rddreg [dreg:$0x2];
	s5 =	sand.u32 $0xF80, s6;
	(pc) =	sbr.rel .LBB1_1-.Ltmp0, $4  }
0x8: {  	_ =	strace $0x8000004D;
	s9 =	smov.u32 s3;
	p0 =	sne.s32 s5, $0x0  }
0x9: {  	s6 =	sshrl.u32 s6, $0xC;
	s5 =	simm.s32 $0x1;
	s7 =	simm.s32 @!p0 $0x0  }
0xa: {  	[sflag:s5] =	ssyncpa.u1 $0x0;
	p0 =	por $0x0, $0x0;
	s6 =	sadd.s32 s7, s6  }
0xb: {  	[sflag:s8] =	ssyncpa.u1 $0x0;
	s8 =	simm.s32 $0x271000;
	s7 =	sadd.s32 $0x1, s6  }
.LBB1_4:
0xc: {  	s14 =	sshll.u32 s11, $0x3  }
0xd: {  	s30 =	sand.u32 $0x7F, s11;
	s14 =	sand.u32 $0xFFFFFC00, s14  }
0xe: {  	s11 =	sor.u32 s30, s14  }
0xf: {  	s15 =	smulhi.u32 $0xD1B71759, s11;
	_ =	sdelay $0x1  }
0x10: {  	s14 =	smulhi.u32 $0xD1B71759, s14;
	s15 =	sshrl.u32 s15, $0x12  }
0x11: {  	s15 =	smul.u32 $0x4E200, s15  }
0x12: {  	s14 =	sshrl.u32 s14, $0x12  }
0x13: {  	s14 =	sand.u32 $0x1F, s14;
	s11 =	ssub.s32 s11, s15  }
0x14: {  	s14 =	smul.u32 $0x9C40, s14;
	s15 =	sshrl.u32 s11, $0x3;
	s11 =	sand.u32 $0x7, s11  }
0x15: {  	s15 =	sadd.s32 s2, s15;
	s11 =	sshll.u32 s11, $0x12  }
0x16: {  	[tilespmem:s13+$0x0 ss:$0x81] =	vst.msk $0xffff, v0;
	s31 =	sadd.s32 s14, s15;
	s11 =	sor.u32 $0x400, s11  }
0x17: {  	[hbm4b:s31+s11] =	stream.strided.scatter [tilespmem:s12], [sflag:$0x2], $0x1000, s8, s11, $0x20;
	[tilespmem:$0x4040] =	vst v63  }
.LBB1_5:
0x18: {  	s13 =	sadd.s32 $0x1000, s9  }
0x19: {  	p2 =	sgt.s32 s13, $0x4E1FF  }
0x1a: {  	s13 =	smov.u32 @p2 s3;
	p2 =	sne.s32 s10, s7  }
.Ltmp1:
0x1b: {  	p1 =	slt.u32 s10, $0x2;
	(pc) =	sbr.rel @!p2 .LBB1_6-.Ltmp1, $4  }
0x1c: {  	s12 =	simm.s32 @!p1 $0x2  }
0x1d: {  	s14 =	sadd.s32 $0x1, s10;
	_ =	swait.ge @!p1 [sflag:s12], $0x1000  }
0x1e: {  	s11 =	smov.u32 s9;
	p0 =	por !p0, !p0;
	[sflag:s12] =	ssyncset.done @!p1 $0x0  }
0x1f: {  	s10 =	smov.u32 s14;
	s9 =	smov.u32 s13;
	[sflag:s12] =	ssyncadd.s32 @!p1 $0xFFFFF000  }
.LBB1_1:
0x20: {  	p1 =	sge.u32 s10, s6  }
0x21: {  	s12 =	sand.u32 @!p1 $0x1FFFFFF, s9  }
0x22: {  	s13 =	smulhi.u32 @!p1 $0x1A36E2F, s12;
	_ =	sdelay $0x1  }
0x23: {  	s13 =	sshrl.u32 @!p1 s13, $0xB  }
0x24: {  	s13 =	smul.u32 @!p1 $0x4E200, s13;
	_ =	sdelay $0x1  }
0x25: {  	s31 =	sadd.s32 $0xFFFFFFFF, s10;
	s14 =	sxor.u32 @!p1 $0xFFFFFFFF, s10;
	s12 =	ssub.s32 @!p1 s12, s13  }
0x26: {  	s15 =	simm.s32 @!p1 $0x80;
	s14 =	sshll.u32 @!p1 s14, $0xC;
	s12 =	sshll.u32 @!p1 s12, $0x4  }
0x27: {  	s13 =	sand.u32 @!p1 $0x1000, s14;
	s14 =	simm.s32 @!p1 $0x20;
	s12 =	sadd.s32 @!p1 s4, s12  }
0x28: {  	[tilespmem:s13], [sflag:$0x1] =	stream.strided.gather @!p1 [hbm4b:s12+s14], $0x1000, s15, s14, $0x38;
	[tilespmem:$0x4040] =	vst v63  }
0x29: {  	p1 =	sge.u32 s31, s6  }
.Ltmp2:
0x2a: {  	_ = 	snop;
	(pc) =	sbr.rel @p1 .LBB1_5-.Ltmp2, $1  }
0x2b: {  	_ =	sdelay $0x3  }
0x2c: {  	s12 =	simm.s32 $0x1  }
0x2d: {  	_ =	swait.ge [sflag:s5], $0x1000;
	s12 =	simm.s32 @!p0 $0x0  }
0x2e: {  	[sflag:s5] =	ssyncset.done $0x0;
	s13 =	sshll.u32 s12, $0xC  }
0x2f: {  	[sflag:s5] =	ssyncadd.s32 $0xFFFFF000;
	s16 =	sor.u32 $0x10, s13  }
0x30: {  	s12 =	smul.u32 $0x4080, s12;
	v1 =	vld [tilespmem:s16+$0x0]  }
0x31: {  	s30 =	sand.u32 $0x1, s10;
	v0 =	vld [tilespmem:s16+$0xFFFFFFF0]  }
0x32: {  	s13 =	smul.u32 $0x4080, s30;
	s12 =	sshrl.u32 s12, $0x2  }
0x33: {  	s14 =	sor.u32 $0x2000, s12  }
0x34: {  	s31 =	sshrl.u32 s13, $0x2;
	s13 =	sadd.s32 $0x0, s14  }
0x35: {  	s15 =	simm.s32 $0x4;
	s16 =	sadd.s32 $0x20, s16;
	s12 =	sor.u32 $0x2000, s31;
	[tilespmem:s13+$0x810 ss:$0x81] =	vst.msk $0xffff, v1  }
.LBB1_3:
0x36: {  	v1 =	vld [tilespmem:s16+$0x0];
	p1 =	sne.s32 s15, $0x1FC;
	[tilespmem:s13+$0x0 ss:$0x81] =	vst.msk $0xffff, v0;
	s13 =	smov.u32 s15;
	s15 =	sadd.s32 $0x4, s15  }
.Ltmp3:
0x37: {  	v0 =	vld [tilespmem:s16+$0xFFFFFFF0];
	(pc) =	sbr.rel @p1 .LBB1_3-.Ltmp3, $4  }
0x38: {  	_ = 	snop  }
0x39: {  	s13 =	sshra.s32 s13, $0x2  }
0x3a: {  	s13 =	sadd.s32 s13, s14  }
0x3b: {  	s16 =	sadd.s32 $0x20, s16;
	[tilespmem:s13+$0x810 ss:$0x81] =	vst.msk $0xffff, v1  }
.Ltmp4:
0x3c: {  	_ = 	snop;
	(pc) =	sbr.rel .LBB1_4-.Ltmp4, $1  }
0x3d: {  	_ =	sdelay $0x3  }
.LBB1_6:
0x3e: {  	_ =	sfence.sel $0x180000  }
0x3f: {  	s2 =	simm.s32 $0x1;
	[bflag:$0x0] =	sbarrier.arrive $0xFFFF  }
0x40: {  	s31 =	simm.s32 $0x2;
	[sflag:s2] =	ssyncpa.u1 $0x1  }
0x41: {  	[sflag:s31] =	ssyncpa.u1 $0x1  }
0x42: {  	p0 =	sne.s32 s0, $0x0;
	_ =	strace $0x9000004D  }
0x43: {  	s0 =	sadd.s32 @!p0 $0x100000, s1;
	[bflag:$0x2] =	sbarrier.arrive $0xFFFF  }
0x44: {  	[sflag:s0] =	ssyncadd.tile.s32 @!p0 $0x1;
	_ =	shalt  }
.Lfunc_end1:
_tile_overlayer_lowered:
.L_overlay_start_2:
0x45: {  	(tag) =	ssettag $0x2  }
0x46: {  	s0 =	rddreg [dreg:$0x0];
	s2 =	stileid.u32  }
0x47: {  	s1 =	rddreg [dreg:$0x1];
	p0 =	sne.s32 s2, $0x0  }
0x48: {  	s3 =	rddreg [dreg:$0x2];
	[bflag:$0x3] =	sbarrier.arrive $0xFFFF;
	s2 =	simm.s32 @!p0 $0x1C01  }
0x49: {  	[timem:s3], [sflag:s2] =	dma.local @!p0 [hbm:s0], s1  }
0x4a: {  	s0 =	simm.s32 @!p0 $0x1  }
0x4b: {  	_ =	swait.ge @!p0 [sflag:s0], s1  }
0x4c: {  	s1 =	ssub.s32 @!p0 $0x0, s1;
	[sflag:s0] =	ssyncset.done @!p0 $0x0  }
0x4d: {  	[sflag:s0] =	ssyncadd.s32 @!p0 s1  }
0x4e: {  	[bflag:$0x3] =	sbarrier.arrive $0xFFFF  }
0x4f: {  	_ =	shalt  }

</sc_bundles>
